<compile_context>
chip_gen: v7x
topology: tpu7x:2x2x1
jax: 0.10.2.dev20260603
libtpu: 0.0.44.dev20260713+nightly
codegen_flags: <defaults>
</compile_context>

<pallas_src>
import functools

import jax
import jax.numpy as jnp
from jax import lax
from jax.experimental import pallas as pl
from jax.experimental.pallas import tpu as pltpu
from jax.experimental.pallas import tpu_sc as plsc

E = 8
TOP_K = 2
D = 1024
F = 1024
CAP = 1024
T = 2048
BLK = 256
NBLK = 24
BUF = NBLK * BLK
BUFP = BUF + 64
TRASH = BUF + 32

_f32 = jnp.float32
_i32 = jnp.int32


def _router_body(x, wr, outs):
    (d1s_ref, d2s_ref, d1g_ref, d2g_ref, w1_ref, w2_ref, meta_ref, x_ref_out) = outs
    logits = lax.dot_general(x, wr[...], (((1,), (1,)), ((), ())),
                             preferred_element_type=_f32)
    iota_e = lax.broadcasted_iota(_i32, (T, E), 1)
    l1 = jnp.max(logits, axis=1, keepdims=True)
    i1 = jnp.min(jnp.where(logits >= l1, iota_e, E), axis=1, keepdims=True)
    masked = jnp.where(iota_e == i1, -jnp.inf, logits)
    l2 = jnp.max(masked, axis=1, keepdims=True)
    i2 = jnp.min(jnp.where(masked >= l2, iota_e, E), axis=1, keepdims=True)
    s = jnp.exp(l2 - l1)
    w1 = 1.0 / (1.0 + s)
    w2 = s / (1.0 + s)

    hot1 = (iota_e == i1)
    hot2 = (iota_e == i2)
    H = hot1.astype(_f32) + hot2.astype(_f32)

    r = lax.broadcasted_iota(_i32, (128, 128), 0)
    c = lax.broadcasted_iota(_i32, (128, 128), 1)
    Lstrict = (c < r).astype(_f32)
    tot = jnp.zeros((1, E), _f32)
    blocks = []
    for b in range(T // 128):
        Hb = H[b * 128:(b + 1) * 128, :]
        Cb = jnp.dot(Lstrict, Hb, preferred_element_type=_f32) + tot
        blocks.append(Cb)
        tot = tot + jnp.sum(Hb, axis=0, keepdims=True)
    C = jnp.concatenate(blocks, axis=0)

    counts = tot
    kept = jnp.minimum(counts, float(CAP))
    padded = jnp.floor((kept + float(BLK - 1)) / float(BLK)) * float(BLK)
    e_r = lax.broadcasted_iota(_i32, (E, E), 0)
    e_c = lax.broadcasted_iota(_i32, (E, E), 1)
    U = (e_r < e_c).astype(_f32)
    po = jnp.dot(padded, U, preferred_element_type=_f32)
    padded_total = jnp.sum(padded, axis=1, keepdims=True)

    pos1 = jnp.sum(jnp.where(hot1, C, 0.0), axis=1, keepdims=True)
    pos2 = jnp.sum(jnp.where(hot2, C, 0.0), axis=1, keepdims=True)
    off1 = jnp.sum(jnp.where(hot1, jnp.broadcast_to(po, (T, E)), 0.0),
                   axis=1, keepdims=True)
    off2 = jnp.sum(jnp.where(hot2, jnp.broadcast_to(po, (T, E)), 0.0),
                   axis=1, keepdims=True)
    v1 = pos1 < float(CAP)
    v2 = pos2 < float(CAP)
    dest1 = (off1 + pos1).astype(_i32)
    dest2 = (off2 + pos2).astype(_i32)
    d1s_ref[...] = jnp.where(v1, dest1, TRASH)
    d2s_ref[...] = jnp.where(v2, dest2, TRASH)
    d1g_ref[...] = jnp.where(v1, dest1, 0)
    d2g_ref[...] = jnp.where(v2, dest2, 0)
    w1_ref[...] = jnp.where(v1, w1, 0.0)
    w2_ref[...] = jnp.where(v2, w2, 0.0)

    poT = lax.dot_general(jnp.eye(E, dtype=_f32), po, (((1,), (1,)), ((), ())),
                          preferred_element_type=_f32)
    bs = lax.broadcasted_iota(_i32, (1, 32), 1).astype(_f32) * float(BLK)
    eb = jnp.sum((jnp.broadcast_to(poT, (E, 32)) <=
                  jnp.broadcast_to(bs, (E, 32))).astype(_f32),
                 axis=0, keepdims=True) - 1.0
    eb = jnp.clip(eb, 0.0, float(E - 1))
    n_act = padded_total / float(BLK)
    meta = jnp.concatenate([eb, jnp.broadcast_to(n_act, (1, 32))], axis=1)
    meta_ref[...] = meta.astype(_i32)
    if x_ref_out is not None:
        x_ref_out[...] = x


def _router_first_kernel(x_ref, wr_ref, d1s, d2s, d1g, d2g, w1, w2, meta):
    _router_body(x_ref[...], wr_ref, (d1s, d2s, d1g, d2g, w1, w2, meta, None))


def _router_combine_kernel(y1_ref, y2_ref, w1p_ref, w2p_ref, wr_ref,
                           d1s, d2s, d1g, d2g, w1, w2, meta, x_out):
    x = y1_ref[...] * w1p_ref[...] + y2_ref[...] * w2p_ref[...]
    _router_body(x, wr_ref, (d1s, d2s, d1g, d2g, w1, w2, meta, x_out))


_router_outs = [
    jax.ShapeDtypeStruct((T, 1), _i32),
    jax.ShapeDtypeStruct((T, 1), _i32),
    jax.ShapeDtypeStruct((T, 1), _i32),
    jax.ShapeDtypeStruct((T, 1), _i32),
    jax.ShapeDtypeStruct((T, 1), _f32),
    jax.ShapeDtypeStruct((T, 1), _f32),
    jax.ShapeDtypeStruct((1, 64), _i32),
]


def _route_first(x, wr):
    return pl.pallas_call(
        _router_first_kernel,
        out_shape=_router_outs,
    )(x, wr)


def _route_combine(y1, y2, w1p, w2p, wr):
    return pl.pallas_call(
        _router_combine_kernel,
        out_shape=_router_outs + [jax.ShapeDtypeStruct((T, D), _f32)],
    )(y1, y2, w1p, w2p, wr)


_PER_W = BUF // 32
_GCH = 64


def _dispatch_kernel(d1s_hbm, d2s_hbm, x_hbm, buf_hbm,
                     d1v, d2v, slot_v, idx_v, rows_v, shared_slot, sem):
    cid = lax.axis_index("c")
    sid = lax.axis_index("s")

    @pl.when(sid == 0)
    def _build():
        pltpu.sync_copy(d1s_hbm, d1v)
        pltpu.sync_copy(d2s_hbm, d2v)

        def _zero(i, _):
            slot_v[pl.ds(i * 16, 16)] = jnp.zeros((16,), _i32)
            return 0
        lax.fori_loop(0, BUFP // 16, _zero, 0)

        def _scat1(i, _):
            base = i * 16
            toks = lax.iota(_i32, 16) + base
            plsc.store_scatter(slot_v, [d1v[pl.ds(base, 16)]], toks)
            plsc.store_scatter(slot_v, [d2v[pl.ds(base, 16)]], toks)
            return 0
        lax.fori_loop(0, T // 16, _scat1, 0)
        pltpu.sync_copy(slot_v, shared_slot)

    plsc.subcore_barrier()

    wid = sid * 2 + cid
    for ch in range(_PER_W // _GCH):
        start = wid * _PER_W + ch * _GCH
        pltpu.sync_copy(shared_slot.at[pl.ds(start, _GCH)], idx_v)
        pltpu.async_copy(x_hbm.at[idx_v], rows_v, sem).wait()
        pltpu.sync_copy(rows_v, buf_hbm.at[pl.ds(start, _GCH)])


@functools.cache
def _get_dispatch():
    mesh = plsc.VectorSubcoreMesh(core_axis_name="c", subcore_axis_name="s")
    return pl.kernel(
        _dispatch_kernel,
        out_type=jax.ShapeDtypeStruct((BUF, D), _f32),
        mesh=mesh,
        scratch_types=[
            pltpu.VMEM((T,), _i32),
            pltpu.VMEM((T,), _i32),
            pltpu.VMEM((BUFP,), _i32),
            pltpu.VMEM((_GCH,), _i32),
            pltpu.VMEM((_GCH, D), _f32),
            pltpu.VMEM_SHARED((BUFP,), _i32),
            pltpu.SemaphoreType.DMA,
        ],
        compiler_params=pltpu.CompilerParams(needs_layout_passes=False),
    )


def _ffn_kernel(meta_ref, buf_ref, wgu_ref, wd_ref, y_ref):
    b = pl.program_id(0)

    @pl.when(b < meta_ref[32])
    def _():
        xb = buf_ref[...]
        gu = jnp.dot(xb, wgu_ref[0], preferred_element_type=_f32)
        g = gu[:, :F]
        u = gu[:, F:]
        h = g / (1.0 + jnp.exp(-g)) * u
        y_ref[...] = jnp.dot(h, wd_ref[0], preferred_element_type=_f32)


def _ffn(meta, buf, wgu, wd):
    grid_spec = pltpu.PrefetchScalarGridSpec(
        num_scalar_prefetch=1,
        grid=(NBLK,),
        in_specs=[
            pl.BlockSpec((BLK, D), lambda b, m: (b, 0)),
            pl.BlockSpec((1, D, 2 * F), lambda b, m: (m[b], 0, 0)),
            pl.BlockSpec((1, F, D), lambda b, m: (m[b], 0, 0)),
        ],
        out_specs=pl.BlockSpec((BLK, D), lambda b, m: (b, 0)),
    )
    return pl.pallas_call(
        _ffn_kernel,
        grid_spec=grid_spec,
        out_shape=jax.ShapeDtypeStruct((BUF, D), _f32),
    )(meta, buf, wgu, wd)


_TPW = T // 32


def _combine_kernel(y_hbm, d1g_hbm, d2g_hbm, y1_hbm, y2_hbm,
                    idx_v, rows_v, sem):
    cid = lax.axis_index("c")
    sid = lax.axis_index("s")
    wid = sid * 2 + cid
    base = wid * _TPW
    pltpu.sync_copy(d1g_hbm.at[pl.ds(base, _TPW)], idx_v)
    pltpu.async_copy(y_hbm.at[idx_v], rows_v, sem).wait()
    pltpu.sync_copy(rows_v, y1_hbm.at[pl.ds(base, _TPW)])
    pltpu.sync_copy(d2g_hbm.at[pl.ds(base, _TPW)], idx_v)
    pltpu.async_copy(y_hbm.at[idx_v], rows_v, sem).wait()
    pltpu.sync_copy(rows_v, y2_hbm.at[pl.ds(base, _TPW)])


@functools.cache
def _get_combine():
    mesh = plsc.VectorSubcoreMesh(core_axis_name="c", subcore_axis_name="s")
    return pl.kernel(
        _combine_kernel,
        out_type=[jax.ShapeDtypeStruct((T, D), _f32),
                  jax.ShapeDtypeStruct((T, D), _f32)],
        mesh=mesh,
        scratch_types=[
            pltpu.VMEM((_TPW,), _i32),
            pltpu.VMEM((_TPW, D), _f32),
            pltpu.SemaphoreType.DMA,
        ],
    )


def _final_sum_kernel(y1_ref, y2_ref, w1p_ref, w2p_ref, o_ref):
    o_ref[...] = y1_ref[...] * w1p_ref[...] + y2_ref[...] * w2p_ref[...]


def _final_sum(y1, y2, w1p, w2p):
    return pl.pallas_call(
        _final_sum_kernel,
        out_shape=jax.ShapeDtypeStruct((T, D), _f32),
    )(y1, y2, w1p, w2p)


def kernel(hidden_states, w_router1, w_gate_up1, w_down1,
           w_router2, w_gate_up2, w_down2,
           w_router3, w_gate_up3, w_down3,
           w_router4, w_gate_up4, w_down4):
    B, S, Dm = hidden_states.shape
    x = hidden_states.reshape(B * S, Dm)
    layers = [(w_router1, w_gate_up1, w_down1),
              (w_router2, w_gate_up2, w_down2),
              (w_router3, w_gate_up3, w_down3),
              (w_router4, w_gate_up4, w_down4)]

    y1 = y2 = w1p = w2p = None
    for li, (wr, wgu, wd) in enumerate(layers):
        if li == 0:
            d1s, d2s, d1g, d2g, w1p_n, w2p_n, meta = _route_first(x, wr)
            x_cur = x
        else:
            (d1s, d2s, d1g, d2g, w1p_n, w2p_n, meta,
             x_cur) = _route_combine(y1, y2, w1p, w2p, wr)
        buf = _get_dispatch()(d1s.reshape(T), d2s.reshape(T), x_cur)
        y = _ffn(meta.reshape(64), buf, wgu, wd)
        y1, y2 = _get_combine()(y, d1g.reshape(T), d2g.reshape(T))
        w1p, w2p = w1p_n, w2p_n

    out = _final_sum(y1, y2, w1p, w2p)
    return out.reshape(B, S, Dm)

# --- scband reference (transcript-rebuilt; emitter-appended) ---
"""Pipeline reference for scband-mo-ewrapper-17454747091084 (READ-ONLY COPY).

The authoritative reference and input builder live on the scoring server;
editing this copy changes nothing except your own understanding.
"""

import jax, jax.numpy as jnp
import numpy as np

E = 8
TOP_K = 2
D = 1024
F = 1024
CAPACITY = 1024  # T*TOP_K/E * capacity_factor(2.0) with T=2048


def moe_layer(x, w_router, w_gate_up, w_down):
    # x: [T, D]; w_router: [E, D]; w_gate_up: [E, D, 2F]; w_down: [E, F, D]
    T, Dm = x.shape
    logits = x @ w_router.T                      # [T, E]
    gate_w, idx = jax.lax.top_k(logits, TOP_K)   # [T, k]
    gate_w = jax.nn.softmax(gate_w, axis=-1)     # normalize top-k affinities
    flat_e = idx.reshape(-1)                     # [T*k]
    flat_w = gate_w.reshape(-1)
    flat_t = jnp.repeat(jnp.arange(T), TOP_K)
    order = jnp.argsort(flat_e)                  # stable sort by expert id
    se = flat_e[order]
    st = flat_t[order]
    sw = flat_w[order]
    counts = jnp.bincount(flat_e, length=E)
    offsets = jnp.concatenate([jnp.zeros((1,), counts.dtype), jnp.cumsum(counts)[:-1]])
    pos = jnp.arange(T * TOP_K) - offsets[se]    # position within expert group
    valid = pos < CAPACITY
    pos_c = jnp.where(valid, pos, CAPACITY)      # overflow slot
    buf = jnp.zeros((E, CAPACITY + 1, Dm), x.dtype).at[se, pos_c].set(x[st])[:, :CAPACITY]
    gu = jnp.einsum('ecd,edf->ecf', buf, w_gate_up)   # [E, C, 2F]
    g, u = jnp.split(gu, 2, axis=-1)
    h = jax.nn.silu(g) * u
    y = jnp.einsum('ecf,efd->ecd', h, w_down)         # [E, C, D]
    safe_pos = jnp.minimum(pos, CAPACITY - 1)
    y_tok = jnp.where(valid[:, None], y[se, safe_pos], 0.0)
    out = jnp.zeros((T, Dm), x.dtype).at[st].add(sw[:, None] * y_tok)
    return out


def setup_inputs(seed: int = 0) -> dict:
    key = jax.random.key(seed)
    ks = jax.random.split(key, 16)
    inp = {"hidden_states": jax.random.normal(ks[0], (1, 2048, D), jnp.float32) * 0.02}
    for i in range(4):
        inp[f"w_router{i+1}"] = jax.random.normal(ks[1 + 3 * i], (E, D), jnp.float32) * 0.02
        inp[f"w_gate_up{i+1}"] = jax.random.normal(ks[2 + 3 * i], (E, D, 2 * F), jnp.float32) * 0.02
        inp[f"w_down{i+1}"] = jax.random.normal(ks[3 + 3 * i], (E, F, D), jnp.float32) * 0.02
    return inp


def reference(hidden_states, w_router1, w_gate_up1, w_down1,
              w_router2, w_gate_up2, w_down2,
              w_router3, w_gate_up3, w_down3,
              w_router4, w_gate_up4, w_down4):
    B, S, Dm = hidden_states.shape
    x = hidden_states.reshape(B * S, Dm)
    layers = [(w_router1, w_gate_up1, w_down1),
              (w_router2, w_gate_up2, w_down2),
              (w_router3, w_gate_up3, w_down3),
              (w_router4, w_gate_up4, w_down4)]
    for wr, wgu, wd in layers:
        x = moe_layer(x, wr, wgu, wd)
    return x.reshape(B, S, Dm)

if __name__ == "__main__":
    import jax
    _d = setup_inputs()
    print(jax.jit(kernel)(*tuple(_d.values())))

</pallas_src>

<mosaic_0001>
#map = affine_map<(d0, d1) -> (0, 0)>
#map1 = affine_map<(d0, d1) -> (0)>
module attributes {stable_mosaic.version = 14 : i64} {
  func.func @_combine_kernel(%arg0: i32, %arg1: i32, %arg2: memref<6144x1024xf32, #tpu.memory_space<hbm>>, %arg3: memref<2048xi32, #tpu.memory_space<hbm>>, %arg4: memref<2048xi32, #tpu.memory_space<hbm>>, %arg5: memref<2048x1024xf32, #tpu.memory_space<hbm>>, %arg6: memref<2048x1024xf32, #tpu.memory_space<hbm>>, %arg7: memref<64xi32, #tpu.memory_space<vmem>>, %arg8: memref<64x1024xf32, #tpu.memory_space<vmem>>, %arg9: memref<!tpu.dma_semaphore, #tpu.memory_space<semaphore_mem>>) attributes {dimension_semantics = [#tpu.dimension_semantics<core_parallel>, #tpu.dimension_semantics<subcore_parallel>], iteration_bounds = array<i64: 2, 16>, scalar_prefetch = 0 : i64, scratch_operands = 3 : i64, tpu.core_type = #tpu.core_type<sc_vector_subcore>, window_params = [{transform_indices = #map}, {transform_indices = #map1}, {transform_indices = #map1}, {transform_indices = #map}, {transform_indices = #map}]} {
    %mul3A = arith.constant 2 : i32
    %mul3A_0 = arith.muli %arg1, %mul3A : i32
    %add3A = arith.addi %mul3A_0, %arg0 : i32
    %mul3A_1 = arith.constant 64 : i32
    %mul3A_2 = arith.muli %add3A, %mul3A_1 : i32
    "tpu.region"() ({
      %run_scoped3A = tpu.sem_alloc : memref<!tpu.dma_semaphore, #tpu.memory_space<semaphore_mem>>
      %dma_start3A_13 = tpu.memref_slice %arg3[%mul3A_2] : memref<2048xi32, #tpu.memory_space<hbm>> -> memref<64xi32, #tpu.memory_space<hbm>>
      %dma_start3A_14 = tpu.memref_slice %arg3[%mul3A_2] : memref<2048xi32, #tpu.memory_space<hbm>> -> memref<64xi32, #tpu.memory_space<hbm>>
      tpu.enqueue_dma source(%dma_start3A_14 : memref<64xi32, #tpu.memory_space<hbm>>) target(%arg7 : memref<64xi32, #tpu.memory_space<vmem>>) target_semaphore(%run_scoped3A : memref<!tpu.dma_semaphore, #tpu.memory_space<semaphore_mem>>)
      %dma_wait3A_15 = tpu.memref_slice %arg3[%mul3A_2] : memref<2048xi32, #tpu.memory_space<hbm>> -> memref<64xi32, #tpu.memory_space<hbm>>
      %dma_wait3A_16 = tpu.memref_slice %arg3[%mul3A_2] : memref<2048xi32, #tpu.memory_space<hbm>> -> memref<64xi32, #tpu.memory_space<hbm>>
      tpu.wait_dma2 semaphore(%run_scoped3A : memref<!tpu.dma_semaphore, #tpu.memory_space<semaphore_mem>>) src(%dma_wait3A_16 : memref<64xi32, #tpu.memory_space<hbm>>) dst(%arg7 : memref<64xi32, #tpu.memory_space<vmem>>)
      tpu.yield
    }) : () -> ()
    %dma_start3A = arith.constant 0 : i32
    %dma_start3A_3 = arith.constant 0 : i32
    %dma_start3A_4 = tpu.memref_slice %arg2[%dma_start3A, %dma_start3A_3] : memref<6144x1024xf32, #tpu.memory_space<hbm>> -> memref<6144x1024xf32, #tpu.memory_space<hbm>>
    tpu.enqueue_indirect_dma source(%dma_start3A_4 : memref<6144x1024xf32, #tpu.memory_space<hbm>>) target(%arg8 : memref<64x1024xf32, #tpu.memory_space<vmem>>) offsets(%arg7 : memref<64xi32, #tpu.memory_space<vmem>>) semaphore(%arg9 : memref<!tpu.dma_semaphore, #tpu.memory_space<semaphore_mem>>)
    %dma_wait3A = arith.constant 0 : i32
    %dma_wait3A_5 = arith.constant 0 : i32
    %dma_wait3A_6 = tpu.memref_slice %arg2[%dma_wait3A, %dma_wait3A_5] : memref<6144x1024xf32, #tpu.memory_space<hbm>> -> memref<6144x1024xf32, #tpu.memory_space<hbm>>
    tpu.wait_indirect_dma semaphore(%arg9 : memref<!tpu.dma_semaphore, #tpu.memory_space<semaphore_mem>>) src(%dma_wait3A_6 : memref<6144x1024xf32, #tpu.memory_space<hbm>>) dst(%arg8 : memref<64x1024xf32, #tpu.memory_space<vmem>>)
    "tpu.region"() ({
      %run_scoped3A = tpu.sem_alloc : memref<!tpu.dma_semaphore, #tpu.memory_space<semaphore_mem>>
      %dma_start3A_13 = arith.constant 0 : i32
      %dma_start3A_14 = tpu.memref_slice %arg5[%mul3A_2, %dma_start3A_13] : memref<2048x1024xf32, #tpu.memory_space<hbm>> -> memref<64x1024xf32, #tpu.memory_space<hbm>>
      %dma_start3A_15 = arith.constant 0 : i32
      %dma_start3A_16 = tpu.memref_slice %arg5[%mul3A_2, %dma_start3A_15] : memref<2048x1024xf32, #tpu.memory_space<hbm>> -> memref<64x1024xf32, #tpu.memory_space<hbm>>
      tpu.enqueue_dma source(%arg8 : memref<64x1024xf32, #tpu.memory_space<vmem>>) target(%dma_start3A_16 : memref<64x1024xf32, #tpu.memory_space<hbm>>) target_semaphore(%run_scoped3A : memref<!tpu.dma_semaphore, #tpu.memory_space<semaphore_mem>>)
      %dma_wait3A_17 = arith.constant 0 : i32
      %dma_wait3A_18 = tpu.memref_slice %arg5[%mul3A_2, %dma_wait3A_17] : memref<2048x1024xf32, #tpu.memory_space<hbm>> -> memref<64x1024xf32, #tpu.memory_space<hbm>>
      %dma_wait3A_19 = arith.constant 0 : i32
      %dma_wait3A_20 = tpu.memref_slice %arg5[%mul3A_2, %dma_wait3A_19] : memref<2048x1024xf32, #tpu.memory_space<hbm>> -> memref<64x1024xf32, #tpu.memory_space<hbm>>
      tpu.wait_dma2 semaphore(%run_scoped3A : memref<!tpu.dma_semaphore, #tpu.memory_space<semaphore_mem>>) src(%arg8 : memref<64x1024xf32, #tpu.memory_space<vmem>>) dst(%dma_wait3A_20 : memref<64x1024xf32, #tpu.memory_space<hbm>>)
      tpu.yield
    }) : () -> ()
    "tpu.region"() ({
      %run_scoped3A = tpu.sem_alloc : memref<!tpu.dma_semaphore, #tpu.memory_space<semaphore_mem>>
      %dma_start3A_13 = tpu.memref_slice %arg4[%mul3A_2] : memref<2048xi32, #tpu.memory_space<hbm>> -> memref<64xi32, #tpu.memory_space<hbm>>
      %dma_start3A_14 = tpu.memref_slice %arg4[%mul3A_2] : memref<2048xi32, #tpu.memory_space<hbm>> -> memref<64xi32, #tpu.memory_space<hbm>>
      tpu.enqueue_dma source(%dma_start3A_14 : memref<64xi32, #tpu.memory_space<hbm>>) target(%arg7 : memref<64xi32, #tpu.memory_space<vmem>>) target_semaphore(%run_scoped3A : memref<!tpu.dma_semaphore, #tpu.memory_space<semaphore_mem>>)
      %dma_wait3A_15 = tpu.memref_slice %arg4[%mul3A_2] : memref<2048xi32, #tpu.memory_space<hbm>> -> memref<64xi32, #tpu.memory_space<hbm>>
      %dma_wait3A_16 = tpu.memref_slice %arg4[%mul3A_2] : memref<2048xi32, #tpu.memory_space<hbm>> -> memref<64xi32, #tpu.memory_space<hbm>>
      tpu.wait_dma2 semaphore(%run_scoped3A : memref<!tpu.dma_semaphore, #tpu.memory_space<semaphore_mem>>) src(%dma_wait3A_16 : memref<64xi32, #tpu.memory_space<hbm>>) dst(%arg7 : memref<64xi32, #tpu.memory_space<vmem>>)
      tpu.yield
    }) : () -> ()
    %dma_start3A_7 = arith.constant 0 : i32
    %dma_start3A_8 = arith.constant 0 : i32
    %dma_start3A_9 = tpu.memref_slice %arg2[%dma_start3A_7, %dma_start3A_8] : memref<6144x1024xf32, #tpu.memory_space<hbm>> -> memref<6144x1024xf32, #tpu.memory_space<hbm>>
    tpu.enqueue_indirect_dma source(%dma_start3A_9 : memref<6144x1024xf32, #tpu.memory_space<hbm>>) target(%arg8 : memref<64x1024xf32, #tpu.memory_space<vmem>>) offsets(%arg7 : memref<64xi32, #tpu.memory_space<vmem>>) semaphore(%arg9 : memref<!tpu.dma_semaphore, #tpu.memory_space<semaphore_mem>>)
    %dma_wait3A_10 = arith.constant 0 : i32
    %dma_wait3A_11 = arith.constant 0 : i32
    %dma_wait3A_12 = tpu.memref_slice %arg2[%dma_wait3A_10, %dma_wait3A_11] : memref<6144x1024xf32, #tpu.memory_space<hbm>> -> memref<6144x1024xf32, #tpu.memory_space<hbm>>
    tpu.wait_indirect_dma semaphore(%arg9 : memref<!tpu.dma_semaphore, #tpu.memory_space<semaphore_mem>>) src(%dma_wait3A_12 : memref<6144x1024xf32, #tpu.memory_space<hbm>>) dst(%arg8 : memref<64x1024xf32, #tpu.memory_space<vmem>>)
    "tpu.region"() ({
      %run_scoped3A = tpu.sem_alloc : memref<!tpu.dma_semaphore, #tpu.memory_space<semaphore_mem>>
      %dma_start3A_13 = arith.constant 0 : i32
      %dma_start3A_14 = tpu.memref_slice %arg6[%mul3A_2, %dma_start3A_13] : memref<2048x1024xf32, #tpu.memory_space<hbm>> -> memref<64x1024xf32, #tpu.memory_space<hbm>>
      %dma_start3A_15 = arith.constant 0 : i32
      %dma_start3A_16 = tpu.memref_slice %arg6[%mul3A_2, %dma_start3A_15] : memref<2048x1024xf32, #tpu.memory_space<hbm>> -> memref<64x1024xf32, #tpu.memory_space<hbm>>
      tpu.enqueue_dma source(%arg8 : memref<64x1024xf32, #tpu.memory_space<vmem>>) target(%dma_start3A_16 : memref<64x1024xf32, #tpu.memory_space<hbm>>) target_semaphore(%run_scoped3A : memref<!tpu.dma_semaphore, #tpu.memory_space<semaphore_mem>>)
      %dma_wait3A_17 = arith.constant 0 : i32
      %dma_wait3A_18 = tpu.memref_slice %arg6[%mul3A_2, %dma_wait3A_17] : memref<2048x1024xf32, #tpu.memory_space<hbm>> -> memref<64x1024xf32, #tpu.memory_space<hbm>>
      %dma_wait3A_19 = arith.constant 0 : i32
      %dma_wait3A_20 = tpu.memref_slice %arg6[%mul3A_2, %dma_wait3A_19] : memref<2048x1024xf32, #tpu.memory_space<hbm>> -> memref<64x1024xf32, #tpu.memory_space<hbm>>
      tpu.wait_dma2 semaphore(%run_scoped3A : memref<!tpu.dma_semaphore, #tpu.memory_space<semaphore_mem>>) src(%arg8 : memref<64x1024xf32, #tpu.memory_space<vmem>>) dst(%dma_wait3A_20 : memref<64x1024xf32, #tpu.memory_space<hbm>>)
      tpu.yield
    }) : () -> ()
    return
  }
}

#map = affine_map<(d0, d1) -> (0, 0)>
#map1 = affine_map<(d0, d1) -> (0)>
module attributes {stable_mosaic.version = 14 : i64} {
  func.func @_combine_kernel(%arg0: i32, %arg1: i32, %arg2: memref<6144x1024xf32, #tpu.memory_space<hbm>>, %arg3: memref<2048xi32, #tpu.memory_space<hbm>>, %arg4: memref<2048xi32, #tpu.memory_space<hbm>>, %arg5: memref<2048x1024xf32, #tpu.memory_space<hbm>>, %arg6: memref<2048x1024xf32, #tpu.memory_space<hbm>>, %arg7: memref<64xi32, #tpu.memory_space<vmem>>, %arg8: memref<64x1024xf32, #tpu.memory_space<vmem>>, %arg9: memref<!tpu.dma_semaphore, #tpu.memory_space<semaphore_mem>>) attributes {dimension_semantics = [#tpu.dimension_semantics<core_parallel>, #tpu.dimension_semantics<subcore_parallel>], iteration_bounds = array<i64: 2, 16>, scalar_prefetch = 0 : i64, scratch_operands = 3 : i64, tpu.core_type = #tpu.core_type<sc_vector_subcore>, window_params = [{transform_indices = #map}, {transform_indices = #map1}, {transform_indices = #map1}, {transform_indices = #map}, {transform_indices = #map}]} {
    %mul3A = arith.constant 2 : i32
    %mul3A_0 = arith.muli %arg1, %mul3A : i32
    %add3A = arith.addi %mul3A_0, %arg0 : i32
    %mul3A_1 = arith.constant 64 : i32
    %mul3A_2 = arith.muli %add3A, %mul3A_1 : i32
    "tpu.region"() ({
      %run_scoped3A = tpu.sem_alloc : memref<!tpu.dma_semaphore, #tpu.memory_space<semaphore_mem>>
      %dma_start3A_13 = tpu.memref_slice %arg3[%mul3A_2] : memref<2048xi32, #tpu.memory_space<hbm>> -> memref<64xi32, #tpu.memory_space<hbm>>
      %dma_start3A_14 = tpu.memref_slice %arg3[%mul3A_2] : memref<2048xi32, #tpu.memory_space<hbm>> -> memref<64xi32, #tpu.memory_space<hbm>>
      tpu.enqueue_dma source(%dma_start3A_14 : memref<64xi32, #tpu.memory_space<hbm>>) target(%arg7 : memref<64xi32, #tpu.memory_space<vmem>>) target_semaphore(%run_scoped3A : memref<!tpu.dma_semaphore, #tpu.memory_space<semaphore_mem>>)
      %dma_wait3A_15 = tpu.memref_slice %arg3[%mul3A_2] : memref<2048xi32, #tpu.memory_space<hbm>> -> memref<64xi32, #tpu.memory_space<hbm>>
      %dma_wait3A_16 = tpu.memref_slice %arg3[%mul3A_2] : memref<2048xi32, #tpu.memory_space<hbm>> -> memref<64xi32, #tpu.memory_space<hbm>>
      tpu.wait_dma2 semaphore(%run_scoped3A : memref<!tpu.dma_semaphore, #tpu.memory_space<semaphore_mem>>) src(%dma_wait3A_16 : memref<64xi32, #tpu.memory_space<hbm>>) dst(%arg7 : memref<64xi32, #tpu.memory_space<vmem>>)
      tpu.yield
    }) : () -> ()
    %dma_start3A = arith.constant 0 : i32
    %dma_start3A_3 = arith.constant 0 : i32
    %dma_start3A_4 = tpu.memref_slice %arg2[%dma_start3A, %dma_start3A_3] : memref<6144x1024xf32, #tpu.memory_space<hbm>> -> memref<6144x1024xf32, #tpu.memory_space<hbm>>
    tpu.enqueue_indirect_dma source(%dma_start3A_4 : memref<6144x1024xf32, #tpu.memory_space<hbm>>) target(%arg8 : memref<64x1024xf32, #tpu.memory_space<vmem>>) offsets(%arg7 : memref<64xi32, #tpu.memory_space<vmem>>) semaphore(%arg9 : memref<!tpu.dma_semaphore, #tpu.memory_space<semaphore_mem>>)
    %dma_wait3A = arith.constant 0 : i32
    %dma_wait3A_5 = arith.constant 0 : i32
    %dma_wait3A_6 = tpu.memref_slice %arg2[%dma_wait3A, %dma_wait3A_5] : memref<6144x1024xf32, #tpu.memory_space<hbm>> -> memref<6144x1024xf32, #tpu.memory_space<hbm>>
    tpu.wait_indirect_dma semaphore(%arg9 : memref<!tpu.dma_semaphore, #tpu.memory_space<semaphore_mem>>) src(%dma_wait3A_6 : memref<6144x1024xf32, #tpu.memory_space<hbm>>) dst(%arg8 : memref<64x1024xf32, #tpu.memory_space<vmem>>)
    "tpu.region"() ({
      %run_scoped3A = tpu.sem_alloc : memref<!tpu.dma_semaphore, #tpu.memory_space<semaphore_mem>>
      %dma_start3A_13 = arith.constant 0 : i32
      %dma_start3A_14 = tpu.memref_slice %arg5[%mul3A_2, %dma_start3A_13] : memref<2048x1024xf32, #tpu.memory_space<hbm>> -> memref<64x1024xf32, #tpu.memory_space<hbm>>
      %dma_start3A_15 = arith.constant 0 : i32
      %dma_start3A_16 = tpu.memref_slice %arg5[%mul3A_2, %dma_start3A_15] : memref<2048x1024xf32, #tpu.memory_space<hbm>> -> memref<64x1024xf32, #tpu.memory_space<hbm>>
      tpu.enqueue_dma source(%arg8 : memref<64x1024xf32, #tpu.memory_space<vmem>>) target(%dma_start3A_16 : memref<64x1024xf32, #tpu.memory_space<hbm>>) target_semaphore(%run_scoped3A : memref<!tpu.dma_semaphore, #tpu.memory_space<semaphore_mem>>)
      %dma_wait3A_17 = arith.constant 0 : i32
      %dma_wait3A_18 = tpu.memref_slice %arg5[%mul3A_2, %dma_wait3A_17] : memref<2048x1024xf32, #tpu.memory_space<hbm>> -> memref<64x1024xf32, #tpu.memory_space<hbm>>
      %dma_wait3A_19 = arith.constant 0 : i32
      %dma_wait3A_20 = tpu.memref_slice %arg5[%mul3A_2, %dma_wait3A_19] : memref<2048x1024xf32, #tpu.memory_space<hbm>> -> memref<64x1024xf32, #tpu.memory_space<hbm>>
      tpu.wait_dma2 semaphore(%run_scoped3A : memref<!tpu.dma_semaphore, #tpu.memory_space<semaphore_mem>>) src(%arg8 : memref<64x1024xf32, #tpu.memory_space<vmem>>) dst(%dma_wait3A_20 : memref<64x1024xf32, #tpu.memory_space<hbm>>)
      tpu.yield
    }) : () -> ()
    "tpu.region"() ({
      %run_scoped3A = tpu.sem_alloc : memref<!tpu.dma_semaphore, #tpu.memory_space<semaphore_mem>>
      %dma_start3A_13 = tpu.memref_slice %arg4[%mul3A_2] : memref<2048xi32, #tpu.memory_space<hbm>> -> memref<64xi32, #tpu.memory_space<hbm>>
      %dma_start3A_14 = tpu.memref_slice %arg4[%mul3A_2] : memref<2048xi32, #tpu.memory_space<hbm>> -> memref<64xi32, #tpu.memory_space<hbm>>
      tpu.enqueue_dma source(%dma_start3A_14 : memref<64xi32, #tpu.memory_space<hbm>>) target(%arg7 : memref<64xi32, #tpu.memory_space<vmem>>) target_semaphore(%run_scoped3A : memref<!tpu.dma_semaphore, #tpu.memory_space<semaphore_mem>>)
      %dma_wait3A_15 = tpu.memref_slice %arg4[%mul3A_2] : memref<2048xi32, #tpu.memory_space<hbm>> -> memref<64xi32, #tpu.memory_space<hbm>>
      %dma_wait3A_16 = tpu.memref_slice %arg4[%mul3A_2] : memref<2048xi32, #tpu.memory_space<hbm>> -> memref<64xi32, #tpu.memory_space<hbm>>
      tpu.wait_dma2 semaphore(%run_scoped3A : memref<!tpu.dma_semaphore, #tpu.memory_space<semaphore_mem>>) src(%dma_wait3A_16 : memref<64xi32, #tpu.memory_space<hbm>>) dst(%arg7 : memref<64xi32, #tpu.memory_space<vmem>>)
      tpu.yield
    }) : () -> ()
    %dma_start3A_7 = arith.constant 0 : i32
    %dma_start3A_8 = arith.constant 0 : i32
    %dma_start3A_9 = tpu.memref_slice %arg2[%dma_start3A_7, %dma_start3A_8] : memref<6144x1024xf32, #tpu.memory_space<hbm>> -> memref<6144x1024xf32, #tpu.memory_space<hbm>>
    tpu.enqueue_indirect_dma source(%dma_start3A_9 : memref<6144x1024xf32, #tpu.memory_space<hbm>>) target(%arg8 : memref<64x1024xf32, #tpu.memory_space<vmem>>) offsets(%arg7 : memref<64xi32, #tpu.memory_space<vmem>>) semaphore(%arg9 : memref<!tpu.dma_semaphore, #tpu.memory_space<semaphore_mem>>)
    %dma_wait3A_10 = arith.constant 0 : i32
    %dma_wait3A_11 = arith.constant 0 : i32
    %dma_wait3A_12 = tpu.memref_slice %arg2[%dma_wait3A_10, %dma_wait3A_11] : memref<6144x1024xf32, #tpu.memory_space<hbm>> -> memref<6144x1024xf32, #tpu.memory_space<hbm>>
    tpu.wait_indirect_dma semaphore(%arg9 : memref<!tpu.dma_semaphore, #tpu.memory_space<semaphore_mem>>) src(%dma_wait3A_12 : memref<6144x1024xf32, #tpu.memory_space<hbm>>) dst(%arg8 : memref<64x1024xf32, #tpu.memory_space<vmem>>)
    "tpu.region"() ({
      %run_scoped3A = tpu.sem_alloc : memref<!tpu.dma_semaphore, #tpu.memory_space<semaphore_mem>>
      %dma_start3A_13 = arith.constant 0 : i32
      %dma_start3A_14 = tpu.memref_slice %arg6[%mul3A_2, %dma_start3A_13] : memref<2048x1024xf32, #tpu.memory_space<hbm>> -> memref<64x1024xf32, #tpu.memory_space<hbm>>
      %dma_start3A_15 = arith.constant 0 : i32
      %dma_start3A_16 = tpu.memref_slice %arg6[%mul3A_2, %dma_start3A_15] : memref<2048x1024xf32, #tpu.memory_space<hbm>> -> memref<64x1024xf32, #tpu.memory_space<hbm>>
      tpu.enqueue_dma source(%arg8 : memref<64x1024xf32, #tpu.memory_space<vmem>>) target(%dma_start3A_16 : memref<64x1024xf32, #tpu.memory_space<hbm>>) target_semaphore(%run_scoped3A : memref<!tpu.dma_semaphore, #tpu.memory_space<semaphore_mem>>)
      %dma_wait3A_17 = arith.constant 0 : i32
      %dma_wait3A_18 = tpu.memref_slice %arg6[%mul3A_2, %dma_wait3A_17] : memref<2048x1024xf32, #tpu.memory_space<hbm>> -> memref<64x1024xf32, #tpu.memory_space<hbm>>
      %dma_wait3A_19 = arith.constant 0 : i32
      %dma_wait3A_20 = tpu.memref_slice %arg6[%mul3A_2, %dma_wait3A_19] : memref<2048x1024xf32, #tpu.memory_space<hbm>> -> memref<64x1024xf32, #tpu.memory_space<hbm>>
      tpu.wait_dma2 semaphore(%run_scoped3A : memref<!tpu.dma_semaphore, #tpu.memory_space<semaphore_mem>>) src(%arg8 : memref<64x1024xf32, #tpu.memory_space<vmem>>) dst(%dma_wait3A_20 : memref<64x1024xf32, #tpu.memory_space<hbm>>)
      tpu.yield
    }) : () -> ()
    return
  }
}

#map = affine_map<(d0, d1) -> (0)>
#map1 = affine_map<(d0, d1) -> (0, 0)>
module attributes {stable_mosaic.version = 14 : i64} {
  func.func @_dispatch_kernel(%arg0: i32, %arg1: i32, %arg2: memref<2048xi32, #tpu.memory_space<hbm>>, %arg3: memref<2048xi32, #tpu.memory_space<hbm>>, %arg4: memref<2048x1024xf32, #tpu.memory_space<hbm>>, %arg5: memref<6144x1024xf32, #tpu.memory_space<hbm>>, %arg6: memref<2048xi32, #tpu.memory_space<vmem>>, %arg7: memref<2048xi32, #tpu.memory_space<vmem>>, %arg8: memref<6208xi32, #tpu.memory_space<vmem>>, %arg9: memref<64xi32, #tpu.memory_space<vmem>>, %arg10: memref<64x1024xf32, #tpu.memory_space<vmem>>, %arg11: memref<6208xi32, #tpu.memory_space<vmem_shared>>, %arg12: memref<!tpu.dma_semaphore, #tpu.memory_space<semaphore_mem>>) attributes {dimension_semantics = [#tpu.dimension_semantics<core_parallel>, #tpu.dimension_semantics<subcore_parallel>], iteration_bounds = array<i64: 2, 16>, scalar_prefetch = 0 : i64, scratch_operands = 7 : i64, tpu.core_type = #tpu.core_type<sc_vector_subcore>, window_params = [{transform_indices = #map}, {transform_indices = #map}, {transform_indices = #map1}, {transform_indices = #map1}]} {
    %eq3A = arith.constant 0 : i32
    %eq3A_0 = arith.cmpi eq, %arg1, %eq3A : i32
    %convert_element_type3A = arith.extui %eq3A_0 : i1 to i32
    %cond3A = arith.constant 0 : i32
    %cond3A_1 = arith.cmpi ne, %convert_element_type3A, %cond3A : i32
    scf.if %cond3A_1 {
      "tpu.region"() ({
        %run_scoped3A = tpu.sem_alloc : memref<!tpu.dma_semaphore, #tpu.memory_space<semaphore_mem>>
        tpu.enqueue_dma source(%arg2 : memref<2048xi32, #tpu.memory_space<hbm>>) target(%arg6 : memref<2048xi32, #tpu.memory_space<vmem>>) target_semaphore(%run_scoped3A : memref<!tpu.dma_semaphore, #tpu.memory_space<semaphore_mem>>)
        tpu.wait_dma2 semaphore(%run_scoped3A : memref<!tpu.dma_semaphore, #tpu.memory_space<semaphore_mem>>) src(%arg2 : memref<2048xi32, #tpu.memory_space<hbm>>) dst(%arg6 : memref<2048xi32, #tpu.memory_space<vmem>>)
        tpu.yield
      }) : () -> ()
      "tpu.region"() ({
        %run_scoped3A = tpu.sem_alloc : memref<!tpu.dma_semaphore, #tpu.memory_space<semaphore_mem>>
        tpu.enqueue_dma source(%arg3 : memref<2048xi32, #tpu.memory_space<hbm>>) target(%arg7 : memref<2048xi32, #tpu.memory_space<vmem>>) target_semaphore(%run_scoped3A : memref<!tpu.dma_semaphore, #tpu.memory_space<semaphore_mem>>)
        tpu.wait_dma2 semaphore(%run_scoped3A : memref<!tpu.dma_semaphore, #tpu.memory_space<semaphore_mem>>) src(%arg3 : memref<2048xi32, #tpu.memory_space<hbm>>) dst(%arg7 : memref<2048xi32, #tpu.memory_space<vmem>>)
        tpu.yield
      }) : () -> ()
      %scan3A = arith.constant 0 : i32
      %scan3A_31 = arith.constant 0 : i32
      %scan3A_32 = arith.constant 388 : i32
      %scan3A_33 = arith.addi %scan3A_31, %scan3A_32 : i32
      %scan3A_34 = arith.constant 1 : i32
      %scan3A_35 = scf.for %scan3A_44 = %scan3A_31 to %scan3A_33 step %scan3A_34 iter_args(%scan3A_45 = %scan3A) -> (i32)  : i32 {
        %broadcast_in_dim3A = arith.constant 0 : i32
        %broadcast_in_dim3A_46 = vector.broadcast %broadcast_in_dim3A : i32 to vector<16xi32>
        %mul3A_47 = arith.constant 16 : i32
        %mul3A_48 = arith.muli %scan3A_44, %mul3A_47 : i32
        %swap3A = arith.index_cast %mul3A_48 : i32 to index
        %swap3A_49 = tpu.vector_load %arg8[%swap3A] {strides = array<i32>} : memref<6208xi32, #tpu.memory_space<vmem>>, vector<16xi32>,
        tpu.vector_store %arg8[%swap3A], %broadcast_in_dim3A_46 {strides = array<i32>} : memref<6208xi32, #tpu.memory_space<vmem>>, vector<16xi32>,
        %scan3A_50 = arith.constant 0 : i32
        scf.yield %scan3A_50 : i32
      }
      %scan3A_36 = arith.constant 388 : i32
      %scan3A_37 = arith.constant 0 : i32
      %scan3A_38 = arith.constant 0 : i32
      %scan3A_39 = arith.constant 128 : i32
      %scan3A_40 = arith.addi %scan3A_38, %scan3A_39 : i32
      %scan3A_41 = arith.constant 1 : i32
      %scan3A_42 = scf.for %scan3A_44 = %scan3A_38 to %scan3A_40 step %scan3A_41 iter_args(%scan3A_45 = %scan3A_37) -> (i32)  : i32 {
        %mul3A_46 = arith.constant 16 : i32
        %mul3A_47 = arith.muli %scan3A_44, %mul3A_46 : i32
        %iota3A = tpu.iota {dimensions = array<i32: 0>} : vector<16xi32>
        %add3A_48 = vector.broadcast %mul3A_47 : i32 to vector<16xi32>
        %add3A_49 = arith.addi %iota3A, %add3A_48 : vector<16xi32>
        %get3A = arith.index_cast %mul3A_47 : i32 to index
        %get3A_50 = tpu.vector_load %arg6[%get3A] {strides = array<i32>} : memref<2048xi32, #tpu.memory_space<vmem>>, vector<16xi32>,
        tpu.vector_store_idx %arg8[%get3A_50], %add3A_49 : memref<6208xi32, #tpu.memory_space<vmem>>[vector<16xi32>], vector<16xi32>,
        %get3A_51 = arith.index_cast %mul3A_47 : i32 to index
        %get3A_52 = tpu.vector_load %arg7[%get3A_51] {strides = array<i32>} : memref<2048xi32, #tpu.memory_space<vmem>>, vector<16xi32>,
        tpu.vector_store_idx %arg8[%get3A_52], %add3A_49 : memref<6208xi32, #tpu.memory_space<vmem>>[vector<16xi32>], vector<16xi32>,
        %scan3A_53 = arith.constant 0 : i32
        scf.yield %scan3A_53 : i32
      }
      %scan3A_43 = arith.constant 128 : i32
      "tpu.region"() ({
        %run_scoped3A = tpu.sem_alloc : memref<!tpu.dma_semaphore, #tpu.memory_space<semaphore_mem>>
        tpu.enqueue_dma source(%arg8 : memref<6208xi32, #tpu.memory_space<vmem>>) target(%arg11 : memref<6208xi32, #tpu.memory_space<vmem_shared>>) target_semaphore(%run_scoped3A : memref<!tpu.dma_semaphore, #tpu.memory_space<semaphore_mem>>)
        tpu.wait_dma2 semaphore(%run_scoped3A : memref<!tpu.dma_semaphore, #tpu.memory_space<semaphore_mem>>) src(%arg8 : memref<6208xi32, #tpu.memory_space<vmem>>) dst(%arg11 : memref<6208xi32, #tpu.memory_space<vmem_shared>>)
        tpu.yield
      }) : () -> ()
    } else {
    }
    %barrier3A = arith.constant 0 : index
    tpu.barrier barrier_id(%barrier3A)
    %mul3A = arith.constant 2 : i32
    %mul3A_2 = arith.muli %arg1, %mul3A : i32
    %add3A = arith.addi %mul3A_2, %arg0 : i32
    %mul3A_3 = arith.constant 192 : i32
    %mul3A_4 = arith.muli %add3A, %mul3A_3 : i32
    %add3A_5 = arith.constant 0 : i32
    %add3A_6 = arith.addi %mul3A_4, %add3A_5 : i32
    "tpu.region"() ({
      %run_scoped3A = tpu.sem_alloc : memref<!tpu.dma_semaphore, #tpu.memory_space<semaphore_mem>>
      %dma_start3A_31 = tpu.memref_slice %arg11[%add3A_6] : memref<6208xi32, #tpu.memory_space<vmem_shared>> -> memref<64xi32, #tpu.memory_space<vmem_shared>>
      %dma_start3A_32 = tpu.memref_slice %arg11[%add3A_6] : memref<6208xi32, #tpu.memory_space<vmem_shared>> -> memref<64xi32, #tpu.memory_space<vmem_shared>>
      tpu.enqueue_dma source(%dma_start3A_32 : memref<64xi32, #tpu.memory_space<vmem_shared>>) target(%arg9 : memref<64xi32, #tpu.memory_space<vmem>>) target_semaphore(%run_scoped3A : memref<!tpu.dma_semaphore, #tpu.memory_space<semaphore_mem>>)
      %dma_wait3A_33 = tpu.memref_slice %arg11[%add3A_6] : memref<6208xi32, #tpu.memory_space<vmem_shared>> -> memref<64xi32, #tpu.memory_space<vmem_shared>>
      %dma_wait3A_34 = tpu.memref_slice %arg11[%add3A_6] : memref<6208xi32, #tpu.memory_space<vmem_shared>> -> memref<64xi32, #tpu.memory_space<vmem_shared>>
      tpu.wait_dma2 semaphore(%run_scoped3A : memref<!tpu.dma_semaphore, #tpu.memory_space<semaphore_mem>>) src(%dma_wait3A_34 : memref<64xi32, #tpu.memory_space<vmem_shared>>) dst(%arg9 : memref<64xi32, #tpu.memory_space<vmem>>)
      tpu.yield
    }) : () -> ()
    %dma_start3A = arith.constant 0 : i32
    %dma_start3A_7 = arith.constant 0 : i32
    %dma_start3A_8 = tpu.memref_slice %arg4[%dma_start3A, %dma_start3A_7] : memref<2048x1024xf32, #tpu.memory_space<hbm>> -> memref<2048x1024xf32, #tpu.memory_space<hbm>>
    tpu.enqueue_indirect_dma source(%dma_start3A_8 : memref<2048x1024xf32, #tpu.memory_space<hbm>>) target(%arg10 : memref<64x1024xf32, #tpu.memory_space<vmem>>) offsets(%arg9 : memref<64xi32, #tpu.memory_space<vmem>>) semaphore(%arg12 : memref<!tpu.dma_semaphore, #tpu.memory_space<semaphore_mem>>)
    %dma_wait3A = arith.constant 0 : i32
    %dma_wait3A_9 = arith.constant 0 : i32
    %dma_wait3A_10 = tpu.memref_slice %arg4[%dma_wait3A, %dma_wait3A_9] : memref<2048x1024xf32, #tpu.memory_space<hbm>> -> memref<2048x1024xf32, #tpu.memory_space<hbm>>
    tpu.wait_indirect_dma semaphore(%arg12 : memref<!tpu.dma_semaphore, #tpu.memory_space<semaphore_mem>>) src(%dma_wait3A_10 : memref<2048x1024xf32, #tpu.memory_space<hbm>>) dst(%arg10 : memref<64x1024xf32, #tpu.memory_space<vmem>>)
    "tpu.region"() ({
      %run_scoped3A = tpu.sem_alloc : memref<!tpu.dma_semaphore, #tpu.memory_space<semaphore_mem>>
      %dma_start3A_31 = arith.constant 0 : i32
      %dma_start3A_32 = tpu.memref_slice %arg5[%add3A_6, %dma_start3A_31] : memref<6144x1024xf32, #tpu.memory_space<hbm>> -> memref<64x1024xf32, #tpu.memory_space<hbm>>
      %dma_start3A_33 = arith.constant 0 : i32
      %dma_start3A_34 = tpu.memref_slice %arg5[%add3A_6, %dma_start3A_33] : memref<6144x1024xf32, #tpu.memory_space<hbm>> -> memref<64x1024xf32, #tpu.memory_space<hbm>>
      tpu.enqueue_dma source(%arg10 : memref<64x1024xf32, #tpu.memory_space<vmem>>) target(%dma_start3A_34 : memref<64x1024xf32, #tpu.memory_space<hbm>>) target_semaphore(%run_scoped3A : memref<!tpu.dma_semaphore, #tpu.memory_space<semaphore_mem>>)
      %dma_wait3A_35 = arith.constant 0 : i32
      %dma_wait3A_36 = tpu.memref_slice %arg5[%add3A_6, %dma_wait3A_35] : memref<6144x1024xf32, #tpu.memory_space<hbm>> -> memref<64x1024xf32, #tpu.memory_space<hbm>>
      %dma_wait3A_37 = arith.constant 0 : i32
      %dma_wait3A_38 = tpu.memref_slice %arg5[%add3A_6, %dma_wait3A_37] : memref<6144x1024xf32, #tpu.memory_space<hbm>> -> memref<64x1024xf32, #tpu.memory_space<hbm>>
      tpu.wait_dma2 semaphore(%run_scoped3A : memref<!tpu.dma_semaphore, #tpu.memory_space<semaphore_mem>>) src(%arg10 : memref<64x1024xf32, #tpu.memory_space<vmem>>) dst(%dma_wait3A_38 : memref<64x1024xf32, #tpu.memory_space<hbm>>)
      tpu.yield
    }) : () -> ()
    %mul3A_11 = arith.constant 192 : i32
    %mul3A_12 = arith.muli %add3A, %mul3A_11 : i32
    %add3A_13 = arith.constant 64 : i32
    %add3A_14 = arith.addi %mul3A_12, %add3A_13 : i32
    "tpu.region"() ({
      %run_scoped3A = tpu.sem_alloc : memref<!tpu.dma_semaphore, #tpu.memory_space<semaphore_mem>>
      %dma_start3A_31 = tpu.memref_slice %arg11[%add3A_14] : memref<6208xi32, #tpu.memory_space<vmem_shared>> -> memref<64xi32, #tpu.memory_space<vmem_shared>>
      %dma_start3A_32 = tpu.memref_slice %arg11[%add3A_14] : memref<6208xi32, #tpu.memory_space<vmem_shared>> -> memref<64xi32, #tpu.memory_space<vmem_shared>>
      tpu.enqueue_dma source(%dma_start3A_32 : memref<64xi32, #tpu.memory_space<vmem_shared>>) target(%arg9 : memref<64xi32, #tpu.memory_space<vmem>>) target_semaphore(%run_scoped3A : memref<!tpu.dma_semaphore, #tpu.memory_space<semaphore_mem>>)
      %dma_wait3A_33 = tpu.memref_slice %arg11[%add3A_14] : memref<6208xi32, #tpu.memory_space<vmem_shared>> -> memref<64xi32, #tpu.memory_space<vmem_shared>>
      %dma_wait3A_34 = tpu.memref_slice %arg11[%add3A_14] : memref<6208xi32, #tpu.memory_space<vmem_shared>> -> memref<64xi32, #tpu.memory_space<vmem_shared>>
      tpu.wait_dma2 semaphore(%run_scoped3A : memref<!tpu.dma_semaphore, #tpu.memory_space<semaphore_mem>>) src(%dma_wait3A_34 : memref<64xi32, #tpu.memory_space<vmem_shared>>) dst(%arg9 : memref<64xi32, #tpu.memory_space<vmem>>)
      tpu.yield
    }) : () -> ()
    %dma_start3A_15 = arith.constant 0 : i32
    %dma_start3A_16 = arith.constant 0 : i32
    %dma_start3A_17 = tpu.memref_slice %arg4[%dma_start3A_15, %dma_start3A_16] : memref<2048x1024xf32, #tpu.memory_space<hbm>> -> memref<2048x1024xf32, #tpu.memory_space<hbm>>
    tpu.enqueue_indirect_dma source(%dma_start3A_17 : memref<2048x1024xf32, #tpu.memory_space<hbm>>) target(%arg10 : memref<64x1024xf32, #tpu.memory_space<vmem>>) offsets(%arg9 : memref<64xi32, #tpu.memory_space<vmem>>) semaphore(%arg12 : memref<!tpu.dma_semaphore, #tpu.memory_space<semaphore_mem>>)
    %dma_wait3A_18 = arith.constant 0 : i32
    %dma_wait3A_19 = arith.constant 0 : i32
    %dma_wait3A_20 = tpu.memref_slice %arg4[%dma_wait3A_18, %dma_wait3A_19] : memref<2048x1024xf32, #tpu.memory_space<hbm>> -> memref<2048x1024xf32, #tpu.memory_space<hbm>>
    tpu.wait_indirect_dma semaphore(%arg12 : memref<!tpu.dma_semaphore, #tpu.memory_space<semaphore_mem>>) src(%dma_wait3A_20 : memref<2048x1024xf32, #tpu.memory_space<hbm>>) dst(%arg10 : memref<64x1024xf32, #tpu.memory_space<vmem>>)
    "tpu.region"() ({
      %run_scoped3A = tpu.sem_alloc : memref<!tpu.dma_semaphore, #tpu.memory_space<semaphore_mem>>
      %dma_start3A_31 = arith.constant 0 : i32
      %dma_start3A_32 = tpu.memref_slice %arg5[%add3A_14, %dma_start3A_31] : memref<6144x1024xf32, #tpu.memory_space<hbm>> -> memref<64x1024xf32, #tpu.memory_space<hbm>>
      %dma_start3A_33 = arith.constant 0 : i32
      %dma_start3A_34 = tpu.memref_slice %arg5[%add3A_14, %dma_start3A_33] : memref<6144x1024xf32, #tpu.memory_space<hbm>> -> memref<64x1024xf32, #tpu.memory_space<hbm>>
      tpu.enqueue_dma source(%arg10 : memref<64x1024xf32, #tpu.memory_space<vmem>>) target(%dma_start3A_34 : memref<64x1024xf32, #tpu.memory_space<hbm>>) target_semaphore(%run_scoped3A : memref<!tpu.dma_semaphore, #tpu.memory_space<semaphore_mem>>)
      %dma_wait3A_35 = arith.constant 0 : i32
      %dma_wait3A_36 = tpu.memref_slice %arg5[%add3A_14, %dma_wait3A_35] : memref<6144x1024xf32, #tpu.memory_space<hbm>> -> memref<64x1024xf32, #tpu.memory_space<hbm>>
      %dma_wait3A_37 = arith.constant 0 : i32
      %dma_wait3A_38 = tpu.memref_slice %arg5[%add3A_14, %dma_wait3A_37] : memref<6144x1024xf32, #tpu.memory_space<hbm>> -> memref<64x1024xf32, #tpu.memory_space<hbm>>
      tpu.wait_dma2 semaphore(%run_scoped3A : memref<!tpu.dma_semaphore, #tpu.memory_space<semaphore_mem>>) src(%arg10 : memref<64x1024xf32, #tpu.memory_space<vmem>>) dst(%dma_wait3A_38 : memref<64x1024xf32, #tpu.memory_space<hbm>>)
      tpu.yield
    }) : () -> ()
    %mul3A_21 = arith.constant 192 : i32
    %mul3A_22 = arith.muli %add3A, %mul3A_21 : i32
    %add3A_23 = arith.constant 128 : i32
    %add3A_24 = arith.addi %mul3A_22, %add3A_23 : i32
    "tpu.region"() ({
      %run_scoped3A = tpu.sem_alloc : memref<!tpu.dma_semaphore, #tpu.memory_space<semaphore_mem>>
      %dma_start3A_31 = tpu.memref_slice %arg11[%add3A_24] : memref<6208xi32, #tpu.memory_space<vmem_shared>> -> memref<64xi32, #tpu.memory_space<vmem_shared>>
      %dma_start3A_32 = tpu.memref_slice %arg11[%add3A_24] : memref<6208xi32, #tpu.memory_space<vmem_shared>> -> memref<64xi32, #tpu.memory_space<vmem_shared>>
      tpu.enqueue_dma source(%dma_start3A_32 : memref<64xi32, #tpu.memory_space<vmem_shared>>) target(%arg9 : memref<64xi32, #tpu.memory_space<vmem>>) target_semaphore(%run_scoped3A : memref<!tpu.dma_semaphore, #tpu.memory_space<semaphore_mem>>)
      %dma_wait3A_33 = tpu.memref_slice %arg11[%add3A_24] : memref<6208xi32, #tpu.memory_space<vmem_shared>> -> memref<64xi32, #tpu.memory_space<vmem_shared>>
      %dma_wait3A_34 = tpu.memref_slice %arg11[%add3A_24] : memref<6208xi32, #tpu.memory_space<vmem_shared>> -> memref<64xi32, #tpu.memory_space<vmem_shared>>
      tpu.wait_dma2 semaphore(%run_scoped3A : memref<!tpu.dma_semaphore, #tpu.memory_space<semaphore_mem>>) src(%dma_wait3A_34 : memref<64xi32, #tpu.memory_space<vmem_shared>>) dst(%arg9 : memref<64xi32, #tpu.memory_space<vmem>>)
      tpu.yield
    }) : () -> ()
    %dma_start3A_25 = arith.constant 0 : i32
    %dma_start3A_26 = arith.constant 0 : i32
    %dma_start3A_27 = tpu.memref_slice %arg4[%dma_start3A_25, %dma_start3A_26] : memref<2048x1024xf32, #tpu.memory_space<hbm>> -> memref<2048x1024xf32, #tpu.memory_space<hbm>>
    tpu.enqueue_indirect_dma source(%dma_start3A_27 : memref<2048x1024xf32, #tpu.memory_space<hbm>>) target(%arg10 : memref<64x1024xf32, #tpu.memory_space<vmem>>) offsets(%arg9 : memref<64xi32, #tpu.memory_space<vmem>>) semaphore(%arg12 : memref<!tpu.dma_semaphore, #tpu.memory_space<semaphore_mem>>)
    %dma_wait3A_28 = arith.constant 0 : i32
    %dma_wait3A_29 = arith.constant 0 : i32
    %dma_wait3A_30 = tpu.memref_slice %arg4[%dma_wait3A_28, %dma_wait3A_29] : memref<2048x1024xf32, #tpu.memory_space<hbm>> -> memref<2048x1024xf32, #tpu.memory_space<hbm>>
    tpu.wait_indirect_dma semaphore(%arg12 : memref<!tpu.dma_semaphore, #tpu.memory_space<semaphore_mem>>) src(%dma_wait3A_30 : memref<2048x1024xf32, #tpu.memory_space<hbm>>) dst(%arg10 : memref<64x1024xf32, #tpu.memory_space<vmem>>)
    "tpu.region"() ({
      %run_scoped3A = tpu.sem_alloc : memref<!tpu.dma_semaphore, #tpu.memory_space<semaphore_mem>>
      %dma_start3A_31 = arith.constant 0 : i32
      %dma_start3A_32 = tpu.memref_slice %arg5[%add3A_24, %dma_start3A_31] : memref<6144x1024xf32, #tpu.memory_space<hbm>> -> memref<64x1024xf32, #tpu.memory_space<hbm>>
      %dma_start3A_33 = arith.constant 0 : i32
      %dma_start3A_34 = tpu.memref_slice %arg5[%add3A_24, %dma_start3A_33] : memref<6144x1024xf32, #tpu.memory_space<hbm>> -> memref<64x1024xf32, #tpu.memory_space<hbm>>
      tpu.enqueue_dma source(%arg10 : memref<64x1024xf32, #tpu.memory_space<vmem>>) target(%dma_start3A_34 : memref<64x1024xf32, #tpu.memory_space<hbm>>) target_semaphore(%run_scoped3A : memref<!tpu.dma_semaphore, #tpu.memory_space<semaphore_mem>>)
      %dma_wait3A_35 = arith.constant 0 : i32
      %dma_wait3A_36 = tpu.memref_slice %arg5[%add3A_24, %dma_wait3A_35] : memref<6144x1024xf32, #tpu.memory_space<hbm>> -> memref<64x1024xf32, #tpu.memory_space<hbm>>
      %dma_wait3A_37 = arith.constant 0 : i32
      %dma_wait3A_38 = tpu.memref_slice %arg5[%add3A_24, %dma_wait3A_37] : memref<6144x1024xf32, #tpu.memory_space<hbm>> -> memref<64x1024xf32, #tpu.memory_space<hbm>>
      tpu.wait_dma2 semaphore(%run_scoped3A : memref<!tpu.dma_semaphore, #tpu.memory_space<semaphore_mem>>) src(%arg10 : memref<64x1024xf32, #tpu.memory_space<vmem>>) dst(%dma_wait3A_38 : memref<64x1024xf32, #tpu.memory_space<hbm>>)
      tpu.yield
    }) : () -> ()
    return
  }
}

#map = affine_map<(d0, d1) -> (0)>
#map1 = affine_map<(d0, d1) -> (0, 0)>
module attributes {stable_mosaic.version = 14 : i64} {
  func.func @_dispatch_kernel(%arg0: i32, %arg1: i32, %arg2: memref<2048xi32, #tpu.memory_space<hbm>>, %arg3: memref<2048xi32, #tpu.memory_space<hbm>>, %arg4: memref<2048x1024xf32, #tpu.memory_space<hbm>>, %arg5: memref<6144x1024xf32, #tpu.memory_space<hbm>>, %arg6: memref<2048xi32, #tpu.memory_space<vmem>>, %arg7: memref<2048xi32, #tpu.memory_space<vmem>>, %arg8: memref<6208xi32, #tpu.memory_space<vmem>>, %arg9: memref<64xi32, #tpu.memory_space<vmem>>, %arg10: memref<64x1024xf32, #tpu.memory_space<vmem>>, %arg11: memref<6208xi32, #tpu.memory_space<vmem_shared>>, %arg12: memref<!tpu.dma_semaphore, #tpu.memory_space<semaphore_mem>>) attributes {dimension_semantics = [#tpu.dimension_semantics<core_parallel>, #tpu.dimension_semantics<subcore_parallel>], iteration_bounds = array<i64: 2, 16>, scalar_prefetch = 0 : i64, scratch_operands = 7 : i64, tpu.core_type = #tpu.core_type<sc_vector_subcore>, window_params = [{transform_indices = #map}, {transform_indices = #map}, {transform_indices = #map1}, {transform_indices = #map1}]} {
    %eq3A = arith.constant 0 : i32
    %eq3A_0 = arith.cmpi eq, %arg1, %eq3A : i32
    %convert_element_type3A = arith.extui %eq3A_0 : i1 to i32
    %cond3A = arith.constant 0 : i32
    %cond3A_1 = arith.cmpi ne, %convert_element_type3A, %cond3A : i32
    scf.if %cond3A_1 {
      "tpu.region"() ({
        %run_scoped3A = tpu.sem_alloc : memref<!tpu.dma_semaphore, #tpu.memory_space<semaphore_mem>>
        tpu.enqueue_dma source(%arg2 : memref<2048xi32, #tpu.memory_space<hbm>>) target(%arg6 : memref<2048xi32, #tpu.memory_space<vmem>>) target_semaphore(%run_scoped3A : memref<!tpu.dma_semaphore, #tpu.memory_space<semaphore_mem>>)
        tpu.wait_dma2 semaphore(%run_scoped3A : memref<!tpu.dma_semaphore, #tpu.memory_space<semaphore_mem>>) src(%arg2 : memref<2048xi32, #tpu.memory_space<hbm>>) dst(%arg6 : memref<2048xi32, #tpu.memory_space<vmem>>)
        tpu.yield
      }) : () -> ()
      "tpu.region"() ({
        %run_scoped3A = tpu.sem_alloc : memref<!tpu.dma_semaphore, #tpu.memory_space<semaphore_mem>>
        tpu.enqueue_dma source(%arg3 : memref<2048xi32, #tpu.memory_space<hbm>>) target(%arg7 : memref<2048xi32, #tpu.memory_space<vmem>>) target_semaphore(%run_scoped3A : memref<!tpu.dma_semaphore, #tpu.memory_space<semaphore_mem>>)
        tpu.wait_dma2 semaphore(%run_scoped3A : memref<!tpu.dma_semaphore, #tpu.memory_space<semaphore_mem>>) src(%arg3 : memref<2048xi32, #tpu.memory_space<hbm>>) dst(%arg7 : memref<2048xi32, #tpu.memory_space<vmem>>)
        tpu.yield
      }) : () -> ()
      %scan3A = arith.constant 0 : i32
      %scan3A_31 = arith.constant 0 : i32
      %scan3A_32 = arith.constant 388 : i32
      %scan3A_33 = arith.addi %scan3A_31, %scan3A_32 : i32
      %scan3A_34 = arith.constant 1 : i32
      %scan3A_35 = scf.for %scan3A_44 = %scan3A_31 to %scan3A_33 step %scan3A_34 iter_args(%scan3A_45 = %scan3A) -> (i32)  : i32 {
        %broadcast_in_dim3A = arith.constant 0 : i32
        %broadcast_in_dim3A_46 = vector.broadcast %broadcast_in_dim3A : i32 to vector<16xi32>
        %mul3A_47 = arith.constant 16 : i32
        %mul3A_48 = arith.muli %scan3A_44, %mul3A_47 : i32
        %swap3A = arith.index_cast %mul3A_48 : i32 to index
        %swap3A_49 = tpu.vector_load %arg8[%swap3A] {strides = array<i32>} : memref<6208xi32, #tpu.memory_space<vmem>>, vector<16xi32>,
        tpu.vector_store %arg8[%swap3A], %broadcast_in_dim3A_46 {strides = array<i32>} : memref<6208xi32, #tpu.memory_space<vmem>>, vector<16xi32>,
        %scan3A_50 = arith.constant 0 : i32
        scf.yield %scan3A_50 : i32
      }
      %scan3A_36 = arith.constant 388 : i32
      %scan3A_37 = arith.constant 0 : i32
      %scan3A_38 = arith.constant 0 : i32
      %scan3A_39 = arith.constant 128 : i32
      %scan3A_40 = arith.addi %scan3A_38, %scan3A_39 : i32
      %scan3A_41 = arith.constant 1 : i32
      %scan3A_42 = scf.for %scan3A_44 = %scan3A_38 to %scan3A_40 step %scan3A_41 iter_args(%scan3A_45 = %scan3A_37) -> (i32)  : i32 {
        %mul3A_46 = arith.constant 16 : i32
        %mul3A_47 = arith.muli %scan3A_44, %mul3A_46 : i32
        %iota3A = tpu.iota {dimensions = array<i32: 0>} : vector<16xi32>
        %add3A_48 = vector.broadcast %mul3A_47 : i32 to vector<16xi32>
        %add3A_49 = arith.addi %iota3A, %add3A_48 : vector<16xi32>
        %get3A = arith.index_cast %mul3A_47 : i32 to index
        %get3A_50 = tpu.vector_load %arg6[%get3A] {strides = array<i32>} : memref<2048xi32, #tpu.memory_space<vmem>>, vector<16xi32>,
        tpu.vector_store_idx %arg8[%get3A_50], %add3A_49 : memref<6208xi32, #tpu.memory_space<vmem>>[vector<16xi32>], vector<16xi32>,
        %get3A_51 = arith.index_cast %mul3A_47 : i32 to index
        %get3A_52 = tpu.vector_load %arg7[%get3A_51] {strides = array<i32>} : memref<2048xi32, #tpu.memory_space<vmem>>, vector<16xi32>,
        tpu.vector_store_idx %arg8[%get3A_52], %add3A_49 : memref<6208xi32, #tpu.memory_space<vmem>>[vector<16xi32>], vector<16xi32>,
        %scan3A_53 = arith.constant 0 : i32
        scf.yield %scan3A_53 : i32
      }
      %scan3A_43 = arith.constant 128 : i32
      "tpu.region"() ({
        %run_scoped3A = tpu.sem_alloc : memref<!tpu.dma_semaphore, #tpu.memory_space<semaphore_mem>>
        tpu.enqueue_dma source(%arg8 : memref<6208xi32, #tpu.memory_space<vmem>>) target(%arg11 : memref<6208xi32, #tpu.memory_space<vmem_shared>>) target_semaphore(%run_scoped3A : memref<!tpu.dma_semaphore, #tpu.memory_space<semaphore_mem>>)
        tpu.wait_dma2 semaphore(%run_scoped3A : memref<!tpu.dma_semaphore, #tpu.memory_space<semaphore_mem>>) src(%arg8 : memref<6208xi32, #tpu.memory_space<vmem>>) dst(%arg11 : memref<6208xi32, #tpu.memory_space<vmem_shared>>)
        tpu.yield
      }) : () -> ()
    } else {
    }
    %barrier3A = arith.constant 0 : index
    tpu.barrier barrier_id(%barrier3A)
    %mul3A = arith.constant 2 : i32
    %mul3A_2 = arith.muli %arg1, %mul3A : i32
    %add3A = arith.addi %mul3A_2, %arg0 : i32
    %mul3A_3 = arith.constant 192 : i32
    %mul3A_4 = arith.muli %add3A, %mul3A_3 : i32
    %add3A_5 = arith.constant 0 : i32
    %add3A_6 = arith.addi %mul3A_4, %add3A_5 : i32
    "tpu.region"() ({
      %run_scoped3A = tpu.sem_alloc : memref<!tpu.dma_semaphore, #tpu.memory_space<semaphore_mem>>
      %dma_start3A_31 = tpu.memref_slice %arg11[%add3A_6] : memref<6208xi32, #tpu.memory_space<vmem_shared>> -> memref<64xi32, #tpu.memory_space<vmem_shared>>
      %dma_start3A_32 = tpu.memref_slice %arg11[%add3A_6] : memref<6208xi32, #tpu.memory_space<vmem_shared>> -> memref<64xi32, #tpu.memory_space<vmem_shared>>
      tpu.enqueue_dma source(%dma_start3A_32 : memref<64xi32, #tpu.memory_space<vmem_shared>>) target(%arg9 : memref<64xi32, #tpu.memory_space<vmem>>) target_semaphore(%run_scoped3A : memref<!tpu.dma_semaphore, #tpu.memory_space<semaphore_mem>>)
      %dma_wait3A_33 = tpu.memref_slice %arg11[%add3A_6] : memref<6208xi32, #tpu.memory_space<vmem_shared>> -> memref<64xi32, #tpu.memory_space<vmem_shared>>
      %dma_wait3A_34 = tpu.memref_slice %arg11[%add3A_6] : memref<6208xi32, #tpu.memory_space<vmem_shared>> -> memref<64xi32, #tpu.memory_space<vmem_shared>>
      tpu.wait_dma2 semaphore(%run_scoped3A : memref<!tpu.dma_semaphore, #tpu.memory_space<semaphore_mem>>) src(%dma_wait3A_34 : memref<64xi32, #tpu.memory_space<vmem_shared>>) dst(%arg9 : memref<64xi32, #tpu.memory_space<vmem>>)
      tpu.yield
    }) : () -> ()
    %dma_start3A = arith.constant 0 : i32
    %dma_start3A_7 = arith.constant 0 : i32
    %dma_start3A_8 = tpu.memref_slice %arg4[%dma_start3A, %dma_start3A_7] : memref<2048x1024xf32, #tpu.memory_space<hbm>> -> memref<2048x1024xf32, #tpu.memory_space<hbm>>
    tpu.enqueue_indirect_dma source(%dma_start3A_8 : memref<2048x1024xf32, #tpu.memory_space<hbm>>) target(%arg10 : memref<64x1024xf32, #tpu.memory_space<vmem>>) offsets(%arg9 : memref<64xi32, #tpu.memory_space<vmem>>) semaphore(%arg12 : memref<!tpu.dma_semaphore, #tpu.memory_space<semaphore_mem>>)
    %dma_wait3A = arith.constant 0 : i32
    %dma_wait3A_9 = arith.constant 0 : i32
    %dma_wait3A_10 = tpu.memref_slice %arg4[%dma_wait3A, %dma_wait3A_9] : memref<2048x1024xf32, #tpu.memory_space<hbm>> -> memref<2048x1024xf32, #tpu.memory_space<hbm>>
    tpu.wait_indirect_dma semaphore(%arg12 : memref<!tpu.dma_semaphore, #tpu.memory_space<semaphore_mem>>) src(%dma_wait3A_10 : memref<2048x1024xf32, #tpu.memory_space<hbm>>) dst(%arg10 : memref<64x1024xf32, #tpu.memory_space<vmem>>)
    "tpu.region"() ({
      %run_scoped3A = tpu.sem_alloc : memref<!tpu.dma_semaphore, #tpu.memory_space<semaphore_mem>>
      %dma_start3A_31 = arith.constant 0 : i32
      %dma_start3A_32 = tpu.memref_slice %arg5[%add3A_6, %dma_start3A_31] : memref<6144x1024xf32, #tpu.memory_space<hbm>> -> memref<64x1024xf32, #tpu.memory_space<hbm>>
      %dma_start3A_33 = arith.constant 0 : i32
      %dma_start3A_34 = tpu.memref_slice %arg5[%add3A_6, %dma_start3A_33] : memref<6144x1024xf32, #tpu.memory_space<hbm>> -> memref<64x1024xf32, #tpu.memory_space<hbm>>
      tpu.enqueue_dma source(%arg10 : memref<64x1024xf32, #tpu.memory_space<vmem>>) target(%dma_start3A_34 : memref<64x1024xf32, #tpu.memory_space<hbm>>) target_semaphore(%run_scoped3A : memref<!tpu.dma_semaphore, #tpu.memory_space<semaphore_mem>>)
      %dma_wait3A_35 = arith.constant 0 : i32
      %dma_wait3A_36 = tpu.memref_slice %arg5[%add3A_6, %dma_wait3A_35] : memref<6144x1024xf32, #tpu.memory_space<hbm>> -> memref<64x1024xf32, #tpu.memory_space<hbm>>
      %dma_wait3A_37 = arith.constant 0 : i32
      %dma_wait3A_38 = tpu.memref_slice %arg5[%add3A_6, %dma_wait3A_37] : memref<6144x1024xf32, #tpu.memory_space<hbm>> -> memref<64x1024xf32, #tpu.memory_space<hbm>>
      tpu.wait_dma2 semaphore(%run_scoped3A : memref<!tpu.dma_semaphore, #tpu.memory_space<semaphore_mem>>) src(%arg10 : memref<64x1024xf32, #tpu.memory_space<vmem>>) dst(%dma_wait3A_38 : memref<64x1024xf32, #tpu.memory_space<hbm>>)
      tpu.yield
    }) : () -> ()
    %mul3A_11 = arith.constant 192 : i32
    %mul3A_12 = arith.muli %add3A, %mul3A_11 : i32
    %add3A_13 = arith.constant 64 : i32
    %add3A_14 = arith.addi %mul3A_12, %add3A_13 : i32
    "tpu.region"() ({
      %run_scoped3A = tpu.sem_alloc : memref<!tpu.dma_semaphore, #tpu.memory_space<semaphore_mem>>
      %dma_start3A_31 = tpu.memref_slice %arg11[%add3A_14] : memref<6208xi32, #tpu.memory_space<vmem_shared>> -> memref<64xi32, #tpu.memory_space<vmem_shared>>
      %dma_start3A_32 = tpu.memref_slice %arg11[%add3A_14] : memref<6208xi32, #tpu.memory_space<vmem_shared>> -> memref<64xi32, #tpu.memory_space<vmem_shared>>
      tpu.enqueue_dma source(%dma_start3A_32 : memref<64xi32, #tpu.memory_space<vmem_shared>>) target(%arg9 : memref<64xi32, #tpu.memory_space<vmem>>) target_semaphore(%run_scoped3A : memref<!tpu.dma_semaphore, #tpu.memory_space<semaphore_mem>>)
      %dma_wait3A_33 = tpu.memref_slice %arg11[%add3A_14] : memref<6208xi32, #tpu.memory_space<vmem_shared>> -> memref<64xi32, #tpu.memory_space<vmem_shared>>
      %dma_wait3A_34 = tpu.memref_slice %arg11[%add3A_14] : memref<6208xi32, #tpu.memory_space<vmem_shared>> -> memref<64xi32, #tpu.memory_space<vmem_shared>>
      tpu.wait_dma2 semaphore(%run_scoped3A : memref<!tpu.dma_semaphore, #tpu.memory_space<semaphore_mem>>) src(%dma_wait3A_34 : memref<64xi32, #tpu.memory_space<vmem_shared>>) dst(%arg9 : memref<64xi32, #tpu.memory_space<vmem>>)
      tpu.yield
    }) : () -> ()
    %dma_start3A_15 = arith.constant 0 : i32
    %dma_start3A_16 = arith.constant 0 : i32
    %dma_start3A_17 = tpu.memref_slice %arg4[%dma_start3A_15, %dma_start3A_16] : memref<2048x1024xf32, #tpu.memory_space<hbm>> -> memref<2048x1024xf32, #tpu.memory_space<hbm>>
    tpu.enqueue_indirect_dma source(%dma_start3A_17 : memref<2048x1024xf32, #tpu.memory_space<hbm>>) target(%arg10 : memref<64x1024xf32, #tpu.memory_space<vmem>>) offsets(%arg9 : memref<64xi32, #tpu.memory_space<vmem>>) semaphore(%arg12 : memref<!tpu.dma_semaphore, #tpu.memory_space<semaphore_mem>>)
    %dma_wait3A_18 = arith.constant 0 : i32
    %dma_wait3A_19 = arith.constant 0 : i32
    %dma_wait3A_20 = tpu.memref_slice %arg4[%dma_wait3A_18, %dma_wait3A_19] : memref<2048x1024xf32, #tpu.memory_space<hbm>> -> memref<2048x1024xf32, #tpu.memory_space<hbm>>
    tpu.wait_indirect_dma semaphore(%arg12 : memref<!tpu.dma_semaphore, #tpu.memory_space<semaphore_mem>>) src(%dma_wait3A_20 : memref<2048x1024xf32, #tpu.memory_space<hbm>>) dst(%arg10 : memref<64x1024xf32, #tpu.memory_space<vmem>>)
    "tpu.region"() ({
      %run_scoped3A = tpu.sem_alloc : memref<!tpu.dma_semaphore, #tpu.memory_space<semaphore_mem>>
      %dma_start3A_31 = arith.constant 0 : i32
      %dma_start3A_32 = tpu.memref_slice %arg5[%add3A_14, %dma_start3A_31] : memref<6144x1024xf32, #tpu.memory_space<hbm>> -> memref<64x1024xf32, #tpu.memory_space<hbm>>
      %dma_start3A_33 = arith.constant 0 : i32
      %dma_start3A_34 = tpu.memref_slice %arg5[%add3A_14, %dma_start3A_33] : memref<6144x1024xf32, #tpu.memory_space<hbm>> -> memref<64x1024xf32, #tpu.memory_space<hbm>>
      tpu.enqueue_dma source(%arg10 : memref<64x1024xf32, #tpu.memory_space<vmem>>) target(%dma_start3A_34 : memref<64x1024xf32, #tpu.memory_space<hbm>>) target_semaphore(%run_scoped3A : memref<!tpu.dma_semaphore, #tpu.memory_space<semaphore_mem>>)
      %dma_wait3A_35 = arith.constant 0 : i32
      %dma_wait3A_36 = tpu.memref_slice %arg5[%add3A_14, %dma_wait3A_35] : memref<6144x1024xf32, #tpu.memory_space<hbm>> -> memref<64x1024xf32, #tpu.memory_space<hbm>>
      %dma_wait3A_37 = arith.constant 0 : i32
      %dma_wait3A_38 = tpu.memref_slice %arg5[%add3A_14, %dma_wait3A_37] : memref<6144x1024xf32, #tpu.memory_space<hbm>> -> memref<64x1024xf32, #tpu.memory_space<hbm>>
      tpu.wait_dma2 semaphore(%run_scoped3A : memref<!tpu.dma_semaphore, #tpu.memory_space<semaphore_mem>>) src(%arg10 : memref<64x1024xf32, #tpu.memory_space<vmem>>) dst(%dma_wait3A_38 : memref<64x1024xf32, #tpu.memory_space<hbm>>)
      tpu.yield
    }) : () -> ()
    %mul3A_21 = arith.constant 192 : i32
    %mul3A_22 = arith.muli %add3A, %mul3A_21 : i32
    %add3A_23 = arith.constant 128 : i32
    %add3A_24 = arith.addi %mul3A_22, %add3A_23 : i32
    "tpu.region"() ({
      %run_scoped3A = tpu.sem_alloc : memref<!tpu.dma_semaphore, #tpu.memory_space<semaphore_mem>>
      %dma_start3A_31 = tpu.memref_slice %arg11[%add3A_24] : memref<6208xi32, #tpu.memory_space<vmem_shared>> -> memref<64xi32, #tpu.memory_space<vmem_shared>>
      %dma_start3A_32 = tpu.memref_slice %arg11[%add3A_24] : memref<6208xi32, #tpu.memory_space<vmem_shared>> -> memref<64xi32, #tpu.memory_space<vmem_shared>>
      tpu.enqueue_dma source(%dma_start3A_32 : memref<64xi32, #tpu.memory_space<vmem_shared>>) target(%arg9 : memref<64xi32, #tpu.memory_space<vmem>>) target_semaphore(%run_scoped3A : memref<!tpu.dma_semaphore, #tpu.memory_space<semaphore_mem>>)
      %dma_wait3A_33 = tpu.memref_slice %arg11[%add3A_24] : memref<6208xi32, #tpu.memory_space<vmem_shared>> -> memref<64xi32, #tpu.memory_space<vmem_shared>>
      %dma_wait3A_34 = tpu.memref_slice %arg11[%add3A_24] : memref<6208xi32, #tpu.memory_space<vmem_shared>> -> memref<64xi32, #tpu.memory_space<vmem_shared>>
      tpu.wait_dma2 semaphore(%run_scoped3A : memref<!tpu.dma_semaphore, #tpu.memory_space<semaphore_mem>>) src(%dma_wait3A_34 : memref<64xi32, #tpu.memory_space<vmem_shared>>) dst(%arg9 : memref<64xi32, #tpu.memory_space<vmem>>)
      tpu.yield
    }) : () -> ()
    %dma_start3A_25 = arith.constant 0 : i32
    %dma_start3A_26 = arith.constant 0 : i32
    %dma_start3A_27 = tpu.memref_slice %arg4[%dma_start3A_25, %dma_start3A_26] : memref<2048x1024xf32, #tpu.memory_space<hbm>> -> memref<2048x1024xf32, #tpu.memory_space<hbm>>
    tpu.enqueue_indirect_dma source(%dma_start3A_27 : memref<2048x1024xf32, #tpu.memory_space<hbm>>) target(%arg10 : memref<64x1024xf32, #tpu.memory_space<vmem>>) offsets(%arg9 : memref<64xi32, #tpu.memory_space<vmem>>) semaphore(%arg12 : memref<!tpu.dma_semaphore, #tpu.memory_space<semaphore_mem>>)
    %dma_wait3A_28 = arith.constant 0 : i32
    %dma_wait3A_29 = arith.constant 0 : i32
    %dma_wait3A_30 = tpu.memref_slice %arg4[%dma_wait3A_28, %dma_wait3A_29] : memref<2048x1024xf32, #tpu.memory_space<hbm>> -> memref<2048x1024xf32, #tpu.memory_space<hbm>>
    tpu.wait_indirect_dma semaphore(%arg12 : memref<!tpu.dma_semaphore, #tpu.memory_space<semaphore_mem>>) src(%dma_wait3A_30 : memref<2048x1024xf32, #tpu.memory_space<hbm>>) dst(%arg10 : memref<64x1024xf32, #tpu.memory_space<vmem>>)
    "tpu.region"() ({
      %run_scoped3A = tpu.sem_alloc : memref<!tpu.dma_semaphore, #tpu.memory_space<semaphore_mem>>
      %dma_start3A_31 = arith.constant 0 : i32
      %dma_start3A_32 = tpu.memref_slice %arg5[%add3A_24, %dma_start3A_31] : memref<6144x1024xf32, #tpu.memory_space<hbm>> -> memref<64x1024xf32, #tpu.memory_space<hbm>>
      %dma_start3A_33 = arith.constant 0 : i32
      %dma_start3A_34 = tpu.memref_slice %arg5[%add3A_24, %dma_start3A_33] : memref<6144x1024xf32, #tpu.memory_space<hbm>> -> memref<64x1024xf32, #tpu.memory_space<hbm>>
      tpu.enqueue_dma source(%arg10 : memref<64x1024xf32, #tpu.memory_space<vmem>>) target(%dma_start3A_34 : memref<64x1024xf32, #tpu.memory_space<hbm>>) target_semaphore(%run_scoped3A : memref<!tpu.dma_semaphore, #tpu.memory_space<semaphore_mem>>)
      %dma_wait3A_35 = arith.constant 0 : i32
      %dma_wait3A_36 = tpu.memref_slice %arg5[%add3A_24, %dma_wait3A_35] : memref<6144x1024xf32, #tpu.memory_space<hbm>> -> memref<64x1024xf32, #tpu.memory_space<hbm>>
      %dma_wait3A_37 = arith.constant 0 : i32
      %dma_wait3A_38 = tpu.memref_slice %arg5[%add3A_24, %dma_wait3A_37] : memref<6144x1024xf32, #tpu.memory_space<hbm>> -> memref<64x1024xf32, #tpu.memory_space<hbm>>
      tpu.wait_dma2 semaphore(%run_scoped3A : memref<!tpu.dma_semaphore, #tpu.memory_space<semaphore_mem>>) src(%arg10 : memref<64x1024xf32, #tpu.memory_space<vmem>>) dst(%dma_wait3A_38 : memref<64x1024xf32, #tpu.memory_space<hbm>>)
      tpu.yield
    }) : () -> ()
    return
  }
}

#map = affine_map<(d0, d1) -> (0)>
#map1 = affine_map<(d0, d1) -> (0, 0)>
module attributes {stable_mosaic.version = 14 : i64} {
  func.func @_dispatch_kernel(%arg0: i32, %arg1: i32, %arg2: memref<2048xi32, #tpu.memory_space<hbm>>, %arg3: memref<2048xi32, #tpu.memory_space<hbm>>, %arg4: memref<2048x1024xf32, #tpu.memory_space<hbm>>, %arg5: memref<6144x1024xf32, #tpu.memory_space<hbm>>, %arg6: memref<2048xi32, #tpu.memory_space<vmem>>, %arg7: memref<2048xi32, #tpu.memory_space<vmem>>, %arg8: memref<6208xi32, #tpu.memory_space<vmem>>, %arg9: memref<64xi32, #tpu.memory_space<vmem>>, %arg10: memref<64x1024xf32, #tpu.memory_space<vmem>>, %arg11: memref<6208xi32, #tpu.memory_space<vmem_shared>>, %arg12: memref<!tpu.dma_semaphore, #tpu.memory_space<semaphore_mem>>) attributes {dimension_semantics = [#tpu.dimension_semantics<core_parallel>, #tpu.dimension_semantics<subcore_parallel>], iteration_bounds = array<i64: 2, 16>, scalar_prefetch = 0 : i64, scratch_operands = 7 : i64, tpu.core_type = #tpu.core_type<sc_vector_subcore>, window_params = [{transform_indices = #map}, {transform_indices = #map}, {transform_indices = #map1}, {transform_indices = #map1}]} {
    %eq3A = arith.constant 0 : i32
    %eq3A_0 = arith.cmpi eq, %arg1, %eq3A : i32
    %convert_element_type3A = arith.extui %eq3A_0 : i1 to i32
    %cond3A = arith.constant 0 : i32
    %cond3A_1 = arith.cmpi ne, %convert_element_type3A, %cond3A : i32
    scf.if %cond3A_1 {
      "tpu.region"() ({
        %run_scoped3A = tpu.sem_alloc : memref<!tpu.dma_semaphore, #tpu.memory_space<semaphore_mem>>
        tpu.enqueue_dma source(%arg2 : memref<2048xi32, #tpu.memory_space<hbm>>) target(%arg6 : memref<2048xi32, #tpu.memory_space<vmem>>) target_semaphore(%run_scoped3A : memref<!tpu.dma_semaphore, #tpu.memory_space<semaphore_mem>>)
        tpu.wait_dma2 semaphore(%run_scoped3A : memref<!tpu.dma_semaphore, #tpu.memory_space<semaphore_mem>>) src(%arg2 : memref<2048xi32, #tpu.memory_space<hbm>>) dst(%arg6 : memref<2048xi32, #tpu.memory_space<vmem>>)
        tpu.yield
      }) : () -> ()
      "tpu.region"() ({
        %run_scoped3A = tpu.sem_alloc : memref<!tpu.dma_semaphore, #tpu.memory_space<semaphore_mem>>
        tpu.enqueue_dma source(%arg3 : memref<2048xi32, #tpu.memory_space<hbm>>) target(%arg7 : memref<2048xi32, #tpu.memory_space<vmem>>) target_semaphore(%run_scoped3A : memref<!tpu.dma_semaphore, #tpu.memory_space<semaphore_mem>>)
        tpu.wait_dma2 semaphore(%run_scoped3A : memref<!tpu.dma_semaphore, #tpu.memory_space<semaphore_mem>>) src(%arg3 : memref<2048xi32, #tpu.memory_space<hbm>>) dst(%arg7 : memref<2048xi32, #tpu.memory_space<vmem>>)
        tpu.yield
      }) : () -> ()
      %scan3A = arith.constant 0 : i32
      %scan3A_31 = arith.constant 0 : i32
      %scan3A_32 = arith.constant 388 : i32
      %scan3A_33 = arith.addi %scan3A_31, %scan3A_32 : i32
      %scan3A_34 = arith.constant 1 : i32
      %scan3A_35 = scf.for %scan3A_44 = %scan3A_31 to %scan3A_33 step %scan3A_34 iter_args(%scan3A_45 = %scan3A) -> (i32)  : i32 {
        %broadcast_in_dim3A = arith.constant 0 : i32
        %broadcast_in_dim3A_46 = vector.broadcast %broadcast_in_dim3A : i32 to vector<16xi32>
        %mul3A_47 = arith.constant 16 : i32
        %mul3A_48 = arith.muli %scan3A_44, %mul3A_47 : i32
        %swap3A = arith.index_cast %mul3A_48 : i32 to index
        %swap3A_49 = tpu.vector_load %arg8[%swap3A] {strides = array<i32>} : memref<6208xi32, #tpu.memory_space<vmem>>, vector<16xi32>,
        tpu.vector_store %arg8[%swap3A], %broadcast_in_dim3A_46 {strides = array<i32>} : memref<6208xi32, #tpu.memory_space<vmem>>, vector<16xi32>,
        %scan3A_50 = arith.constant 0 : i32
        scf.yield %scan3A_50 : i32
      }
      %scan3A_36 = arith.constant 388 : i32
      %scan3A_37 = arith.constant 0 : i32
      %scan3A_38 = arith.constant 0 : i32
      %scan3A_39 = arith.constant 128 : i32
      %scan3A_40 = arith.addi %scan3A_38, %scan3A_39 : i32
      %scan3A_41 = arith.constant 1 : i32
      %scan3A_42 = scf.for %scan3A_44 = %scan3A_38 to %scan3A_40 step %scan3A_41 iter_args(%scan3A_45 = %scan3A_37) -> (i32)  : i32 {
        %mul3A_46 = arith.constant 16 : i32
        %mul3A_47 = arith.muli %scan3A_44, %mul3A_46 : i32
        %iota3A = tpu.iota {dimensions = array<i32: 0>} : vector<16xi32>
        %add3A_48 = vector.broadcast %mul3A_47 : i32 to vector<16xi32>
        %add3A_49 = arith.addi %iota3A, %add3A_48 : vector<16xi32>
        %get3A = arith.index_cast %mul3A_47 : i32 to index
        %get3A_50 = tpu.vector_load %arg6[%get3A] {strides = array<i32>} : memref<2048xi32, #tpu.memory_space<vmem>>, vector<16xi32>,
        tpu.vector_store_idx %arg8[%get3A_50], %add3A_49 : memref<6208xi32, #tpu.memory_space<vmem>>[vector<16xi32>], vector<16xi32>,
        %get3A_51 = arith.index_cast %mul3A_47 : i32 to index
        %get3A_52 = tpu.vector_load %arg7[%get3A_51] {strides = array<i32>} : memref<2048xi32, #tpu.memory_space<vmem>>, vector<16xi32>,
        tpu.vector_store_idx %arg8[%get3A_52], %add3A_49 : memref<6208xi32, #tpu.memory_space<vmem>>[vector<16xi32>], vector<16xi32>,
        %scan3A_53 = arith.constant 0 : i32
        scf.yield %scan3A_53 : i32
      }
      %scan3A_43 = arith.constant 128 : i32
      "tpu.region"() ({
        %run_scoped3A = tpu.sem_alloc : memref<!tpu.dma_semaphore, #tpu.memory_space<semaphore_mem>>
        tpu.enqueue_dma source(%arg8 : memref<6208xi32, #tpu.memory_space<vmem>>) target(%arg11 : memref<6208xi32, #tpu.memory_space<vmem_shared>>) target_semaphore(%run_scoped3A : memref<!tpu.dma_semaphore, #tpu.memory_space<semaphore_mem>>)
        tpu.wait_dma2 semaphore(%run_scoped3A : memref<!tpu.dma_semaphore, #tpu.memory_space<semaphore_mem>>) src(%arg8 : memref<6208xi32, #tpu.memory_space<vmem>>) dst(%arg11 : memref<6208xi32, #tpu.memory_space<vmem_shared>>)
        tpu.yield
      }) : () -> ()
    } else {
    }
    %barrier3A = arith.constant 0 : index
    tpu.barrier barrier_id(%barrier3A)
    %mul3A = arith.constant 2 : i32
    %mul3A_2 = arith.muli %arg1, %mul3A : i32
    %add3A = arith.addi %mul3A_2, %arg0 : i32
    %mul3A_3 = arith.constant 192 : i32
    %mul3A_4 = arith.muli %add3A, %mul3A_3 : i32
    %add3A_5 = arith.constant 0 : i32
    %add3A_6 = arith.addi %mul3A_4, %add3A_5 : i32
    "tpu.region"() ({
      %run_scoped3A = tpu.sem_alloc : memref<!tpu.dma_semaphore, #tpu.memory_space<semaphore_mem>>
      %dma_start3A_31 = tpu.memref_slice %arg11[%add3A_6] : memref<6208xi32, #tpu.memory_space<vmem_shared>> -> memref<64xi32, #tpu.memory_space<vmem_shared>>
      %dma_start3A_32 = tpu.memref_slice %arg11[%add3A_6] : memref<6208xi32, #tpu.memory_space<vmem_shared>> -> memref<64xi32, #tpu.memory_space<vmem_shared>>
      tpu.enqueue_dma source(%dma_start3A_32 : memref<64xi32, #tpu.memory_space<vmem_shared>>) target(%arg9 : memref<64xi32, #tpu.memory_space<vmem>>) target_semaphore(%run_scoped3A : memref<!tpu.dma_semaphore, #tpu.memory_space<semaphore_mem>>)
      %dma_wait3A_33 = tpu.memref_slice %arg11[%add3A_6] : memref<6208xi32, #tpu.memory_space<vmem_shared>> -> memref<64xi32, #tpu.memory_space<vmem_shared>>
      %dma_wait3A_34 = tpu.memref_slice %arg11[%add3A_6] : memref<6208xi32, #tpu.memory_space<vmem_shared>> -> memref<64xi32, #tpu.memory_space<vmem_shared>>
      tpu.wait_dma2 semaphore(%run_scoped3A : memref<!tpu.dma_semaphore, #tpu.memory_space<semaphore_mem>>) src(%dma_wait3A_34 : memref<64xi32, #tpu.memory_space<vmem_shared>>) dst(%arg9 : memref<64xi32, #tpu.memory_space<vmem>>)
      tpu.yield
    }) : () -> ()
    %dma_start3A = arith.constant 0 : i32
    %dma_start3A_7 = arith.constant 0 : i32
    %dma_start3A_8 = tpu.memref_slice %arg4[%dma_start3A, %dma_start3A_7] : memref<2048x1024xf32, #tpu.memory_space<hbm>> -> memref<2048x1024xf32, #tpu.memory_space<hbm>>
    tpu.enqueue_indirect_dma source(%dma_start3A_8 : memref<2048x1024xf32, #tpu.memory_space<hbm>>) target(%arg10 : memref<64x1024xf32, #tpu.memory_space<vmem>>) offsets(%arg9 : memref<64xi32, #tpu.memory_space<vmem>>) semaphore(%arg12 : memref<!tpu.dma_semaphore, #tpu.memory_space<semaphore_mem>>)
    %dma_wait3A = arith.constant 0 : i32
    %dma_wait3A_9 = arith.constant 0 : i32
    %dma_wait3A_10 = tpu.memref_slice %arg4[%dma_wait3A, %dma_wait3A_9] : memref<2048x1024xf32, #tpu.memory_space<hbm>> -> memref<2048x1024xf32, #tpu.memory_space<hbm>>
    tpu.wait_indirect_dma semaphore(%arg12 : memref<!tpu.dma_semaphore, #tpu.memory_space<semaphore_mem>>) src(%dma_wait3A_10 : memref<2048x1024xf32, #tpu.memory_space<hbm>>) dst(%arg10 : memref<64x1024xf32, #tpu.memory_space<vmem>>)
    "tpu.region"() ({
      %run_scoped3A = tpu.sem_alloc : memref<!tpu.dma_semaphore, #tpu.memory_space<semaphore_mem>>
      %dma_start3A_31 = arith.constant 0 : i32
      %dma_start3A_32 = tpu.memref_slice %arg5[%add3A_6, %dma_start3A_31] : memref<6144x1024xf32, #tpu.memory_space<hbm>> -> memref<64x1024xf32, #tpu.memory_space<hbm>>
      %dma_start3A_33 = arith.constant 0 : i32
      %dma_start3A_34 = tpu.memref_slice %arg5[%add3A_6, %dma_start3A_33] : memref<6144x1024xf32, #tpu.memory_space<hbm>> -> memref<64x1024xf32, #tpu.memory_space<hbm>>
      tpu.enqueue_dma source(%arg10 : memref<64x1024xf32, #tpu.memory_space<vmem>>) target(%dma_start3A_34 : memref<64x1024xf32, #tpu.memory_space<hbm>>) target_semaphore(%run_scoped3A : memref<!tpu.dma_semaphore, #tpu.memory_space<semaphore_mem>>)
      %dma_wait3A_35 = arith.constant 0 : i32
      %dma_wait3A_36 = tpu.memref_slice %arg5[%add3A_6, %dma_wait3A_35] : memref<6144x1024xf32, #tpu.memory_space<hbm>> -> memref<64x1024xf32, #tpu.memory_space<hbm>>
      %dma_wait3A_37 = arith.constant 0 : i32
      %dma_wait3A_38 = tpu.memref_slice %arg5[%add3A_6, %dma_wait3A_37] : memref<6144x1024xf32, #tpu.memory_space<hbm>> -> memref<64x1024xf32, #tpu.memory_space<hbm>>
      tpu.wait_dma2 semaphore(%run_scoped3A : memref<!tpu.dma_semaphore, #tpu.memory_space<semaphore_mem>>) src(%arg10 : memref<64x1024xf32, #tpu.memory_space<vmem>>) dst(%dma_wait3A_38 : memref<64x1024xf32, #tpu.memory_space<hbm>>)
      tpu.yield
    }) : () -> ()
    %mul3A_11 = arith.constant 192 : i32
    %mul3A_12 = arith.muli %add3A, %mul3A_11 : i32
    %add3A_13 = arith.constant 64 : i32
    %add3A_14 = arith.addi %mul3A_12, %add3A_13 : i32
    "tpu.region"() ({
      %run_scoped3A = tpu.sem_alloc : memref<!tpu.dma_semaphore, #tpu.memory_space<semaphore_mem>>
      %dma_start3A_31 = tpu.memref_slice %arg11[%add3A_14] : memref<6208xi32, #tpu.memory_space<vmem_shared>> -> memref<64xi32, #tpu.memory_space<vmem_shared>>
      %dma_start3A_32 = tpu.memref_slice %arg11[%add3A_14] : memref<6208xi32, #tpu.memory_space<vmem_shared>> -> memref<64xi32, #tpu.memory_space<vmem_shared>>
      tpu.enqueue_dma source(%dma_start3A_32 : memref<64xi32, #tpu.memory_space<vmem_shared>>) target(%arg9 : memref<64xi32, #tpu.memory_space<vmem>>) target_semaphore(%run_scoped3A : memref<!tpu.dma_semaphore, #tpu.memory_space<semaphore_mem>>)
      %dma_wait3A_33 = tpu.memref_slice %arg11[%add3A_14] : memref<6208xi32, #tpu.memory_space<vmem_shared>> -> memref<64xi32, #tpu.memory_space<vmem_shared>>
      %dma_wait3A_34 = tpu.memref_slice %arg11[%add3A_14] : memref<6208xi32, #tpu.memory_space<vmem_shared>> -> memref<64xi32, #tpu.memory_space<vmem_shared>>
      tpu.wait_dma2 semaphore(%run_scoped3A : memref<!tpu.dma_semaphore, #tpu.memory_space<semaphore_mem>>) src(%dma_wait3A_34 : memref<64xi32, #tpu.memory_space<vmem_shared>>) dst(%arg9 : memref<64xi32, #tpu.memory_space<vmem>>)
      tpu.yield
    }) : () -> ()
    %dma_start3A_15 = arith.constant 0 : i32
    %dma_start3A_16 = arith.constant 0 : i32
    %dma_start3A_17 = tpu.memref_slice %arg4[%dma_start3A_15, %dma_start3A_16] : memref<2048x1024xf32, #tpu.memory_space<hbm>> -> memref<2048x1024xf32, #tpu.memory_space<hbm>>
    tpu.enqueue_indirect_dma source(%dma_start3A_17 : memref<2048x1024xf32, #tpu.memory_space<hbm>>) target(%arg10 : memref<64x1024xf32, #tpu.memory_space<vmem>>) offsets(%arg9 : memref<64xi32, #tpu.memory_space<vmem>>) semaphore(%arg12 : memref<!tpu.dma_semaphore, #tpu.memory_space<semaphore_mem>>)
    %dma_wait3A_18 = arith.constant 0 : i32
    %dma_wait3A_19 = arith.constant 0 : i32
    %dma_wait3A_20 = tpu.memref_slice %arg4[%dma_wait3A_18, %dma_wait3A_19] : memref<2048x1024xf32, #tpu.memory_space<hbm>> -> memref<2048x1024xf32, #tpu.memory_space<hbm>>
    tpu.wait_indirect_dma semaphore(%arg12 : memref<!tpu.dma_semaphore, #tpu.memory_space<semaphore_mem>>) src(%dma_wait3A_20 : memref<2048x1024xf32, #tpu.memory_space<hbm>>) dst(%arg10 : memref<64x1024xf32, #tpu.memory_space<vmem>>)
    "tpu.region"() ({
      %run_scoped3A = tpu.sem_alloc : memref<!tpu.dma_semaphore, #tpu.memory_space<semaphore_mem>>
      %dma_start3A_31 = arith.constant 0 : i32
      %dma_start3A_32 = tpu.memref_slice %arg5[%add3A_14, %dma_start3A_31] : memref<6144x1024xf32, #tpu.memory_space<hbm>> -> memref<64x1024xf32, #tpu.memory_space<hbm>>
      %dma_start3A_33 = arith.constant 0 : i32
      %dma_start3A_34 = tpu.memref_slice %arg5[%add3A_14, %dma_start3A_33] : memref<6144x1024xf32, #tpu.memory_space<hbm>> -> memref<64x1024xf32, #tpu.memory_space<hbm>>
      tpu.enqueue_dma source(%arg10 : memref<64x1024xf32, #tpu.memory_space<vmem>>) target(%dma_start3A_34 : memref<64x1024xf32, #tpu.memory_space<hbm>>) target_semaphore(%run_scoped3A : memref<!tpu.dma_semaphore, #tpu.memory_space<semaphore_mem>>)
      %dma_wait3A_35 = arith.constant 0 : i32
      %dma_wait3A_36 = tpu.memref_slice %arg5[%add3A_14, %dma_wait3A_35] : memref<6144x1024xf32, #tpu.memory_space<hbm>> -> memref<64x1024xf32, #tpu.memory_space<hbm>>
      %dma_wait3A_37 = arith.constant 0 : i32
      %dma_wait3A_38 = tpu.memref_slice %arg5[%add3A_14, %dma_wait3A_37] : memref<6144x1024xf32, #tpu.memory_space<hbm>> -> memref<64x1024xf32, #tpu.memory_space<hbm>>
      tpu.wait_dma2 semaphore(%run_scoped3A : memref<!tpu.dma_semaphore, #tpu.memory_space<semaphore_mem>>) src(%arg10 : memref<64x1024xf32, #tpu.memory_space<vmem>>) dst(%dma_wait3A_38 : memref<64x1024xf32, #tpu.memory_space<hbm>>)
      tpu.yield
    }) : () -> ()
    %mul3A_21 = arith.constant 192 : i32
    %mul3A_22 = arith.muli %add3A, %mul3A_21 : i32
    %add3A_23 = arith.constant 128 : i32
    %add3A_24 = arith.addi %mul3A_22, %add3A_23 : i32
    "tpu.region"() ({
      %run_scoped3A = tpu.sem_alloc : memref<!tpu.dma_semaphore, #tpu.memory_space<semaphore_mem>>
      %dma_start3A_31 = tpu.memref_slice %arg11[%add3A_24] : memref<6208xi32, #tpu.memory_space<vmem_shared>> -> memref<64xi32, #tpu.memory_space<vmem_shared>>
      %dma_start3A_32 = tpu.memref_slice %arg11[%add3A_24] : memref<6208xi32, #tpu.memory_space<vmem_shared>> -> memref<64xi32, #tpu.memory_space<vmem_shared>>
      tpu.enqueue_dma source(%dma_start3A_32 : memref<64xi32, #tpu.memory_space<vmem_shared>>) target(%arg9 : memref<64xi32, #tpu.memory_space<vmem>>) target_semaphore(%run_scoped3A : memref<!tpu.dma_semaphore, #tpu.memory_space<semaphore_mem>>)
      %dma_wait3A_33 = tpu.memref_slice %arg11[%add3A_24] : memref<6208xi32, #tpu.memory_space<vmem_shared>> -> memref<64xi32, #tpu.memory_space<vmem_shared>>
      %dma_wait3A_34 = tpu.memref_slice %arg11[%add3A_24] : memref<6208xi32, #tpu.memory_space<vmem_shared>> -> memref<64xi32, #tpu.memory_space<vmem_shared>>
      tpu.wait_dma2 semaphore(%run_scoped3A : memref<!tpu.dma_semaphore, #tpu.memory_space<semaphore_mem>>) src(%dma_wait3A_34 : memref<64xi32, #tpu.memory_space<vmem_shared>>) dst(%arg9 : memref<64xi32, #tpu.memory_space<vmem>>)
      tpu.yield
    }) : () -> ()
    %dma_start3A_25 = arith.constant 0 : i32
    %dma_start3A_26 = arith.constant 0 : i32
    %dma_start3A_27 = tpu.memref_slice %arg4[%dma_start3A_25, %dma_start3A_26] : memref<2048x1024xf32, #tpu.memory_space<hbm>> -> memref<2048x1024xf32, #tpu.memory_space<hbm>>
    tpu.enqueue_indirect_dma source(%dma_start3A_27 : memref<2048x1024xf32, #tpu.memory_space<hbm>>) target(%arg10 : memref<64x1024xf32, #tpu.memory_space<vmem>>) offsets(%arg9 : memref<64xi32, #tpu.memory_space<vmem>>) semaphore(%arg12 : memref<!tpu.dma_semaphore, #tpu.memory_space<semaphore_mem>>)
    %dma_wait3A_28 = arith.constant 0 : i32
    %dma_wait3A_29 = arith.constant 0 : i32
    %dma_wait3A_30 = tpu.memref_slice %arg4[%dma_wait3A_28, %dma_wait3A_29] : memref<2048x1024xf32, #tpu.memory_space<hbm>> -> memref<2048x1024xf32, #tpu.memory_space<hbm>>
    tpu.wait_indirect_dma semaphore(%arg12 : memref<!tpu.dma_semaphore, #tpu.memory_space<semaphore_mem>>) src(%dma_wait3A_30 : memref<2048x1024xf32, #tpu.memory_space<hbm>>) dst(%arg10 : memref<64x1024xf32, #tpu.memory_space<vmem>>)
    "tpu.region"() ({
      %run_scoped3A = tpu.sem_alloc : memref<!tpu.dma_semaphore, #tpu.memory_space<semaphore_mem>>
      %dma_start3A_31 = arith.constant 0 : i32
      %dma_start3A_32 = tpu.memref_slice %arg5[%add3A_24, %dma_start3A_31] : memref<6144x1024xf32, #tpu.memory_space<hbm>> -> memref<64x1024xf32, #tpu.memory_space<hbm>>
      %dma_start3A_33 = arith.constant 0 : i32
      %dma_start3A_34 = tpu.memref_slice %arg5[%add3A_24, %dma_start3A_33] : memref<6144x1024xf32, #tpu.memory_space<hbm>> -> memref<64x1024xf32, #tpu.memory_space<hbm>>
      tpu.enqueue_dma source(%arg10 : memref<64x1024xf32, #tpu.memory_space<vmem>>) target(%dma_start3A_34 : memref<64x1024xf32, #tpu.memory_space<hbm>>) target_semaphore(%run_scoped3A : memref<!tpu.dma_semaphore, #tpu.memory_space<semaphore_mem>>)
      %dma_wait3A_35 = arith.constant 0 : i32
      %dma_wait3A_36 = tpu.memref_slice %arg5[%add3A_24, %dma_wait3A_35] : memref<6144x1024xf32, #tpu.memory_space<hbm>> -> memref<64x1024xf32, #tpu.memory_space<hbm>>
      %dma_wait3A_37 = arith.constant 0 : i32
      %dma_wait3A_38 = tpu.memref_slice %arg5[%add3A_24, %dma_wait3A_37] : memref<6144x1024xf32, #tpu.memory_space<hbm>> -> memref<64x1024xf32, #tpu.memory_space<hbm>>
      tpu.wait_dma2 semaphore(%run_scoped3A : memref<!tpu.dma_semaphore, #tpu.memory_space<semaphore_mem>>) src(%arg10 : memref<64x1024xf32, #tpu.memory_space<vmem>>) dst(%dma_wait3A_38 : memref<64x1024xf32, #tpu.memory_space<hbm>>)
      tpu.yield
    }) : () -> ()
    return
  }
}

#map = affine_map<(d0, d1) -> (0, 0)>
#map1 = affine_map<(d0, d1) -> (0)>
module attributes {stable_mosaic.version = 14 : i64} {
  func.func @_combine_kernel(%arg0: i32, %arg1: i32, %arg2: memref<6144x1024xf32, #tpu.memory_space<hbm>>, %arg3: memref<2048xi32, #tpu.memory_space<hbm>>, %arg4: memref<2048xi32, #tpu.memory_space<hbm>>, %arg5: memref<2048x1024xf32, #tpu.memory_space<hbm>>, %arg6: memref<2048x1024xf32, #tpu.memory_space<hbm>>, %arg7: memref<64xi32, #tpu.memory_space<vmem>>, %arg8: memref<64x1024xf32, #tpu.memory_space<vmem>>, %arg9: memref<!tpu.dma_semaphore, #tpu.memory_space<semaphore_mem>>) attributes {dimension_semantics = [#tpu.dimension_semantics<core_parallel>, #tpu.dimension_semantics<subcore_parallel>], iteration_bounds = array<i64: 2, 16>, scalar_prefetch = 0 : i64, scratch_operands = 3 : i64, tpu.core_type = #tpu.core_type<sc_vector_subcore>, window_params = [{transform_indices = #map}, {transform_indices = #map1}, {transform_indices = #map1}, {transform_indices = #map}, {transform_indices = #map}]} {
    %mul3A = arith.constant 2 : i32
    %mul3A_0 = arith.muli %arg1, %mul3A : i32
    %add3A = arith.addi %mul3A_0, %arg0 : i32
    %mul3A_1 = arith.constant 64 : i32
    %mul3A_2 = arith.muli %add3A, %mul3A_1 : i32
    "tpu.region"() ({
      %run_scoped3A = tpu.sem_alloc : memref<!tpu.dma_semaphore, #tpu.memory_space<semaphore_mem>>
      %dma_start3A_13 = tpu.memref_slice %arg3[%mul3A_2] : memref<2048xi32, #tpu.memory_space<hbm>> -> memref<64xi32, #tpu.memory_space<hbm>>
      %dma_start3A_14 = tpu.memref_slice %arg3[%mul3A_2] : memref<2048xi32, #tpu.memory_space<hbm>> -> memref<64xi32, #tpu.memory_space<hbm>>
      tpu.enqueue_dma source(%dma_start3A_14 : memref<64xi32, #tpu.memory_space<hbm>>) target(%arg7 : memref<64xi32, #tpu.memory_space<vmem>>) target_semaphore(%run_scoped3A : memref<!tpu.dma_semaphore, #tpu.memory_space<semaphore_mem>>)
      %dma_wait3A_15 = tpu.memref_slice %arg3[%mul3A_2] : memref<2048xi32, #tpu.memory_space<hbm>> -> memref<64xi32, #tpu.memory_space<hbm>>
      %dma_wait3A_16 = tpu.memref_slice %arg3[%mul3A_2] : memref<2048xi32, #tpu.memory_space<hbm>> -> memref<64xi32, #tpu.memory_space<hbm>>
      tpu.wait_dma2 semaphore(%run_scoped3A : memref<!tpu.dma_semaphore, #tpu.memory_space<semaphore_mem>>) src(%dma_wait3A_16 : memref<64xi32, #tpu.memory_space<hbm>>) dst(%arg7 : memref<64xi32, #tpu.memory_space<vmem>>)
      tpu.yield
    }) : () -> ()
    %dma_start3A = arith.constant 0 : i32
    %dma_start3A_3 = arith.constant 0 : i32
    %dma_start3A_4 = tpu.memref_slice %arg2[%dma_start3A, %dma_start3A_3] : memref<6144x1024xf32, #tpu.memory_space<hbm>> -> memref<6144x1024xf32, #tpu.memory_space<hbm>>
    tpu.enqueue_indirect_dma source(%dma_start3A_4 : memref<6144x1024xf32, #tpu.memory_space<hbm>>) target(%arg8 : memref<64x1024xf32, #tpu.memory_space<vmem>>) offsets(%arg7 : memref<64xi32, #tpu.memory_space<vmem>>) semaphore(%arg9 : memref<!tpu.dma_semaphore, #tpu.memory_space<semaphore_mem>>)
    %dma_wait3A = arith.constant 0 : i32
    %dma_wait3A_5 = arith.constant 0 : i32
    %dma_wait3A_6 = tpu.memref_slice %arg2[%dma_wait3A, %dma_wait3A_5] : memref<6144x1024xf32, #tpu.memory_space<hbm>> -> memref<6144x1024xf32, #tpu.memory_space<hbm>>
    tpu.wait_indirect_dma semaphore(%arg9 : memref<!tpu.dma_semaphore, #tpu.memory_space<semaphore_mem>>) src(%dma_wait3A_6 : memref<6144x1024xf32, #tpu.memory_space<hbm>>) dst(%arg8 : memref<64x1024xf32, #tpu.memory_space<vmem>>)
    "tpu.region"() ({
      %run_scoped3A = tpu.sem_alloc : memref<!tpu.dma_semaphore, #tpu.memory_space<semaphore_mem>>
      %dma_start3A_13 = arith.constant 0 : i32
      %dma_start3A_14 = tpu.memref_slice %arg5[%mul3A_2, %dma_start3A_13] : memref<2048x1024xf32, #tpu.memory_space<hbm>> -> memref<64x1024xf32, #tpu.memory_space<hbm>>
      %dma_start3A_15 = arith.constant 0 : i32
      %dma_start3A_16 = tpu.memref_slice %arg5[%mul3A_2, %dma_start3A_15] : memref<2048x1024xf32, #tpu.memory_space<hbm>> -> memref<64x1024xf32, #tpu.memory_space<hbm>>
      tpu.enqueue_dma source(%arg8 : memref<64x1024xf32, #tpu.memory_space<vmem>>) target(%dma_start3A_16 : memref<64x1024xf32, #tpu.memory_space<hbm>>) target_semaphore(%run_scoped3A : memref<!tpu.dma_semaphore, #tpu.memory_space<semaphore_mem>>)
      %dma_wait3A_17 = arith.constant 0 : i32
      %dma_wait3A_18 = tpu.memref_slice %arg5[%mul3A_2, %dma_wait3A_17] : memref<2048x1024xf32, #tpu.memory_space<hbm>> -> memref<64x1024xf32, #tpu.memory_space<hbm>>
      %dma_wait3A_19 = arith.constant 0 : i32
      %dma_wait3A_20 = tpu.memref_slice %arg5[%mul3A_2, %dma_wait3A_19] : memref<2048x1024xf32, #tpu.memory_space<hbm>> -> memref<64x1024xf32, #tpu.memory_space<hbm>>
      tpu.wait_dma2 semaphore(%run_scoped3A : memref<!tpu.dma_semaphore, #tpu.memory_space<semaphore_mem>>) src(%arg8 : memref<64x1024xf32, #tpu.memory_space<vmem>>) dst(%dma_wait3A_20 : memref<64x1024xf32, #tpu.memory_space<hbm>>)
      tpu.yield
    }) : () -> ()
    "tpu.region"() ({
      %run_scoped3A = tpu.sem_alloc : memref<!tpu.dma_semaphore, #tpu.memory_space<semaphore_mem>>
      %dma_start3A_13 = tpu.memref_slice %arg4[%mul3A_2] : memref<2048xi32, #tpu.memory_space<hbm>> -> memref<64xi32, #tpu.memory_space<hbm>>
      %dma_start3A_14 = tpu.memref_slice %arg4[%mul3A_2] : memref<2048xi32, #tpu.memory_space<hbm>> -> memref<64xi32, #tpu.memory_space<hbm>>
      tpu.enqueue_dma source(%dma_start3A_14 : memref<64xi32, #tpu.memory_space<hbm>>) target(%arg7 : memref<64xi32, #tpu.memory_space<vmem>>) target_semaphore(%run_scoped3A : memref<!tpu.dma_semaphore, #tpu.memory_space<semaphore_mem>>)
      %dma_wait3A_15 = tpu.memref_slice %arg4[%mul3A_2] : memref<2048xi32, #tpu.memory_space<hbm>> -> memref<64xi32, #tpu.memory_space<hbm>>
      %dma_wait3A_16 = tpu.memref_slice %arg4[%mul3A_2] : memref<2048xi32, #tpu.memory_space<hbm>> -> memref<64xi32, #tpu.memory_space<hbm>>
      tpu.wait_dma2 semaphore(%run_scoped3A : memref<!tpu.dma_semaphore, #tpu.memory_space<semaphore_mem>>) src(%dma_wait3A_16 : memref<64xi32, #tpu.memory_space<hbm>>) dst(%arg7 : memref<64xi32, #tpu.memory_space<vmem>>)
      tpu.yield
    }) : () -> ()
    %dma_start3A_7 = arith.constant 0 : i32
    %dma_start3A_8 = arith.constant 0 : i32
    %dma_start3A_9 = tpu.memref_slice %arg2[%dma_start3A_7, %dma_start3A_8] : memref<6144x1024xf32, #tpu.memory_space<hbm>> -> memref<6144x1024xf32, #tpu.memory_space<hbm>>
    tpu.enqueue_indirect_dma source(%dma_start3A_9 : memref<6144x1024xf32, #tpu.memory_space<hbm>>) target(%arg8 : memref<64x1024xf32, #tpu.memory_space<vmem>>) offsets(%arg7 : memref<64xi32, #tpu.memory_space<vmem>>) semaphore(%arg9 : memref<!tpu.dma_semaphore, #tpu.memory_space<semaphore_mem>>)
    %dma_wait3A_10 = arith.constant 0 : i32
    %dma_wait3A_11 = arith.constant 0 : i32
    %dma_wait3A_12 = tpu.memref_slice %arg2[%dma_wait3A_10, %dma_wait3A_11] : memref<6144x1024xf32, #tpu.memory_space<hbm>> -> memref<6144x1024xf32, #tpu.memory_space<hbm>>
    tpu.wait_indirect_dma semaphore(%arg9 : memref<!tpu.dma_semaphore, #tpu.memory_space<semaphore_mem>>) src(%dma_wait3A_12 : memref<6144x1024xf32, #tpu.memory_space<hbm>>) dst(%arg8 : memref<64x1024xf32, #tpu.memory_space<vmem>>)
    "tpu.region"() ({
      %run_scoped3A = tpu.sem_alloc : memref<!tpu.dma_semaphore, #tpu.memory_space<semaphore_mem>>
      %dma_start3A_13 = arith.constant 0 : i32
      %dma_start3A_14 = tpu.memref_slice %arg6[%mul3A_2, %dma_start3A_13] : memref<2048x1024xf32, #tpu.memory_space<hbm>> -> memref<64x1024xf32, #tpu.memory_space<hbm>>
      %dma_start3A_15 = arith.constant 0 : i32
      %dma_start3A_16 = tpu.memref_slice %arg6[%mul3A_2, %dma_start3A_15] : memref<2048x1024xf32, #tpu.memory_space<hbm>> -> memref<64x1024xf32, #tpu.memory_space<hbm>>
      tpu.enqueue_dma source(%arg8 : memref<64x1024xf32, #tpu.memory_space<vmem>>) target(%dma_start3A_16 : memref<64x1024xf32, #tpu.memory_space<hbm>>) target_semaphore(%run_scoped3A : memref<!tpu.dma_semaphore, #tpu.memory_space<semaphore_mem>>)
      %dma_wait3A_17 = arith.constant 0 : i32
      %dma_wait3A_18 = tpu.memref_slice %arg6[%mul3A_2, %dma_wait3A_17] : memref<2048x1024xf32, #tpu.memory_space<hbm>> -> memref<64x1024xf32, #tpu.memory_space<hbm>>
      %dma_wait3A_19 = arith.constant 0 : i32
      %dma_wait3A_20 = tpu.memref_slice %arg6[%mul3A_2, %dma_wait3A_19] : memref<2048x1024xf32, #tpu.memory_space<hbm>> -> memref<64x1024xf32, #tpu.memory_space<hbm>>
      tpu.wait_dma2 semaphore(%run_scoped3A : memref<!tpu.dma_semaphore, #tpu.memory_space<semaphore_mem>>) src(%arg8 : memref<64x1024xf32, #tpu.memory_space<vmem>>) dst(%dma_wait3A_20 : memref<64x1024xf32, #tpu.memory_space<hbm>>)
      tpu.yield
    }) : () -> ()
    return
  }
}

#map = affine_map<(d0, d1) -> (0)>
#map1 = affine_map<(d0, d1) -> (0, 0)>
module attributes {stable_mosaic.version = 14 : i64} {
  func.func @_dispatch_kernel(%arg0: i32, %arg1: i32, %arg2: memref<2048xi32, #tpu.memory_space<hbm>>, %arg3: memref<2048xi32, #tpu.memory_space<hbm>>, %arg4: memref<2048x1024xf32, #tpu.memory_space<hbm>>, %arg5: memref<6144x1024xf32, #tpu.memory_space<hbm>>, %arg6: memref<2048xi32, #tpu.memory_space<vmem>>, %arg7: memref<2048xi32, #tpu.memory_space<vmem>>, %arg8: memref<6208xi32, #tpu.memory_space<vmem>>, %arg9: memref<64xi32, #tpu.memory_space<vmem>>, %arg10: memref<64x1024xf32, #tpu.memory_space<vmem>>, %arg11: memref<6208xi32, #tpu.memory_space<vmem_shared>>, %arg12: memref<!tpu.dma_semaphore, #tpu.memory_space<semaphore_mem>>) attributes {dimension_semantics = [#tpu.dimension_semantics<core_parallel>, #tpu.dimension_semantics<subcore_parallel>], iteration_bounds = array<i64: 2, 16>, scalar_prefetch = 0 : i64, scratch_operands = 7 : i64, tpu.core_type = #tpu.core_type<sc_vector_subcore>, window_params = [{transform_indices = #map}, {transform_indices = #map}, {transform_indices = #map1}, {transform_indices = #map1}]} {
    %eq3A = arith.constant 0 : i32
    %eq3A_0 = arith.cmpi eq, %arg1, %eq3A : i32
    %convert_element_type3A = arith.extui %eq3A_0 : i1 to i32
    %cond3A = arith.constant 0 : i32
    %cond3A_1 = arith.cmpi ne, %convert_element_type3A, %cond3A : i32
    scf.if %cond3A_1 {
      "tpu.region"() ({
        %run_scoped3A = tpu.sem_alloc : memref<!tpu.dma_semaphore, #tpu.memory_space<semaphore_mem>>
        tpu.enqueue_dma source(%arg2 : memref<2048xi32, #tpu.memory_space<hbm>>) target(%arg6 : memref<2048xi32, #tpu.memory_space<vmem>>) target_semaphore(%run_scoped3A : memref<!tpu.dma_semaphore, #tpu.memory_space<semaphore_mem>>)
        tpu.wait_dma2 semaphore(%run_scoped3A : memref<!tpu.dma_semaphore, #tpu.memory_space<semaphore_mem>>) src(%arg2 : memref<2048xi32, #tpu.memory_space<hbm>>) dst(%arg6 : memref<2048xi32, #tpu.memory_space<vmem>>)
        tpu.yield
      }) : () -> ()
      "tpu.region"() ({
        %run_scoped3A = tpu.sem_alloc : memref<!tpu.dma_semaphore, #tpu.memory_space<semaphore_mem>>
        tpu.enqueue_dma source(%arg3 : memref<2048xi32, #tpu.memory_space<hbm>>) target(%arg7 : memref<2048xi32, #tpu.memory_space<vmem>>) target_semaphore(%run_scoped3A : memref<!tpu.dma_semaphore, #tpu.memory_space<semaphore_mem>>)
        tpu.wait_dma2 semaphore(%run_scoped3A : memref<!tpu.dma_semaphore, #tpu.memory_space<semaphore_mem>>) src(%arg3 : memref<2048xi32, #tpu.memory_space<hbm>>) dst(%arg7 : memref<2048xi32, #tpu.memory_space<vmem>>)
        tpu.yield
      }) : () -> ()
      %scan3A = arith.constant 0 : i32
      %scan3A_31 = arith.constant 0 : i32
      %scan3A_32 = arith.constant 388 : i32
      %scan3A_33 = arith.addi %scan3A_31, %scan3A_32 : i32
      %scan3A_34 = arith.constant 1 : i32
      %scan3A_35 = scf.for %scan3A_44 = %scan3A_31 to %scan3A_33 step %scan3A_34 iter_args(%scan3A_45 = %scan3A) -> (i32)  : i32 {
        %broadcast_in_dim3A = arith.constant 0 : i32
        %broadcast_in_dim3A_46 = vector.broadcast %broadcast_in_dim3A : i32 to vector<16xi32>
        %mul3A_47 = arith.constant 16 : i32
        %mul3A_48 = arith.muli %scan3A_44, %mul3A_47 : i32
        %swap3A = arith.index_cast %mul3A_48 : i32 to index
        %swap3A_49 = tpu.vector_load %arg8[%swap3A] {strides = array<i32>} : memref<6208xi32, #tpu.memory_space<vmem>>, vector<16xi32>,
        tpu.vector_store %arg8[%swap3A], %broadcast_in_dim3A_46 {strides = array<i32>} : memref<6208xi32, #tpu.memory_space<vmem>>, vector<16xi32>,
        %scan3A_50 = arith.constant 0 : i32
        scf.yield %scan3A_50 : i32
      }
      %scan3A_36 = arith.constant 388 : i32
      %scan3A_37 = arith.constant 0 : i32
      %scan3A_38 = arith.constant 0 : i32
      %scan3A_39 = arith.constant 128 : i32
      %scan3A_40 = arith.addi %scan3A_38, %scan3A_39 : i32
      %scan3A_41 = arith.constant 1 : i32
      %scan3A_42 = scf.for %scan3A_44 = %scan3A_38 to %scan3A_40 step %scan3A_41 iter_args(%scan3A_45 = %scan3A_37) -> (i32)  : i32 {
        %mul3A_46 = arith.constant 16 : i32
        %mul3A_47 = arith.muli %scan3A_44, %mul3A_46 : i32
        %iota3A = tpu.iota {dimensions = array<i32: 0>} : vector<16xi32>
        %add3A_48 = vector.broadcast %mul3A_47 : i32 to vector<16xi32>
        %add3A_49 = arith.addi %iota3A, %add3A_48 : vector<16xi32>
        %get3A = arith.index_cast %mul3A_47 : i32 to index
        %get3A_50 = tpu.vector_load %arg6[%get3A] {strides = array<i32>} : memref<2048xi32, #tpu.memory_space<vmem>>, vector<16xi32>,
        tpu.vector_store_idx %arg8[%get3A_50], %add3A_49 : memref<6208xi32, #tpu.memory_space<vmem>>[vector<16xi32>], vector<16xi32>,
        %get3A_51 = arith.index_cast %mul3A_47 : i32 to index
        %get3A_52 = tpu.vector_load %arg7[%get3A_51] {strides = array<i32>} : memref<2048xi32, #tpu.memory_space<vmem>>, vector<16xi32>,
        tpu.vector_store_idx %arg8[%get3A_52], %add3A_49 : memref<6208xi32, #tpu.memory_space<vmem>>[vector<16xi32>], vector<16xi32>,
        %scan3A_53 = arith.constant 0 : i32
        scf.yield %scan3A_53 : i32
      }
      %scan3A_43 = arith.constant 128 : i32
      "tpu.region"() ({
        %run_scoped3A = tpu.sem_alloc : memref<!tpu.dma_semaphore, #tpu.memory_space<semaphore_mem>>
        tpu.enqueue_dma source(%arg8 : memref<6208xi32, #tpu.memory_space<vmem>>) target(%arg11 : memref<6208xi32, #tpu.memory_space<vmem_shared>>) target_semaphore(%run_scoped3A : memref<!tpu.dma_semaphore, #tpu.memory_space<semaphore_mem>>)
        tpu.wait_dma2 semaphore(%run_scoped3A : memref<!tpu.dma_semaphore, #tpu.memory_space<semaphore_mem>>) src(%arg8 : memref<6208xi32, #tpu.memory_space<vmem>>) dst(%arg11 : memref<6208xi32, #tpu.memory_space<vmem_shared>>)
        tpu.yield
      }) : () -> ()
    } else {
    }
    %barrier3A = arith.constant 0 : index
    tpu.barrier barrier_id(%barrier3A)
    %mul3A = arith.constant 2 : i32
    %mul3A_2 = arith.muli %arg1, %mul3A : i32
    %add3A = arith.addi %mul3A_2, %arg0 : i32
    %mul3A_3 = arith.constant 192 : i32
    %mul3A_4 = arith.muli %add3A, %mul3A_3 : i32
    %add3A_5 = arith.constant 0 : i32
    %add3A_6 = arith.addi %mul3A_4, %add3A_5 : i32
    "tpu.region"() ({
      %run_scoped3A = tpu.sem_alloc : memref<!tpu.dma_semaphore, #tpu.memory_space<semaphore_mem>>
      %dma_start3A_31 = tpu.memref_slice %arg11[%add3A_6] : memref<6208xi32, #tpu.memory_space<vmem_shared>> -> memref<64xi32, #tpu.memory_space<vmem_shared>>
      %dma_start3A_32 = tpu.memref_slice %arg11[%add3A_6] : memref<6208xi32, #tpu.memory_space<vmem_shared>> -> memref<64xi32, #tpu.memory_space<vmem_shared>>
      tpu.enqueue_dma source(%dma_start3A_32 : memref<64xi32, #tpu.memory_space<vmem_shared>>) target(%arg9 : memref<64xi32, #tpu.memory_space<vmem>>) target_semaphore(%run_scoped3A : memref<!tpu.dma_semaphore, #tpu.memory_space<semaphore_mem>>)
      %dma_wait3A_33 = tpu.memref_slice %arg11[%add3A_6] : memref<6208xi32, #tpu.memory_space<vmem_shared>> -> memref<64xi32, #tpu.memory_space<vmem_shared>>
      %dma_wait3A_34 = tpu.memref_slice %arg11[%add3A_6] : memref<6208xi32, #tpu.memory_space<vmem_shared>> -> memref<64xi32, #tpu.memory_space<vmem_shared>>
      tpu.wait_dma2 semaphore(%run_scoped3A : memref<!tpu.dma_semaphore, #tpu.memory_space<semaphore_mem>>) src(%dma_wait3A_34 : memref<64xi32, #tpu.memory_space<vmem_shared>>) dst(%arg9 : memref<64xi32, #tpu.memory_space<vmem>>)
      tpu.yield
    }) : () -> ()
    %dma_start3A = arith.constant 0 : i32
    %dma_start3A_7 = arith.constant 0 : i32
    %dma_start3A_8 = tpu.memref_slice %arg4[%dma_start3A, %dma_start3A_7] : memref<2048x1024xf32, #tpu.memory_space<hbm>> -> memref<2048x1024xf32, #tpu.memory_space<hbm>>
    tpu.enqueue_indirect_dma source(%dma_start3A_8 : memref<2048x1024xf32, #tpu.memory_space<hbm>>) target(%arg10 : memref<64x1024xf32, #tpu.memory_space<vmem>>) offsets(%arg9 : memref<64xi32, #tpu.memory_space<vmem>>) semaphore(%arg12 : memref<!tpu.dma_semaphore, #tpu.memory_space<semaphore_mem>>)
    %dma_wait3A = arith.constant 0 : i32
    %dma_wait3A_9 = arith.constant 0 : i32
    %dma_wait3A_10 = tpu.memref_slice %arg4[%dma_wait3A, %dma_wait3A_9] : memref<2048x1024xf32, #tpu.memory_space<hbm>> -> memref<2048x1024xf32, #tpu.memory_space<hbm>>
    tpu.wait_indirect_dma semaphore(%arg12 : memref<!tpu.dma_semaphore, #tpu.memory_space<semaphore_mem>>) src(%dma_wait3A_10 : memref<2048x1024xf32, #tpu.memory_space<hbm>>) dst(%arg10 : memref<64x1024xf32, #tpu.memory_space<vmem>>)
    "tpu.region"() ({
      %run_scoped3A = tpu.sem_alloc : memref<!tpu.dma_semaphore, #tpu.memory_space<semaphore_mem>>
      %dma_start3A_31 = arith.constant 0 : i32
      %dma_start3A_32 = tpu.memref_slice %arg5[%add3A_6, %dma_start3A_31] : memref<6144x1024xf32, #tpu.memory_space<hbm>> -> memref<64x1024xf32, #tpu.memory_space<hbm>>
      %dma_start3A_33 = arith.constant 0 : i32
      %dma_start3A_34 = tpu.memref_slice %arg5[%add3A_6, %dma_start3A_33] : memref<6144x1024xf32, #tpu.memory_space<hbm>> -> memref<64x1024xf32, #tpu.memory_space<hbm>>
      tpu.enqueue_dma source(%arg10 : memref<64x1024xf32, #tpu.memory_space<vmem>>) target(%dma_start3A_34 : memref<64x1024xf32, #tpu.memory_space<hbm>>) target_semaphore(%run_scoped3A : memref<!tpu.dma_semaphore, #tpu.memory_space<semaphore_mem>>)
      %dma_wait3A_35 = arith.constant 0 : i32
      %dma_wait3A_36 = tpu.memref_slice %arg5[%add3A_6, %dma_wait3A_35] : memref<6144x1024xf32, #tpu.memory_space<hbm>> -> memref<64x1024xf32, #tpu.memory_space<hbm>>
      %dma_wait3A_37 = arith.constant 0 : i32
      %dma_wait3A_38 = tpu.memref_slice %arg5[%add3A_6, %dma_wait3A_37] : memref<6144x1024xf32, #tpu.memory_space<hbm>> -> memref<64x1024xf32, #tpu.memory_space<hbm>>
      tpu.wait_dma2 semaphore(%run_scoped3A : memref<!tpu.dma_semaphore, #tpu.memory_space<semaphore_mem>>) src(%arg10 : memref<64x1024xf32, #tpu.memory_space<vmem>>) dst(%dma_wait3A_38 : memref<64x1024xf32, #tpu.memory_space<hbm>>)
      tpu.yield
    }) : () -> ()
    %mul3A_11 = arith.constant 192 : i32
    %mul3A_12 = arith.muli %add3A, %mul3A_11 : i32
    %add3A_13 = arith.constant 64 : i32
    %add3A_14 = arith.addi %mul3A_12, %add3A_13 : i32
    "tpu.region"() ({
      %run_scoped3A = tpu.sem_alloc : memref<!tpu.dma_semaphore, #tpu.memory_space<semaphore_mem>>
      %dma_start3A_31 = tpu.memref_slice %arg11[%add3A_14] : memref<6208xi32, #tpu.memory_space<vmem_shared>> -> memref<64xi32, #tpu.memory_space<vmem_shared>>
      %dma_start3A_32 = tpu.memref_slice %arg11[%add3A_14] : memref<6208xi32, #tpu.memory_space<vmem_shared>> -> memref<64xi32, #tpu.memory_space<vmem_shared>>
      tpu.enqueue_dma source(%dma_start3A_32 : memref<64xi32, #tpu.memory_space<vmem_shared>>) target(%arg9 : memref<64xi32, #tpu.memory_space<vmem>>) target_semaphore(%run_scoped3A : memref<!tpu.dma_semaphore, #tpu.memory_space<semaphore_mem>>)
      %dma_wait3A_33 = tpu.memref_slice %arg11[%add3A_14] : memref<6208xi32, #tpu.memory_space<vmem_shared>> -> memref<64xi32, #tpu.memory_space<vmem_shared>>
      %dma_wait3A_34 = tpu.memref_slice %arg11[%add3A_14] : memref<6208xi32, #tpu.memory_space<vmem_shared>> -> memref<64xi32, #tpu.memory_space<vmem_shared>>
      tpu.wait_dma2 semaphore(%run_scoped3A : memref<!tpu.dma_semaphore, #tpu.memory_space<semaphore_mem>>) src(%dma_wait3A_34 : memref<64xi32, #tpu.memory_space<vmem_shared>>) dst(%arg9 : memref<64xi32, #tpu.memory_space<vmem>>)
      tpu.yield
    }) : () -> ()
    %dma_start3A_15 = arith.constant 0 : i32
    %dma_start3A_16 = arith.constant 0 : i32
    %dma_start3A_17 = tpu.memref_slice %arg4[%dma_start3A_15, %dma_start3A_16] : memref<2048x1024xf32, #tpu.memory_space<hbm>> -> memref<2048x1024xf32, #tpu.memory_space<hbm>>
    tpu.enqueue_indirect_dma source(%dma_start3A_17 : memref<2048x1024xf32, #tpu.memory_space<hbm>>) target(%arg10 : memref<64x1024xf32, #tpu.memory_space<vmem>>) offsets(%arg9 : memref<64xi32, #tpu.memory_space<vmem>>) semaphore(%arg12 : memref<!tpu.dma_semaphore, #tpu.memory_space<semaphore_mem>>)
    %dma_wait3A_18 = arith.constant 0 : i32
    %dma_wait3A_19 = arith.constant 0 : i32
    %dma_wait3A_20 = tpu.memref_slice %arg4[%dma_wait3A_18, %dma_wait3A_19] : memref<2048x1024xf32, #tpu.memory_space<hbm>> -> memref<2048x1024xf32, #tpu.memory_space<hbm>>
    tpu.wait_indirect_dma semaphore(%arg12 : memref<!tpu.dma_semaphore, #tpu.memory_space<semaphore_mem>>) src(%dma_wait3A_20 : memref<2048x1024xf32, #tpu.memory_space<hbm>>) dst(%arg10 : memref<64x1024xf32, #tpu.memory_space<vmem>>)
    "tpu.region"() ({
      %run_scoped3A = tpu.sem_alloc : memref<!tpu.dma_semaphore, #tpu.memory_space<semaphore_mem>>
      %dma_start3A_31 = arith.constant 0 : i32
      %dma_start3A_32 = tpu.memref_slice %arg5[%add3A_14, %dma_start3A_31] : memref<6144x1024xf32, #tpu.memory_space<hbm>> -> memref<64x1024xf32, #tpu.memory_space<hbm>>
      %dma_start3A_33 = arith.constant 0 : i32
      %dma_start3A_34 = tpu.memref_slice %arg5[%add3A_14, %dma_start3A_33] : memref<6144x1024xf32, #tpu.memory_space<hbm>> -> memref<64x1024xf32, #tpu.memory_space<hbm>>
      tpu.enqueue_dma source(%arg10 : memref<64x1024xf32, #tpu.memory_space<vmem>>) target(%dma_start3A_34 : memref<64x1024xf32, #tpu.memory_space<hbm>>) target_semaphore(%run_scoped3A : memref<!tpu.dma_semaphore, #tpu.memory_space<semaphore_mem>>)
      %dma_wait3A_35 = arith.constant 0 : i32
      %dma_wait3A_36 = tpu.memref_slice %arg5[%add3A_14, %dma_wait3A_35] : memref<6144x1024xf32, #tpu.memory_space<hbm>> -> memref<64x1024xf32, #tpu.memory_space<hbm>>
      %dma_wait3A_37 = arith.constant 0 : i32
      %dma_wait3A_38 = tpu.memref_slice %arg5[%add3A_14, %dma_wait3A_37] : memref<6144x1024xf32, #tpu.memory_space<hbm>> -> memref<64x1024xf32, #tpu.memory_space<hbm>>
      tpu.wait_dma2 semaphore(%run_scoped3A : memref<!tpu.dma_semaphore, #tpu.memory_space<semaphore_mem>>) src(%arg10 : memref<64x1024xf32, #tpu.memory_space<vmem>>) dst(%dma_wait3A_38 : memref<64x1024xf32, #tpu.memory_space<hbm>>)
      tpu.yield
    }) : () -> ()
    %mul3A_21 = arith.constant 192 : i32
    %mul3A_22 = arith.muli %add3A, %mul3A_21 : i32
    %add3A_23 = arith.constant 128 : i32
    %add3A_24 = arith.addi %mul3A_22, %add3A_23 : i32
    "tpu.region"() ({
      %run_scoped3A = tpu.sem_alloc : memref<!tpu.dma_semaphore, #tpu.memory_space<semaphore_mem>>
      %dma_start3A_31 = tpu.memref_slice %arg11[%add3A_24] : memref<6208xi32, #tpu.memory_space<vmem_shared>> -> memref<64xi32, #tpu.memory_space<vmem_shared>>
      %dma_start3A_32 = tpu.memref_slice %arg11[%add3A_24] : memref<6208xi32, #tpu.memory_space<vmem_shared>> -> memref<64xi32, #tpu.memory_space<vmem_shared>>
      tpu.enqueue_dma source(%dma_start3A_32 : memref<64xi32, #tpu.memory_space<vmem_shared>>) target(%arg9 : memref<64xi32, #tpu.memory_space<vmem>>) target_semaphore(%run_scoped3A : memref<!tpu.dma_semaphore, #tpu.memory_space<semaphore_mem>>)
      %dma_wait3A_33 = tpu.memref_slice %arg11[%add3A_24] : memref<6208xi32, #tpu.memory_space<vmem_shared>> -> memref<64xi32, #tpu.memory_space<vmem_shared>>
      %dma_wait3A_34 = tpu.memref_slice %arg11[%add3A_24] : memref<6208xi32, #tpu.memory_space<vmem_shared>> -> memref<64xi32, #tpu.memory_space<vmem_shared>>
      tpu.wait_dma2 semaphore(%run_scoped3A : memref<!tpu.dma_semaphore, #tpu.memory_space<semaphore_mem>>) src(%dma_wait3A_34 : memref<64xi32, #tpu.memory_space<vmem_shared>>) dst(%arg9 : memref<64xi32, #tpu.memory_space<vmem>>)
      tpu.yield
    }) : () -> ()
    %dma_start3A_25 = arith.constant 0 : i32
    %dma_start3A_26 = arith.constant 0 : i32
    %dma_start3A_27 = tpu.memref_slice %arg4[%dma_start3A_25, %dma_start3A_26] : memref<2048x1024xf32, #tpu.memory_space<hbm>> -> memref<2048x1024xf32, #tpu.memory_space<hbm>>
    tpu.enqueue_indirect_dma source(%dma_start3A_27 : memref<2048x1024xf32, #tpu.memory_space<hbm>>) target(%arg10 : memref<64x1024xf32, #tpu.memory_space<vmem>>) offsets(%arg9 : memref<64xi32, #tpu.memory_space<vmem>>) semaphore(%arg12 : memref<!tpu.dma_semaphore, #tpu.memory_space<semaphore_mem>>)
    %dma_wait3A_28 = arith.constant 0 : i32
    %dma_wait3A_29 = arith.constant 0 : i32
    %dma_wait3A_30 = tpu.memref_slice %arg4[%dma_wait3A_28, %dma_wait3A_29] : memref<2048x1024xf32, #tpu.memory_space<hbm>> -> memref<2048x1024xf32, #tpu.memory_space<hbm>>
    tpu.wait_indirect_dma semaphore(%arg12 : memref<!tpu.dma_semaphore, #tpu.memory_space<semaphore_mem>>) src(%dma_wait3A_30 : memref<2048x1024xf32, #tpu.memory_space<hbm>>) dst(%arg10 : memref<64x1024xf32, #tpu.memory_space<vmem>>)
    "tpu.region"() ({
      %run_scoped3A = tpu.sem_alloc : memref<!tpu.dma_semaphore, #tpu.memory_space<semaphore_mem>>
      %dma_start3A_31 = arith.constant 0 : i32
      %dma_start3A_32 = tpu.memref_slice %arg5[%add3A_24, %dma_start3A_31] : memref<6144x1024xf32, #tpu.memory_space<hbm>> -> memref<64x1024xf32, #tpu.memory_space<hbm>>
      %dma_start3A_33 = arith.constant 0 : i32
      %dma_start3A_34 = tpu.memref_slice %arg5[%add3A_24, %dma_start3A_33] : memref<6144x1024xf32, #tpu.memory_space<hbm>> -> memref<64x1024xf32, #tpu.memory_space<hbm>>
      tpu.enqueue_dma source(%arg10 : memref<64x1024xf32, #tpu.memory_space<vmem>>) target(%dma_start3A_34 : memref<64x1024xf32, #tpu.memory_space<hbm>>) target_semaphore(%run_scoped3A : memref<!tpu.dma_semaphore, #tpu.memory_space<semaphore_mem>>)
      %dma_wait3A_35 = arith.constant 0 : i32
      %dma_wait3A_36 = tpu.memref_slice %arg5[%add3A_24, %dma_wait3A_35] : memref<6144x1024xf32, #tpu.memory_space<hbm>> -> memref<64x1024xf32, #tpu.memory_space<hbm>>
      %dma_wait3A_37 = arith.constant 0 : i32
      %dma_wait3A_38 = tpu.memref_slice %arg5[%add3A_24, %dma_wait3A_37] : memref<6144x1024xf32, #tpu.memory_space<hbm>> -> memref<64x1024xf32, #tpu.memory_space<hbm>>
      tpu.wait_dma2 semaphore(%run_scoped3A : memref<!tpu.dma_semaphore, #tpu.memory_space<semaphore_mem>>) src(%arg10 : memref<64x1024xf32, #tpu.memory_space<vmem>>) dst(%dma_wait3A_38 : memref<64x1024xf32, #tpu.memory_space<hbm>>)
      tpu.yield
    }) : () -> ()
    return
  }
}

#map = affine_map<(d0, d1) -> (0, 0)>
#map1 = affine_map<(d0, d1) -> (0)>
module attributes {stable_mosaic.version = 14 : i64} {
  func.func @_combine_kernel(%arg0: i32, %arg1: i32, %arg2: memref<6144x1024xf32, #tpu.memory_space<hbm>>, %arg3: memref<2048xi32, #tpu.memory_space<hbm>>, %arg4: memref<2048xi32, #tpu.memory_space<hbm>>, %arg5: memref<2048x1024xf32, #tpu.memory_space<hbm>>, %arg6: memref<2048x1024xf32, #tpu.memory_space<hbm>>, %arg7: memref<64xi32, #tpu.memory_space<vmem>>, %arg8: memref<64x1024xf32, #tpu.memory_space<vmem>>, %arg9: memref<!tpu.dma_semaphore, #tpu.memory_space<semaphore_mem>>) attributes {dimension_semantics = [#tpu.dimension_semantics<core_parallel>, #tpu.dimension_semantics<subcore_parallel>], iteration_bounds = array<i64: 2, 16>, scalar_prefetch = 0 : i64, scratch_operands = 3 : i64, tpu.core_type = #tpu.core_type<sc_vector_subcore>, window_params = [{transform_indices = #map}, {transform_indices = #map1}, {transform_indices = #map1}, {transform_indices = #map}, {transform_indices = #map}]} {
    %mul3A = arith.constant 2 : i32
    %mul3A_0 = arith.muli %arg1, %mul3A : i32
    %add3A = arith.addi %mul3A_0, %arg0 : i32
    %mul3A_1 = arith.constant 64 : i32
    %mul3A_2 = arith.muli %add3A, %mul3A_1 : i32
    "tpu.region"() ({
      %run_scoped3A = tpu.sem_alloc : memref<!tpu.dma_semaphore, #tpu.memory_space<semaphore_mem>>
      %dma_start3A_13 = tpu.memref_slice %arg3[%mul3A_2] : memref<2048xi32, #tpu.memory_space<hbm>> -> memref<64xi32, #tpu.memory_space<hbm>>
      %dma_start3A_14 = tpu.memref_slice %arg3[%mul3A_2] : memref<2048xi32, #tpu.memory_space<hbm>> -> memref<64xi32, #tpu.memory_space<hbm>>
      tpu.enqueue_dma source(%dma_start3A_14 : memref<64xi32, #tpu.memory_space<hbm>>) target(%arg7 : memref<64xi32, #tpu.memory_space<vmem>>) target_semaphore(%run_scoped3A : memref<!tpu.dma_semaphore, #tpu.memory_space<semaphore_mem>>)
      %dma_wait3A_15 = tpu.memref_slice %arg3[%mul3A_2] : memref<2048xi32, #tpu.memory_space<hbm>> -> memref<64xi32, #tpu.memory_space<hbm>>
      %dma_wait3A_16 = tpu.memref_slice %arg3[%mul3A_2] : memref<2048xi32, #tpu.memory_space<hbm>> -> memref<64xi32, #tpu.memory_space<hbm>>
      tpu.wait_dma2 semaphore(%run_scoped3A : memref<!tpu.dma_semaphore, #tpu.memory_space<semaphore_mem>>) src(%dma_wait3A_16 : memref<64xi32, #tpu.memory_space<hbm>>) dst(%arg7 : memref<64xi32, #tpu.memory_space<vmem>>)
      tpu.yield
    }) : () -> ()
    %dma_start3A = arith.constant 0 : i32
    %dma_start3A_3 = arith.constant 0 : i32
    %dma_start3A_4 = tpu.memref_slice %arg2[%dma_start3A, %dma_start3A_3] : memref<6144x1024xf32, #tpu.memory_space<hbm>> -> memref<6144x1024xf32, #tpu.memory_space<hbm>>
    tpu.enqueue_indirect_dma source(%dma_start3A_4 : memref<6144x1024xf32, #tpu.memory_space<hbm>>) target(%arg8 : memref<64x1024xf32, #tpu.memory_space<vmem>>) offsets(%arg7 : memref<64xi32, #tpu.memory_space<vmem>>) semaphore(%arg9 : memref<!tpu.dma_semaphore, #tpu.memory_space<semaphore_mem>>)
    %dma_wait3A = arith.constant 0 : i32
    %dma_wait3A_5 = arith.constant 0 : i32
    %dma_wait3A_6 = tpu.memref_slice %arg2[%dma_wait3A, %dma_wait3A_5] : memref<6144x1024xf32, #tpu.memory_space<hbm>> -> memref<6144x1024xf32, #tpu.memory_space<hbm>>
    tpu.wait_indirect_dma semaphore(%arg9 : memref<!tpu.dma_semaphore, #tpu.memory_space<semaphore_mem>>) src(%dma_wait3A_6 : memref<6144x1024xf32, #tpu.memory_space<hbm>>) dst(%arg8 : memref<64x1024xf32, #tpu.memory_space<vmem>>)
    "tpu.region"() ({
      %run_scoped3A = tpu.sem_alloc : memref<!tpu.dma_semaphore, #tpu.memory_space<semaphore_mem>>
      %dma_start3A_13 = arith.constant 0 : i32
      %dma_start3A_14 = tpu.memref_slice %arg5[%mul3A_2, %dma_start3A_13] : memref<2048x1024xf32, #tpu.memory_space<hbm>> -> memref<64x1024xf32, #tpu.memory_space<hbm>>
      %dma_start3A_15 = arith.constant 0 : i32
      %dma_start3A_16 = tpu.memref_slice %arg5[%mul3A_2, %dma_start3A_15] : memref<2048x1024xf32, #tpu.memory_space<hbm>> -> memref<64x1024xf32, #tpu.memory_space<hbm>>
      tpu.enqueue_dma source(%arg8 : memref<64x1024xf32, #tpu.memory_space<vmem>>) target(%dma_start3A_16 : memref<64x1024xf32, #tpu.memory_space<hbm>>) target_semaphore(%run_scoped3A : memref<!tpu.dma_semaphore, #tpu.memory_space<semaphore_mem>>)
      %dma_wait3A_17 = arith.constant 0 : i32
      %dma_wait3A_18 = tpu.memref_slice %arg5[%mul3A_2, %dma_wait3A_17] : memref<2048x1024xf32, #tpu.memory_space<hbm>> -> memref<64x1024xf32, #tpu.memory_space<hbm>>
      %dma_wait3A_19 = arith.constant 0 : i32
      %dma_wait3A_20 = tpu.memref_slice %arg5[%mul3A_2, %dma_wait3A_19] : memref<2048x1024xf32, #tpu.memory_space<hbm>> -> memref<64x1024xf32, #tpu.memory_space<hbm>>
      tpu.wait_dma2 semaphore(%run_scoped3A : memref<!tpu.dma_semaphore, #tpu.memory_space<semaphore_mem>>) src(%arg8 : memref<64x1024xf32, #tpu.memory_space<vmem>>) dst(%dma_wait3A_20 : memref<64x1024xf32, #tpu.memory_space<hbm>>)
      tpu.yield
    }) : () -> ()
    "tpu.region"() ({
      %run_scoped3A = tpu.sem_alloc : memref<!tpu.dma_semaphore, #tpu.memory_space<semaphore_mem>>
      %dma_start3A_13 = tpu.memref_slice %arg4[%mul3A_2] : memref<2048xi32, #tpu.memory_space<hbm>> -> memref<64xi32, #tpu.memory_space<hbm>>
      %dma_start3A_14 = tpu.memref_slice %arg4[%mul3A_2] : memref<2048xi32, #tpu.memory_space<hbm>> -> memref<64xi32, #tpu.memory_space<hbm>>
      tpu.enqueue_dma source(%dma_start3A_14 : memref<64xi32, #tpu.memory_space<hbm>>) target(%arg7 : memref<64xi32, #tpu.memory_space<vmem>>) target_semaphore(%run_scoped3A : memref<!tpu.dma_semaphore, #tpu.memory_space<semaphore_mem>>)
      %dma_wait3A_15 = tpu.memref_slice %arg4[%mul3A_2] : memref<2048xi32, #tpu.memory_space<hbm>> -> memref<64xi32, #tpu.memory_space<hbm>>
      %dma_wait3A_16 = tpu.memref_slice %arg4[%mul3A_2] : memref<2048xi32, #tpu.memory_space<hbm>> -> memref<64xi32, #tpu.memory_space<hbm>>
      tpu.wait_dma2 semaphore(%run_scoped3A : memref<!tpu.dma_semaphore, #tpu.memory_space<semaphore_mem>>) src(%dma_wait3A_16 : memref<64xi32, #tpu.memory_space<hbm>>) dst(%arg7 : memref<64xi32, #tpu.memory_space<vmem>>)
      tpu.yield
    }) : () -> ()
    %dma_start3A_7 = arith.constant 0 : i32
    %dma_start3A_8 = arith.constant 0 : i32
    %dma_start3A_9 = tpu.memref_slice %arg2[%dma_start3A_7, %dma_start3A_8] : memref<6144x1024xf32, #tpu.memory_space<hbm>> -> memref<6144x1024xf32, #tpu.memory_space<hbm>>
    tpu.enqueue_indirect_dma source(%dma_start3A_9 : memref<6144x1024xf32, #tpu.memory_space<hbm>>) target(%arg8 : memref<64x1024xf32, #tpu.memory_space<vmem>>) offsets(%arg7 : memref<64xi32, #tpu.memory_space<vmem>>) semaphore(%arg9 : memref<!tpu.dma_semaphore, #tpu.memory_space<semaphore_mem>>)
    %dma_wait3A_10 = arith.constant 0 : i32
    %dma_wait3A_11 = arith.constant 0 : i32
    %dma_wait3A_12 = tpu.memref_slice %arg2[%dma_wait3A_10, %dma_wait3A_11] : memref<6144x1024xf32, #tpu.memory_space<hbm>> -> memref<6144x1024xf32, #tpu.memory_space<hbm>>
    tpu.wait_indirect_dma semaphore(%arg9 : memref<!tpu.dma_semaphore, #tpu.memory_space<semaphore_mem>>) src(%dma_wait3A_12 : memref<6144x1024xf32, #tpu.memory_space<hbm>>) dst(%arg8 : memref<64x1024xf32, #tpu.memory_space<vmem>>)
    "tpu.region"() ({
      %run_scoped3A = tpu.sem_alloc : memref<!tpu.dma_semaphore, #tpu.memory_space<semaphore_mem>>
      %dma_start3A_13 = arith.constant 0 : i32
      %dma_start3A_14 = tpu.memref_slice %arg6[%mul3A_2, %dma_start3A_13] : memref<2048x1024xf32, #tpu.memory_space<hbm>> -> memref<64x1024xf32, #tpu.memory_space<hbm>>
      %dma_start3A_15 = arith.constant 0 : i32
      %dma_start3A_16 = tpu.memref_slice %arg6[%mul3A_2, %dma_start3A_15] : memref<2048x1024xf32, #tpu.memory_space<hbm>> -> memref<64x1024xf32, #tpu.memory_space<hbm>>
      tpu.enqueue_dma source(%arg8 : memref<64x1024xf32, #tpu.memory_space<vmem>>) target(%dma_start3A_16 : memref<64x1024xf32, #tpu.memory_space<hbm>>) target_semaphore(%run_scoped3A : memref<!tpu.dma_semaphore, #tpu.memory_space<semaphore_mem>>)
      %dma_wait3A_17 = arith.constant 0 : i32
      %dma_wait3A_18 = tpu.memref_slice %arg6[%mul3A_2, %dma_wait3A_17] : memref<2048x1024xf32, #tpu.memory_space<hbm>> -> memref<64x1024xf32, #tpu.memory_space<hbm>>
      %dma_wait3A_19 = arith.constant 0 : i32
      %dma_wait3A_20 = tpu.memref_slice %arg6[%mul3A_2, %dma_wait3A_19] : memref<2048x1024xf32, #tpu.memory_space<hbm>> -> memref<64x1024xf32, #tpu.memory_space<hbm>>
      tpu.wait_dma2 semaphore(%run_scoped3A : memref<!tpu.dma_semaphore, #tpu.memory_space<semaphore_mem>>) src(%arg8 : memref<64x1024xf32, #tpu.memory_space<vmem>>) dst(%dma_wait3A_20 : memref<64x1024xf32, #tpu.memory_space<hbm>>)
      tpu.yield
    }) : () -> ()
    return
  }
}

module attributes {stable_mosaic.version = 14 : i64} {
  func.func @_router_combine_kernel(%arg0: memref<2048x1024xf32, #tpu.memory_space<vmem>>, %arg1: memref<2048x1024xf32, #tpu.memory_space<vmem>>, %arg2: memref<2048x1xf32, #tpu.memory_space<vmem>>, %arg3: memref<2048x1xf32, #tpu.memory_space<vmem>>, %arg4: memref<8x1024xf32, #tpu.memory_space<vmem>>, %arg5: memref<2048x1xi32, #tpu.memory_space<vmem>>, %arg6: memref<2048x1xi32, #tpu.memory_space<vmem>>, %arg7: memref<2048x1xi32, #tpu.memory_space<vmem>>, %arg8: memref<2048x1xi32, #tpu.memory_space<vmem>>, %arg9: memref<2048x1xf32, #tpu.memory_space<vmem>>, %arg10: memref<2048x1xf32, #tpu.memory_space<vmem>>, %arg11: memref<1x64xi32, #tpu.memory_space<vmem>>, %arg12: memref<2048x1024xf32, #tpu.memory_space<vmem>>) attributes {dimension_semantics = [], scalar_prefetch = 0 : i64, scratch_operands = 0 : i64, tpu.core_type = #tpu.core_type<tc>} {
    %get3A = arith.constant 0 : index
    %get3A_0 = arith.constant 0 : index
    %get3A_1 = vector.load %arg0[%get3A, %get3A_0] : memref<2048x1024xf32, #tpu.memory_space<vmem>>, vector<2048x1024xf32>
    %get3A_2 = arith.constant 0 : index
    %get3A_3 = arith.constant 0 : index
    %get3A_4 = vector.load %arg2[%get3A_2, %get3A_3] : memref<2048x1xf32, #tpu.memory_space<vmem>>, vector<2048x1xf32>
    %mul3A = vector.broadcast %get3A_4 : vector<2048x1xf32> to vector<2048x1024xf32>
    %mul3A_5 = arith.mulf %get3A_1, %mul3A : vector<2048x1024xf32>
    %get3A_6 = arith.constant 0 : index
    %get3A_7 = arith.constant 0 : index
    %get3A_8 = vector.load %arg1[%get3A_6, %get3A_7] : memref<2048x1024xf32, #tpu.memory_space<vmem>>, vector<2048x1024xf32>
    %get3A_9 = arith.constant 0 : index
    %get3A_10 = arith.constant 0 : index
    %get3A_11 = vector.load %arg3[%get3A_9, %get3A_10] : memref<2048x1xf32, #tpu.memory_space<vmem>>, vector<2048x1xf32>
    %mul3A_12 = vector.broadcast %get3A_11 : vector<2048x1xf32> to vector<2048x1024xf32>
    %mul3A_13 = arith.mulf %get3A_8, %mul3A_12 : vector<2048x1024xf32>
    %add3A = arith.addf %mul3A_5, %mul3A_13 : vector<2048x1024xf32>
    %get3A_14 = arith.constant 0 : index
    %get3A_15 = arith.constant 0 : index
    %get3A_16 = vector.load %arg4[%get3A_14, %get3A_15] : memref<8x1024xf32, #tpu.memory_space<vmem>>, vector<8x1024xf32>
    %dot_general3A = arith.constant dense<0.000000e+00> : vector<2048x8xf32>
    %dot_general3A_17 = tpu.matmul %add3A, %get3A_16, %dot_general3A {dimension_numbers = #tpu.dot_dimension_numbers<[1], [1], [0], [0], [0, 0, 1, 0], [], []>, transpose_lhs_hint = false} : vector<2048x1024xf32>, vector<8x1024xf32>, vector<2048x8xf32> -> vector<2048x8xf32>
    %iota3A = tpu.iota {dimensions = array<i32: 1>} : vector<2048x8xi32>
    %reduce_max3A = arith.constant dense<0xFF800000> : vector<2048xf32>
    %reduce_max3A_18 = vector.multi_reduction <maximumf>, %dot_general3A_17, %reduce_max3A [1] : vector<2048x8xf32> to vector<2048xf32>
    %broadcast_in_dim3A = vector.shape_cast %reduce_max3A_18 : vector<2048xf32> to vector<2048x1xf32>
    %ge3A = vector.broadcast %broadcast_in_dim3A : vector<2048x1xf32> to vector<2048x8xf32>
    %ge3A_19 = arith.cmpf oge, %dot_general3A_17, %ge3A : vector<2048x8xf32>
    %jit3A = arith.constant 8 : i32
    %broadcast_in_dim3A_20 = vector.broadcast %jit3A : i32 to vector<2048x8xi32>
    %select_n3A = arith.select %ge3A_19, %iota3A, %broadcast_in_dim3A_20 : vector<2048x8xi1>, vector<2048x8xi32>
    %reduce_min3A = arith.constant dense<2147483647> : vector<2048xi32>
    %reduce_min3A_21 = vector.multi_reduction <minsi>, %select_n3A, %reduce_min3A [1] : vector<2048x8xi32> to vector<2048xi32>
    %broadcast_in_dim3A_22 = vector.shape_cast %reduce_min3A_21 : vector<2048xi32> to vector<2048x1xi32>
    %eq3A = vector.broadcast %broadcast_in_dim3A_22 : vector<2048x1xi32> to vector<2048x8xi32>
    %eq3A_23 = arith.cmpi eq, %iota3A, %eq3A : vector<2048x8xi32>
    %jit3A_24 = arith.constant 0xFF800000 : f32
    %broadcast_in_dim3A_25 = vector.broadcast %jit3A_24 : f32 to vector<2048x8xf32>
    %select_n3A_26 = arith.select %eq3A_23, %broadcast_in_dim3A_25, %dot_general3A_17 : vector<2048x8xi1>, vector<2048x8xf32>
    %reduce_max3A_27 = arith.constant dense<0xFF800000> : vector<2048xf32>
    %reduce_max3A_28 = vector.multi_reduction <maximumf>, %select_n3A_26, %reduce_max3A_27 [1] : vector<2048x8xf32> to vector<2048xf32>
    %broadcast_in_dim3A_29 = vector.shape_cast %reduce_max3A_28 : vector<2048xf32> to vector<2048x1xf32>
    %ge3A_30 = vector.broadcast %broadcast_in_dim3A_29 : vector<2048x1xf32> to vector<2048x8xf32>
    %ge3A_31 = arith.cmpf oge, %select_n3A_26, %ge3A_30 : vector<2048x8xf32>
    %jit3A_32 = arith.constant 8 : i32
    %broadcast_in_dim3A_33 = vector.broadcast %jit3A_32 : i32 to vector<2048x8xi32>
    %select_n3A_34 = arith.select %ge3A_31, %iota3A, %broadcast_in_dim3A_33 : vector<2048x8xi1>, vector<2048x8xi32>
    %reduce_min3A_35 = arith.constant dense<2147483647> : vector<2048xi32>
    %reduce_min3A_36 = vector.multi_reduction <minsi>, %select_n3A_34, %reduce_min3A_35 [1] : vector<2048x8xi32> to vector<2048xi32>
    %broadcast_in_dim3A_37 = vector.shape_cast %reduce_min3A_36 : vector<2048xi32> to vector<2048x1xi32>
    %sub3A = arith.subf %broadcast_in_dim3A_29, %broadcast_in_dim3A : vector<2048x1xf32>
    %exp3A = math.exp %sub3A : vector<2048x1xf32>
    %add3A_38 = arith.constant 1.000000e+00 : f32
    %add3A_39 = vector.broadcast %add3A_38 : f32 to vector<2048x1xf32>
    %add3A_40 = arith.addf %add3A_39, %exp3A : vector<2048x1xf32>
    %div3A = arith.constant 1.000000e+00 : f32
    %div3A_41 = vector.broadcast %div3A : f32 to vector<2048x1xf32>
    %div3A_42 = arith.divf %div3A_41, %add3A_40 : vector<2048x1xf32>
    %add3A_43 = arith.constant 1.000000e+00 : f32
    %add3A_44 = vector.broadcast %add3A_43 : f32 to vector<2048x1xf32>
    %add3A_45 = arith.addf %add3A_44, %exp3A : vector<2048x1xf32>
    %div3A_46 = arith.divf %exp3A, %add3A_45 : vector<2048x1xf32>
    %eq3A_47 = vector.broadcast %broadcast_in_dim3A_22 : vector<2048x1xi32> to vector<2048x8xi32>
    %eq3A_48 = arith.cmpi eq, %iota3A, %eq3A_47 : vector<2048x8xi32>
    %eq3A_49 = vector.broadcast %broadcast_in_dim3A_37 : vector<2048x1xi32> to vector<2048x8xi32>
    %eq3A_50 = arith.cmpi eq, %iota3A, %eq3A_49 : vector<2048x8xi32>
    %convert_element_type3A = arith.extui %eq3A_48 : vector<2048x8xi1> to vector<2048x8xi32>
    %convert_element_type3A_51 = arith.sitofp %convert_element_type3A : vector<2048x8xi32> to vector<2048x8xf32>
    %convert_element_type3A_52 = arith.extui %eq3A_50 : vector<2048x8xi1> to vector<2048x8xi32>
    %convert_element_type3A_53 = arith.sitofp %convert_element_type3A_52 : vector<2048x8xi32> to vector<2048x8xf32>
    %add3A_54 = arith.addf %convert_element_type3A_51, %convert_element_type3A_53 : vector<2048x8xf32>
    %iota3A_55 = tpu.iota {dimensions = array<i32: 0>} : vector<128x128xi32>
    %iota3A_56 = tpu.iota {dimensions = array<i32: 1>} : vector<128x128xi32>
    %lt3A = arith.cmpi slt, %iota3A_56, %iota3A_55 : vector<128x128xi32>
    %convert_element_type3A_57 = arith.extui %lt3A : vector<128x128xi1> to vector<128x128xi32>
    %convert_element_type3A_58 = arith.sitofp %convert_element_type3A_57 : vector<128x128xi32> to vector<128x128xf32>
    %broadcast_in_dim3A_59 = arith.constant 0.000000e+00 : f32
    %broadcast_in_dim3A_60 = vector.broadcast %broadcast_in_dim3A_59 : f32 to vector<1x8xf32>
    %slice3A = vector.extract_strided_slice %add3A_54 {offsets = [0, 0], sizes = [128, 8], strides = [1, 1]} : vector<2048x8xf32> to vector<128x8xf32>
    %dot_general3A_61 = arith.constant dense<0.000000e+00> : vector<128x8xf32>
    %dot_general3A_62 = tpu.matmul %convert_element_type3A_58, %slice3A, %dot_general3A_61 {dimension_numbers = #tpu.dot_dimension_numbers<[1], [0], [0], [1], [0, 0, 1, 1], [], []>, transpose_lhs_hint = false} : vector<128x128xf32>, vector<128x8xf32>, vector<128x8xf32> -> vector<128x8xf32>
    %add3A_63 = vector.broadcast %broadcast_in_dim3A_60 : vector<1x8xf32> to vector<128x8xf32>
    %add3A_64 = arith.addf %dot_general3A_62, %add3A_63 : vector<128x8xf32>
    %reduce_sum3A = arith.constant dense<0.000000e+00> : vector<8xf32>
    %reduce_sum3A_65 = vector.multi_reduction <add>, %slice3A, %reduce_sum3A [0] : vector<128x8xf32> to vector<8xf32>
    %broadcast_in_dim3A_66 = vector.shape_cast %reduce_sum3A_65 : vector<8xf32> to vector<1x8xf32>
    %add3A_67 = arith.addf %broadcast_in_dim3A_60, %broadcast_in_dim3A_66 : vector<1x8xf32>
    %slice3A_68 = vector.extract_strided_slice %add3A_54 {offsets = [128, 0], sizes = [128, 8], strides = [1, 1]} : vector<2048x8xf32> to vector<128x8xf32>
    %dot_general3A_69 = arith.constant dense<0.000000e+00> : vector<128x8xf32>
    %dot_general3A_70 = tpu.matmul %convert_element_type3A_58, %slice3A_68, %dot_general3A_69 {dimension_numbers = #tpu.dot_dimension_numbers<[1], [0], [0], [1], [0, 0, 1, 1], [], []>, transpose_lhs_hint = false} : vector<128x128xf32>, vector<128x8xf32>, vector<128x8xf32> -> vector<128x8xf32>
    %add3A_71 = vector.broadcast %add3A_67 : vector<1x8xf32> to vector<128x8xf32>
    %add3A_72 = arith.addf %dot_general3A_70, %add3A_71 : vector<128x8xf32>
    %reduce_sum3A_73 = arith.constant dense<0.000000e+00> : vector<8xf32>
    %reduce_sum3A_74 = vector.multi_reduction <add>, %slice3A_68, %reduce_sum3A_73 [0] : vector<128x8xf32> to vector<8xf32>
    %broadcast_in_dim3A_75 = vector.shape_cast %reduce_sum3A_74 : vector<8xf32> to vector<1x8xf32>
    %add3A_76 = arith.addf %add3A_67, %broadcast_in_dim3A_75 : vector<1x8xf32>
    %slice3A_77 = vector.extract_strided_slice %add3A_54 {offsets = [256, 0], sizes = [128, 8], strides = [1, 1]} : vector<2048x8xf32> to vector<128x8xf32>
    %dot_general3A_78 = arith.constant dense<0.000000e+00> : vector<128x8xf32>
    %dot_general3A_79 = tpu.matmul %convert_element_type3A_58, %slice3A_77, %dot_general3A_78 {dimension_numbers = #tpu.dot_dimension_numbers<[1], [0], [0], [1], [0, 0, 1, 1], [], []>, transpose_lhs_hint = false} : vector<128x128xf32>, vector<128x8xf32>, vector<128x8xf32> -> vector<128x8xf32>
    %add3A_80 = vector.broadcast %add3A_76 : vector<1x8xf32> to vector<128x8xf32>
    %add3A_81 = arith.addf %dot_general3A_79, %add3A_80 : vector<128x8xf32>
    %reduce_sum3A_82 = arith.constant dense<0.000000e+00> : vector<8xf32>
    %reduce_sum3A_83 = vector.multi_reduction <add>, %slice3A_77, %reduce_sum3A_82 [0] : vector<128x8xf32> to vector<8xf32>
    %broadcast_in_dim3A_84 = vector.shape_cast %reduce_sum3A_83 : vector<8xf32> to vector<1x8xf32>
    %add3A_85 = arith.addf %add3A_76, %broadcast_in_dim3A_84 : vector<1x8xf32>
    %slice3A_86 = vector.extract_strided_slice %add3A_54 {offsets = [384, 0], sizes = [128, 8], strides = [1, 1]} : vector<2048x8xf32> to vector<128x8xf32>
    %dot_general3A_87 = arith.constant dense<0.000000e+00> : vector<128x8xf32>
    %dot_general3A_88 = tpu.matmul %convert_element_type3A_58, %slice3A_86, %dot_general3A_87 {dimension_numbers = #tpu.dot_dimension_numbers<[1], [0], [0], [1], [0, 0, 1, 1], [], []>, transpose_lhs_hint = false} : vector<128x128xf32>, vector<128x8xf32>, vector<128x8xf32> -> vector<128x8xf32>
    %add3A_89 = vector.broadcast %add3A_85 : vector<1x8xf32> to vector<128x8xf32>
    %add3A_90 = arith.addf %dot_general3A_88, %add3A_89 : vector<128x8xf32>
    %reduce_sum3A_91 = arith.constant dense<0.000000e+00> : vector<8xf32>
    %reduce_sum3A_92 = vector.multi_reduction <add>, %slice3A_86, %reduce_sum3A_91 [0] : vector<128x8xf32> to vector<8xf32>
    %broadcast_in_dim3A_93 = vector.shape_cast %reduce_sum3A_92 : vector<8xf32> to vector<1x8xf32>
    %add3A_94 = arith.addf %add3A_85, %broadcast_in_dim3A_93 : vector<1x8xf32>
    %slice3A_95 = vector.extract_strided_slice %add3A_54 {offsets = [512, 0], sizes = [128, 8], strides = [1, 1]} : vector<2048x8xf32> to vector<128x8xf32>
    %dot_general3A_96 = arith.constant dense<0.000000e+00> : vector<128x8xf32>
    %dot_general3A_97 = tpu.matmul %convert_element_type3A_58, %slice3A_95, %dot_general3A_96 {dimension_numbers = #tpu.dot_dimension_numbers<[1], [0], [0], [1], [0, 0, 1, 1], [], []>, transpose_lhs_hint = false} : vector<128x128xf32>, vector<128x8xf32>, vector<128x8xf32> -> vector<128x8xf32>
    %add3A_98 = vector.broadcast %add3A_94 : vector<1x8xf32> to vector<128x8xf32>
    %add3A_99 = arith.addf %dot_general3A_97, %add3A_98 : vector<128x8xf32>
    %reduce_sum3A_100 = arith.constant dense<0.000000e+00> : vector<8xf32>
    %reduce_sum3A_101 = vector.multi_reduction <add>, %slice3A_95, %reduce_sum3A_100 [0] : vector<128x8xf32> to vector<8xf32>
    %broadcast_in_dim3A_102 = vector.shape_cast %reduce_sum3A_101 : vector<8xf32> to vector<1x8xf32>
    %add3A_103 = arith.addf %add3A_94, %broadcast_in_dim3A_102 : vector<1x8xf32>
    %slice3A_104 = vector.extract_strided_slice %add3A_54 {offsets = [640, 0], sizes = [128, 8], strides = [1, 1]} : vector<2048x8xf32> to vector<128x8xf32>
    %dot_general3A_105 = arith.constant dense<0.000000e+00> : vector<128x8xf32>
    %dot_general3A_106 = tpu.matmul %convert_element_type3A_58, %slice3A_104, %dot_general3A_105 {dimension_numbers = #tpu.dot_dimension_numbers<[1], [0], [0], [1], [0, 0, 1, 1], [], []>, transpose_lhs_hint = false} : vector<128x128xf32>, vector<128x8xf32>, vector<128x8xf32> -> vector<128x8xf32>
    %add3A_107 = vector.broadcast %add3A_103 : vector<1x8xf32> to vector<128x8xf32>
    %add3A_108 = arith.addf %dot_general3A_106, %add3A_107 : vector<128x8xf32>
    %reduce_sum3A_109 = arith.constant dense<0.000000e+00> : vector<8xf32>
    %reduce_sum3A_110 = vector.multi_reduction <add>, %slice3A_104, %reduce_sum3A_109 [0] : vector<128x8xf32> to vector<8xf32>
    %broadcast_in_dim3A_111 = vector.shape_cast %reduce_sum3A_110 : vector<8xf32> to vector<1x8xf32>
    %add3A_112 = arith.addf %add3A_103, %broadcast_in_dim3A_111 : vector<1x8xf32>
    %slice3A_113 = vector.extract_strided_slice %add3A_54 {offsets = [768, 0], sizes = [128, 8], strides = [1, 1]} : vector<2048x8xf32> to vector<128x8xf32>
    %dot_general3A_114 = arith.constant dense<0.000000e+00> : vector<128x8xf32>
    %dot_general3A_115 = tpu.matmul %convert_element_type3A_58, %slice3A_113, %dot_general3A_114 {dimension_numbers = #tpu.dot_dimension_numbers<[1], [0], [0], [1], [0, 0, 1, 1], [], []>, transpose_lhs_hint = false} : vector<128x128xf32>, vector<128x8xf32>, vector<128x8xf32> -> vector<128x8xf32>
    %add3A_116 = vector.broadcast %add3A_112 : vector<1x8xf32> to vector<128x8xf32>
    %add3A_117 = arith.addf %dot_general3A_115, %add3A_116 : vector<128x8xf32>
    %reduce_sum3A_118 = arith.constant dense<0.000000e+00> : vector<8xf32>
    %reduce_sum3A_119 = vector.multi_reduction <add>, %slice3A_113, %reduce_sum3A_118 [0] : vector<128x8xf32> to vector<8xf32>
    %broadcast_in_dim3A_120 = vector.shape_cast %reduce_sum3A_119 : vector<8xf32> to vector<1x8xf32>
    %add3A_121 = arith.addf %add3A_112, %broadcast_in_dim3A_120 : vector<1x8xf32>
    %slice3A_122 = vector.extract_strided_slice %add3A_54 {offsets = [896, 0], sizes = [128, 8], strides = [1, 1]} : vector<2048x8xf32> to vector<128x8xf32>
    %dot_general3A_123 = arith.constant dense<0.000000e+00> : vector<128x8xf32>
    %dot_general3A_124 = tpu.matmul %convert_element_type3A_58, %slice3A_122, %dot_general3A_123 {dimension_numbers = #tpu.dot_dimension_numbers<[1], [0], [0], [1], [0, 0, 1, 1], [], []>, transpose_lhs_hint = false} : vector<128x128xf32>, vector<128x8xf32>, vector<128x8xf32> -> vector<128x8xf32>
    %add3A_125 = vector.broadcast %add3A_121 : vector<1x8xf32> to vector<128x8xf32>
    %add3A_126 = arith.addf %dot_general3A_124, %add3A_125 : vector<128x8xf32>
    %reduce_sum3A_127 = arith.constant dense<0.000000e+00> : vector<8xf32>
    %reduce_sum3A_128 = vector.multi_reduction <add>, %slice3A_122, %reduce_sum3A_127 [0] : vector<128x8xf32> to vector<8xf32>
    %broadcast_in_dim3A_129 = vector.shape_cast %reduce_sum3A_128 : vector<8xf32> to vector<1x8xf32>
    %add3A_130 = arith.addf %add3A_121, %broadcast_in_dim3A_129 : vector<1x8xf32>
    %slice3A_131 = vector.extract_strided_slice %add3A_54 {offsets = [1024, 0], sizes = [128, 8], strides = [1, 1]} : vector<2048x8xf32> to vector<128x8xf32>
    %dot_general3A_132 = arith.constant dense<0.000000e+00> : vector<128x8xf32>
    %dot_general3A_133 = tpu.matmul %convert_element_type3A_58, %slice3A_131, %dot_general3A_132 {dimension_numbers = #tpu.dot_dimension_numbers<[1], [0], [0], [1], [0, 0, 1, 1], [], []>, transpose_lhs_hint = false} : vector<128x128xf32>, vector<128x8xf32>, vector<128x8xf32> -> vector<128x8xf32>
    %add3A_134 = vector.broadcast %add3A_130 : vector<1x8xf32> to vector<128x8xf32>
    %add3A_135 = arith.addf %dot_general3A_133, %add3A_134 : vector<128x8xf32>
    %reduce_sum3A_136 = arith.constant dense<0.000000e+00> : vector<8xf32>
    %reduce_sum3A_137 = vector.multi_reduction <add>, %slice3A_131, %reduce_sum3A_136 [0] : vector<128x8xf32> to vector<8xf32>
    %broadcast_in_dim3A_138 = vector.shape_cast %reduce_sum3A_137 : vector<8xf32> to vector<1x8xf32>
    %add3A_139 = arith.addf %add3A_130, %broadcast_in_dim3A_138 : vector<1x8xf32>
    %slice3A_140 = vector.extract_strided_slice %add3A_54 {offsets = [1152, 0], sizes = [128, 8], strides = [1, 1]} : vector<2048x8xf32> to vector<128x8xf32>
    %dot_general3A_141 = arith.constant dense<0.000000e+00> : vector<128x8xf32>
    %dot_general3A_142 = tpu.matmul %convert_element_type3A_58, %slice3A_140, %dot_general3A_141 {dimension_numbers = #tpu.dot_dimension_numbers<[1], [0], [0], [1], [0, 0, 1, 1], [], []>, transpose_lhs_hint = false} : vector<128x128xf32>, vector<128x8xf32>, vector<128x8xf32> -> vector<128x8xf32>
    %add3A_143 = vector.broadcast %add3A_139 : vector<1x8xf32> to vector<128x8xf32>
    %add3A_144 = arith.addf %dot_general3A_142, %add3A_143 : vector<128x8xf32>
    %reduce_sum3A_145 = arith.constant dense<0.000000e+00> : vector<8xf32>
    %reduce_sum3A_146 = vector.multi_reduction <add>, %slice3A_140, %reduce_sum3A_145 [0] : vector<128x8xf32> to vector<8xf32>
    %broadcast_in_dim3A_147 = vector.shape_cast %reduce_sum3A_146 : vector<8xf32> to vector<1x8xf32>
    %add3A_148 = arith.addf %add3A_139, %broadcast_in_dim3A_147 : vector<1x8xf32>
    %slice3A_149 = vector.extract_strided_slice %add3A_54 {offsets = [1280, 0], sizes = [128, 8], strides = [1, 1]} : vector<2048x8xf32> to vector<128x8xf32>
    %dot_general3A_150 = arith.constant dense<0.000000e+00> : vector<128x8xf32>
    %dot_general3A_151 = tpu.matmul %convert_element_type3A_58, %slice3A_149, %dot_general3A_150 {dimension_numbers = #tpu.dot_dimension_numbers<[1], [0], [0], [1], [0, 0, 1, 1], [], []>, transpose_lhs_hint = false} : vector<128x128xf32>, vector<128x8xf32>, vector<128x8xf32> -> vector<128x8xf32>
    %add3A_152 = vector.broadcast %add3A_148 : vector<1x8xf32> to vector<128x8xf32>
    %add3A_153 = arith.addf %dot_general3A_151, %add3A_152 : vector<128x8xf32>
    %reduce_sum3A_154 = arith.constant dense<0.000000e+00> : vector<8xf32>
    %reduce_sum3A_155 = vector.multi_reduction <add>, %slice3A_149, %reduce_sum3A_154 [0] : vector<128x8xf32> to vector<8xf32>
    %broadcast_in_dim3A_156 = vector.shape_cast %reduce_sum3A_155 : vector<8xf32> to vector<1x8xf32>
    %add3A_157 = arith.addf %add3A_148, %broadcast_in_dim3A_156 : vector<1x8xf32>
    %slice3A_158 = vector.extract_strided_slice %add3A_54 {offsets = [1408, 0], sizes = [128, 8], strides = [1, 1]} : vector<2048x8xf32> to vector<128x8xf32>
    %dot_general3A_159 = arith.constant dense<0.000000e+00> : vector<128x8xf32>
    %dot_general3A_160 = tpu.matmul %convert_element_type3A_58, %slice3A_158, %dot_general3A_159 {dimension_numbers = #tpu.dot_dimension_numbers<[1], [0], [0], [1], [0, 0, 1, 1], [], []>, transpose_lhs_hint = false} : vector<128x128xf32>, vector<128x8xf32>, vector<128x8xf32> -> vector<128x8xf32>
    %add3A_161 = vector.broadcast %add3A_157 : vector<1x8xf32> to vector<128x8xf32>
    %add3A_162 = arith.addf %dot_general3A_160, %add3A_161 : vector<128x8xf32>
    %reduce_sum3A_163 = arith.constant dense<0.000000e+00> : vector<8xf32>
    %reduce_sum3A_164 = vector.multi_reduction <add>, %slice3A_158, %reduce_sum3A_163 [0] : vector<128x8xf32> to vector<8xf32>
    %broadcast_in_dim3A_165 = vector.shape_cast %reduce_sum3A_164 : vector<8xf32> to vector<1x8xf32>
    %add3A_166 = arith.addf %add3A_157, %broadcast_in_dim3A_165 : vector<1x8xf32>
    %slice3A_167 = vector.extract_strided_slice %add3A_54 {offsets = [1536, 0], sizes = [128, 8], strides = [1, 1]} : vector<2048x8xf32> to vector<128x8xf32>
    %dot_general3A_168 = arith.constant dense<0.000000e+00> : vector<128x8xf32>
    %dot_general3A_169 = tpu.matmul %convert_element_type3A_58, %slice3A_167, %dot_general3A_168 {dimension_numbers = #tpu.dot_dimension_numbers<[1], [0], [0], [1], [0, 0, 1, 1], [], []>, transpose_lhs_hint = false} : vector<128x128xf32>, vector<128x8xf32>, vector<128x8xf32> -> vector<128x8xf32>
    %add3A_170 = vector.broadcast %add3A_166 : vector<1x8xf32> to vector<128x8xf32>
    %add3A_171 = arith.addf %dot_general3A_169, %add3A_170 : vector<128x8xf32>
    %reduce_sum3A_172 = arith.constant dense<0.000000e+00> : vector<8xf32>
    %reduce_sum3A_173 = vector.multi_reduction <add>, %slice3A_167, %reduce_sum3A_172 [0] : vector<128x8xf32> to vector<8xf32>
    %broadcast_in_dim3A_174 = vector.shape_cast %reduce_sum3A_173 : vector<8xf32> to vector<1x8xf32>
    %add3A_175 = arith.addf %add3A_166, %broadcast_in_dim3A_174 : vector<1x8xf32>
    %slice3A_176 = vector.extract_strided_slice %add3A_54 {offsets = [1664, 0], sizes = [128, 8], strides = [1, 1]} : vector<2048x8xf32> to vector<128x8xf32>
    %dot_general3A_177 = arith.constant dense<0.000000e+00> : vector<128x8xf32>
    %dot_general3A_178 = tpu.matmul %convert_element_type3A_58, %slice3A_176, %dot_general3A_177 {dimension_numbers = #tpu.dot_dimension_numbers<[1], [0], [0], [1], [0, 0, 1, 1], [], []>, transpose_lhs_hint = false} : vector<128x128xf32>, vector<128x8xf32>, vector<128x8xf32> -> vector<128x8xf32>
    %add3A_179 = vector.broadcast %add3A_175 : vector<1x8xf32> to vector<128x8xf32>
    %add3A_180 = arith.addf %dot_general3A_178, %add3A_179 : vector<128x8xf32>
    %reduce_sum3A_181 = arith.constant dense<0.000000e+00> : vector<8xf32>
    %reduce_sum3A_182 = vector.multi_reduction <add>, %slice3A_176, %reduce_sum3A_181 [0] : vector<128x8xf32> to vector<8xf32>
    %broadcast_in_dim3A_183 = vector.shape_cast %reduce_sum3A_182 : vector<8xf32> to vector<1x8xf32>
    %add3A_184 = arith.addf %add3A_175, %broadcast_in_dim3A_183 : vector<1x8xf32>
    %slice3A_185 = vector.extract_strided_slice %add3A_54 {offsets = [1792, 0], sizes = [128, 8], strides = [1, 1]} : vector<2048x8xf32> to vector<128x8xf32>
    %dot_general3A_186 = arith.constant dense<0.000000e+00> : vector<128x8xf32>
    %dot_general3A_187 = tpu.matmul %convert_element_type3A_58, %slice3A_185, %dot_general3A_186 {dimension_numbers = #tpu.dot_dimension_numbers<[1], [0], [0], [1], [0, 0, 1, 1], [], []>, transpose_lhs_hint = false} : vector<128x128xf32>, vector<128x8xf32>, vector<128x8xf32> -> vector<128x8xf32>
    %add3A_188 = vector.broadcast %add3A_184 : vector<1x8xf32> to vector<128x8xf32>
    %add3A_189 = arith.addf %dot_general3A_187, %add3A_188 : vector<128x8xf32>
    %reduce_sum3A_190 = arith.constant dense<0.000000e+00> : vector<8xf32>
    %reduce_sum3A_191 = vector.multi_reduction <add>, %slice3A_185, %reduce_sum3A_190 [0] : vector<128x8xf32> to vector<8xf32>
    %broadcast_in_dim3A_192 = vector.shape_cast %reduce_sum3A_191 : vector<8xf32> to vector<1x8xf32>
    %add3A_193 = arith.addf %add3A_184, %broadcast_in_dim3A_192 : vector<1x8xf32>
    %slice3A_194 = vector.extract_strided_slice %add3A_54 {offsets = [1920, 0], sizes = [128, 8], strides = [1, 1]} : vector<2048x8xf32> to vector<128x8xf32>
    %dot_general3A_195 = arith.constant dense<0.000000e+00> : vector<128x8xf32>
    %dot_general3A_196 = tpu.matmul %convert_element_type3A_58, %slice3A_194, %dot_general3A_195 {dimension_numbers = #tpu.dot_dimension_numbers<[1], [0], [0], [1], [0, 0, 1, 1], [], []>, transpose_lhs_hint = false} : vector<128x128xf32>, vector<128x8xf32>, vector<128x8xf32> -> vector<128x8xf32>
    %add3A_197 = vector.broadcast %add3A_193 : vector<1x8xf32> to vector<128x8xf32>
    %add3A_198 = arith.addf %dot_general3A_196, %add3A_197 : vector<128x8xf32>
    %reduce_sum3A_199 = arith.constant dense<0.000000e+00> : vector<8xf32>
    %reduce_sum3A_200 = vector.multi_reduction <add>, %slice3A_194, %reduce_sum3A_199 [0] : vector<128x8xf32> to vector<8xf32>
    %broadcast_in_dim3A_201 = vector.shape_cast %reduce_sum3A_200 : vector<8xf32> to vector<1x8xf32>
    %add3A_202 = arith.addf %add3A_193, %broadcast_in_dim3A_201 : vector<1x8xf32>
    %concatenate3A = tpu.concatenate %add3A_64, %add3A_72, %add3A_81, %add3A_90, %add3A_99, %add3A_108, %add3A_117, %add3A_126, %add3A_135, %add3A_144, %add3A_153, %add3A_162, %add3A_171, %add3A_180, %add3A_189, %add3A_198 in 0 : vector<128x8xf32>, vector<128x8xf32>, vector<128x8xf32>, vector<128x8xf32>, vector<128x8xf32>, vector<128x8xf32>, vector<128x8xf32>, vector<128x8xf32>, vector<128x8xf32>, vector<128x8xf32>, vector<128x8xf32>, vector<128x8xf32>, vector<128x8xf32>, vector<128x8xf32>, vector<128x8xf32>, vector<128x8xf32> -> vector<2048x8xf32>
    %min3A = arith.constant 1.024000e+03 : f32
    %min3A_203 = vector.broadcast %min3A : f32 to vector<1x8xf32>
    %min3A_204 = arith.minimumf %add3A_202, %min3A_203 : vector<1x8xf32>
    %add3A_205 = arith.constant 2.550000e+02 : f32
    %add3A_206 = vector.broadcast %add3A_205 : f32 to vector<1x8xf32>
    %add3A_207 = arith.addf %min3A_204, %add3A_206 : vector<1x8xf32>
    %div3A_208 = arith.constant 2.560000e+02 : f32
    %div3A_209 = vector.broadcast %div3A_208 : f32 to vector<1x8xf32>
    %div3A_210 = arith.divf %add3A_207, %div3A_209 : vector<1x8xf32>
    %floor3A = math.floor %div3A_210 : vector<1x8xf32>
    %mul3A_211 = arith.constant 2.560000e+02 : f32
    %mul3A_212 = vector.broadcast %mul3A_211 : f32 to vector<1x8xf32>
    %mul3A_213 = arith.mulf %floor3A, %mul3A_212 : vector<1x8xf32>
    %iota3A_214 = tpu.iota {dimensions = array<i32: 0>} : vector<8x8xi32>
    %iota3A_215 = tpu.iota {dimensions = array<i32: 1>} : vector<8x8xi32>
    %lt3A_216 = arith.cmpi slt, %iota3A_214, %iota3A_215 : vector<8x8xi32>
    %convert_element_type3A_217 = arith.extui %lt3A_216 : vector<8x8xi1> to vector<8x8xi32>
    %convert_element_type3A_218 = arith.sitofp %convert_element_type3A_217 : vector<8x8xi32> to vector<8x8xf32>
    %dot_general3A_219 = arith.constant dense<0.000000e+00> : vector<1x8xf32>
    %dot_general3A_220 = tpu.matmul %mul3A_213, %convert_element_type3A_218, %dot_general3A_219 {dimension_numbers = #tpu.dot_dimension_numbers<[1], [0], [0], [1], [0, 0, 1, 1], [], []>, transpose_lhs_hint = false} : vector<1x8xf32>, vector<8x8xf32>, vector<1x8xf32> -> vector<1x8xf32>
    %reduce_sum3A_221 = arith.constant dense<0.000000e+00> : vector<1xf32>
    %reduce_sum3A_222 = vector.multi_reduction <add>, %mul3A_213, %reduce_sum3A_221 [1] : vector<1x8xf32> to vector<1xf32>
    %broadcast_in_dim3A_223 = vector.shape_cast %reduce_sum3A_222 : vector<1xf32> to vector<1x1xf32>
    %jit3A_224 = arith.constant 0.000000e+00 : f32
    %broadcast_in_dim3A_225 = vector.broadcast %jit3A_224 : f32 to vector<2048x8xf32>
    %select_n3A_226 = arith.select %eq3A_48, %concatenate3A, %broadcast_in_dim3A_225 : vector<2048x8xi1>, vector<2048x8xf32>
    %reduce_sum3A_227 = arith.constant dense<0.000000e+00> : vector<2048xf32>
    %reduce_sum3A_228 = vector.multi_reduction <add>, %select_n3A_226, %reduce_sum3A_227 [1] : vector<2048x8xf32> to vector<2048xf32>
    %broadcast_in_dim3A_229 = vector.shape_cast %reduce_sum3A_228 : vector<2048xf32> to vector<2048x1xf32>
    %jit3A_230 = arith.constant 0.000000e+00 : f32
    %broadcast_in_dim3A_231 = vector.broadcast %jit3A_230 : f32 to vector<2048x8xf32>
    %select_n3A_232 = arith.select %eq3A_50, %concatenate3A, %broadcast_in_dim3A_231 : vector<2048x8xi1>, vector<2048x8xf32>
    %reduce_sum3A_233 = arith.constant dense<0.000000e+00> : vector<2048xf32>
    %reduce_sum3A_234 = vector.multi_reduction <add>, %select_n3A_232, %reduce_sum3A_233 [1] : vector<2048x8xf32> to vector<2048xf32>
    %broadcast_in_dim3A_235 = vector.shape_cast %reduce_sum3A_234 : vector<2048xf32> to vector<2048x1xf32>
    %broadcast_in_dim3A_236 = vector.shape_cast %dot_general3A_220 : vector<1x8xf32> to vector<1x8xf32>
    %broadcast_in_dim3A_237 = vector.broadcast %broadcast_in_dim3A_236 : vector<1x8xf32> to vector<2048x8xf32>
    %jit3A_238 = arith.constant 0.000000e+00 : f32
    %broadcast_in_dim3A_239 = vector.broadcast %jit3A_238 : f32 to vector<2048x8xf32>
    %select_n3A_240 = arith.select %eq3A_48, %broadcast_in_dim3A_237, %broadcast_in_dim3A_239 : vector<2048x8xi1>, vector<2048x8xf32>
    %reduce_sum3A_241 = arith.constant dense<0.000000e+00> : vector<2048xf32>
    %reduce_sum3A_242 = vector.multi_reduction <add>, %select_n3A_240, %reduce_sum3A_241 [1] : vector<2048x8xf32> to vector<2048xf32>
    %broadcast_in_dim3A_243 = vector.shape_cast %reduce_sum3A_242 : vector<2048xf32> to vector<2048x1xf32>
    %broadcast_in_dim3A_244 = vector.shape_cast %dot_general3A_220 : vector<1x8xf32> to vector<1x8xf32>
    %broadcast_in_dim3A_245 = vector.broadcast %broadcast_in_dim3A_244 : vector<1x8xf32> to vector<2048x8xf32>
    %jit3A_246 = arith.constant 0.000000e+00 : f32
    %broadcast_in_dim3A_247 = vector.broadcast %jit3A_246 : f32 to vector<2048x8xf32>
    %select_n3A_248 = arith.select %eq3A_50, %broadcast_in_dim3A_245, %broadcast_in_dim3A_247 : vector<2048x8xi1>, vector<2048x8xf32>
    %reduce_sum3A_249 = arith.constant dense<0.000000e+00> : vector<2048xf32>
    %reduce_sum3A_250 = vector.multi_reduction <add>, %select_n3A_248, %reduce_sum3A_249 [1] : vector<2048x8xf32> to vector<2048xf32>
    %broadcast_in_dim3A_251 = vector.shape_cast %reduce_sum3A_250 : vector<2048xf32> to vector<2048x1xf32>
    %lt3A_252 = arith.constant 1.024000e+03 : f32
    %lt3A_253 = vector.broadcast %lt3A_252 : f32 to vector<2048x1xf32>
    %lt3A_254 = arith.cmpf olt, %broadcast_in_dim3A_229, %lt3A_253 : vector<2048x1xf32>
    %lt3A_255 = arith.constant 1.024000e+03 : f32
    %lt3A_256 = vector.broadcast %lt3A_255 : f32 to vector<2048x1xf32>
    %lt3A_257 = arith.cmpf olt, %broadcast_in_dim3A_235, %lt3A_256 : vector<2048x1xf32>
    %add3A_258 = arith.addf %broadcast_in_dim3A_243, %broadcast_in_dim3A_229 : vector<2048x1xf32>
    %convert_element_type3A_259 = arith.fptosi %add3A_258 : vector<2048x1xf32> to vector<2048x1xi32>
    %add3A_260 = arith.addf %broadcast_in_dim3A_251, %broadcast_in_dim3A_235 : vector<2048x1xf32>
    %convert_element_type3A_261 = arith.fptosi %add3A_260 : vector<2048x1xf32> to vector<2048x1xi32>
    %jit3A_262 = arith.constant 6176 : i32
    %broadcast_in_dim3A_263 = vector.broadcast %jit3A_262 : i32 to vector<2048x1xi32>
    %select_n3A_264 = arith.select %lt3A_254, %convert_element_type3A_259, %broadcast_in_dim3A_263 : vector<2048x1xi1>, vector<2048x1xi32>
    %swap3A = arith.constant 0 : index
    %swap3A_265 = arith.constant 0 : index
    %swap3A_266 = vector.load %arg5[%swap3A, %swap3A_265] : memref<2048x1xi32, #tpu.memory_space<vmem>>, vector<2048x1xi32>
    tpu.vector_store %arg5[%swap3A, %swap3A_265], %select_n3A_264 {strides = array<i32>} : memref<2048x1xi32, #tpu.memory_space<vmem>>, vector<2048x1xi32>,
    %jit3A_267 = arith.constant 6176 : i32
    %broadcast_in_dim3A_268 = vector.broadcast %jit3A_267 : i32 to vector<2048x1xi32>
    %select_n3A_269 = arith.select %lt3A_257, %convert_element_type3A_261, %broadcast_in_dim3A_268 : vector<2048x1xi1>, vector<2048x1xi32>
    %swap3A_270 = arith.constant 0 : index
    %swap3A_271 = arith.constant 0 : index
    %swap3A_272 = vector.load %arg6[%swap3A_270, %swap3A_271] : memref<2048x1xi32, #tpu.memory_space<vmem>>, vector<2048x1xi32>
    tpu.vector_store %arg6[%swap3A_270, %swap3A_271], %select_n3A_269 {strides = array<i32>} : memref<2048x1xi32, #tpu.memory_space<vmem>>, vector<2048x1xi32>,
    %jit3A_273 = arith.constant 0 : i32
    %broadcast_in_dim3A_274 = vector.broadcast %jit3A_273 : i32 to vector<2048x1xi32>
    %select_n3A_275 = arith.select %lt3A_254, %convert_element_type3A_259, %broadcast_in_dim3A_274 : vector<2048x1xi1>, vector<2048x1xi32>
    %swap3A_276 = arith.constant 0 : index
    %swap3A_277 = arith.constant 0 : index
    %swap3A_278 = vector.load %arg7[%swap3A_276, %swap3A_277] : memref<2048x1xi32, #tpu.memory_space<vmem>>, vector<2048x1xi32>
    tpu.vector_store %arg7[%swap3A_276, %swap3A_277], %select_n3A_275 {strides = array<i32>} : memref<2048x1xi32, #tpu.memory_space<vmem>>, vector<2048x1xi32>,
    %jit3A_279 = arith.constant 0 : i32
    %broadcast_in_dim3A_280 = vector.broadcast %jit3A_279 : i32 to vector<2048x1xi32>
    %select_n3A_281 = arith.select %lt3A_257, %convert_element_type3A_261, %broadcast_in_dim3A_280 : vector<2048x1xi1>, vector<2048x1xi32>
    %swap3A_282 = arith.constant 0 : index
    %swap3A_283 = arith.constant 0 : index
    %swap3A_284 = vector.load %arg8[%swap3A_282, %swap3A_283] : memref<2048x1xi32, #tpu.memory_space<vmem>>, vector<2048x1xi32>
    tpu.vector_store %arg8[%swap3A_282, %swap3A_283], %select_n3A_281 {strides = array<i32>} : memref<2048x1xi32, #tpu.memory_space<vmem>>, vector<2048x1xi32>,
    %jit3A_285 = arith.constant 0.000000e+00 : f32
    %broadcast_in_dim3A_286 = vector.broadcast %jit3A_285 : f32 to vector<2048x1xf32>
    %select_n3A_287 = arith.select %lt3A_254, %div3A_42, %broadcast_in_dim3A_286 : vector<2048x1xi1>, vector<2048x1xf32>
    %swap3A_288 = arith.constant 0 : index
    %swap3A_289 = arith.constant 0 : index
    %swap3A_290 = vector.load %arg9[%swap3A_288, %swap3A_289] : memref<2048x1xf32, #tpu.memory_space<vmem>>, vector<2048x1xf32>
    tpu.vector_store %arg9[%swap3A_288, %swap3A_289], %select_n3A_287 {strides = array<i32>} : memref<2048x1xf32, #tpu.memory_space<vmem>>, vector<2048x1xf32>,
    %jit3A_291 = arith.constant 0.000000e+00 : f32
    %broadcast_in_dim3A_292 = vector.broadcast %jit3A_291 : f32 to vector<2048x1xf32>
    %select_n3A_293 = arith.select %lt3A_257, %div3A_46, %broadcast_in_dim3A_292 : vector<2048x1xi1>, vector<2048x1xf32>
    %swap3A_294 = arith.constant 0 : index
    %swap3A_295 = arith.constant 0 : index
    %swap3A_296 = vector.load %arg10[%swap3A_294, %swap3A_295] : memref<2048x1xf32, #tpu.memory_space<vmem>>, vector<2048x1xf32>
    tpu.vector_store %arg10[%swap3A_294, %swap3A_295], %select_n3A_293 {strides = array<i32>} : memref<2048x1xf32, #tpu.memory_space<vmem>>, vector<2048x1xf32>,
    %iota3A_297 = tpu.iota {dimensions = array<i32: 0>} : vector<8x8xi32>
    %iota3A_298 = tpu.iota {dimensions = array<i32: 1>} : vector<8x8xi32>
    %add3A_299 = arith.constant 0 : i32
    %add3A_300 = vector.broadcast %add3A_299 : i32 to vector<8x8xi32>
    %add3A_301 = arith.addi %iota3A_297, %add3A_300 : vector<8x8xi32>
    %eq3A_302 = arith.cmpi eq, %add3A_301, %iota3A_298 : vector<8x8xi32>
    %convert_element_type3A_303 = arith.extui %eq3A_302 : vector<8x8xi1> to vector<8x8xi32>
    %convert_element_type3A_304 = arith.sitofp %convert_element_type3A_303 : vector<8x8xi32> to vector<8x8xf32>
    %dot_general3A_305 = arith.constant dense<0.000000e+00> : vector<8x1xf32>
    %dot_general3A_306 = tpu.matmul %convert_element_type3A_304, %dot_general3A_220, %dot_general3A_305 {dimension_numbers = #tpu.dot_dimension_numbers<[1], [1], [0], [0], [0, 0, 1, 0], [], []>, transpose_lhs_hint = false} : vector<8x8xf32>, vector<1x8xf32>, vector<8x1xf32> -> vector<8x1xf32>
    %iota3A_307 = tpu.iota {dimensions = array<i32: 1>} : vector<1x32xi32>
    %convert_element_type3A_308 = arith.sitofp %iota3A_307 : vector<1x32xi32> to vector<1x32xf32>
    %mul3A_309 = arith.constant 2.560000e+02 : f32
    %mul3A_310 = vector.broadcast %mul3A_309 : f32 to vector<1x32xf32>
    %mul3A_311 = arith.mulf %convert_element_type3A_308, %mul3A_310 : vector<1x32xf32>
    %broadcast_in_dim3A_312 = vector.shape_cast %dot_general3A_306 : vector<8x1xf32> to vector<8x1xf32>
    %broadcast_in_dim3A_313 = vector.broadcast %broadcast_in_dim3A_312 : vector<8x1xf32> to vector<8x32xf32>
    %broadcast_in_dim3A_314 = vector.shape_cast %mul3A_311 : vector<1x32xf32> to vector<1x32xf32>
    %broadcast_in_dim3A_315 = vector.broadcast %broadcast_in_dim3A_314 : vector<1x32xf32> to vector<8x32xf32>
    %le3A = arith.cmpf ole, %broadcast_in_dim3A_313, %broadcast_in_dim3A_315 : vector<8x32xf32>
    %convert_element_type3A_316 = arith.extui %le3A : vector<8x32xi1> to vector<8x32xi32>
    %convert_element_type3A_317 = arith.sitofp %convert_element_type3A_316 : vector<8x32xi32> to vector<8x32xf32>
    %reduce_sum3A_318 = arith.constant dense<0.000000e+00> : vector<32xf32>
    %reduce_sum3A_319 = vector.multi_reduction <add>, %convert_element_type3A_317, %reduce_sum3A_318 [0] : vector<8x32xf32> to vector<32xf32>
    %broadcast_in_dim3A_320 = vector.shape_cast %reduce_sum3A_319 : vector<32xf32> to vector<1x32xf32>
    %sub3A_321 = arith.constant 1.000000e+00 : f32
    %sub3A_322 = vector.broadcast %sub3A_321 : f32 to vector<1x32xf32>
    %sub3A_323 = arith.subf %broadcast_in_dim3A_320, %sub3A_322 : vector<1x32xf32>
    %jit3A_324 = arith.constant 0.000000e+00 : f32
    %jit3A_325 = arith.constant 7.000000e+00 : f32
    %max3A = vector.broadcast %jit3A_324 : f32 to vector<1x32xf32>
    %max3A_326 = arith.maximumf %max3A, %sub3A_323 : vector<1x32xf32>
    %min3A_327 = vector.broadcast %jit3A_325 : f32 to vector<1x32xf32>
    %min3A_328 = arith.minimumf %min3A_327, %max3A_326 : vector<1x32xf32>
    %div3A_329 = arith.constant 2.560000e+02 : f32
    %div3A_330 = vector.broadcast %div3A_329 : f32 to vector<1x1xf32>
    %div3A_331 = arith.divf %broadcast_in_dim3A_223, %div3A_330 : vector<1x1xf32>
    %broadcast_in_dim3A_332 = vector.shape_cast %div3A_331 : vector<1x1xf32> to vector<1x1xf32>
    %broadcast_in_dim3A_333 = vector.broadcast %broadcast_in_dim3A_332 : vector<1x1xf32> to vector<1x32xf32>
    %concatenate3A_334 = tpu.concatenate %min3A_328, %broadcast_in_dim3A_333 in 1 : vector<1x32xf32>, vector<1x32xf32> -> vector<1x64xf32>
    %convert_element_type3A_335 = arith.fptosi %concatenate3A_334 : vector<1x64xf32> to vector<1x64xi32>
    %swap3A_336 = arith.constant 0 : index
    %swap3A_337 = arith.constant 0 : index
    %swap3A_338 = vector.load %arg11[%swap3A_336, %swap3A_337] : memref<1x64xi32, #tpu.memory_space<vmem>>, vector<1x64xi32>
    tpu.vector_store %arg11[%swap3A_336, %swap3A_337], %convert_element_type3A_335 {strides = array<i32>} : memref<1x64xi32, #tpu.memory_space<vmem>>, vector<1x64xi32>,
    %swap3A_339 = arith.constant 0 : index
    %swap3A_340 = arith.constant 0 : index
    %swap3A_341 = vector.load %arg12[%swap3A_339, %swap3A_340] : memref<2048x1024xf32, #tpu.memory_space<vmem>>, vector<2048x1024xf32>
    tpu.vector_store %arg12[%swap3A_339, %swap3A_340], %add3A {strides = array<i32>} : memref<2048x1024xf32, #tpu.memory_space<vmem>>, vector<2048x1024xf32>,
    return
  }
}

module attributes {stable_mosaic.version = 14 : i64} {
  func.func @_ffn_kernel(%arg0: i32, %arg1: memref<64xi32, #tpu.memory_space<smem>>, %arg2: memref<256x1024xf32, #tpu.memory_space<vmem>>, %arg3: memref<1x1024x2048xf32, #tpu.memory_space<vmem>>, %arg4: memref<1x1024x1024xf32, #tpu.memory_space<vmem>>, %arg5: memref<256x1024xf32, #tpu.memory_space<vmem>>) attributes {dimension_semantics = [#tpu.dimension_semantics<arbitrary>], iteration_bounds = array<i64: 24>, scalar_prefetch = 1 : i64, scratch_operands = 0 : i64, tpu.core_type = #tpu.core_type<tc>, window_params = [{transform_indices = @transform_0, window_bounds = array<i64: 256, 1024>}, {transform_indices = @transform_1, window_bounds = array<i64: 1, 1024, 2048>}, {transform_indices = @transform_2, window_bounds = array<i64: 1, 1024, 1024>}, {transform_indices = @transform_3, window_bounds = array<i64: 256, 1024>}]} {
    %get3A = arith.constant 32 : index
    %get3A_0 = memref.load %arg1[%get3A] : memref<64xi32, #tpu.memory_space<smem>>
    %lt3A = arith.cmpi slt, %arg0, %get3A_0 : i32
    %convert_element_type3A = arith.extui %lt3A : i1 to i32
    %cond3A = arith.constant 0 : i32
    %cond3A_1 = arith.cmpi ne, %convert_element_type3A, %cond3A : i32
    scf.if %cond3A_1 {
      %get3A_2 = arith.constant 0 : index
      %get3A_3 = arith.constant 0 : index
      %get3A_4 = vector.load %arg2[%get3A_2, %get3A_3] : memref<256x1024xf32, #tpu.memory_space<vmem>>, vector<256x1024xf32>
      %get3A_5 = arith.constant 0 : index
      %get3A_6 = arith.constant 0 : index
      %get3A_7 = arith.constant 0 : index
      %get3A_8 = vector.load %arg3[%get3A_5, %get3A_6, %get3A_7] : memref<1x1024x2048xf32, #tpu.memory_space<vmem>>, vector<1x1024x2048xf32>
      %get3A_9 = vector.shape_cast %get3A_8 : vector<1x1024x2048xf32> to vector<1024x2048xf32>
      %dot_general3A = arith.constant dense<0.000000e+00> : vector<256x2048xf32>
      %dot_general3A_10 = tpu.matmul %get3A_4, %get3A_9, %dot_general3A {dimension_numbers = #tpu.dot_dimension_numbers<[1], [0], [0], [1], [0, 0, 1, 1], [], []>, transpose_lhs_hint = false} : vector<256x1024xf32>, vector<1024x2048xf32>, vector<256x2048xf32> -> vector<256x2048xf32>
      %slice3A = vector.extract_strided_slice %dot_general3A_10 {offsets = [0, 0], sizes = [256, 1024], strides = [1, 1]} : vector<256x2048xf32> to vector<256x1024xf32>
      %slice3A_11 = vector.extract_strided_slice %dot_general3A_10 {offsets = [0, 1024], sizes = [256, 1024], strides = [1, 1]} : vector<256x2048xf32> to vector<256x1024xf32>
      %neg3A = arith.constant 0.000000e+00 : f32
      %neg3A_12 = vector.broadcast %neg3A : f32 to vector<256x1024xf32>
      %neg3A_13 = arith.subf %neg3A_12, %slice3A : vector<256x1024xf32>
      %exp3A = math.exp %neg3A_13 : vector<256x1024xf32>
      %add3A = arith.constant 1.000000e+00 : f32
      %add3A_14 = vector.broadcast %add3A : f32 to vector<256x1024xf32>
      %add3A_15 = arith.addf %add3A_14, %exp3A : vector<256x1024xf32>
      %div3A = arith.divf %slice3A, %add3A_15 : vector<256x1024xf32>
      %mul3A = arith.mulf %div3A, %slice3A_11 : vector<256x1024xf32>
      %get3A_16 = arith.constant 0 : index
      %get3A_17 = arith.constant 0 : index
      %get3A_18 = arith.constant 0 : index
      %get3A_19 = vector.load %arg4[%get3A_16, %get3A_17, %get3A_18] : memref<1x1024x1024xf32, #tpu.memory_space<vmem>>, vector<1x1024x1024xf32>
      %get3A_20 = vector.shape_cast %get3A_19 : vector<1x1024x1024xf32> to vector<1024x1024xf32>
      %dot_general3A_21 = arith.constant dense<0.000000e+00> : vector<256x1024xf32>
      %dot_general3A_22 = tpu.matmul %mul3A, %get3A_20, %dot_general3A_21 {dimension_numbers = #tpu.dot_dimension_numbers<[1], [0], [0], [1], [0, 0, 1, 1], [], []>, transpose_lhs_hint = false} : vector<256x1024xf32>, vector<1024x1024xf32>, vector<256x1024xf32> -> vector<256x1024xf32>
      %swap3A = arith.constant 0 : index
      %swap3A_23 = arith.constant 0 : index
      %swap3A_24 = vector.load %arg5[%swap3A, %swap3A_23] : memref<256x1024xf32, #tpu.memory_space<vmem>>, vector<256x1024xf32>
      tpu.vector_store %arg5[%swap3A, %swap3A_23], %dot_general3A_22 {strides = array<i32>} : memref<256x1024xf32, #tpu.memory_space<vmem>>, vector<256x1024xf32>,
    } else {
    }
    return
  }
  func.func @transform_0(%arg0: i32, %arg1: memref<64xi32, #tpu.memory_space<smem>>) -> (i32, i32) {
    %c0_i32 = arith.constant 0 : i32
    %c0_i32_0 = arith.constant 0 : i32
    return %arg0, %c0_i32 : i32, i32
  }
  func.func @transform_1(%arg0: i32, %arg1: memref<64xi32, #tpu.memory_space<smem>>) -> (i32, i32, i32) {
    %get3A = arith.index_cast %arg0 : i32 to index
    %get3A_0 = memref.load %arg1[%get3A] : memref<64xi32, #tpu.memory_space<smem>>
    %c0_i32 = arith.constant 0 : i32
    %c0_i32_1 = arith.constant 0 : i32
    %c0_i32_2 = arith.constant 0 : i32
    return %get3A_0, %c0_i32, %c0_i32_1 : i32, i32, i32
  }
  func.func @transform_2(%arg0: i32, %arg1: memref<64xi32, #tpu.memory_space<smem>>) -> (i32, i32, i32) {
    %get3A = arith.index_cast %arg0 : i32 to index
    %get3A_0 = memref.load %arg1[%get3A] : memref<64xi32, #tpu.memory_space<smem>>
    %c0_i32 = arith.constant 0 : i32
    %c0_i32_1 = arith.constant 0 : i32
    %c0_i32_2 = arith.constant 0 : i32
    return %get3A_0, %c0_i32, %c0_i32_1 : i32, i32, i32
  }
  func.func @transform_3(%arg0: i32, %arg1: memref<64xi32, #tpu.memory_space<smem>>) -> (i32, i32) {
    %c0_i32 = arith.constant 0 : i32
    %c0_i32_0 = arith.constant 0 : i32
    return %arg0, %c0_i32 : i32, i32
  }
}

module attributes {stable_mosaic.version = 14 : i64} {
  func.func @_router_first_kernel(%arg0: memref<2048x1024xf32, #tpu.memory_space<vmem>>, %arg1: memref<8x1024xf32, #tpu.memory_space<vmem>>, %arg2: memref<2048x1xi32, #tpu.memory_space<vmem>>, %arg3: memref<2048x1xi32, #tpu.memory_space<vmem>>, %arg4: memref<2048x1xi32, #tpu.memory_space<vmem>>, %arg5: memref<2048x1xi32, #tpu.memory_space<vmem>>, %arg6: memref<2048x1xf32, #tpu.memory_space<vmem>>, %arg7: memref<2048x1xf32, #tpu.memory_space<vmem>>, %arg8: memref<1x64xi32, #tpu.memory_space<vmem>>) attributes {dimension_semantics = [], scalar_prefetch = 0 : i64, scratch_operands = 0 : i64, tpu.core_type = #tpu.core_type<tc>} {
    %get3A = arith.constant 0 : index
    %get3A_0 = arith.constant 0 : index
    %get3A_1 = vector.load %arg0[%get3A, %get3A_0] : memref<2048x1024xf32, #tpu.memory_space<vmem>>, vector<2048x1024xf32>
    %get3A_2 = arith.constant 0 : index
    %get3A_3 = arith.constant 0 : index
    %get3A_4 = vector.load %arg1[%get3A_2, %get3A_3] : memref<8x1024xf32, #tpu.memory_space<vmem>>, vector<8x1024xf32>
    %dot_general3A = arith.constant dense<0.000000e+00> : vector<2048x8xf32>
    %dot_general3A_5 = tpu.matmul %get3A_1, %get3A_4, %dot_general3A {dimension_numbers = #tpu.dot_dimension_numbers<[1], [1], [0], [0], [0, 0, 1, 0], [], []>, transpose_lhs_hint = false} : vector<2048x1024xf32>, vector<8x1024xf32>, vector<2048x8xf32> -> vector<2048x8xf32>
    %iota3A = tpu.iota {dimensions = array<i32: 1>} : vector<2048x8xi32>
    %reduce_max3A = arith.constant dense<0xFF800000> : vector<2048xf32>
    %reduce_max3A_6 = vector.multi_reduction <maximumf>, %dot_general3A_5, %reduce_max3A [1] : vector<2048x8xf32> to vector<2048xf32>
    %broadcast_in_dim3A = vector.shape_cast %reduce_max3A_6 : vector<2048xf32> to vector<2048x1xf32>
    %ge3A = vector.broadcast %broadcast_in_dim3A : vector<2048x1xf32> to vector<2048x8xf32>
    %ge3A_7 = arith.cmpf oge, %dot_general3A_5, %ge3A : vector<2048x8xf32>
    %jit3A = arith.constant 8 : i32
    %broadcast_in_dim3A_8 = vector.broadcast %jit3A : i32 to vector<2048x8xi32>
    %select_n3A = arith.select %ge3A_7, %iota3A, %broadcast_in_dim3A_8 : vector<2048x8xi1>, vector<2048x8xi32>
    %reduce_min3A = arith.constant dense<2147483647> : vector<2048xi32>
    %reduce_min3A_9 = vector.multi_reduction <minsi>, %select_n3A, %reduce_min3A [1] : vector<2048x8xi32> to vector<2048xi32>
    %broadcast_in_dim3A_10 = vector.shape_cast %reduce_min3A_9 : vector<2048xi32> to vector<2048x1xi32>
    %eq3A = vector.broadcast %broadcast_in_dim3A_10 : vector<2048x1xi32> to vector<2048x8xi32>
    %eq3A_11 = arith.cmpi eq, %iota3A, %eq3A : vector<2048x8xi32>
    %jit3A_12 = arith.constant 0xFF800000 : f32
    %broadcast_in_dim3A_13 = vector.broadcast %jit3A_12 : f32 to vector<2048x8xf32>
    %select_n3A_14 = arith.select %eq3A_11, %broadcast_in_dim3A_13, %dot_general3A_5 : vector<2048x8xi1>, vector<2048x8xf32>
    %reduce_max3A_15 = arith.constant dense<0xFF800000> : vector<2048xf32>
    %reduce_max3A_16 = vector.multi_reduction <maximumf>, %select_n3A_14, %reduce_max3A_15 [1] : vector<2048x8xf32> to vector<2048xf32>
    %broadcast_in_dim3A_17 = vector.shape_cast %reduce_max3A_16 : vector<2048xf32> to vector<2048x1xf32>
    %ge3A_18 = vector.broadcast %broadcast_in_dim3A_17 : vector<2048x1xf32> to vector<2048x8xf32>
    %ge3A_19 = arith.cmpf oge, %select_n3A_14, %ge3A_18 : vector<2048x8xf32>
    %jit3A_20 = arith.constant 8 : i32
    %broadcast_in_dim3A_21 = vector.broadcast %jit3A_20 : i32 to vector<2048x8xi32>
    %select_n3A_22 = arith.select %ge3A_19, %iota3A, %broadcast_in_dim3A_21 : vector<2048x8xi1>, vector<2048x8xi32>
    %reduce_min3A_23 = arith.constant dense<2147483647> : vector<2048xi32>
    %reduce_min3A_24 = vector.multi_reduction <minsi>, %select_n3A_22, %reduce_min3A_23 [1] : vector<2048x8xi32> to vector<2048xi32>
    %broadcast_in_dim3A_25 = vector.shape_cast %reduce_min3A_24 : vector<2048xi32> to vector<2048x1xi32>
    %sub3A = arith.subf %broadcast_in_dim3A_17, %broadcast_in_dim3A : vector<2048x1xf32>
    %exp3A = math.exp %sub3A : vector<2048x1xf32>
    %add3A = arith.constant 1.000000e+00 : f32
    %add3A_26 = vector.broadcast %add3A : f32 to vector<2048x1xf32>
    %add3A_27 = arith.addf %add3A_26, %exp3A : vector<2048x1xf32>
    %div3A = arith.constant 1.000000e+00 : f32
    %div3A_28 = vector.broadcast %div3A : f32 to vector<2048x1xf32>
    %div3A_29 = arith.divf %div3A_28, %add3A_27 : vector<2048x1xf32>
    %add3A_30 = arith.constant 1.000000e+00 : f32
    %add3A_31 = vector.broadcast %add3A_30 : f32 to vector<2048x1xf32>
    %add3A_32 = arith.addf %add3A_31, %exp3A : vector<2048x1xf32>
    %div3A_33 = arith.divf %exp3A, %add3A_32 : vector<2048x1xf32>
    %eq3A_34 = vector.broadcast %broadcast_in_dim3A_10 : vector<2048x1xi32> to vector<2048x8xi32>
    %eq3A_35 = arith.cmpi eq, %iota3A, %eq3A_34 : vector<2048x8xi32>
    %eq3A_36 = vector.broadcast %broadcast_in_dim3A_25 : vector<2048x1xi32> to vector<2048x8xi32>
    %eq3A_37 = arith.cmpi eq, %iota3A, %eq3A_36 : vector<2048x8xi32>
    %convert_element_type3A = arith.extui %eq3A_35 : vector<2048x8xi1> to vector<2048x8xi32>
    %convert_element_type3A_38 = arith.sitofp %convert_element_type3A : vector<2048x8xi32> to vector<2048x8xf32>
    %convert_element_type3A_39 = arith.extui %eq3A_37 : vector<2048x8xi1> to vector<2048x8xi32>
    %convert_element_type3A_40 = arith.sitofp %convert_element_type3A_39 : vector<2048x8xi32> to vector<2048x8xf32>
    %add3A_41 = arith.addf %convert_element_type3A_38, %convert_element_type3A_40 : vector<2048x8xf32>
    %iota3A_42 = tpu.iota {dimensions = array<i32: 0>} : vector<128x128xi32>
    %iota3A_43 = tpu.iota {dimensions = array<i32: 1>} : vector<128x128xi32>
    %lt3A = arith.cmpi slt, %iota3A_43, %iota3A_42 : vector<128x128xi32>
    %convert_element_type3A_44 = arith.extui %lt3A : vector<128x128xi1> to vector<128x128xi32>
    %convert_element_type3A_45 = arith.sitofp %convert_element_type3A_44 : vector<128x128xi32> to vector<128x128xf32>
    %broadcast_in_dim3A_46 = arith.constant 0.000000e+00 : f32
    %broadcast_in_dim3A_47 = vector.broadcast %broadcast_in_dim3A_46 : f32 to vector<1x8xf32>
    %slice3A = vector.extract_strided_slice %add3A_41 {offsets = [0, 0], sizes = [128, 8], strides = [1, 1]} : vector<2048x8xf32> to vector<128x8xf32>
    %dot_general3A_48 = arith.constant dense<0.000000e+00> : vector<128x8xf32>
    %dot_general3A_49 = tpu.matmul %convert_element_type3A_45, %slice3A, %dot_general3A_48 {dimension_numbers = #tpu.dot_dimension_numbers<[1], [0], [0], [1], [0, 0, 1, 1], [], []>, transpose_lhs_hint = false} : vector<128x128xf32>, vector<128x8xf32>, vector<128x8xf32> -> vector<128x8xf32>
    %add3A_50 = vector.broadcast %broadcast_in_dim3A_47 : vector<1x8xf32> to vector<128x8xf32>
    %add3A_51 = arith.addf %dot_general3A_49, %add3A_50 : vector<128x8xf32>
    %reduce_sum3A = arith.constant dense<0.000000e+00> : vector<8xf32>
    %reduce_sum3A_52 = vector.multi_reduction <add>, %slice3A, %reduce_sum3A [0] : vector<128x8xf32> to vector<8xf32>
    %broadcast_in_dim3A_53 = vector.shape_cast %reduce_sum3A_52 : vector<8xf32> to vector<1x8xf32>
    %add3A_54 = arith.addf %broadcast_in_dim3A_47, %broadcast_in_dim3A_53 : vector<1x8xf32>
    %slice3A_55 = vector.extract_strided_slice %add3A_41 {offsets = [128, 0], sizes = [128, 8], strides = [1, 1]} : vector<2048x8xf32> to vector<128x8xf32>
    %dot_general3A_56 = arith.constant dense<0.000000e+00> : vector<128x8xf32>
    %dot_general3A_57 = tpu.matmul %convert_element_type3A_45, %slice3A_55, %dot_general3A_56 {dimension_numbers = #tpu.dot_dimension_numbers<[1], [0], [0], [1], [0, 0, 1, 1], [], []>, transpose_lhs_hint = false} : vector<128x128xf32>, vector<128x8xf32>, vector<128x8xf32> -> vector<128x8xf32>
    %add3A_58 = vector.broadcast %add3A_54 : vector<1x8xf32> to vector<128x8xf32>
    %add3A_59 = arith.addf %dot_general3A_57, %add3A_58 : vector<128x8xf32>
    %reduce_sum3A_60 = arith.constant dense<0.000000e+00> : vector<8xf32>
    %reduce_sum3A_61 = vector.multi_reduction <add>, %slice3A_55, %reduce_sum3A_60 [0] : vector<128x8xf32> to vector<8xf32>
    %broadcast_in_dim3A_62 = vector.shape_cast %reduce_sum3A_61 : vector<8xf32> to vector<1x8xf32>
    %add3A_63 = arith.addf %add3A_54, %broadcast_in_dim3A_62 : vector<1x8xf32>
    %slice3A_64 = vector.extract_strided_slice %add3A_41 {offsets = [256, 0], sizes = [128, 8], strides = [1, 1]} : vector<2048x8xf32> to vector<128x8xf32>
    %dot_general3A_65 = arith.constant dense<0.000000e+00> : vector<128x8xf32>
    %dot_general3A_66 = tpu.matmul %convert_element_type3A_45, %slice3A_64, %dot_general3A_65 {dimension_numbers = #tpu.dot_dimension_numbers<[1], [0], [0], [1], [0, 0, 1, 1], [], []>, transpose_lhs_hint = false} : vector<128x128xf32>, vector<128x8xf32>, vector<128x8xf32> -> vector<128x8xf32>
    %add3A_67 = vector.broadcast %add3A_63 : vector<1x8xf32> to vector<128x8xf32>
    %add3A_68 = arith.addf %dot_general3A_66, %add3A_67 : vector<128x8xf32>
    %reduce_sum3A_69 = arith.constant dense<0.000000e+00> : vector<8xf32>
    %reduce_sum3A_70 = vector.multi_reduction <add>, %slice3A_64, %reduce_sum3A_69 [0] : vector<128x8xf32> to vector<8xf32>
    %broadcast_in_dim3A_71 = vector.shape_cast %reduce_sum3A_70 : vector<8xf32> to vector<1x8xf32>
    %add3A_72 = arith.addf %add3A_63, %broadcast_in_dim3A_71 : vector<1x8xf32>
    %slice3A_73 = vector.extract_strided_slice %add3A_41 {offsets = [384, 0], sizes = [128, 8], strides = [1, 1]} : vector<2048x8xf32> to vector<128x8xf32>
    %dot_general3A_74 = arith.constant dense<0.000000e+00> : vector<128x8xf32>
    %dot_general3A_75 = tpu.matmul %convert_element_type3A_45, %slice3A_73, %dot_general3A_74 {dimension_numbers = #tpu.dot_dimension_numbers<[1], [0], [0], [1], [0, 0, 1, 1], [], []>, transpose_lhs_hint = false} : vector<128x128xf32>, vector<128x8xf32>, vector<128x8xf32> -> vector<128x8xf32>
    %add3A_76 = vector.broadcast %add3A_72 : vector<1x8xf32> to vector<128x8xf32>
    %add3A_77 = arith.addf %dot_general3A_75, %add3A_76 : vector<128x8xf32>
    %reduce_sum3A_78 = arith.constant dense<0.000000e+00> : vector<8xf32>
    %reduce_sum3A_79 = vector.multi_reduction <add>, %slice3A_73, %reduce_sum3A_78 [0] : vector<128x8xf32> to vector<8xf32>
    %broadcast_in_dim3A_80 = vector.shape_cast %reduce_sum3A_79 : vector<8xf32> to vector<1x8xf32>
    %add3A_81 = arith.addf %add3A_72, %broadcast_in_dim3A_80 : vector<1x8xf32>
    %slice3A_82 = vector.extract_strided_slice %add3A_41 {offsets = [512, 0], sizes = [128, 8], strides = [1, 1]} : vector<2048x8xf32> to vector<128x8xf32>
    %dot_general3A_83 = arith.constant dense<0.000000e+00> : vector<128x8xf32>
    %dot_general3A_84 = tpu.matmul %convert_element_type3A_45, %slice3A_82, %dot_general3A_83 {dimension_numbers = #tpu.dot_dimension_numbers<[1], [0], [0], [1], [0, 0, 1, 1], [], []>, transpose_lhs_hint = false} : vector<128x128xf32>, vector<128x8xf32>, vector<128x8xf32> -> vector<128x8xf32>
    %add3A_85 = vector.broadcast %add3A_81 : vector<1x8xf32> to vector<128x8xf32>
    %add3A_86 = arith.addf %dot_general3A_84, %add3A_85 : vector<128x8xf32>
    %reduce_sum3A_87 = arith.constant dense<0.000000e+00> : vector<8xf32>
    %reduce_sum3A_88 = vector.multi_reduction <add>, %slice3A_82, %reduce_sum3A_87 [0] : vector<128x8xf32> to vector<8xf32>
    %broadcast_in_dim3A_89 = vector.shape_cast %reduce_sum3A_88 : vector<8xf32> to vector<1x8xf32>
    %add3A_90 = arith.addf %add3A_81, %broadcast_in_dim3A_89 : vector<1x8xf32>
    %slice3A_91 = vector.extract_strided_slice %add3A_41 {offsets = [640, 0], sizes = [128, 8], strides = [1, 1]} : vector<2048x8xf32> to vector<128x8xf32>
    %dot_general3A_92 = arith.constant dense<0.000000e+00> : vector<128x8xf32>
    %dot_general3A_93 = tpu.matmul %convert_element_type3A_45, %slice3A_91, %dot_general3A_92 {dimension_numbers = #tpu.dot_dimension_numbers<[1], [0], [0], [1], [0, 0, 1, 1], [], []>, transpose_lhs_hint = false} : vector<128x128xf32>, vector<128x8xf32>, vector<128x8xf32> -> vector<128x8xf32>
    %add3A_94 = vector.broadcast %add3A_90 : vector<1x8xf32> to vector<128x8xf32>
    %add3A_95 = arith.addf %dot_general3A_93, %add3A_94 : vector<128x8xf32>
    %reduce_sum3A_96 = arith.constant dense<0.000000e+00> : vector<8xf32>
    %reduce_sum3A_97 = vector.multi_reduction <add>, %slice3A_91, %reduce_sum3A_96 [0] : vector<128x8xf32> to vector<8xf32>
    %broadcast_in_dim3A_98 = vector.shape_cast %reduce_sum3A_97 : vector<8xf32> to vector<1x8xf32>
    %add3A_99 = arith.addf %add3A_90, %broadcast_in_dim3A_98 : vector<1x8xf32>
    %slice3A_100 = vector.extract_strided_slice %add3A_41 {offsets = [768, 0], sizes = [128, 8], strides = [1, 1]} : vector<2048x8xf32> to vector<128x8xf32>
    %dot_general3A_101 = arith.constant dense<0.000000e+00> : vector<128x8xf32>
    %dot_general3A_102 = tpu.matmul %convert_element_type3A_45, %slice3A_100, %dot_general3A_101 {dimension_numbers = #tpu.dot_dimension_numbers<[1], [0], [0], [1], [0, 0, 1, 1], [], []>, transpose_lhs_hint = false} : vector<128x128xf32>, vector<128x8xf32>, vector<128x8xf32> -> vector<128x8xf32>
    %add3A_103 = vector.broadcast %add3A_99 : vector<1x8xf32> to vector<128x8xf32>
    %add3A_104 = arith.addf %dot_general3A_102, %add3A_103 : vector<128x8xf32>
    %reduce_sum3A_105 = arith.constant dense<0.000000e+00> : vector<8xf32>
    %reduce_sum3A_106 = vector.multi_reduction <add>, %slice3A_100, %reduce_sum3A_105 [0] : vector<128x8xf32> to vector<8xf32>
    %broadcast_in_dim3A_107 = vector.shape_cast %reduce_sum3A_106 : vector<8xf32> to vector<1x8xf32>
    %add3A_108 = arith.addf %add3A_99, %broadcast_in_dim3A_107 : vector<1x8xf32>
    %slice3A_109 = vector.extract_strided_slice %add3A_41 {offsets = [896, 0], sizes = [128, 8], strides = [1, 1]} : vector<2048x8xf32> to vector<128x8xf32>
    %dot_general3A_110 = arith.constant dense<0.000000e+00> : vector<128x8xf32>
    %dot_general3A_111 = tpu.matmul %convert_element_type3A_45, %slice3A_109, %dot_general3A_110 {dimension_numbers = #tpu.dot_dimension_numbers<[1], [0], [0], [1], [0, 0, 1, 1], [], []>, transpose_lhs_hint = false} : vector<128x128xf32>, vector<128x8xf32>, vector<128x8xf32> -> vector<128x8xf32>
    %add3A_112 = vector.broadcast %add3A_108 : vector<1x8xf32> to vector<128x8xf32>
    %add3A_113 = arith.addf %dot_general3A_111, %add3A_112 : vector<128x8xf32>
    %reduce_sum3A_114 = arith.constant dense<0.000000e+00> : vector<8xf32>
    %reduce_sum3A_115 = vector.multi_reduction <add>, %slice3A_109, %reduce_sum3A_114 [0] : vector<128x8xf32> to vector<8xf32>
    %broadcast_in_dim3A_116 = vector.shape_cast %reduce_sum3A_115 : vector<8xf32> to vector<1x8xf32>
    %add3A_117 = arith.addf %add3A_108, %broadcast_in_dim3A_116 : vector<1x8xf32>
    %slice3A_118 = vector.extract_strided_slice %add3A_41 {offsets = [1024, 0], sizes = [128, 8], strides = [1, 1]} : vector<2048x8xf32> to vector<128x8xf32>
    %dot_general3A_119 = arith.constant dense<0.000000e+00> : vector<128x8xf32>
    %dot_general3A_120 = tpu.matmul %convert_element_type3A_45, %slice3A_118, %dot_general3A_119 {dimension_numbers = #tpu.dot_dimension_numbers<[1], [0], [0], [1], [0, 0, 1, 1], [], []>, transpose_lhs_hint = false} : vector<128x128xf32>, vector<128x8xf32>, vector<128x8xf32> -> vector<128x8xf32>
    %add3A_121 = vector.broadcast %add3A_117 : vector<1x8xf32> to vector<128x8xf32>
    %add3A_122 = arith.addf %dot_general3A_120, %add3A_121 : vector<128x8xf32>
    %reduce_sum3A_123 = arith.constant dense<0.000000e+00> : vector<8xf32>
    %reduce_sum3A_124 = vector.multi_reduction <add>, %slice3A_118, %reduce_sum3A_123 [0] : vector<128x8xf32> to vector<8xf32>
    %broadcast_in_dim3A_125 = vector.shape_cast %reduce_sum3A_124 : vector<8xf32> to vector<1x8xf32>
    %add3A_126 = arith.addf %add3A_117, %broadcast_in_dim3A_125 : vector<1x8xf32>
    %slice3A_127 = vector.extract_strided_slice %add3A_41 {offsets = [1152, 0], sizes = [128, 8], strides = [1, 1]} : vector<2048x8xf32> to vector<128x8xf32>
    %dot_general3A_128 = arith.constant dense<0.000000e+00> : vector<128x8xf32>
    %dot_general3A_129 = tpu.matmul %convert_element_type3A_45, %slice3A_127, %dot_general3A_128 {dimension_numbers = #tpu.dot_dimension_numbers<[1], [0], [0], [1], [0, 0, 1, 1], [], []>, transpose_lhs_hint = false} : vector<128x128xf32>, vector<128x8xf32>, vector<128x8xf32> -> vector<128x8xf32>
    %add3A_130 = vector.broadcast %add3A_126 : vector<1x8xf32> to vector<128x8xf32>
    %add3A_131 = arith.addf %dot_general3A_129, %add3A_130 : vector<128x8xf32>
    %reduce_sum3A_132 = arith.constant dense<0.000000e+00> : vector<8xf32>
    %reduce_sum3A_133 = vector.multi_reduction <add>, %slice3A_127, %reduce_sum3A_132 [0] : vector<128x8xf32> to vector<8xf32>
    %broadcast_in_dim3A_134 = vector.shape_cast %reduce_sum3A_133 : vector<8xf32> to vector<1x8xf32>
    %add3A_135 = arith.addf %add3A_126, %broadcast_in_dim3A_134 : vector<1x8xf32>
    %slice3A_136 = vector.extract_strided_slice %add3A_41 {offsets = [1280, 0], sizes = [128, 8], strides = [1, 1]} : vector<2048x8xf32> to vector<128x8xf32>
    %dot_general3A_137 = arith.constant dense<0.000000e+00> : vector<128x8xf32>
    %dot_general3A_138 = tpu.matmul %convert_element_type3A_45, %slice3A_136, %dot_general3A_137 {dimension_numbers = #tpu.dot_dimension_numbers<[1], [0], [0], [1], [0, 0, 1, 1], [], []>, transpose_lhs_hint = false} : vector<128x128xf32>, vector<128x8xf32>, vector<128x8xf32> -> vector<128x8xf32>
    %add3A_139 = vector.broadcast %add3A_135 : vector<1x8xf32> to vector<128x8xf32>
    %add3A_140 = arith.addf %dot_general3A_138, %add3A_139 : vector<128x8xf32>
    %reduce_sum3A_141 = arith.constant dense<0.000000e+00> : vector<8xf32>
    %reduce_sum3A_142 = vector.multi_reduction <add>, %slice3A_136, %reduce_sum3A_141 [0] : vector<128x8xf32> to vector<8xf32>
    %broadcast_in_dim3A_143 = vector.shape_cast %reduce_sum3A_142 : vector<8xf32> to vector<1x8xf32>
    %add3A_144 = arith.addf %add3A_135, %broadcast_in_dim3A_143 : vector<1x8xf32>
    %slice3A_145 = vector.extract_strided_slice %add3A_41 {offsets = [1408, 0], sizes = [128, 8], strides = [1, 1]} : vector<2048x8xf32> to vector<128x8xf32>
    %dot_general3A_146 = arith.constant dense<0.000000e+00> : vector<128x8xf32>
    %dot_general3A_147 = tpu.matmul %convert_element_type3A_45, %slice3A_145, %dot_general3A_146 {dimension_numbers = #tpu.dot_dimension_numbers<[1], [0], [0], [1], [0, 0, 1, 1], [], []>, transpose_lhs_hint = false} : vector<128x128xf32>, vector<128x8xf32>, vector<128x8xf32> -> vector<128x8xf32>
    %add3A_148 = vector.broadcast %add3A_144 : vector<1x8xf32> to vector<128x8xf32>
    %add3A_149 = arith.addf %dot_general3A_147, %add3A_148 : vector<128x8xf32>
    %reduce_sum3A_150 = arith.constant dense<0.000000e+00> : vector<8xf32>
    %reduce_sum3A_151 = vector.multi_reduction <add>, %slice3A_145, %reduce_sum3A_150 [0] : vector<128x8xf32> to vector<8xf32>
    %broadcast_in_dim3A_152 = vector.shape_cast %reduce_sum3A_151 : vector<8xf32> to vector<1x8xf32>
    %add3A_153 = arith.addf %add3A_144, %broadcast_in_dim3A_152 : vector<1x8xf32>
    %slice3A_154 = vector.extract_strided_slice %add3A_41 {offsets = [1536, 0], sizes = [128, 8], strides = [1, 1]} : vector<2048x8xf32> to vector<128x8xf32>
    %dot_general3A_155 = arith.constant dense<0.000000e+00> : vector<128x8xf32>
    %dot_general3A_156 = tpu.matmul %convert_element_type3A_45, %slice3A_154, %dot_general3A_155 {dimension_numbers = #tpu.dot_dimension_numbers<[1], [0], [0], [1], [0, 0, 1, 1], [], []>, transpose_lhs_hint = false} : vector<128x128xf32>, vector<128x8xf32>, vector<128x8xf32> -> vector<128x8xf32>
    %add3A_157 = vector.broadcast %add3A_153 : vector<1x8xf32> to vector<128x8xf32>
    %add3A_158 = arith.addf %dot_general3A_156, %add3A_157 : vector<128x8xf32>
    %reduce_sum3A_159 = arith.constant dense<0.000000e+00> : vector<8xf32>
    %reduce_sum3A_160 = vector.multi_reduction <add>, %slice3A_154, %reduce_sum3A_159 [0] : vector<128x8xf32> to vector<8xf32>
    %broadcast_in_dim3A_161 = vector.shape_cast %reduce_sum3A_160 : vector<8xf32> to vector<1x8xf32>
    %add3A_162 = arith.addf %add3A_153, %broadcast_in_dim3A_161 : vector<1x8xf32>
    %slice3A_163 = vector.extract_strided_slice %add3A_41 {offsets = [1664, 0], sizes = [128, 8], strides = [1, 1]} : vector<2048x8xf32> to vector<128x8xf32>
    %dot_general3A_164 = arith.constant dense<0.000000e+00> : vector<128x8xf32>
    %dot_general3A_165 = tpu.matmul %convert_element_type3A_45, %slice3A_163, %dot_general3A_164 {dimension_numbers = #tpu.dot_dimension_numbers<[1], [0], [0], [1], [0, 0, 1, 1], [], []>, transpose_lhs_hint = false} : vector<128x128xf32>, vector<128x8xf32>, vector<128x8xf32> -> vector<128x8xf32>
    %add3A_166 = vector.broadcast %add3A_162 : vector<1x8xf32> to vector<128x8xf32>
    %add3A_167 = arith.addf %dot_general3A_165, %add3A_166 : vector<128x8xf32>
    %reduce_sum3A_168 = arith.constant dense<0.000000e+00> : vector<8xf32>
    %reduce_sum3A_169 = vector.multi_reduction <add>, %slice3A_163, %reduce_sum3A_168 [0] : vector<128x8xf32> to vector<8xf32>
    %broadcast_in_dim3A_170 = vector.shape_cast %reduce_sum3A_169 : vector<8xf32> to vector<1x8xf32>
    %add3A_171 = arith.addf %add3A_162, %broadcast_in_dim3A_170 : vector<1x8xf32>
    %slice3A_172 = vector.extract_strided_slice %add3A_41 {offsets = [1792, 0], sizes = [128, 8], strides = [1, 1]} : vector<2048x8xf32> to vector<128x8xf32>
    %dot_general3A_173 = arith.constant dense<0.000000e+00> : vector<128x8xf32>
    %dot_general3A_174 = tpu.matmul %convert_element_type3A_45, %slice3A_172, %dot_general3A_173 {dimension_numbers = #tpu.dot_dimension_numbers<[1], [0], [0], [1], [0, 0, 1, 1], [], []>, transpose_lhs_hint = false} : vector<128x128xf32>, vector<128x8xf32>, vector<128x8xf32> -> vector<128x8xf32>
    %add3A_175 = vector.broadcast %add3A_171 : vector<1x8xf32> to vector<128x8xf32>
    %add3A_176 = arith.addf %dot_general3A_174, %add3A_175 : vector<128x8xf32>
    %reduce_sum3A_177 = arith.constant dense<0.000000e+00> : vector<8xf32>
    %reduce_sum3A_178 = vector.multi_reduction <add>, %slice3A_172, %reduce_sum3A_177 [0] : vector<128x8xf32> to vector<8xf32>
    %broadcast_in_dim3A_179 = vector.shape_cast %reduce_sum3A_178 : vector<8xf32> to vector<1x8xf32>
    %add3A_180 = arith.addf %add3A_171, %broadcast_in_dim3A_179 : vector<1x8xf32>
    %slice3A_181 = vector.extract_strided_slice %add3A_41 {offsets = [1920, 0], sizes = [128, 8], strides = [1, 1]} : vector<2048x8xf32> to vector<128x8xf32>
    %dot_general3A_182 = arith.constant dense<0.000000e+00> : vector<128x8xf32>
    %dot_general3A_183 = tpu.matmul %convert_element_type3A_45, %slice3A_181, %dot_general3A_182 {dimension_numbers = #tpu.dot_dimension_numbers<[1], [0], [0], [1], [0, 0, 1, 1], [], []>, transpose_lhs_hint = false} : vector<128x128xf32>, vector<128x8xf32>, vector<128x8xf32> -> vector<128x8xf32>
    %add3A_184 = vector.broadcast %add3A_180 : vector<1x8xf32> to vector<128x8xf32>
    %add3A_185 = arith.addf %dot_general3A_183, %add3A_184 : vector<128x8xf32>
    %reduce_sum3A_186 = arith.constant dense<0.000000e+00> : vector<8xf32>
    %reduce_sum3A_187 = vector.multi_reduction <add>, %slice3A_181, %reduce_sum3A_186 [0] : vector<128x8xf32> to vector<8xf32>
    %broadcast_in_dim3A_188 = vector.shape_cast %reduce_sum3A_187 : vector<8xf32> to vector<1x8xf32>
    %add3A_189 = arith.addf %add3A_180, %broadcast_in_dim3A_188 : vector<1x8xf32>
    %concatenate3A = tpu.concatenate %add3A_51, %add3A_59, %add3A_68, %add3A_77, %add3A_86, %add3A_95, %add3A_104, %add3A_113, %add3A_122, %add3A_131, %add3A_140, %add3A_149, %add3A_158, %add3A_167, %add3A_176, %add3A_185 in 0 : vector<128x8xf32>, vector<128x8xf32>, vector<128x8xf32>, vector<128x8xf32>, vector<128x8xf32>, vector<128x8xf32>, vector<128x8xf32>, vector<128x8xf32>, vector<128x8xf32>, vector<128x8xf32>, vector<128x8xf32>, vector<128x8xf32>, vector<128x8xf32>, vector<128x8xf32>, vector<128x8xf32>, vector<128x8xf32> -> vector<2048x8xf32>
    %min3A = arith.constant 1.024000e+03 : f32
    %min3A_190 = vector.broadcast %min3A : f32 to vector<1x8xf32>
    %min3A_191 = arith.minimumf %add3A_189, %min3A_190 : vector<1x8xf32>
    %add3A_192 = arith.constant 2.550000e+02 : f32
    %add3A_193 = vector.broadcast %add3A_192 : f32 to vector<1x8xf32>
    %add3A_194 = arith.addf %min3A_191, %add3A_193 : vector<1x8xf32>
    %div3A_195 = arith.constant 2.560000e+02 : f32
    %div3A_196 = vector.broadcast %div3A_195 : f32 to vector<1x8xf32>
    %div3A_197 = arith.divf %add3A_194, %div3A_196 : vector<1x8xf32>
    %floor3A = math.floor %div3A_197 : vector<1x8xf32>
    %mul3A = arith.constant 2.560000e+02 : f32
    %mul3A_198 = vector.broadcast %mul3A : f32 to vector<1x8xf32>
    %mul3A_199 = arith.mulf %floor3A, %mul3A_198 : vector<1x8xf32>
    %iota3A_200 = tpu.iota {dimensions = array<i32: 0>} : vector<8x8xi32>
    %iota3A_201 = tpu.iota {dimensions = array<i32: 1>} : vector<8x8xi32>
    %lt3A_202 = arith.cmpi slt, %iota3A_200, %iota3A_201 : vector<8x8xi32>
    %convert_element_type3A_203 = arith.extui %lt3A_202 : vector<8x8xi1> to vector<8x8xi32>
    %convert_element_type3A_204 = arith.sitofp %convert_element_type3A_203 : vector<8x8xi32> to vector<8x8xf32>
    %dot_general3A_205 = arith.constant dense<0.000000e+00> : vector<1x8xf32>
    %dot_general3A_206 = tpu.matmul %mul3A_199, %convert_element_type3A_204, %dot_general3A_205 {dimension_numbers = #tpu.dot_dimension_numbers<[1], [0], [0], [1], [0, 0, 1, 1], [], []>, transpose_lhs_hint = false} : vector<1x8xf32>, vector<8x8xf32>, vector<1x8xf32> -> vector<1x8xf32>
    %reduce_sum3A_207 = arith.constant dense<0.000000e+00> : vector<1xf32>
    %reduce_sum3A_208 = vector.multi_reduction <add>, %mul3A_199, %reduce_sum3A_207 [1] : vector<1x8xf32> to vector<1xf32>
    %broadcast_in_dim3A_209 = vector.shape_cast %reduce_sum3A_208 : vector<1xf32> to vector<1x1xf32>
    %jit3A_210 = arith.constant 0.000000e+00 : f32
    %broadcast_in_dim3A_211 = vector.broadcast %jit3A_210 : f32 to vector<2048x8xf32>
    %select_n3A_212 = arith.select %eq3A_35, %concatenate3A, %broadcast_in_dim3A_211 : vector<2048x8xi1>, vector<2048x8xf32>
    %reduce_sum3A_213 = arith.constant dense<0.000000e+00> : vector<2048xf32>
    %reduce_sum3A_214 = vector.multi_reduction <add>, %select_n3A_212, %reduce_sum3A_213 [1] : vector<2048x8xf32> to vector<2048xf32>
    %broadcast_in_dim3A_215 = vector.shape_cast %reduce_sum3A_214 : vector<2048xf32> to vector<2048x1xf32>
    %jit3A_216 = arith.constant 0.000000e+00 : f32
    %broadcast_in_dim3A_217 = vector.broadcast %jit3A_216 : f32 to vector<2048x8xf32>
    %select_n3A_218 = arith.select %eq3A_37, %concatenate3A, %broadcast_in_dim3A_217 : vector<2048x8xi1>, vector<2048x8xf32>
    %reduce_sum3A_219 = arith.constant dense<0.000000e+00> : vector<2048xf32>
    %reduce_sum3A_220 = vector.multi_reduction <add>, %select_n3A_218, %reduce_sum3A_219 [1] : vector<2048x8xf32> to vector<2048xf32>
    %broadcast_in_dim3A_221 = vector.shape_cast %reduce_sum3A_220 : vector<2048xf32> to vector<2048x1xf32>
    %broadcast_in_dim3A_222 = vector.shape_cast %dot_general3A_206 : vector<1x8xf32> to vector<1x8xf32>
    %broadcast_in_dim3A_223 = vector.broadcast %broadcast_in_dim3A_222 : vector<1x8xf32> to vector<2048x8xf32>
    %jit3A_224 = arith.constant 0.000000e+00 : f32
    %broadcast_in_dim3A_225 = vector.broadcast %jit3A_224 : f32 to vector<2048x8xf32>
    %select_n3A_226 = arith.select %eq3A_35, %broadcast_in_dim3A_223, %broadcast_in_dim3A_225 : vector<2048x8xi1>, vector<2048x8xf32>
    %reduce_sum3A_227 = arith.constant dense<0.000000e+00> : vector<2048xf32>
    %reduce_sum3A_228 = vector.multi_reduction <add>, %select_n3A_226, %reduce_sum3A_227 [1] : vector<2048x8xf32> to vector<2048xf32>
    %broadcast_in_dim3A_229 = vector.shape_cast %reduce_sum3A_228 : vector<2048xf32> to vector<2048x1xf32>
    %broadcast_in_dim3A_230 = vector.shape_cast %dot_general3A_206 : vector<1x8xf32> to vector<1x8xf32>
    %broadcast_in_dim3A_231 = vector.broadcast %broadcast_in_dim3A_230 : vector<1x8xf32> to vector<2048x8xf32>
    %jit3A_232 = arith.constant 0.000000e+00 : f32
    %broadcast_in_dim3A_233 = vector.broadcast %jit3A_232 : f32 to vector<2048x8xf32>
    %select_n3A_234 = arith.select %eq3A_37, %broadcast_in_dim3A_231, %broadcast_in_dim3A_233 : vector<2048x8xi1>, vector<2048x8xf32>
    %reduce_sum3A_235 = arith.constant dense<0.000000e+00> : vector<2048xf32>
    %reduce_sum3A_236 = vector.multi_reduction <add>, %select_n3A_234, %reduce_sum3A_235 [1] : vector<2048x8xf32> to vector<2048xf32>
    %broadcast_in_dim3A_237 = vector.shape_cast %reduce_sum3A_236 : vector<2048xf32> to vector<2048x1xf32>
    %lt3A_238 = arith.constant 1.024000e+03 : f32
    %lt3A_239 = vector.broadcast %lt3A_238 : f32 to vector<2048x1xf32>
    %lt3A_240 = arith.cmpf olt, %broadcast_in_dim3A_215, %lt3A_239 : vector<2048x1xf32>
    %lt3A_241 = arith.constant 1.024000e+03 : f32
    %lt3A_242 = vector.broadcast %lt3A_241 : f32 to vector<2048x1xf32>
    %lt3A_243 = arith.cmpf olt, %broadcast_in_dim3A_221, %lt3A_242 : vector<2048x1xf32>
    %add3A_244 = arith.addf %broadcast_in_dim3A_229, %broadcast_in_dim3A_215 : vector<2048x1xf32>
    %convert_element_type3A_245 = arith.fptosi %add3A_244 : vector<2048x1xf32> to vector<2048x1xi32>
    %add3A_246 = arith.addf %broadcast_in_dim3A_237, %broadcast_in_dim3A_221 : vector<2048x1xf32>
    %convert_element_type3A_247 = arith.fptosi %add3A_246 : vector<2048x1xf32> to vector<2048x1xi32>
    %jit3A_248 = arith.constant 6176 : i32
    %broadcast_in_dim3A_249 = vector.broadcast %jit3A_248 : i32 to vector<2048x1xi32>
    %select_n3A_250 = arith.select %lt3A_240, %convert_element_type3A_245, %broadcast_in_dim3A_249 : vector<2048x1xi1>, vector<2048x1xi32>
    %swap3A = arith.constant 0 : index
    %swap3A_251 = arith.constant 0 : index
    %swap3A_252 = vector.load %arg2[%swap3A, %swap3A_251] : memref<2048x1xi32, #tpu.memory_space<vmem>>, vector<2048x1xi32>
    tpu.vector_store %arg2[%swap3A, %swap3A_251], %select_n3A_250 {strides = array<i32>} : memref<2048x1xi32, #tpu.memory_space<vmem>>, vector<2048x1xi32>,
    %jit3A_253 = arith.constant 6176 : i32
    %broadcast_in_dim3A_254 = vector.broadcast %jit3A_253 : i32 to vector<2048x1xi32>
    %select_n3A_255 = arith.select %lt3A_243, %convert_element_type3A_247, %broadcast_in_dim3A_254 : vector<2048x1xi1>, vector<2048x1xi32>
    %swap3A_256 = arith.constant 0 : index
    %swap3A_257 = arith.constant 0 : index
    %swap3A_258 = vector.load %arg3[%swap3A_256, %swap3A_257] : memref<2048x1xi32, #tpu.memory_space<vmem>>, vector<2048x1xi32>
    tpu.vector_store %arg3[%swap3A_256, %swap3A_257], %select_n3A_255 {strides = array<i32>} : memref<2048x1xi32, #tpu.memory_space<vmem>>, vector<2048x1xi32>,
    %jit3A_259 = arith.constant 0 : i32
    %broadcast_in_dim3A_260 = vector.broadcast %jit3A_259 : i32 to vector<2048x1xi32>
    %select_n3A_261 = arith.select %lt3A_240, %convert_element_type3A_245, %broadcast_in_dim3A_260 : vector<2048x1xi1>, vector<2048x1xi32>
    %swap3A_262 = arith.constant 0 : index
    %swap3A_263 = arith.constant 0 : index
    %swap3A_264 = vector.load %arg4[%swap3A_262, %swap3A_263] : memref<2048x1xi32, #tpu.memory_space<vmem>>, vector<2048x1xi32>
    tpu.vector_store %arg4[%swap3A_262, %swap3A_263], %select_n3A_261 {strides = array<i32>} : memref<2048x1xi32, #tpu.memory_space<vmem>>, vector<2048x1xi32>,
    %jit3A_265 = arith.constant 0 : i32
    %broadcast_in_dim3A_266 = vector.broadcast %jit3A_265 : i32 to vector<2048x1xi32>
    %select_n3A_267 = arith.select %lt3A_243, %convert_element_type3A_247, %broadcast_in_dim3A_266 : vector<2048x1xi1>, vector<2048x1xi32>
    %swap3A_268 = arith.constant 0 : index
    %swap3A_269 = arith.constant 0 : index
    %swap3A_270 = vector.load %arg5[%swap3A_268, %swap3A_269] : memref<2048x1xi32, #tpu.memory_space<vmem>>, vector<2048x1xi32>
    tpu.vector_store %arg5[%swap3A_268, %swap3A_269], %select_n3A_267 {strides = array<i32>} : memref<2048x1xi32, #tpu.memory_space<vmem>>, vector<2048x1xi32>,
    %jit3A_271 = arith.constant 0.000000e+00 : f32
    %broadcast_in_dim3A_272 = vector.broadcast %jit3A_271 : f32 to vector<2048x1xf32>
    %select_n3A_273 = arith.select %lt3A_240, %div3A_29, %broadcast_in_dim3A_272 : vector<2048x1xi1>, vector<2048x1xf32>
    %swap3A_274 = arith.constant 0 : index
    %swap3A_275 = arith.constant 0 : index
    %swap3A_276 = vector.load %arg6[%swap3A_274, %swap3A_275] : memref<2048x1xf32, #tpu.memory_space<vmem>>, vector<2048x1xf32>
    tpu.vector_store %arg6[%swap3A_274, %swap3A_275], %select_n3A_273 {strides = array<i32>} : memref<2048x1xf32, #tpu.memory_space<vmem>>, vector<2048x1xf32>,
    %jit3A_277 = arith.constant 0.000000e+00 : f32
    %broadcast_in_dim3A_278 = vector.broadcast %jit3A_277 : f32 to vector<2048x1xf32>
    %select_n3A_279 = arith.select %lt3A_243, %div3A_33, %broadcast_in_dim3A_278 : vector<2048x1xi1>, vector<2048x1xf32>
    %swap3A_280 = arith.constant 0 : index
    %swap3A_281 = arith.constant 0 : index
    %swap3A_282 = vector.load %arg7[%swap3A_280, %swap3A_281] : memref<2048x1xf32, #tpu.memory_space<vmem>>, vector<2048x1xf32>
    tpu.vector_store %arg7[%swap3A_280, %swap3A_281], %select_n3A_279 {strides = array<i32>} : memref<2048x1xf32, #tpu.memory_space<vmem>>, vector<2048x1xf32>,
    %iota3A_283 = tpu.iota {dimensions = array<i32: 0>} : vector<8x8xi32>
    %iota3A_284 = tpu.iota {dimensions = array<i32: 1>} : vector<8x8xi32>
    %add3A_285 = arith.constant 0 : i32
    %add3A_286 = vector.broadcast %add3A_285 : i32 to vector<8x8xi32>
    %add3A_287 = arith.addi %iota3A_283, %add3A_286 : vector<8x8xi32>
    %eq3A_288 = arith.cmpi eq, %add3A_287, %iota3A_284 : vector<8x8xi32>
    %convert_element_type3A_289 = arith.extui %eq3A_288 : vector<8x8xi1> to vector<8x8xi32>
    %convert_element_type3A_290 = arith.sitofp %convert_element_type3A_289 : vector<8x8xi32> to vector<8x8xf32>
    %dot_general3A_291 = arith.constant dense<0.000000e+00> : vector<8x1xf32>
    %dot_general3A_292 = tpu.matmul %convert_element_type3A_290, %dot_general3A_206, %dot_general3A_291 {dimension_numbers = #tpu.dot_dimension_numbers<[1], [1], [0], [0], [0, 0, 1, 0], [], []>, transpose_lhs_hint = false} : vector<8x8xf32>, vector<1x8xf32>, vector<8x1xf32> -> vector<8x1xf32>
    %iota3A_293 = tpu.iota {dimensions = array<i32: 1>} : vector<1x32xi32>
    %convert_element_type3A_294 = arith.sitofp %iota3A_293 : vector<1x32xi32> to vector<1x32xf32>
    %mul3A_295 = arith.constant 2.560000e+02 : f32
    %mul3A_296 = vector.broadcast %mul3A_295 : f32 to vector<1x32xf32>
    %mul3A_297 = arith.mulf %convert_element_type3A_294, %mul3A_296 : vector<1x32xf32>
    %broadcast_in_dim3A_298 = vector.shape_cast %dot_general3A_292 : vector<8x1xf32> to vector<8x1xf32>
    %broadcast_in_dim3A_299 = vector.broadcast %broadcast_in_dim3A_298 : vector<8x1xf32> to vector<8x32xf32>
    %broadcast_in_dim3A_300 = vector.shape_cast %mul3A_297 : vector<1x32xf32> to vector<1x32xf32>
    %broadcast_in_dim3A_301 = vector.broadcast %broadcast_in_dim3A_300 : vector<1x32xf32> to vector<8x32xf32>
    %le3A = arith.cmpf ole, %broadcast_in_dim3A_299, %broadcast_in_dim3A_301 : vector<8x32xf32>
    %convert_element_type3A_302 = arith.extui %le3A : vector<8x32xi1> to vector<8x32xi32>
    %convert_element_type3A_303 = arith.sitofp %convert_element_type3A_302 : vector<8x32xi32> to vector<8x32xf32>
    %reduce_sum3A_304 = arith.constant dense<0.000000e+00> : vector<32xf32>
    %reduce_sum3A_305 = vector.multi_reduction <add>, %convert_element_type3A_303, %reduce_sum3A_304 [0] : vector<8x32xf32> to vector<32xf32>
    %broadcast_in_dim3A_306 = vector.shape_cast %reduce_sum3A_305 : vector<32xf32> to vector<1x32xf32>
    %sub3A_307 = arith.constant 1.000000e+00 : f32
    %sub3A_308 = vector.broadcast %sub3A_307 : f32 to vector<1x32xf32>
    %sub3A_309 = arith.subf %broadcast_in_dim3A_306, %sub3A_308 : vector<1x32xf32>
    %jit3A_310 = arith.constant 0.000000e+00 : f32
    %jit3A_311 = arith.constant 7.000000e+00 : f32
    %max3A = vector.broadcast %jit3A_310 : f32 to vector<1x32xf32>
    %max3A_312 = arith.maximumf %max3A, %sub3A_309 : vector<1x32xf32>
    %min3A_313 = vector.broadcast %jit3A_311 : f32 to vector<1x32xf32>
    %min3A_314 = arith.minimumf %min3A_313, %max3A_312 : vector<1x32xf32>
    %div3A_315 = arith.constant 2.560000e+02 : f32
    %div3A_316 = vector.broadcast %div3A_315 : f32 to vector<1x1xf32>
    %div3A_317 = arith.divf %broadcast_in_dim3A_209, %div3A_316 : vector<1x1xf32>
    %broadcast_in_dim3A_318 = vector.shape_cast %div3A_317 : vector<1x1xf32> to vector<1x1xf32>
    %broadcast_in_dim3A_319 = vector.broadcast %broadcast_in_dim3A_318 : vector<1x1xf32> to vector<1x32xf32>
    %concatenate3A_320 = tpu.concatenate %min3A_314, %broadcast_in_dim3A_319 in 1 : vector<1x32xf32>, vector<1x32xf32> -> vector<1x64xf32>
    %convert_element_type3A_321 = arith.fptosi %concatenate3A_320 : vector<1x64xf32> to vector<1x64xi32>
    %swap3A_322 = arith.constant 0 : index
    %swap3A_323 = arith.constant 0 : index
    %swap3A_324 = vector.load %arg8[%swap3A_322, %swap3A_323] : memref<1x64xi32, #tpu.memory_space<vmem>>, vector<1x64xi32>
    tpu.vector_store %arg8[%swap3A_322, %swap3A_323], %convert_element_type3A_321 {strides = array<i32>} : memref<1x64xi32, #tpu.memory_space<vmem>>, vector<1x64xi32>,
    return
  }
}

module attributes {stable_mosaic.version = 14 : i64} {
  func.func @_final_sum_kernel(%arg0: memref<2048x1024xf32, #tpu.memory_space<vmem>>, %arg1: memref<2048x1024xf32, #tpu.memory_space<vmem>>, %arg2: memref<2048x1xf32, #tpu.memory_space<vmem>>, %arg3: memref<2048x1xf32, #tpu.memory_space<vmem>>, %arg4: memref<2048x1024xf32, #tpu.memory_space<vmem>>) attributes {dimension_semantics = [], scalar_prefetch = 0 : i64, scratch_operands = 0 : i64, tpu.core_type = #tpu.core_type<tc>} {
    %get3A = arith.constant 0 : index
    %get3A_0 = arith.constant 0 : index
    %get3A_1 = vector.load %arg0[%get3A, %get3A_0] : memref<2048x1024xf32, #tpu.memory_space<vmem>>, vector<2048x1024xf32>
    %get3A_2 = arith.constant 0 : index
    %get3A_3 = arith.constant 0 : index
    %get3A_4 = vector.load %arg2[%get3A_2, %get3A_3] : memref<2048x1xf32, #tpu.memory_space<vmem>>, vector<2048x1xf32>
    %mul3A = vector.broadcast %get3A_4 : vector<2048x1xf32> to vector<2048x1024xf32>
    %mul3A_5 = arith.mulf %get3A_1, %mul3A : vector<2048x1024xf32>
    %get3A_6 = arith.constant 0 : index
    %get3A_7 = arith.constant 0 : index
    %get3A_8 = vector.load %arg1[%get3A_6, %get3A_7] : memref<2048x1024xf32, #tpu.memory_space<vmem>>, vector<2048x1024xf32>
    %get3A_9 = arith.constant 0 : index
    %get3A_10 = arith.constant 0 : index
    %get3A_11 = vector.load %arg3[%get3A_9, %get3A_10] : memref<2048x1xf32, #tpu.memory_space<vmem>>, vector<2048x1xf32>
    %mul3A_12 = vector.broadcast %get3A_11 : vector<2048x1xf32> to vector<2048x1024xf32>
    %mul3A_13 = arith.mulf %get3A_8, %mul3A_12 : vector<2048x1024xf32>
    %add3A = arith.addf %mul3A_5, %mul3A_13 : vector<2048x1024xf32>
    %swap3A = arith.constant 0 : index
    %swap3A_14 = arith.constant 0 : index
    %swap3A_15 = vector.load %arg4[%swap3A, %swap3A_14] : memref<2048x1024xf32, #tpu.memory_space<vmem>>, vector<2048x1024xf32>
    tpu.vector_store %arg4[%swap3A, %swap3A_14], %add3A {strides = array<i32>} : memref<2048x1024xf32, #tpu.memory_space<vmem>>, vector<2048x1024xf32>,
    return
  }
}

</mosaic_0001>

<sc_bundles>
// kernel: kernel.19.cloned.1.call-start
scs
__scs_entry_jumppad:
0x0: {  	(pc) =	sbr.rel $0x88, $3  }
0x1: {  	(tag) =	ssettag $0x0;
	lr =	simm.s32 $0x1  }
0x2: {  	[smem:$0x3F94] =	sst lr;
	_ =	strace $0xD0000000  }
0x3: {  	_ = 	snop  }
0x4: {  	_ = 	snop  }
0x5: {  	_ = 	snop  }
0x6: {  	_ = 	snop  }
0x7: {  	_ = 	snop  }
__scs_overlays_trampoline_lowered:
0x8: {  	[smem:$0x3FA3] =	sst s0  }
0x9: {  	[smem:$0x3FA4] =	sst s1  }
0xa: {  	[smem:$0x3FA5] =	sst s2  }
0xb: {  	[smem:$0x3FA6] =	sst s3  }
0xc: {  	[smem:$0x3FA7] =	sst s4  }
0xd: {  	[smem:$0x3FA8] =	sst s5  }
0xe: {  	[smem:$0x3FA9] =	sst s6  }
0xf: {  	[smem:$0x3FAA] =	sst s7  }
0x10: {  	[smem:$0x3FAB] =	sst s8  }
0x11: {  	[smem:$0x3FAC] =	sst s9;
	s0 =	simm.s32 @!p0 $0x0  }
0x12: {  	s1 =	sld [smem:$0x3F92];
	s0 =	simm.s32 @p0 $0x1  }
0x13: {  	[smem:$0x3FAD] =	sst s0;
	s0 =	simm.s32 @!p1 $0x0  }
0x14: {  	s2 =	sld [smem:$0x3F91];
	s0 =	simm.s32 @p1 $0x1  }
0x15: {  	[smem:$0x3FAE] =	sst s0;
	s0 =	simm.s32 @!p2 $0x0  }
0x16: {  	s3 =	sld [smem:$0x3FDB];
	s0 =	simm.s32 @p2 $0x1  }
0x17: {  	s4 =	simm.s32 $0x1BF5;
	[smem:$0x3FB0] =	sst s0  }
0x18: {  	s0 =	sld [smem:$0x3F93];
	_ =	swait.ge [sflag:s4], $0x0  }
0x19: {  	s7 =	sld [smem:$0x3F94]  }
0x1a: {  	s8 =	sadd.s32 $0xFFFFE003, lr  }
0x1b: {  	s9 =	sadd.s32 $0xFFFFFEF7, lr;
	s5 =	simm.s32 $0xFFFFFFFF;
	p2 =	slt.u32 s8, $0xFFFFF086  }
0x1c: {  	p1 =	slt.u32 s9, $0xF7A;
	s5 =	simm.s32 @!p2 $0x0  }
0x1d: {  	s5 =	simm.s32 @p1 $0x1;
	p0 =	seq.s32 s7, s2  }
0x1e: {  	s7 =	smul.u32 @!p0 $0xF7A, s2;
	p2 =	seq.s32 @!p0 s5, $0x0  }
0x1f: {  	s9 =	smul.u32 $0xF7A, s1;
	s8 =	simm.s32 @!p0 $0x1BF5;
	p2 =	por !p2, p0  }
0x20: {  	[sflag:s8] =	ssyncset.s32 @!p0 $0xFFFFF086;
	s6 =	sadd.s32 @!p0 s3, s7;
	s7 =	simm.s32 @!p0 $0x108  }
0x21: {  	s3 =	sadd.s32 s3, s9;
	s6 =	sadd.s32 @!p0 $0x88, s6;
	s7 =	simm.s32 @p2 $0x1082  }
0x22: {  	[simem:s7], [sflag:s8] =	dma.local @!p0 [hbm:s6], $0xF7A  }
0x23: {  	s9 =	sor.u32 $0xD0000000, s2;
	s6 =	simm.s32 $0x108;
	_ =	swait.ge @!p0 [sflag:s8], $0x0  }
0x24: {  	s3 =	sadd.s32 $0x88, s3;
	s6 =	simm.s32 @!p1 $0x1082;
	[sflag:s4] =	ssyncset.s32 $0xFFFFF086  }
0x25: {  	[simem:s6], [sflag:s4] =	dma.local [hbm:s3], $0xF7A  }
0x26: {  	[smem:$0x3F94] =	sst s1;
	(tag) =	ssettag s2;
	_ =	strace s9  }
0x27: {  	s1 =	sld [smem:$0x3FA4]  }
0x28: {  	s2 =	sld [smem:$0x3FA5]  }
0x29: {  	s4 =	sld [smem:$0x3FA7]  }
0x2a: {  	p0 =	seq.s32 s5, $0x0;
	s5 =	sld [smem:$0x3FA8]  }
0x2b: {  	s6 =	sld [smem:$0x3FA9]  }
0x2c: {  	s7 =	sld [smem:$0x3FAA]  }
0x2d: {  	s3 =	simm.s32 $0x108;
	s8 =	sld [smem:$0x3FAB]  }
0x2e: {  	s3 =	simm.s32 @!p0 $0x1082;
	s9 =	sld [smem:$0x3FAC]  }
0x2f: {  	lr =	sadd.s32 s0, s3;
	s0 =	sld [smem:$0x3FA3]  }
0x30: {  	s3 =	sld [smem:$0x3FA6]  }
0x31: {  	[smem:$0x3FAF] =	sst s10  }
0x32: {  	s10 =	sld [smem:$0x3FAD];
	_ =	sdelay $0x3  }
0x33: {  	p0 =	seq.s32 s10, $0x1;
	s10 =	sld [smem:$0x3FAF];
	_ =	sdelay $0x3  }
0x34: {  	[smem:$0x3FAF] =	sst s10  }
0x35: {  	s10 =	sld [smem:$0x3FAE];
	_ =	sdelay $0x3  }
0x36: {  	p1 =	seq.s32 s10, $0x1;
	s10 =	sld [smem:$0x3FAF];
	_ =	sdelay $0x3  }
0x37: {  	[smem:$0x3FAF] =	sst s10  }
0x38: {  	s10 =	sld [smem:$0x3FB0]  }
0x39: {  	_ = 	snop;
	(pc) =	sbr.ind lr, $3  }
0x3a: {  	_ = 	snop  }
0x3b: {  	_ = 	snop  }
0x3c: {  	p2 =	seq.s32 s10, $0x1;
	s10 =	sld [smem:$0x3FAF]  }
0x3d: {  	_ =	shalt  }
0x3e: {  	_ =	shalt  }
0x3f: {  	_ =	shalt  }
0x40: {  	_ =	shalt  }
0x41: {  	_ =	shalt  }
0x42: {  	_ =	shalt  }
0x43: {  	_ =	shalt  }
0x44: {  	_ =	shalt  }
0x45: {  	_ =	shalt  }
0x46: {  	_ =	shalt  }
0x47: {  	_ =	shalt  }
0x48: {  	_ =	shalt  }
0x49: {  	_ =	shalt  }
0x4a: {  	_ =	shalt  }
0x4b: {  	_ =	shalt  }
0x4c: {  	_ =	shalt  }
0x4d: {  	_ =	shalt  }
0x4e: {  	_ =	shalt  }
0x4f: {  	_ =	shalt  }
0x50: {  	_ =	shalt  }
0x51: {  	_ =	shalt  }
0x52: {  	_ =	shalt  }
0x53: {  	_ =	shalt  }
0x54: {  	_ =	shalt  }
0x55: {  	_ =	shalt  }
0x56: {  	_ =	shalt  }
0x57: {  	_ =	shalt  }
0x58: {  	_ =	shalt  }
0x59: {  	_ =	shalt  }
0x5a: {  	_ =	shalt  }
0x5b: {  	_ =	shalt  }
0x5c: {  	_ =	shalt  }
0x5d: {  	_ =	shalt  }
0x5e: {  	_ =	shalt  }
0x5f: {  	_ =	shalt  }
0x60: {  	_ =	shalt  }
0x61: {  	_ =	shalt  }
0x62: {  	_ =	shalt  }
0x63: {  	_ =	shalt  }
0x64: {  	_ =	shalt  }
0x65: {  	_ =	shalt  }
0x66: {  	_ =	shalt  }
0x67: {  	_ =	shalt  }
0x68: {  	_ =	shalt  }
0x69: {  	_ =	shalt  }
0x6a: {  	_ =	shalt  }
0x6b: {  	_ =	shalt  }
0x6c: {  	_ =	shalt  }
0x6d: {  	_ =	shalt  }
0x6e: {  	_ =	shalt  }
0x6f: {  	_ =	shalt  }
0x70: {  	_ =	shalt  }
0x71: {  	_ =	shalt  }
0x72: {  	_ =	shalt  }
0x73: {  	_ =	shalt  }
0x74: {  	_ =	shalt  }
0x75: {  	_ =	shalt  }
0x76: {  	_ =	shalt  }
0x77: {  	_ =	shalt  }
0x78: {  	_ =	shalt  }
0x79: {  	_ =	shalt  }
0x7a: {  	_ =	shalt  }
0x7b: {  	_ =	shalt  }
0x7c: {  	_ =	shalt  }
0x7d: {  	_ =	shalt  }
0x7e: {  	_ =	shalt  }
0x7f: {  	_ =	shalt  }
0x80: {  	_ =	shalt  }
0x81: {  	_ =	shalt  }
0x82: {  	_ =	shalt  }
0x83: {  	_ =	shalt  }
0x84: {  	_ =	shalt  }
0x85: {  	_ =	shalt  }
0x86: {  	_ =	shalt  }
0x87: {  	_ =	shalt  }
.Lfunc_end0:
.L_simem_size_0:
called_computation_lowered:
.L_overlay_start_0:
0x88: {  	s2 =	sld [smem:$0x3FD9]  }
0x89: {  	s3 =	sld [smem:$0x3FFE];
	_ =	sdelay $0x1  }
0x8a: {  	s1 =	srdreg.scid  }
0x8b: {  	s0 =	sand.u32 $0x1, s1  }
0x8c: {  	s17 =	sshll.u32 s0, $0xA;
	s2 =	sadd.s32 s3, s2  }
0x8d: {  	s2 =	sadd.s32 s2, s17  }
0x8e: {  	[smem:$0x3FBB] =	sst s2  }
0x8f: {  	_ = 	snop  }
0x90: {  	s2 =	sld [smem:$0x3FC9]  }
0x91: {  	s18 =	sld [smem:$0x3FD0];
	(tm) =	ssettm $0x1  }
0x92: {  	s4 =	sld [smem:$0x3FFB];
	_ =	sdelay $0x3  }
0x93: {  	_ =	strace s4  }
0x94: {  	s4 =	sld [smem:$0x3FFC];
	_ =	sdelay $0x3  }
0x95: {  	_ =	strace s4  }
0x96: {  	s4 =	sld [smem:$0x3FFD];
	_ =	sdelay $0x3  }
0x97: {  	_ =	strace s4  }
0x98: {  	_ =	strace $0x8FFFFFFF  }
0x99: {  	s19 =	sld [smem:$0x3FDB];
	_ =	sdelay $0x1  }
0x9a: {  	s5 =	simm.s32 $_scs_section_size  }
0x9b: {  	s6 =	simm.s32 $_size__tile_overlayer_lowered;
	s7 =	simm.s32 $_tile_overlayer_lowered  }
0x9c: {  	s22 =	simm.s32 $0x1BFF;
	s21 =	sshll.u32 s7, $0x1;
	s4 =	sadd.s32 s5, s19  }
0x9d: {  	s8 =	simm.s32 $0x0;
	s20 =	sshll.u32 s6, $0x1;
	s6 =	sadd.s32 s21, s4  }
0x9e: {  	[timem:s8], [sflag:s22] =	dma.local [hbm:s6], s20  }
0x9f: {  	_ =	swait.ge [sflag:s22], s20  }
0xa0: {  	s5 =	ssub.s32 $0x0, s20;
	[sflag:s22] =	ssyncset.done $0x0  }
0xa1: {  	[sflag:s22] =	ssyncadd.s32 s5;
	_ =	sdelay $0x1  }
0xa2: {  	s23 =	simm.s32 $0x1B8B  }
0xa3: {  	_ =	swait.ge [sflag:s23], $0x1  }
0xa4: {  	[sflag:s23] =	ssyncset.done $0x0  }
0xa5: {  	s25 =	simm.s32 $0x1B8E;
	s24 =	sld [smem:$0x3FFE];
	[sflag:s23] =	ssyncadd.s32 $0xFFFFFFFF  }
0xa6: {  	s26 =	simm.s32 $execute0_lowered;
	[smem:$0x3FD2] =	sst s25  }
0xa7: {  	s6 =	sshll.u32 s26, $0x1;
	_ =	strace $0x80000046;
	[dreg:$0x1] =	wrdreg $0xFFFFFFFF  }
0xa8: {  	s28 =	simm.s32 $_size_execute0_lowered;
	s4 =	sadd.s32 s4, s6;
	[dreg:$0x0] =	wrdreg $0x0  }
0xa9: {  	s6 =	sshll.u32 s28, $0x1;
	[dreg:$0x2] =	wrdreg s4  }
0xaa: {  	[dreg:$0x3] =	wrdreg s6  }
0xab: {  	[dreg:$0x4] =	wrdreg $0xC0  }
0xac: {  	_ =	task [dreg:s8], $0x5FFFF  }
0xad: {  	[dreg:$0x1] =	wrdreg $0xFFFFFFFF  }
0xae: {  	[dreg:$0x0] =	wrdreg $0x60  }
0xaf: {  	[dreg:$0x2] =	wrdreg s18  }
0xb0: {  	[dreg:$0x3] =	wrdreg s24  }
0xb1: {  	[dreg:$0x4] =	wrdreg s2  }
0xb2: {  	[dreg:$0x5] =	wrdreg $0x129000  }
0xb3: {  	[dreg:$0x6] =	wrdreg $0x9  }
0xb4: {  	_ =	task.clear_ibuf [dreg:s8], $0x7FFFF;
	_ =	strace $0x90000046  }
0xb5: {  	s29 =	simm.s32 $0x9;
	_ =	strace $0x80000048  }
0xb6: {  	_ =	swait.ge [sflag:s29], $0x1  }
0xb7: {  	[sflag:s29] =	ssyncadd.s32 $0xFFFFFFFF  }
0xb8: {  	_ =	strace $0x90000048  }
0xb9: {  	_ =	sfence  }
0xba: {  	s30 =	sld [smem:$0x0];
	_ =	sdelay $0x2  }
0xbb: {  	s31 =	sshll.u32 s1, $0xD;
	s1 =	sshrl.u32 s1, $0x2  }
0xbc: {  	s3 =	sand.u32 $0x4000, s31;
	s1 =	sadd.s32 s1, s30  }
0xbd: {  	s0 =	sor.u32 s3, s0;
	s1 =	sshll.u32 s1, $0x11  }
0xbe: {  	s0 =	sor.u32 s1, s0  }
0xbf: {  	s0 =	sadd.s32 $0x8F2B, s0  }
0xc0: {  	[sflag:s0] =	ssyncadd.remote.s32 $0x1  }
0xc1: {  	_ =	sfence.sel $0xFFFF  }
0xc2: {  	[dreg:$0x0] =	wrdreg $0xFFFFFFFF;
	(pc) =	sbr.abs _section_cstart, $3  }
0xc3: {  	[dreg:$0x1] =	wrdreg $0xFFFFFFFF  }
0xc4: {  	_ =	task.clear_ibuf [dreg:s8], $0x2FFFF;
	_ =	strace $0x9FFFFFFF  }
0xc5: {  	(tm) =	ssettm $0x7FFFFFFF  }
tec
execute0_lowered:
.L_overlay_start_1:
0x0: {  	(tag) =	ssettag $0x1  }
0x1: {  	s7 =	rddreg [dreg:$0x1]  }
0x2: {  	s3 =	rddreg [dreg:$0x2]  }
0x3: {  	s11 =	rddreg [dreg:$0x3]  }
0x4: {  	s0 =	srdreg.scid;
	s1 =	stileid.u32;
	s5 =	simm.s32 $0x0  }
0x5: {  	s16 =	simm.s32 $0x2;
	s18 =	simm.s32 $0x1000;
	s12 =	simm.s32 $0x3100  }
0x6: {  	s13 =	simm.s32 $0x3900;
	s30 =	simm.s32 $0x1;
	s31 =	simm.s32 $0x0  }
0x7: {  	s14 =	simm.s32 $0x4100;
	s15 =	simm.s32 $0x4900;
	s19 =	simm.s32 $0x5100  }
0x8: {  	s28 =	simm.s32 $0x8900;
	s29 =	simm.s32 $0x9100;
	s17 =	simm.s32 $0x9900  }
0x9: {  	s0 =	sand.u32 $0x1, s0;
	s2 =	sshll.u32 s1, $0x1;
	[smem:$0x7FF] =	sst s5  }
0xa: {  	s10 =	sadd.s32 $0x200, s7;
	s7 =	sadd.s32 $0x100, s3;
	s8 =	sadd.s32 $0x200, s3  }
0xb: {  	s9 =	sadd.s32 $0x300, s3;
	s4 =	ssub.s32 $0x2, s0;
	s0 =	sor.u32 s0, s2  }
0xc: {  	p0 =	sne.s32 s1, $0x0;
	s20 =	sshrl.u32 s4, $0x1;
	s6 =	smul.u32 $0xC0, s0  }
0xd: {  	_ =	strace $0x80000047;
	s0 =	smul.u32 $0x6000, s0;
	s2 =	ssub.s32 s4, s20  }
0xe: {  	s20 =	simm.s32 $0xC900;
	s21 =	sadd.s32 s6, s11;
	s22 =	sadd.s32 $0x40, s6  }
0xf: {  	s0 =	sadd.s32 s10, s0;
	s6 =	sadd.s32 $0x80, s6;
	[dreg:$0x7] =	wrdreg s21  }
0x10: {  	s26 =	smax.u32 s2, $0x1;
	[dreg:$0x5] =	wrdreg s0;
	s23 =	sshll.u32 s22, $0x7  }
0x11: {  	s4 =	sadd.s32 s22, s11;
	s24 =	sshll.u32 s6, $0x7;
	s25 =	sadd.s32 s6, s11  }
0x12: {  	[dreg:$0xb] =	wrdreg s26;
	s11 =	simm.s32 $0x2880;
	s21 =	simm.s32 $0x5900  }
.Ltmp0:
0x13: {  	s22 =	simm.s32 $0x6100;
	s26 =	simm.s32 $0x8100;
	(pc) =	sbr.rel .LBB2_1-.Ltmp0, $4  }
0x14: {  	s6 =	simm.s32 $0xB100;
	[dreg:$0x6] =	wrdreg s4;
	s0 =	sadd.s32 s10, s23  }
0x15: {  	v0 =	vlaneseq.u32;
	[dreg:$0x8] =	wrdreg s25;
	s23 =	simm.s32 $0x6900;
	s25 =	simm.s32 $0x7900  }
0x16: {  	v1 =	vimm.s32 $0x0;
	vm0 =	vmmov $0xffff;
	v3 =	vshrl.u32 v0, $0x3;
	s4 =	simm.s32 $0xA100;
	[dreg:$0xa] =	wrdreg s0;
	s0 =	sadd.s32 s10, s24  }
0x17: {  	v2 =	vand.u32 $0x7, v0;
	v4 =	vor.u32 $0x8, v0;
	v3 =	vmul.u32 $0x8, v3;
	s24 =	simm.s32 $0x7100;
	s10 =	simm.s32 $0xB900;
	[dreg:$0x9] =	wrdreg s0  }
.LBB2_6:
0x18: {  	s0 =	rddreg [dreg:$0x3]  }
0x19: {  	[spmem:s0] =	stream.linear.scatter [tilespmem:s18], [sflag:$0x2], $0x1880, $0x38;
	[tilespmem:$0x12A88] =	vst v63  }
0x1a: {  	_ =	swait.ge [sflag:s16], $0x1880  }
0x1b: {  	s11 =	simm.s32 $0x2880;
	[sflag:s16] =	ssyncset.done $0x0  }
0x1c: {  	s12 =	simm.s32 $0x3100;
	s13 =	simm.s32 $0x3900;
	[sflag:s16] =	ssyncadd.s32 $0xFFFFE780  }
.LBB2_7:
0x1d: {  	[bflag:$0x0] =	sbarrier.arrive $0xFFFF  }
0x1e: {  	s0 =	rddreg [dreg:$0x7]  }
0x1f: {  	[tilespmem:s11], [sflag:$0x2] =	stream.linear.gather [spmem:s0], $0x40, $0x38;
	[tilespmem:$0x12A88] =	vst v63  }
0x20: {  	_ =	swait.ge [sflag:s16], $0x40  }
0x21: {  	[sflag:s16] =	ssyncset.done $0x0  }
0x22: {  	[sflag:s16] =	ssyncadd.s32 $0xFFFFFFC0  }
0x23: {  	v5 =	vld [tilespmem:$0x2880];
	_ =	sdelay $0x4  }
0x24: {  	v6 =	vshll.u32 v5, $0x3  }
0x25: {  	v5 =	vand.u32 $0x7, v5;
	v6 =	vand.u32 $0xFFFFFFC0, v6  }
0x26: {  	v5 =	vor.u32 v5, v6  }
0x27: {  	v6 =	vperm.xlane v5, v2;
	_ =	sdelay $0x1  }
0x28: {  	v6 =	vadd.s32 v3, v6;
	_ =	sdelay $0x3  }
0x29: {  	s0 =	simm.s32 $0x2900  }
0x2a: {  	[tilespmem:s0], [sflag:$0x1] =	stream.indirect_vreg.gather [hbm4b:s3+s5], $0x80, v6, vm0, $0xb8;
	[tilespmem:$0x12A88] =	vst v63  }
0x2b: {  	v5 =	vperm.xlane v5, v4  }
0x2c: {  	[tilespmem:s12], [sflag:$0x1] =	stream.indirect_vreg.gather [hbm4b:s7+s5], $0x80, v6, vm0, $0xb8;
	[tilespmem:$0x12A88] =	vst v63  }
0x2d: {  	v5 =	vadd.s32 v3, v5  }
0x2e: {  	[tilespmem:s13], [sflag:$0x1] =	stream.indirect_vreg.gather [hbm4b:s8+s5], $0x80, v6, vm0, $0xb8;
	[tilespmem:$0x12A88] =	vst v63  }
0x2f: {  	_ = 	snop  }
0x30: {  	[tilespmem:s14], [sflag:$0x1] =	stream.indirect_vreg.gather [hbm4b:s9+s5], $0x80, v6, vm0, $0xb8;
	[tilespmem:$0x12A88] =	vst v63  }
0x31: {  	_ = 	snop  }
0x32: {  	[tilespmem:s15], [sflag:$0x1] =	stream.indirect_vreg.gather [hbm4b:s3+s5], $0x80, v5, vm0, $0xb8;
	[tilespmem:$0x12A88] =	vst v63  }
0x33: {  	_ = 	snop  }
0x34: {  	[tilespmem:s19], [sflag:$0x1] =	stream.indirect_vreg.gather [hbm4b:s7+s5], $0x80, v5, vm0, $0xb8;
	[tilespmem:$0x12A88] =	vst v63  }
0x35: {  	_ = 	snop  }
0x36: {  	[tilespmem:s21], [sflag:$0x1] =	stream.indirect_vreg.gather [hbm4b:s8+s5], $0x80, v5, vm0, $0xb8;
	[tilespmem:$0x12A88] =	vst v63  }
0x37: {  	_ = 	snop  }
0x38: {  	[tilespmem:s22], [sflag:$0x1] =	stream.indirect_vreg.gather [hbm4b:s9+s5], $0x80, v5, vm0, $0xb8;
	[tilespmem:$0x12A88] =	vst v63  }
0x39: {  	v5 =	vld [tilespmem:$0x2890];
	_ =	sdelay $0x4  }
0x3a: {  	v6 =	vshll.u32 v5, $0x3  }
0x3b: {  	v5 =	vand.u32 $0x7, v5;
	v6 =	vand.u32 $0xFFFFFFC0, v6  }
0x3c: {  	v5 =	vor.u32 v5, v6  }
0x3d: {  	v6 =	vperm.xlane v5, v2;
	_ =	sdelay $0x1  }
0x3e: {  	v6 =	vadd.s32 v3, v6;
	_ =	sdelay $0x4  }
0x3f: {  	[tilespmem:s23], [sflag:$0x1] =	stream.indirect_vreg.gather [hbm4b:s3+s5], $0x80, v6, vm0, $0xb8;
	[tilespmem:$0x12A88] =	vst v63  }
0x40: {  	v5 =	vperm.xlane v5, v4  }
0x41: {  	[tilespmem:s24], [sflag:$0x1] =	stream.indirect_vreg.gather [hbm4b:s7+s5], $0x80, v6, vm0, $0xb8;
	[tilespmem:$0x12A88] =	vst v63  }
0x42: {  	v5 =	vadd.s32 v3, v5  }
0x43: {  	[tilespmem:s25], [sflag:$0x1] =	stream.indirect_vreg.gather [hbm4b:s8+s5], $0x80, v6, vm0, $0xb8;
	[tilespmem:$0x12A88] =	vst v63  }
0x44: {  	_ = 	snop  }
0x45: {  	[tilespmem:s26], [sflag:$0x1] =	stream.indirect_vreg.gather [hbm4b:s9+s5], $0x80, v6, vm0, $0xb8;
	[tilespmem:$0x12A88] =	vst v63  }
0x46: {  	_ = 	snop  }
0x47: {  	[tilespmem:s28], [sflag:$0x1] =	stream.indirect_vreg.gather [hbm4b:s3+s5], $0x80, v5, vm0, $0xb8;
	[tilespmem:$0x12A88] =	vst v63  }
0x48: {  	_ = 	snop  }
0x49: {  	[tilespmem:s29], [sflag:$0x1] =	stream.indirect_vreg.gather [hbm4b:s7+s5], $0x80, v5, vm0, $0xb8;
	[tilespmem:$0x12A88] =	vst v63  }
0x4a: {  	_ = 	snop  }
0x4b: {  	[tilespmem:s17], [sflag:$0x1] =	stream.indirect_vreg.gather [hbm4b:s8+s5], $0x80, v5, vm0, $0xb8;
	[tilespmem:$0x12A88] =	vst v63  }
0x4c: {  	_ = 	snop  }
0x4d: {  	[tilespmem:s4], [sflag:$0x1] =	stream.indirect_vreg.gather [hbm4b:s9+s5], $0x80, v5, vm0, $0xb8;
	[tilespmem:$0x12A88] =	vst v63  }
0x4e: {  	v5 =	vld [tilespmem:$0x28A0];
	_ =	sdelay $0x4  }
0x4f: {  	v6 =	vshll.u32 v5, $0x3  }
0x50: {  	v5 =	vand.u32 $0x7, v5;
	v6 =	vand.u32 $0xFFFFFFC0, v6  }
0x51: {  	v5 =	vor.u32 v5, v6  }
0x52: {  	v6 =	vperm.xlane v5, v2;
	_ =	sdelay $0x1  }
0x53: {  	v6 =	vadd.s32 v3, v6;
	_ =	sdelay $0x3  }
0x54: {  	s1 =	simm.s32 $0xA900  }
0x55: {  	[tilespmem:s1], [sflag:$0x1] =	stream.indirect_vreg.gather [hbm4b:s3+s5], $0x80, v6, vm0, $0xb8;
	[tilespmem:$0x12A88] =	vst v63  }
0x56: {  	v5 =	vperm.xlane v5, v4  }
0x57: {  	[tilespmem:s6], [sflag:$0x1] =	stream.indirect_vreg.gather [hbm4b:s7+s5], $0x80, v6, vm0, $0xb8;
	[tilespmem:$0x12A88] =	vst v63  }
0x58: {  	v5 =	vadd.s32 v3, v5  }
0x59: {  	[tilespmem:s10], [sflag:$0x1] =	stream.indirect_vreg.gather [hbm4b:s8+s5], $0x80, v6, vm0, $0xb8;
	[tilespmem:$0x12A88] =	vst v63  }
0x5a: {  	s1 =	simm.s32 $0xC100  }
0x5b: {  	[tilespmem:s1], [sflag:$0x1] =	stream.indirect_vreg.gather [hbm4b:s9+s5], $0x80, v6, vm0, $0xb8;
	[tilespmem:$0x12A88] =	vst v63  }
0x5c: {  	_ = 	snop  }
0x5d: {  	[tilespmem:s20], [sflag:$0x1] =	stream.indirect_vreg.gather [hbm4b:s3+s5], $0x80, v5, vm0, $0xb8;
	[tilespmem:$0x12A88] =	vst v63  }
0x5e: {  	s2 =	simm.s32 $0xD100  }
0x5f: {  	[tilespmem:s2], [sflag:$0x1] =	stream.indirect_vreg.gather [hbm4b:s7+s5], $0x80, v5, vm0, $0xb8;
	[tilespmem:$0x12A88] =	vst v63  }
0x60: {  	s2 =	simm.s32 $0xD900  }
0x61: {  	[tilespmem:s2], [sflag:$0x1] =	stream.indirect_vreg.gather [hbm4b:s8+s5], $0x80, v5, vm0, $0xb8;
	[tilespmem:$0x12A88] =	vst v63  }
0x62: {  	s2 =	simm.s32 $0xE100  }
0x63: {  	[tilespmem:s2], [sflag:$0x1] =	stream.indirect_vreg.gather [hbm4b:s9+s5], $0x80, v5, vm0, $0xb8;
	[tilespmem:$0x12A88] =	vst v63  }
0x64: {  	v5 =	vld [tilespmem:$0x28B0];
	_ =	sdelay $0x4  }
0x65: {  	v6 =	vshll.u32 v5, $0x3  }
0x66: {  	v5 =	vand.u32 $0x7, v5;
	v6 =	vand.u32 $0xFFFFFFC0, v6  }
0x67: {  	v5 =	vor.u32 v5, v6  }
0x68: {  	v6 =	vperm.xlane v5, v2;
	_ =	sdelay $0x1  }
0x69: {  	v6 =	vadd.s32 v3, v6;
	_ =	sdelay $0x3  }
0x6a: {  	s2 =	simm.s32 $0xE900  }
0x6b: {  	[tilespmem:s2], [sflag:$0x1] =	stream.indirect_vreg.gather [hbm4b:s3+s5], $0x80, v6, vm0, $0xb8;
	[tilespmem:$0x12A88] =	vst v63  }
0x6c: {  	v5 =	vperm.xlane v5, v4;
	s2 =	simm.s32 $0xF100  }
0x6d: {  	[tilespmem:s2], [sflag:$0x1] =	stream.indirect_vreg.gather [hbm4b:s7+s5], $0x80, v6, vm0, $0xb8;
	[tilespmem:$0x12A88] =	vst v63  }
0x6e: {  	v5 =	vadd.s32 v3, v5;
	s2 =	simm.s32 $0xF900  }
0x6f: {  	[tilespmem:s2], [sflag:$0x1] =	stream.indirect_vreg.gather [hbm4b:s8+s5], $0x80, v6, vm0, $0xb8;
	[tilespmem:$0x12A88] =	vst v63  }
0x70: {  	s2 =	simm.s32 $0x10100  }
0x71: {  	[tilespmem:s2], [sflag:$0x1] =	stream.indirect_vreg.gather [hbm4b:s9+s5], $0x80, v6, vm0, $0xb8;
	[tilespmem:$0x12A88] =	vst v63  }
0x72: {  	s2 =	simm.s32 $0x10900  }
0x73: {  	[tilespmem:s2], [sflag:$0x1] =	stream.indirect_vreg.gather [hbm4b:s3+s5], $0x80, v5, vm0, $0xb8;
	[tilespmem:$0x12A88] =	vst v63  }
0x74: {  	s2 =	simm.s32 $0x11100  }
0x75: {  	[tilespmem:s2], [sflag:$0x1] =	stream.indirect_vreg.gather [hbm4b:s7+s5], $0x80, v5, vm0, $0xb8;
	[tilespmem:$0x12A88] =	vst v63  }
0x76: {  	s2 =	simm.s32 $0x11900  }
0x77: {  	[tilespmem:s2], [sflag:$0x1] =	stream.indirect_vreg.gather [hbm4b:s8+s5], $0x80, v5, vm0, $0xb8;
	[tilespmem:$0x12A88] =	vst v63  }
0x78: {  	s2 =	simm.s32 $0x12100  }
0x79: {  	[tilespmem:s2], [sflag:$0x1] =	stream.indirect_vreg.gather [hbm4b:s9+s5], $0x80, v5, vm0, $0xb8;
	[tilespmem:$0x12A88] =	vst v63  }
0x7a: {  	_ =	swait.ge [sflag:s30], $0x10000  }
0x7b: {  	[sflag:s30] =	ssyncset.done $0x0  }
0x7c: {  	s2 =	rddreg [dreg:$0x5];
	[sflag:s30] =	ssyncadd.s32 $0xFFFF0000  }
0x7d: {  	[hbm4b:s2+s5] =	stream.linear.scatter [tilespmem:s0], [sflag:$0x2], $0x10000, $0x38;
	[tilespmem:$0x12A88] =	vst v63  }
0x7e: {  	_ =	swait.ge [sflag:s16], $0x10000  }
0x7f: {  	[sflag:s16] =	ssyncset.done $0x0  }
0x80: {  	s2 =	rddreg [dreg:$0x6];
	[sflag:s16] =	ssyncadd.s32 $0xFFFF0000  }
0x81: {  	[tilespmem:s11], [sflag:$0x2] =	stream.linear.gather [spmem:s2], $0x40, $0x38;
	[tilespmem:$0x12A88] =	vst v63  }
0x82: {  	_ =	swait.ge [sflag:s16], $0x40  }
0x83: {  	[sflag:s16] =	ssyncset.done $0x0  }
0x84: {  	[sflag:s16] =	ssyncadd.s32 $0xFFFFFFC0  }
0x85: {  	v5 =	vld [tilespmem:$0x2880];
	_ =	sdelay $0x4  }
0x86: {  	v6 =	vshll.u32 v5, $0x3  }
0x87: {  	v5 =	vand.u32 $0x7, v5;
	v6 =	vand.u32 $0xFFFFFFC0, v6  }
0x88: {  	v5 =	vor.u32 v5, v6  }
0x89: {  	v6 =	vperm.xlane v5, v2;
	_ =	sdelay $0x1  }
0x8a: {  	v6 =	vadd.s32 v3, v6;
	_ =	sdelay $0x4  }
0x8b: {  	[tilespmem:s0], [sflag:$0x1] =	stream.indirect_vreg.gather [hbm4b:s3+s5], $0x80, v6, vm0, $0xb8;
	[tilespmem:$0x12A88] =	vst v63  }
0x8c: {  	v5 =	vperm.xlane v5, v4  }
0x8d: {  	[tilespmem:s12], [sflag:$0x1] =	stream.indirect_vreg.gather [hbm4b:s7+s5], $0x80, v6, vm0, $0xb8;
	[tilespmem:$0x12A88] =	vst v63  }
0x8e: {  	v5 =	vadd.s32 v3, v5  }
0x8f: {  	[tilespmem:s13], [sflag:$0x1] =	stream.indirect_vreg.gather [hbm4b:s8+s5], $0x80, v6, vm0, $0xb8;
	[tilespmem:$0x12A88] =	vst v63  }
0x90: {  	_ = 	snop  }
0x91: {  	[tilespmem:s14], [sflag:$0x1] =	stream.indirect_vreg.gather [hbm4b:s9+s5], $0x80, v6, vm0, $0xb8;
	[tilespmem:$0x12A88] =	vst v63  }
0x92: {  	_ = 	snop  }
0x93: {  	[tilespmem:s15], [sflag:$0x1] =	stream.indirect_vreg.gather [hbm4b:s3+s5], $0x80, v5, vm0, $0xb8;
	[tilespmem:$0x12A88] =	vst v63  }
0x94: {  	_ = 	snop  }
0x95: {  	[tilespmem:s19], [sflag:$0x1] =	stream.indirect_vreg.gather [hbm4b:s7+s5], $0x80, v5, vm0, $0xb8;
	[tilespmem:$0x12A88] =	vst v63  }
0x96: {  	_ = 	snop  }
0x97: {  	[tilespmem:s21], [sflag:$0x1] =	stream.indirect_vreg.gather [hbm4b:s8+s5], $0x80, v5, vm0, $0xb8;
	[tilespmem:$0x12A88] =	vst v63  }
0x98: {  	_ = 	snop  }
0x99: {  	[tilespmem:s22], [sflag:$0x1] =	stream.indirect_vreg.gather [hbm4b:s9+s5], $0x80, v5, vm0, $0xb8;
	[tilespmem:$0x12A88] =	vst v63  }
0x9a: {  	v5 =	vld [tilespmem:$0x2890];
	_ =	sdelay $0x4  }
0x9b: {  	v6 =	vshll.u32 v5, $0x3  }
0x9c: {  	v5 =	vand.u32 $0x7, v5;
	v6 =	vand.u32 $0xFFFFFFC0, v6  }
0x9d: {  	v5 =	vor.u32 v5, v6  }
0x9e: {  	v6 =	vperm.xlane v5, v2;
	_ =	sdelay $0x1  }
0x9f: {  	v6 =	vadd.s32 v3, v6;
	_ =	sdelay $0x4  }
0xa0: {  	[tilespmem:s23], [sflag:$0x1] =	stream.indirect_vreg.gather [hbm4b:s3+s5], $0x80, v6, vm0, $0xb8;
	[tilespmem:$0x12A88] =	vst v63  }
0xa1: {  	v5 =	vperm.xlane v5, v4  }
0xa2: {  	[tilespmem:s24], [sflag:$0x1] =	stream.indirect_vreg.gather [hbm4b:s7+s5], $0x80, v6, vm0, $0xb8;
	[tilespmem:$0x12A88] =	vst v63  }
0xa3: {  	v5 =	vadd.s32 v3, v5  }
0xa4: {  	[tilespmem:s25], [sflag:$0x1] =	stream.indirect_vreg.gather [hbm4b:s8+s5], $0x80, v6, vm0, $0xb8;
	[tilespmem:$0x12A88] =	vst v63  }
0xa5: {  	_ = 	snop  }
0xa6: {  	[tilespmem:s26], [sflag:$0x1] =	stream.indirect_vreg.gather [hbm4b:s9+s5], $0x80, v6, vm0, $0xb8;
	[tilespmem:$0x12A88] =	vst v63  }
0xa7: {  	_ = 	snop  }
0xa8: {  	[tilespmem:s28], [sflag:$0x1] =	stream.indirect_vreg.gather [hbm4b:s3+s5], $0x80, v5, vm0, $0xb8;
	[tilespmem:$0x12A88] =	vst v63  }
0xa9: {  	_ = 	snop  }
0xaa: {  	[tilespmem:s29], [sflag:$0x1] =	stream.indirect_vreg.gather [hbm4b:s7+s5], $0x80, v5, vm0, $0xb8;
	[tilespmem:$0x12A88] =	vst v63  }
0xab: {  	_ = 	snop  }
0xac: {  	[tilespmem:s17], [sflag:$0x1] =	stream.indirect_vreg.gather [hbm4b:s8+s5], $0x80, v5, vm0, $0xb8;
	[tilespmem:$0x12A88] =	vst v63  }
0xad: {  	_ = 	snop  }
0xae: {  	[tilespmem:s4], [sflag:$0x1] =	stream.indirect_vreg.gather [hbm4b:s9+s5], $0x80, v5, vm0, $0xb8;
	[tilespmem:$0x12A88] =	vst v63  }
0xaf: {  	v5 =	vld [tilespmem:$0x28A0];
	_ =	sdelay $0x4  }
0xb0: {  	v6 =	vshll.u32 v5, $0x3  }
0xb1: {  	v5 =	vand.u32 $0x7, v5;
	v6 =	vand.u32 $0xFFFFFFC0, v6  }
0xb2: {  	v5 =	vor.u32 v5, v6  }
0xb3: {  	v6 =	vperm.xlane v5, v2;
	_ =	sdelay $0x1  }
0xb4: {  	v6 =	vadd.s32 v3, v6;
	_ =	sdelay $0x3  }
0xb5: {  	s2 =	simm.s32 $0xA900  }
0xb6: {  	[tilespmem:s2], [sflag:$0x1] =	stream.indirect_vreg.gather [hbm4b:s3+s5], $0x80, v6, vm0, $0xb8;
	[tilespmem:$0x12A88] =	vst v63  }
0xb7: {  	v5 =	vperm.xlane v5, v4  }
0xb8: {  	[tilespmem:s6], [sflag:$0x1] =	stream.indirect_vreg.gather [hbm4b:s7+s5], $0x80, v6, vm0, $0xb8;
	[tilespmem:$0x12A88] =	vst v63  }
0xb9: {  	v5 =	vadd.s32 v3, v5  }
0xba: {  	[tilespmem:s10], [sflag:$0x1] =	stream.indirect_vreg.gather [hbm4b:s8+s5], $0x80, v6, vm0, $0xb8;
	[tilespmem:$0x12A88] =	vst v63  }
0xbb: {  	_ = 	snop  }
0xbc: {  	[tilespmem:s1], [sflag:$0x1] =	stream.indirect_vreg.gather [hbm4b:s9+s5], $0x80, v6, vm0, $0xb8;
	[tilespmem:$0x12A88] =	vst v63  }
0xbd: {  	_ = 	snop  }
0xbe: {  	[tilespmem:s20], [sflag:$0x1] =	stream.indirect_vreg.gather [hbm4b:s3+s5], $0x80, v5, vm0, $0xb8;
	[tilespmem:$0x12A88] =	vst v63  }
0xbf: {  	s2 =	simm.s32 $0xD100  }
0xc0: {  	[tilespmem:s2], [sflag:$0x1] =	stream.indirect_vreg.gather [hbm4b:s7+s5], $0x80, v5, vm0, $0xb8;
	[tilespmem:$0x12A88] =	vst v63  }
0xc1: {  	s2 =	simm.s32 $0xD900  }
0xc2: {  	[tilespmem:s2], [sflag:$0x1] =	stream.indirect_vreg.gather [hbm4b:s8+s5], $0x80, v5, vm0, $0xb8;
	[tilespmem:$0x12A88] =	vst v63  }
0xc3: {  	s2 =	simm.s32 $0xE100  }
0xc4: {  	[tilespmem:s2], [sflag:$0x1] =	stream.indirect_vreg.gather [hbm4b:s9+s5], $0x80, v5, vm0, $0xb8;
	[tilespmem:$0x12A88] =	vst v63  }
0xc5: {  	v5 =	vld [tilespmem:$0x28B0];
	_ =	sdelay $0x4  }
0xc6: {  	v6 =	vshll.u32 v5, $0x3  }
0xc7: {  	v5 =	vand.u32 $0x7, v5;
	v6 =	vand.u32 $0xFFFFFFC0, v6  }
0xc8: {  	v5 =	vor.u32 v5, v6  }
0xc9: {  	v6 =	vperm.xlane v5, v2;
	_ =	sdelay $0x1  }
0xca: {  	v6 =	vadd.s32 v3, v6;
	_ =	sdelay $0x3  }
0xcb: {  	s2 =	simm.s32 $0xE900  }
0xcc: {  	[tilespmem:s2], [sflag:$0x1] =	stream.indirect_vreg.gather [hbm4b:s3+s5], $0x80, v6, vm0, $0xb8;
	[tilespmem:$0x12A88] =	vst v63  }
0xcd: {  	v5 =	vperm.xlane v5, v4;
	s2 =	simm.s32 $0xF100  }
0xce: {  	[tilespmem:s2], [sflag:$0x1] =	stream.indirect_vreg.gather [hbm4b:s7+s5], $0x80, v6, vm0, $0xb8;
	[tilespmem:$0x12A88] =	vst v63  }
0xcf: {  	v5 =	vadd.s32 v3, v5;
	s2 =	simm.s32 $0xF900  }
0xd0: {  	[tilespmem:s2], [sflag:$0x1] =	stream.indirect_vreg.gather [hbm4b:s8+s5], $0x80, v6, vm0, $0xb8;
	[tilespmem:$0x12A88] =	vst v63  }
0xd1: {  	s2 =	simm.s32 $0x10100  }
0xd2: {  	[tilespmem:s2], [sflag:$0x1] =	stream.indirect_vreg.gather [hbm4b:s9+s5], $0x80, v6, vm0, $0xb8;
	[tilespmem:$0x12A88] =	vst v63  }
0xd3: {  	s2 =	simm.s32 $0x10900  }
0xd4: {  	[tilespmem:s2], [sflag:$0x1] =	stream.indirect_vreg.gather [hbm4b:s3+s5], $0x80, v5, vm0, $0xb8;
	[tilespmem:$0x12A88] =	vst v63  }
0xd5: {  	s2 =	simm.s32 $0x11100  }
0xd6: {  	[tilespmem:s2], [sflag:$0x1] =	stream.indirect_vreg.gather [hbm4b:s7+s5], $0x80, v5, vm0, $0xb8;
	[tilespmem:$0x12A88] =	vst v63  }
0xd7: {  	s2 =	simm.s32 $0x11900  }
0xd8: {  	[tilespmem:s2], [sflag:$0x1] =	stream.indirect_vreg.gather [hbm4b:s8+s5], $0x80, v5, vm0, $0xb8;
	[tilespmem:$0x12A88] =	vst v63  }
0xd9: {  	s2 =	simm.s32 $0x12100  }
0xda: {  	[tilespmem:s2], [sflag:$0x1] =	stream.indirect_vreg.gather [hbm4b:s9+s5], $0x80, v5, vm0, $0xb8;
	[tilespmem:$0x12A88] =	vst v63  }
0xdb: {  	_ =	swait.ge [sflag:s30], $0x10000  }
0xdc: {  	[sflag:s30] =	ssyncset.done $0x0  }
0xdd: {  	s2 =	rddreg [dreg:$0xa];
	[sflag:s30] =	ssyncadd.s32 $0xFFFF0000  }
0xde: {  	[hbm4b:s2+s5] =	stream.linear.scatter [tilespmem:s0], [sflag:$0x2], $0x10000, $0x38;
	[tilespmem:$0x12A88] =	vst v63  }
0xdf: {  	_ =	swait.ge [sflag:s16], $0x10000  }
0xe0: {  	[sflag:s16] =	ssyncset.done $0x0  }
0xe1: {  	s2 =	rddreg [dreg:$0x8];
	[sflag:s16] =	ssyncadd.s32 $0xFFFF0000  }
0xe2: {  	[tilespmem:s11], [sflag:$0x2] =	stream.linear.gather [spmem:s2], $0x40, $0x38;
	[tilespmem:$0x12A88] =	vst v63  }
0xe3: {  	_ =	swait.ge [sflag:s16], $0x40  }
0xe4: {  	[sflag:s16] =	ssyncset.done $0x0  }
0xe5: {  	[sflag:s16] =	ssyncadd.s32 $0xFFFFFFC0  }
0xe6: {  	v5 =	vld [tilespmem:$0x2880];
	_ =	sdelay $0x4  }
0xe7: {  	v6 =	vshll.u32 v5, $0x3  }
0xe8: {  	v5 =	vand.u32 $0x7, v5;
	v6 =	vand.u32 $0xFFFFFFC0, v6  }
0xe9: {  	v5 =	vor.u32 v5, v6  }
0xea: {  	v6 =	vperm.xlane v5, v2;
	_ =	sdelay $0x1  }
0xeb: {  	v6 =	vadd.s32 v3, v6;
	_ =	sdelay $0x4  }
0xec: {  	[tilespmem:s0], [sflag:$0x1] =	stream.indirect_vreg.gather [hbm4b:s3+s5], $0x80, v6, vm0, $0xb8;
	[tilespmem:$0x12A88] =	vst v63  }
0xed: {  	v5 =	vperm.xlane v5, v4  }
0xee: {  	[tilespmem:s12], [sflag:$0x1] =	stream.indirect_vreg.gather [hbm4b:s7+s5], $0x80, v6, vm0, $0xb8;
	[tilespmem:$0x12A88] =	vst v63  }
0xef: {  	v5 =	vadd.s32 v3, v5  }
0xf0: {  	[tilespmem:s13], [sflag:$0x1] =	stream.indirect_vreg.gather [hbm4b:s8+s5], $0x80, v6, vm0, $0xb8;
	[tilespmem:$0x12A88] =	vst v63  }
0xf1: {  	_ = 	snop  }
0xf2: {  	[tilespmem:s14], [sflag:$0x1] =	stream.indirect_vreg.gather [hbm4b:s9+s5], $0x80, v6, vm0, $0xb8;
	[tilespmem:$0x12A88] =	vst v63  }
0xf3: {  	_ = 	snop  }
0xf4: {  	[tilespmem:s15], [sflag:$0x1] =	stream.indirect_vreg.gather [hbm4b:s3+s5], $0x80, v5, vm0, $0xb8;
	[tilespmem:$0x12A88] =	vst v63  }
0xf5: {  	_ = 	snop  }
0xf6: {  	[tilespmem:s19], [sflag:$0x1] =	stream.indirect_vreg.gather [hbm4b:s7+s5], $0x80, v5, vm0, $0xb8;
	[tilespmem:$0x12A88] =	vst v63  }
0xf7: {  	_ = 	snop  }
0xf8: {  	[tilespmem:s21], [sflag:$0x1] =	stream.indirect_vreg.gather [hbm4b:s8+s5], $0x80, v5, vm0, $0xb8;
	[tilespmem:$0x12A88] =	vst v63  }
0xf9: {  	_ = 	snop  }
0xfa: {  	[tilespmem:s22], [sflag:$0x1] =	stream.indirect_vreg.gather [hbm4b:s9+s5], $0x80, v5, vm0, $0xb8;
	[tilespmem:$0x12A88] =	vst v63  }
0xfb: {  	v5 =	vld [tilespmem:$0x2890];
	_ =	sdelay $0x4  }
0xfc: {  	v6 =	vshll.u32 v5, $0x3  }
0xfd: {  	v5 =	vand.u32 $0x7, v5;
	v6 =	vand.u32 $0xFFFFFFC0, v6  }
0xfe: {  	v5 =	vor.u32 v5, v6  }
0xff: {  	v6 =	vperm.xlane v5, v2;
	_ =	sdelay $0x1  }
0x100: {  	v6 =	vadd.s32 v3, v6;
	_ =	sdelay $0x4  }
0x101: {  	[tilespmem:s23], [sflag:$0x1] =	stream.indirect_vreg.gather [hbm4b:s3+s5], $0x80, v6, vm0, $0xb8;
	[tilespmem:$0x12A88] =	vst v63  }
0x102: {  	v5 =	vperm.xlane v5, v4  }
0x103: {  	[tilespmem:s24], [sflag:$0x1] =	stream.indirect_vreg.gather [hbm4b:s7+s5], $0x80, v6, vm0, $0xb8;
	[tilespmem:$0x12A88] =	vst v63  }
0x104: {  	v5 =	vadd.s32 v3, v5  }
0x105: {  	[tilespmem:s25], [sflag:$0x1] =	stream.indirect_vreg.gather [hbm4b:s8+s5], $0x80, v6, vm0, $0xb8;
	[tilespmem:$0x12A88] =	vst v63  }
0x106: {  	_ = 	snop  }
0x107: {  	[tilespmem:s26], [sflag:$0x1] =	stream.indirect_vreg.gather [hbm4b:s9+s5], $0x80, v6, vm0, $0xb8;
	[tilespmem:$0x12A88] =	vst v63  }
0x108: {  	_ = 	snop  }
0x109: {  	[tilespmem:s28], [sflag:$0x1] =	stream.indirect_vreg.gather [hbm4b:s3+s5], $0x80, v5, vm0, $0xb8;
	[tilespmem:$0x12A88] =	vst v63  }
0x10a: {  	_ = 	snop  }
0x10b: {  	[tilespmem:s29], [sflag:$0x1] =	stream.indirect_vreg.gather [hbm4b:s7+s5], $0x80, v5, vm0, $0xb8;
	[tilespmem:$0x12A88] =	vst v63  }
0x10c: {  	_ = 	snop  }
0x10d: {  	[tilespmem:s17], [sflag:$0x1] =	stream.indirect_vreg.gather [hbm4b:s8+s5], $0x80, v5, vm0, $0xb8;
	[tilespmem:$0x12A88] =	vst v63  }
0x10e: {  	_ = 	snop  }
0x10f: {  	[tilespmem:s4], [sflag:$0x1] =	stream.indirect_vreg.gather [hbm4b:s9+s5], $0x80, v5, vm0, $0xb8;
	[tilespmem:$0x12A88] =	vst v63  }
0x110: {  	v5 =	vld [tilespmem:$0x28A0];
	_ =	sdelay $0x4  }
0x111: {  	v6 =	vshll.u32 v5, $0x3  }
0x112: {  	v5 =	vand.u32 $0x7, v5;
	v6 =	vand.u32 $0xFFFFFFC0, v6  }
0x113: {  	v5 =	vor.u32 v5, v6  }
0x114: {  	v6 =	vperm.xlane v5, v2;
	_ =	sdelay $0x1  }
0x115: {  	v6 =	vadd.s32 v3, v6;
	_ =	sdelay $0x3  }
0x116: {  	s2 =	simm.s32 $0xA900  }
0x117: {  	[tilespmem:s2], [sflag:$0x1] =	stream.indirect_vreg.gather [hbm4b:s3+s5], $0x80, v6, vm0, $0xb8;
	[tilespmem:$0x12A88] =	vst v63  }
0x118: {  	v5 =	vperm.xlane v5, v4  }
0x119: {  	[tilespmem:s6], [sflag:$0x1] =	stream.indirect_vreg.gather [hbm4b:s7+s5], $0x80, v6, vm0, $0xb8;
	[tilespmem:$0x12A88] =	vst v63  }
0x11a: {  	v5 =	vadd.s32 v3, v5  }
0x11b: {  	[tilespmem:s10], [sflag:$0x1] =	stream.indirect_vreg.gather [hbm4b:s8+s5], $0x80, v6, vm0, $0xb8;
	[tilespmem:$0x12A88] =	vst v63  }
0x11c: {  	_ = 	snop  }
0x11d: {  	[tilespmem:s1], [sflag:$0x1] =	stream.indirect_vreg.gather [hbm4b:s9+s5], $0x80, v6, vm0, $0xb8;
	[tilespmem:$0x12A88] =	vst v63  }
0x11e: {  	_ = 	snop  }
0x11f: {  	[tilespmem:s20], [sflag:$0x1] =	stream.indirect_vreg.gather [hbm4b:s3+s5], $0x80, v5, vm0, $0xb8;
	[tilespmem:$0x12A88] =	vst v63  }
0x120: {  	s2 =	simm.s32 $0xD100  }
0x121: {  	[tilespmem:s2], [sflag:$0x1] =	stream.indirect_vreg.gather [hbm4b:s7+s5], $0x80, v5, vm0, $0xb8;
	[tilespmem:$0x12A88] =	vst v63  }
0x122: {  	s2 =	simm.s32 $0xD900  }
0x123: {  	[tilespmem:s2], [sflag:$0x1] =	stream.indirect_vreg.gather [hbm4b:s8+s5], $0x80, v5, vm0, $0xb8;
	[tilespmem:$0x12A88] =	vst v63  }
0x124: {  	s2 =	simm.s32 $0xE100  }
0x125: {  	[tilespmem:s2], [sflag:$0x1] =	stream.indirect_vreg.gather [hbm4b:s9+s5], $0x80, v5, vm0, $0xb8;
	[tilespmem:$0x12A88] =	vst v63  }
0x126: {  	v5 =	vld [tilespmem:$0x28B0];
	_ =	sdelay $0x4  }
0x127: {  	v6 =	vshll.u32 v5, $0x3  }
0x128: {  	v5 =	vand.u32 $0x7, v5;
	v6 =	vand.u32 $0xFFFFFFC0, v6  }
0x129: {  	v5 =	vor.u32 v5, v6  }
0x12a: {  	v6 =	vperm.xlane v5, v2;
	_ =	sdelay $0x1  }
0x12b: {  	v6 =	vadd.s32 v3, v6;
	_ =	sdelay $0x3  }
0x12c: {  	s2 =	simm.s32 $0xE900  }
0x12d: {  	[tilespmem:s2], [sflag:$0x1] =	stream.indirect_vreg.gather [hbm4b:s3+s5], $0x80, v6, vm0, $0xb8;
	[tilespmem:$0x12A88] =	vst v63  }
0x12e: {  	v5 =	vperm.xlane v5, v4;
	s2 =	simm.s32 $0xF100  }
0x12f: {  	[tilespmem:s2], [sflag:$0x1] =	stream.indirect_vreg.gather [hbm4b:s7+s5], $0x80, v6, vm0, $0xb8;
	[tilespmem:$0x12A88] =	vst v63  }
0x130: {  	v5 =	vadd.s32 v3, v5;
	s2 =	simm.s32 $0xF900  }
0x131: {  	[tilespmem:s2], [sflag:$0x1] =	stream.indirect_vreg.gather [hbm4b:s8+s5], $0x80, v6, vm0, $0xb8;
	[tilespmem:$0x12A88] =	vst v63  }
0x132: {  	s2 =	simm.s32 $0x10100  }
0x133: {  	[tilespmem:s2], [sflag:$0x1] =	stream.indirect_vreg.gather [hbm4b:s9+s5], $0x80, v6, vm0, $0xb8;
	[tilespmem:$0x12A88] =	vst v63  }
0x134: {  	s2 =	simm.s32 $0x10900  }
0x135: {  	[tilespmem:s2], [sflag:$0x1] =	stream.indirect_vreg.gather [hbm4b:s3+s5], $0x80, v5, vm0, $0xb8;
	[tilespmem:$0x12A88] =	vst v63  }
0x136: {  	s2 =	simm.s32 $0x11100  }
0x137: {  	[tilespmem:s2], [sflag:$0x1] =	stream.indirect_vreg.gather [hbm4b:s7+s5], $0x80, v5, vm0, $0xb8;
	[tilespmem:$0x12A88] =	vst v63  }
0x138: {  	s2 =	simm.s32 $0x11900  }
0x139: {  	[tilespmem:s2], [sflag:$0x1] =	stream.indirect_vreg.gather [hbm4b:s8+s5], $0x80, v5, vm0, $0xb8;
	[tilespmem:$0x12A88] =	vst v63  }
0x13a: {  	s2 =	simm.s32 $0x12100  }
0x13b: {  	[tilespmem:s2], [sflag:$0x1] =	stream.indirect_vreg.gather [hbm4b:s9+s5], $0x80, v5, vm0, $0xb8;
	[tilespmem:$0x12A88] =	vst v63  }
0x13c: {  	_ =	swait.ge [sflag:s30], $0x10000  }
0x13d: {  	[sflag:s30] =	ssyncset.done $0x0  }
0x13e: {  	s2 =	rddreg [dreg:$0x9];
	[sflag:s30] =	ssyncadd.s32 $0xFFFF0000  }
0x13f: {  	[hbm4b:s2+s5] =	stream.linear.scatter [tilespmem:s0], [sflag:$0x2], $0x10000, $0x38;
	[tilespmem:$0x12A88] =	vst v63  }
0x140: {  	_ =	swait.ge [sflag:s16], $0x10000  }
0x141: {  	s31 =	sadd.s32 $0x1, s31;
	s2 =	rddreg [dreg:$0xb]  }
0x142: {  	p1 =	sne.s32 s31, s2  }
.Ltmp1:
0x143: {  	_ = 	snop;
	(pc) =	sbr.rel @!p1 .LBB2_8-.Ltmp1, $3  }
0x144: {  	_ =	sdelay $0x1  }
0x145: {  	[sflag:s16] =	ssyncset.done $0x0  }
0x146: {  	[sflag:s16] =	ssyncadd.s32 $0xFFFF0000  }
.LBB2_1:
.Ltmp2:
0x147: {  	(pc) =	sbr.rel @p0 .LBB2_7-.Ltmp2, $1  }
0x148: {  	_ =	sdelay $0x3  }
0x149: {  	s1 =	simm.s32 $0x0;
	s0 =	rddreg [dreg:$0x0]  }
0x14a: {  	[tilespmem:s1], [sflag:$0x2] =	stream.linear.gather [hbm4b:s0+s1], $0x800, $0x38;
	[tilespmem:$0x12A88] =	vst v63  }
0x14b: {  	_ =	swait.ge [sflag:s16], $0x800  }
0x14c: {  	[sflag:s16] =	ssyncset.done $0x0  }
0x14d: {  	[sflag:s16] =	ssyncadd.s32 $0xFFFFF800  }
0x14e: {  	s2 =	simm.s32 $0x800;
	s13 =	rddreg [dreg:$0x1]  }
0x14f: {  	[tilespmem:s2], [sflag:$0x2] =	stream.linear.gather [hbm4b:s13+s1], $0x800, $0x38;
	[tilespmem:$0x12A88] =	vst v63  }
0x150: {  	_ =	swait.ge [sflag:s16], $0x800  }
0x151: {  	[sflag:s16] =	ssyncset.done $0x0  }
0x152: {  	s0 =	simm.s32 $0x0;
	[sflag:s16] =	ssyncadd.s32 $0xFFFFF800  }
.LBB2_3:
0x153: {  	p1 =	sne.s32 s0, $0x60C0  }
.Ltmp3:
0x154: {  	_ = 	snop;
	(pc) =	sbr.rel @p1 .LBB2_3-.Ltmp3, $3  }
0x155: {  	_ =	sdelay $0x1  }
0x156: {  	s2 =	sshra.s32 s0, $0x2  }
0x157: {  	s0 =	sadd.s32 $0x40, s0;
	[tilespmem:s2+$0x1000] =	vst v1  }
0x158: {  	s0 =	simm.s32 $0x800;
	s2 =	simm.s32 $0x0  }
.LBB2_5:
0x159: {  	v5 =	vld [tilespmem:s1+$0x0];
	_ =	sdelay $0x6  }
0x15a: {  	v6 =	vor.u32 s2, v0  }
0x15b: {  	[tilespmem:v5+s18+$0x0] =	vst.idx.msk $0xffff, v6  }
0x15c: {  	v5 =	vld [tilespmem:s0+$0x0];
	_ =	sdelay $0x2  }
0x15d: {  	p1 =	sne.s32 s2, $0x7F0  }
.Ltmp4:
0x15e: {  	_ = 	snop;
	(pc) =	sbr.rel @p1 .LBB2_5-.Ltmp4, $2  }
0x15f: {  	_ =	sdelay $0x2  }
0x160: {  	s1 =	sadd.s32 $0x10, s1;
	s2 =	sadd.s32 $0x10, s2;
	s0 =	sadd.s32 $0x10, s0;
	[tilespmem:v5+s18+$0x0] =	vst.idx.msk $0xffff, v6  }
.Ltmp5:
0x161: {  	_ = 	snop;
	(pc) =	sbr.rel .LBB2_6-.Ltmp5, $1  }
0x162: {  	_ =	sdelay $0x3  }
.LBB2_8:
0x163: {  	_ =	sfence.sel $0x180000  }
0x164: {  	[bflag:$0x0] =	sbarrier.arrive $0xFFFF  }
0x165: {  	_ =	strace $0x90000047  }
0x166: {  	[bflag:$0x2] =	sbarrier.arrive $0xFFFF  }
0x167: {  	s0 =	rddreg [dreg:$0x4]  }
0x168: {  	s0 =	sadd.s32 @!p0 $0x100000, s0  }
0x169: {  	[sflag:s0] =	ssyncadd.tile.s32 @!p0 $0x1;
	_ =	shalt  }
.Lfunc_end2:
_tile_overlayer_lowered:
.L_overlay_start_2:
0x16a: {  	(tag) =	ssettag $0x2  }
0x16b: {  	s0 =	rddreg [dreg:$0x0];
	s2 =	stileid.u32  }
0x16c: {  	s1 =	rddreg [dreg:$0x1];
	p0 =	sne.s32 s2, $0x0  }
0x16d: {  	s3 =	rddreg [dreg:$0x2];
	[bflag:$0x3] =	sbarrier.arrive $0xFFFF;
	s2 =	simm.s32 @!p0 $0x1C02  }
0x16e: {  	[timem:s3], [sflag:s2] =	dma.local @!p0 [hbm:s0], s1  }
0x16f: {  	s0 =	simm.s32 @!p0 $0x2  }
0x170: {  	_ =	swait.ge @!p0 [sflag:s0], s1  }
0x171: {  	s1 =	ssub.s32 @!p0 $0x0, s1;
	[sflag:s0] =	ssyncset.done @!p0 $0x0  }
0x172: {  	[sflag:s0] =	ssyncadd.s32 @!p0 s1  }
0x173: {  	[bflag:$0x3] =	sbarrier.arrive $0xFFFF  }
0x174: {  	_ =	shalt  }

// kernel: kernel.22.cloned.1.call-start
scs
__scs_entry_jumppad:
0x0: {  	(pc) =	sbr.rel $0x88, $3  }
0x1: {  	(tag) =	ssettag $0x0;
	lr =	simm.s32 $0x1  }
0x2: {  	[smem:$0x3F94] =	sst lr;
	_ =	strace $0xD0000000  }
0x3: {  	_ = 	snop  }
0x4: {  	_ = 	snop  }
0x5: {  	_ = 	snop  }
0x6: {  	_ = 	snop  }
0x7: {  	_ = 	snop  }
__scs_overlays_trampoline_lowered:
0x8: {  	[smem:$0x3FA3] =	sst s0  }
0x9: {  	[smem:$0x3FA4] =	sst s1  }
0xa: {  	[smem:$0x3FA5] =	sst s2  }
0xb: {  	[smem:$0x3FA6] =	sst s3  }
0xc: {  	[smem:$0x3FA7] =	sst s4  }
0xd: {  	[smem:$0x3FA8] =	sst s5  }
0xe: {  	[smem:$0x3FA9] =	sst s6  }
0xf: {  	[smem:$0x3FAA] =	sst s7  }
0x10: {  	[smem:$0x3FAB] =	sst s8  }
0x11: {  	[smem:$0x3FAC] =	sst s9;
	s0 =	simm.s32 @!p0 $0x0  }
0x12: {  	s1 =	sld [smem:$0x3F92];
	s0 =	simm.s32 @p0 $0x1  }
0x13: {  	[smem:$0x3FAD] =	sst s0;
	s0 =	simm.s32 @!p1 $0x0  }
0x14: {  	s2 =	sld [smem:$0x3F91];
	s0 =	simm.s32 @p1 $0x1  }
0x15: {  	[smem:$0x3FAE] =	sst s0;
	s0 =	simm.s32 @!p2 $0x0  }
0x16: {  	s3 =	sld [smem:$0x3FDB];
	s0 =	simm.s32 @p2 $0x1  }
0x17: {  	s4 =	simm.s32 $0x1BF5;
	[smem:$0x3FB0] =	sst s0  }
0x18: {  	s0 =	sld [smem:$0x3F93];
	_ =	swait.ge [sflag:s4], $0x0  }
0x19: {  	s7 =	sld [smem:$0x3F94]  }
0x1a: {  	s8 =	sadd.s32 $0xFFFFE003, lr  }
0x1b: {  	s9 =	sadd.s32 $0xFFFFFEF7, lr;
	s5 =	simm.s32 $0xFFFFFFFF;
	p2 =	slt.u32 s8, $0xFFFFF086  }
0x1c: {  	p1 =	slt.u32 s9, $0xF7A;
	s5 =	simm.s32 @!p2 $0x0  }
0x1d: {  	s5 =	simm.s32 @p1 $0x1;
	p0 =	seq.s32 s7, s2  }
0x1e: {  	s7 =	smul.u32 @!p0 $0xF7A, s2;
	p2 =	seq.s32 @!p0 s5, $0x0  }
0x1f: {  	s9 =	smul.u32 $0xF7A, s1;
	s8 =	simm.s32 @!p0 $0x1BF5;
	p2 =	por !p2, p0  }
0x20: {  	[sflag:s8] =	ssyncset.s32 @!p0 $0xFFFFF086;
	s6 =	sadd.s32 @!p0 s3, s7;
	s7 =	simm.s32 @!p0 $0x108  }
0x21: {  	s3 =	sadd.s32 s3, s9;
	s6 =	sadd.s32 @!p0 $0x88, s6;
	s7 =	simm.s32 @p2 $0x1082  }
0x22: {  	[simem:s7], [sflag:s8] =	dma.local @!p0 [hbm:s6], $0xF7A  }
0x23: {  	s9 =	sor.u32 $0xD0000000, s2;
	s6 =	simm.s32 $0x108;
	_ =	swait.ge @!p0 [sflag:s8], $0x0  }
0x24: {  	s3 =	sadd.s32 $0x88, s3;
	s6 =	simm.s32 @!p1 $0x1082;
	[sflag:s4] =	ssyncset.s32 $0xFFFFF086  }
0x25: {  	[simem:s6], [sflag:s4] =	dma.local [hbm:s3], $0xF7A  }
0x26: {  	[smem:$0x3F94] =	sst s1;
	(tag) =	ssettag s2;
	_ =	strace s9  }
0x27: {  	s1 =	sld [smem:$0x3FA4]  }
0x28: {  	s2 =	sld [smem:$0x3FA5]  }
0x29: {  	s4 =	sld [smem:$0x3FA7]  }
0x2a: {  	p0 =	seq.s32 s5, $0x0;
	s5 =	sld [smem:$0x3FA8]  }
0x2b: {  	s6 =	sld [smem:$0x3FA9]  }
0x2c: {  	s7 =	sld [smem:$0x3FAA]  }
0x2d: {  	s3 =	simm.s32 $0x108;
	s8 =	sld [smem:$0x3FAB]  }
0x2e: {  	s3 =	simm.s32 @!p0 $0x1082;
	s9 =	sld [smem:$0x3FAC]  }
0x2f: {  	lr =	sadd.s32 s0, s3;
	s0 =	sld [smem:$0x3FA3]  }
0x30: {  	s3 =	sld [smem:$0x3FA6]  }
0x31: {  	[smem:$0x3FAF] =	sst s10  }
0x32: {  	s10 =	sld [smem:$0x3FAD];
	_ =	sdelay $0x3  }
0x33: {  	p0 =	seq.s32 s10, $0x1;
	s10 =	sld [smem:$0x3FAF];
	_ =	sdelay $0x3  }
0x34: {  	[smem:$0x3FAF] =	sst s10  }
0x35: {  	s10 =	sld [smem:$0x3FAE];
	_ =	sdelay $0x3  }
0x36: {  	p1 =	seq.s32 s10, $0x1;
	s10 =	sld [smem:$0x3FAF];
	_ =	sdelay $0x3  }
0x37: {  	[smem:$0x3FAF] =	sst s10  }
0x38: {  	s10 =	sld [smem:$0x3FB0]  }
0x39: {  	_ = 	snop;
	(pc) =	sbr.ind lr, $3  }
0x3a: {  	_ = 	snop  }
0x3b: {  	_ = 	snop  }
0x3c: {  	p2 =	seq.s32 s10, $0x1;
	s10 =	sld [smem:$0x3FAF]  }
0x3d: {  	_ =	shalt  }
0x3e: {  	_ =	shalt  }
0x3f: {  	_ =	shalt  }
0x40: {  	_ =	shalt  }
0x41: {  	_ =	shalt  }
0x42: {  	_ =	shalt  }
0x43: {  	_ =	shalt  }
0x44: {  	_ =	shalt  }
0x45: {  	_ =	shalt  }
0x46: {  	_ =	shalt  }
0x47: {  	_ =	shalt  }
0x48: {  	_ =	shalt  }
0x49: {  	_ =	shalt  }
0x4a: {  	_ =	shalt  }
0x4b: {  	_ =	shalt  }
0x4c: {  	_ =	shalt  }
0x4d: {  	_ =	shalt  }
0x4e: {  	_ =	shalt  }
0x4f: {  	_ =	shalt  }
0x50: {  	_ =	shalt  }
0x51: {  	_ =	shalt  }
0x52: {  	_ =	shalt  }
0x53: {  	_ =	shalt  }
0x54: {  	_ =	shalt  }
0x55: {  	_ =	shalt  }
0x56: {  	_ =	shalt  }
0x57: {  	_ =	shalt  }
0x58: {  	_ =	shalt  }
0x59: {  	_ =	shalt  }
0x5a: {  	_ =	shalt  }
0x5b: {  	_ =	shalt  }
0x5c: {  	_ =	shalt  }
0x5d: {  	_ =	shalt  }
0x5e: {  	_ =	shalt  }
0x5f: {  	_ =	shalt  }
0x60: {  	_ =	shalt  }
0x61: {  	_ =	shalt  }
0x62: {  	_ =	shalt  }
0x63: {  	_ =	shalt  }
0x64: {  	_ =	shalt  }
0x65: {  	_ =	shalt  }
0x66: {  	_ =	shalt  }
0x67: {  	_ =	shalt  }
0x68: {  	_ =	shalt  }
0x69: {  	_ =	shalt  }
0x6a: {  	_ =	shalt  }
0x6b: {  	_ =	shalt  }
0x6c: {  	_ =	shalt  }
0x6d: {  	_ =	shalt  }
0x6e: {  	_ =	shalt  }
0x6f: {  	_ =	shalt  }
0x70: {  	_ =	shalt  }
0x71: {  	_ =	shalt  }
0x72: {  	_ =	shalt  }
0x73: {  	_ =	shalt  }
0x74: {  	_ =	shalt  }
0x75: {  	_ =	shalt  }
0x76: {  	_ =	shalt  }
0x77: {  	_ =	shalt  }
0x78: {  	_ =	shalt  }
0x79: {  	_ =	shalt  }
0x7a: {  	_ =	shalt  }
0x7b: {  	_ =	shalt  }
0x7c: {  	_ =	shalt  }
0x7d: {  	_ =	shalt  }
0x7e: {  	_ =	shalt  }
0x7f: {  	_ =	shalt  }
0x80: {  	_ =	shalt  }
0x81: {  	_ =	shalt  }
0x82: {  	_ =	shalt  }
0x83: {  	_ =	shalt  }
0x84: {  	_ =	shalt  }
0x85: {  	_ =	shalt  }
0x86: {  	_ =	shalt  }
0x87: {  	_ =	shalt  }
.Lfunc_end0:
.L_simem_size_0:
called_computation.1_lowered:
.L_overlay_start_0:
0x88: {  	s2 =	sld [smem:$0x3FD9]  }
0x89: {  	s3 =	sld [smem:$0x3FFE];
	_ =	sdelay $0x1  }
0x8a: {  	s1 =	srdreg.scid  }
0x8b: {  	s0 =	sand.u32 $0x1, s1  }
0x8c: {  	s17 =	sshll.u32 s0, $0xA;
	s2 =	sadd.s32 s3, s2  }
0x8d: {  	s2 =	sadd.s32 s2, s17  }
0x8e: {  	[smem:$0x3FBB] =	sst s2  }
0x8f: {  	_ = 	snop  }
0x90: {  	s2 =	sld [smem:$0x3FD0];
	(tm) =	ssettm $0x1  }
0x91: {  	s18 =	sld [smem:$0x3FFB];
	_ =	sdelay $0x3  }
0x92: {  	_ =	strace s18  }
0x93: {  	s3 =	sld [smem:$0x3FFC];
	_ =	sdelay $0x3  }
0x94: {  	_ =	strace s3  }
0x95: {  	s3 =	sld [smem:$0x3FFD];
	_ =	sdelay $0x3  }
0x96: {  	_ =	strace s3  }
0x97: {  	_ =	strace $0x8FFFFFFF  }
0x98: {  	s19 =	sld [smem:$0x3FDB];
	_ =	sdelay $0x1  }
0x99: {  	s4 =	simm.s32 $_scs_section_size  }
0x9a: {  	s5 =	simm.s32 $_size__tile_overlayer_lowered;
	s6 =	simm.s32 $_tile_overlayer_lowered  }
0x9b: {  	s22 =	simm.s32 $0x1BFF;
	s21 =	sshll.u32 s6, $0x1;
	s3 =	sadd.s32 s4, s19  }
0x9c: {  	s7 =	simm.s32 $0x0;
	s20 =	sshll.u32 s5, $0x1;
	s5 =	sadd.s32 s21, s3  }
0x9d: {  	[timem:s7], [sflag:s22] =	dma.local [hbm:s5], s20  }
0x9e: {  	_ =	swait.ge [sflag:s22], s20  }
0x9f: {  	s4 =	ssub.s32 $0x0, s20;
	[sflag:s22] =	ssyncset.done $0x0  }
0xa0: {  	[sflag:s22] =	ssyncadd.s32 s4;
	_ =	sdelay $0x1  }
0xa1: {  	s23 =	simm.s32 $0x1B8B  }
0xa2: {  	_ =	swait.ge [sflag:s23], $0x1  }
0xa3: {  	[sflag:s23] =	ssyncset.done $0x0  }
0xa4: {  	s25 =	simm.s32 $0x1B8E;
	s24 =	sld [smem:$0x3FFE];
	[sflag:s23] =	ssyncadd.s32 $0xFFFFFFFF  }
0xa5: {  	s26 =	simm.s32 $execute0_lowered;
	[smem:$0x3FD2] =	sst s25  }
0xa6: {  	s5 =	sshll.u32 s26, $0x1;
	_ =	strace $0x80000049;
	[dreg:$0x1] =	wrdreg $0xFFFFFFFF  }
0xa7: {  	s28 =	simm.s32 $_size_execute0_lowered;
	s3 =	sadd.s32 s3, s5;
	[dreg:$0x0] =	wrdreg $0x0  }
0xa8: {  	s5 =	sshll.u32 s28, $0x1;
	[dreg:$0x2] =	wrdreg s3  }
0xa9: {  	[dreg:$0x3] =	wrdreg s5  }
0xaa: {  	[dreg:$0x4] =	wrdreg $0xC0  }
0xab: {  	_ =	task [dreg:s7], $0x5FFFF  }
0xac: {  	[dreg:$0x1] =	wrdreg $0xFFFFFFFF  }
0xad: {  	[dreg:$0x0] =	wrdreg $0x60  }
0xae: {  	[dreg:$0x2] =	wrdreg s24  }
0xaf: {  	[dreg:$0x3] =	wrdreg s2  }
0xb0: {  	[dreg:$0x4] =	wrdreg $0x9  }
0xb1: {  	_ =	task.clear_ibuf [dreg:s7], $0x5FFFF;
	_ =	strace $0x90000049  }
0xb2: {  	s29 =	simm.s32 $0x9;
	_ =	strace $0x8000004B  }
0xb3: {  	_ =	swait.ge [sflag:s29], $0x1  }
0xb4: {  	[sflag:s29] =	ssyncadd.s32 $0xFFFFFFFF  }
0xb5: {  	_ =	strace $0x9000004B  }
0xb6: {  	_ =	sfence  }
0xb7: {  	s30 =	sld [smem:$0x0];
	_ =	sdelay $0x2  }
0xb8: {  	s31 =	sshll.u32 s1, $0xD;
	s1 =	sshrl.u32 s1, $0x2  }
0xb9: {  	s3 =	sand.u32 $0x4000, s31;
	s1 =	sadd.s32 s1, s30  }
0xba: {  	s0 =	sor.u32 s3, s0;
	s1 =	sshll.u32 s1, $0x11  }
0xbb: {  	s0 =	sor.u32 s1, s0  }
0xbc: {  	s0 =	sadd.s32 $0x8F2B, s0  }
0xbd: {  	[sflag:s0] =	ssyncadd.remote.s32 $0x1  }
0xbe: {  	_ =	sfence.sel $0xFFFF  }
0xbf: {  	[dreg:$0x0] =	wrdreg $0xFFFFFFFF;
	(pc) =	sbr.abs _section_cstart, $3  }
0xc0: {  	[dreg:$0x1] =	wrdreg $0xFFFFFFFF  }
0xc1: {  	_ =	task.clear_ibuf [dreg:s7], $0x2FFFF;
	_ =	strace $0x9FFFFFFF  }
0xc2: {  	(tm) =	ssettm $0x7FFFFFFF  }
0xc3: {  	_ =	shalt  }
tec
execute0_lowered:
.L_overlay_start_1:
0x0: {  	(tag) =	ssettag $0x1  }
0x1: {  	s0 =	rddreg [dreg:$0x0]  }
0x2: {  	s1 =	rddreg [dreg:$0x1]  }
0x3: {  	s2 =	srdreg.scid;
	s4 =	stileid.u32;
	s18 =	simm.s32 $0x1  }
0x4: {  	s20 =	simm.s32 $0x880;
	s21 =	simm.s32 $0x1080;
	s22 =	simm.s32 $0x1880  }
0x5: {  	s23 =	simm.s32 $0x2080;
	s28 =	simm.s32 $0x4080;
	s29 =	simm.s32 $0x4880  }
0x6: {  	s30 =	simm.s32 $0x5080;
	s31 =	simm.s32 $0x5880;
	s10 =	simm.s32 $0x7080  }
0x7: {  	s11 =	simm.s32 $0x7880;
	s12 =	simm.s32 $0x8080;
	s13 =	simm.s32 $0x8880  }
0x8: {  	s14 =	simm.s32 $0x9080;
	s15 =	simm.s32 $0x9880;
	s16 =	simm.s32 $0xA080  }
0x9: {  	s17 =	simm.s32 $0xA880;
	s3 =	sand.u32 $0x1, s2;
	s2 =	simm.s32 $0x0  }
0xa: {  	s4 =	sshll.u32 s4, $0x7;
	s5 =	sshll.u32 s3, $0x6;
	[smem:$0x7FF] =	sst s2  }
0xb: {  	s6 =	ssub.s32 $0x2, s3;
	s3 =	sadd.s32 $0xC0600, s0;
	s4 =	sor.u32 s5, s4  }
0xc: {  	_ =	strace $0x8000004A;
	s24 =	sshrl.u32 s6, $0x1;
	s5 =	sshrl.u32 s4, $0x3  }
0xd: {  	s8 =	ssub.s32 s6, s24;
	s9 =	sshll.u32 s4, $0x7;
	s4 =	sadd.s32 $0xC0700, s0  }
0xe: {  	s6 =	sadd.s32 $0xC0900, s0;
	s24 =	simm.s32 $0x2880;
	s7 =	sadd.s32 s5, s0  }
0xf: {  	s1 =	sadd.s32 s1, s9;
	s5 =	sadd.s32 $0xC0800, s0;
	s0 =	sadd.s32 s0, s9  }
0x10: {  	s9 =	simm.s32 $0xB080;
	s25 =	sadd.s32 $0xC0200, s7;
	[dreg:$0x4] =	wrdreg s1  }
0x11: {  	v2 =	vlaneseq.u32;
	s26 =	sadd.s32 $0xC0400, s7;
	[dreg:$0x6] =	wrdreg s0;
	s7 =	smax.u32 s8, $0x1  }
0x12: {  	vm0 =	vmmov $0xffff;
	v1 =	vshrl.u32 v2, $0x3;
	s8 =	simm.s32 $0x2;
	s0 =	simm.s32 $0x80;
	[dreg:$0x3] =	wrdreg s25  }
0x13: {  	v0 =	vand.u32 $0x7, v2;
	v2 =	vor.u32 $0x8, v2;
	v1 =	vmul.u32 $0x8, v1;
	[dreg:$0x5] =	wrdreg s26;
	s25 =	simm.s32 $0x3080;
	s26 =	simm.s32 $0x3880  }
.LBB2_1:
0x14: {  	s19 =	rddreg [dreg:$0x3]  }
0x15: {  	[tilespmem:s2], [sflag:$0x2] =	stream.linear.gather [hbm4b:s19+s2], $0x40, $0x38;
	[tilespmem:$0x10080] =	vst v63  }
0x16: {  	_ =	swait.ge [sflag:s8], $0x40  }
0x17: {  	[sflag:s8] =	ssyncset.done $0x0  }
0x18: {  	[sflag:s8] =	ssyncadd.s32 $0xFFFFFFC0  }
0x19: {  	v3 =	vld [tilespmem:$0x0];
	_ =	sdelay $0x4  }
0x1a: {  	v4 =	vshll.u32 v3, $0x3  }
0x1b: {  	v3 =	vand.u32 $0x7, v3;
	v4 =	vand.u32 $0xFFFFFFC0, v4  }
0x1c: {  	v3 =	vor.u32 v3, v4  }
0x1d: {  	v4 =	vperm.xlane v3, v0;
	_ =	sdelay $0x1  }
0x1e: {  	v4 =	vadd.s32 v1, v4;
	_ =	sdelay $0x4  }
0x1f: {  	[tilespmem:s0], [sflag:$0x1] =	stream.indirect_vreg.gather [hbm4b:s3+s2], $0x80, v4, vm0, $0xb8;
	[tilespmem:$0x10080] =	vst v63  }
0x20: {  	v3 =	vperm.xlane v3, v2  }
0x21: {  	[tilespmem:s20], [sflag:$0x1] =	stream.indirect_vreg.gather [hbm4b:s4+s2], $0x80, v4, vm0, $0xb8;
	[tilespmem:$0x10080] =	vst v63  }
0x22: {  	v3 =	vadd.s32 v1, v3  }
0x23: {  	[tilespmem:s21], [sflag:$0x1] =	stream.indirect_vreg.gather [hbm4b:s5+s2], $0x80, v4, vm0, $0xb8;
	[tilespmem:$0x10080] =	vst v63  }
0x24: {  	_ = 	snop  }
0x25: {  	[tilespmem:s22], [sflag:$0x1] =	stream.indirect_vreg.gather [hbm4b:s6+s2], $0x80, v4, vm0, $0xb8;
	[tilespmem:$0x10080] =	vst v63  }
0x26: {  	_ = 	snop  }
0x27: {  	[tilespmem:s23], [sflag:$0x1] =	stream.indirect_vreg.gather [hbm4b:s3+s2], $0x80, v3, vm0, $0xb8;
	[tilespmem:$0x10080] =	vst v63  }
0x28: {  	_ = 	snop  }
0x29: {  	[tilespmem:s24], [sflag:$0x1] =	stream.indirect_vreg.gather [hbm4b:s4+s2], $0x80, v3, vm0, $0xb8;
	[tilespmem:$0x10080] =	vst v63  }
0x2a: {  	_ = 	snop  }
0x2b: {  	[tilespmem:s25], [sflag:$0x1] =	stream.indirect_vreg.gather [hbm4b:s5+s2], $0x80, v3, vm0, $0xb8;
	[tilespmem:$0x10080] =	vst v63  }
0x2c: {  	_ = 	snop  }
0x2d: {  	[tilespmem:s26], [sflag:$0x1] =	stream.indirect_vreg.gather [hbm4b:s6+s2], $0x80, v3, vm0, $0xb8;
	[tilespmem:$0x10080] =	vst v63  }
0x2e: {  	v3 =	vld [tilespmem:$0x10];
	_ =	sdelay $0x4  }
0x2f: {  	v57 =	vshll.u32 v3, $0x3  }
0x30: {  	v3 =	vand.u32 $0x7, v3;
	v4 =	vand.u32 $0xFFFFFFC0, v57  }
0x31: {  	v3 =	vor.u32 v3, v4  }
0x32: {  	v4 =	vperm.xlane v3, v0;
	_ =	sdelay $0x1  }
0x33: {  	v4 =	vadd.s32 v1, v4;
	_ =	sdelay $0x4  }
0x34: {  	[tilespmem:s28], [sflag:$0x1] =	stream.indirect_vreg.gather [hbm4b:s3+s2], $0x80, v4, vm0, $0xb8;
	[tilespmem:$0x10080] =	vst v63  }
0x35: {  	v3 =	vperm.xlane v3, v2  }
0x36: {  	[tilespmem:s29], [sflag:$0x1] =	stream.indirect_vreg.gather [hbm4b:s4+s2], $0x80, v4, vm0, $0xb8;
	[tilespmem:$0x10080] =	vst v63  }
0x37: {  	v3 =	vadd.s32 v1, v3  }
0x38: {  	[tilespmem:s30], [sflag:$0x1] =	stream.indirect_vreg.gather [hbm4b:s5+s2], $0x80, v4, vm0, $0xb8;
	[tilespmem:$0x10080] =	vst v63  }
0x39: {  	_ = 	snop  }
0x3a: {  	[tilespmem:s31], [sflag:$0x1] =	stream.indirect_vreg.gather [hbm4b:s6+s2], $0x80, v4, vm0, $0xb8;
	[tilespmem:$0x10080] =	vst v63  }
0x3b: {  	s1 =	simm.s32 $0x6080  }
0x3c: {  	[tilespmem:s1], [sflag:$0x1] =	stream.indirect_vreg.gather [hbm4b:s3+s2], $0x80, v3, vm0, $0xb8;
	[tilespmem:$0x10080] =	vst v63  }
0x3d: {  	s1 =	simm.s32 $0x6880  }
0x3e: {  	[tilespmem:s1], [sflag:$0x1] =	stream.indirect_vreg.gather [hbm4b:s4+s2], $0x80, v3, vm0, $0xb8;
	[tilespmem:$0x10080] =	vst v63  }
0x3f: {  	_ = 	snop  }
0x40: {  	[tilespmem:s10], [sflag:$0x1] =	stream.indirect_vreg.gather [hbm4b:s5+s2], $0x80, v3, vm0, $0xb8;
	[tilespmem:$0x10080] =	vst v63  }
0x41: {  	_ = 	snop  }
0x42: {  	[tilespmem:s11], [sflag:$0x1] =	stream.indirect_vreg.gather [hbm4b:s6+s2], $0x80, v3, vm0, $0xb8;
	[tilespmem:$0x10080] =	vst v63  }
0x43: {  	v3 =	vld [tilespmem:$0x20];
	_ =	sdelay $0x4  }
0x44: {  	v58 =	vshll.u32 v3, $0x3  }
0x45: {  	v3 =	vand.u32 $0x7, v3;
	v4 =	vand.u32 $0xFFFFFFC0, v58  }
0x46: {  	v3 =	vor.u32 v3, v4  }
0x47: {  	v4 =	vperm.xlane v3, v0;
	_ =	sdelay $0x1  }
0x48: {  	v4 =	vadd.s32 v1, v4;
	_ =	sdelay $0x4  }
0x49: {  	[tilespmem:s12], [sflag:$0x1] =	stream.indirect_vreg.gather [hbm4b:s3+s2], $0x80, v4, vm0, $0xb8;
	[tilespmem:$0x10080] =	vst v63  }
0x4a: {  	v3 =	vperm.xlane v3, v2  }
0x4b: {  	[tilespmem:s13], [sflag:$0x1] =	stream.indirect_vreg.gather [hbm4b:s4+s2], $0x80, v4, vm0, $0xb8;
	[tilespmem:$0x10080] =	vst v63  }
0x4c: {  	v3 =	vadd.s32 v1, v3  }
0x4d: {  	[tilespmem:s14], [sflag:$0x1] =	stream.indirect_vreg.gather [hbm4b:s5+s2], $0x80, v4, vm0, $0xb8;
	[tilespmem:$0x10080] =	vst v63  }
0x4e: {  	_ = 	snop  }
0x4f: {  	[tilespmem:s15], [sflag:$0x1] =	stream.indirect_vreg.gather [hbm4b:s6+s2], $0x80, v4, vm0, $0xb8;
	[tilespmem:$0x10080] =	vst v63  }
0x50: {  	_ = 	snop  }
0x51: {  	[tilespmem:s16], [sflag:$0x1] =	stream.indirect_vreg.gather [hbm4b:s3+s2], $0x80, v3, vm0, $0xb8;
	[tilespmem:$0x10080] =	vst v63  }
0x52: {  	_ = 	snop  }
0x53: {  	[tilespmem:s17], [sflag:$0x1] =	stream.indirect_vreg.gather [hbm4b:s4+s2], $0x80, v3, vm0, $0xb8;
	[tilespmem:$0x10080] =	vst v63  }
0x54: {  	_ = 	snop  }
0x55: {  	[tilespmem:s9], [sflag:$0x1] =	stream.indirect_vreg.gather [hbm4b:s5+s2], $0x80, v3, vm0, $0xb8;
	[tilespmem:$0x10080] =	vst v63  }
0x56: {  	s19 =	simm.s32 $0xB880  }
0x57: {  	[tilespmem:s19], [sflag:$0x1] =	stream.indirect_vreg.gather [hbm4b:s6+s2], $0x80, v3, vm0, $0xb8;
	[tilespmem:$0x10080] =	vst v63  }
0x58: {  	v3 =	vld [tilespmem:$0x30];
	_ =	sdelay $0x4  }
0x59: {  	v59 =	vshll.u32 v3, $0x3  }
0x5a: {  	v3 =	vand.u32 $0x7, v3;
	v4 =	vand.u32 $0xFFFFFFC0, v59  }
0x5b: {  	v3 =	vor.u32 v3, v4  }
0x5c: {  	v4 =	vperm.xlane v3, v0;
	_ =	sdelay $0x1  }
0x5d: {  	v4 =	vadd.s32 v1, v4;
	_ =	sdelay $0x3  }
0x5e: {  	s19 =	simm.s32 $0xC080  }
0x5f: {  	[tilespmem:s19], [sflag:$0x1] =	stream.indirect_vreg.gather [hbm4b:s3+s2], $0x80, v4, vm0, $0xb8;
	[tilespmem:$0x10080] =	vst v63  }
0x60: {  	v3 =	vperm.xlane v3, v2;
	s19 =	simm.s32 $0xC880  }
0x61: {  	[tilespmem:s19], [sflag:$0x1] =	stream.indirect_vreg.gather [hbm4b:s4+s2], $0x80, v4, vm0, $0xb8;
	[tilespmem:$0x10080] =	vst v63  }
0x62: {  	v3 =	vadd.s32 v1, v3;
	s19 =	simm.s32 $0xD080  }
0x63: {  	[tilespmem:s19], [sflag:$0x1] =	stream.indirect_vreg.gather [hbm4b:s5+s2], $0x80, v4, vm0, $0xb8;
	[tilespmem:$0x10080] =	vst v63  }
0x64: {  	s19 =	simm.s32 $0xD880  }
0x65: {  	[tilespmem:s19], [sflag:$0x1] =	stream.indirect_vreg.gather [hbm4b:s6+s2], $0x80, v4, vm0, $0xb8;
	[tilespmem:$0x10080] =	vst v63  }
0x66: {  	s19 =	simm.s32 $0xE080  }
0x67: {  	[tilespmem:s19], [sflag:$0x1] =	stream.indirect_vreg.gather [hbm4b:s3+s2], $0x80, v3, vm0, $0xb8;
	[tilespmem:$0x10080] =	vst v63  }
0x68: {  	s19 =	simm.s32 $0xE880  }
0x69: {  	[tilespmem:s19], [sflag:$0x1] =	stream.indirect_vreg.gather [hbm4b:s4+s2], $0x80, v3, vm0, $0xb8;
	[tilespmem:$0x10080] =	vst v63  }
0x6a: {  	s19 =	simm.s32 $0xF080  }
0x6b: {  	[tilespmem:s19], [sflag:$0x1] =	stream.indirect_vreg.gather [hbm4b:s5+s2], $0x80, v3, vm0, $0xb8;
	[tilespmem:$0x10080] =	vst v63  }
0x6c: {  	s19 =	simm.s32 $0xF880  }
0x6d: {  	[tilespmem:s19], [sflag:$0x1] =	stream.indirect_vreg.gather [hbm4b:s6+s2], $0x80, v3, vm0, $0xb8;
	[tilespmem:$0x10080] =	vst v63  }
0x6e: {  	_ =	swait.ge [sflag:s18], $0x10000  }
0x6f: {  	[sflag:s18] =	ssyncset.done $0x0  }
0x70: {  	s19 =	rddreg [dreg:$0x4];
	[sflag:s18] =	ssyncadd.s32 $0xFFFF0000  }
0x71: {  	[hbm4b:s19+s2] =	stream.linear.scatter [tilespmem:s0], [sflag:$0x2], $0x10000, $0x38;
	[tilespmem:$0x10080] =	vst v63  }
0x72: {  	_ =	swait.ge [sflag:s8], $0x10000  }
0x73: {  	[sflag:s8] =	ssyncset.done $0x0  }
0x74: {  	s19 =	rddreg [dreg:$0x5];
	[sflag:s8] =	ssyncadd.s32 $0xFFFF0000  }
0x75: {  	[tilespmem:s2], [sflag:$0x2] =	stream.linear.gather [hbm4b:s19+s2], $0x40, $0x38;
	[tilespmem:$0x10080] =	vst v63  }
0x76: {  	_ =	swait.ge [sflag:s8], $0x40  }
0x77: {  	[sflag:s8] =	ssyncset.done $0x0  }
0x78: {  	[sflag:s8] =	ssyncadd.s32 $0xFFFFFFC0  }
0x79: {  	v3 =	vld [tilespmem:$0x0];
	_ =	sdelay $0x4  }
0x7a: {  	v60 =	vshll.u32 v3, $0x3  }
0x7b: {  	v3 =	vand.u32 $0x7, v3;
	v4 =	vand.u32 $0xFFFFFFC0, v60  }
0x7c: {  	v3 =	vor.u32 v3, v4  }
0x7d: {  	v4 =	vperm.xlane v3, v0;
	_ =	sdelay $0x1  }
0x7e: {  	v4 =	vadd.s32 v1, v4;
	_ =	sdelay $0x4  }
0x7f: {  	[tilespmem:s0], [sflag:$0x1] =	stream.indirect_vreg.gather [hbm4b:s3+s2], $0x80, v4, vm0, $0xb8;
	[tilespmem:$0x10080] =	vst v63  }
0x80: {  	v3 =	vperm.xlane v3, v2  }
0x81: {  	[tilespmem:s20], [sflag:$0x1] =	stream.indirect_vreg.gather [hbm4b:s4+s2], $0x80, v4, vm0, $0xb8;
	[tilespmem:$0x10080] =	vst v63  }
0x82: {  	v3 =	vadd.s32 v1, v3  }
0x83: {  	[tilespmem:s21], [sflag:$0x1] =	stream.indirect_vreg.gather [hbm4b:s5+s2], $0x80, v4, vm0, $0xb8;
	[tilespmem:$0x10080] =	vst v63  }
0x84: {  	_ = 	snop  }
0x85: {  	[tilespmem:s22], [sflag:$0x1] =	stream.indirect_vreg.gather [hbm4b:s6+s2], $0x80, v4, vm0, $0xb8;
	[tilespmem:$0x10080] =	vst v63  }
0x86: {  	_ = 	snop  }
0x87: {  	[tilespmem:s23], [sflag:$0x1] =	stream.indirect_vreg.gather [hbm4b:s3+s2], $0x80, v3, vm0, $0xb8;
	[tilespmem:$0x10080] =	vst v63  }
0x88: {  	_ = 	snop  }
0x89: {  	[tilespmem:s24], [sflag:$0x1] =	stream.indirect_vreg.gather [hbm4b:s4+s2], $0x80, v3, vm0, $0xb8;
	[tilespmem:$0x10080] =	vst v63  }
0x8a: {  	_ = 	snop  }
0x8b: {  	[tilespmem:s25], [sflag:$0x1] =	stream.indirect_vreg.gather [hbm4b:s5+s2], $0x80, v3, vm0, $0xb8;
	[tilespmem:$0x10080] =	vst v63  }
0x8c: {  	_ = 	snop  }
0x8d: {  	[tilespmem:s26], [sflag:$0x1] =	stream.indirect_vreg.gather [hbm4b:s6+s2], $0x80, v3, vm0, $0xb8;
	[tilespmem:$0x10080] =	vst v63  }
0x8e: {  	v3 =	vld [tilespmem:$0x10];
	_ =	sdelay $0x4  }
0x8f: {  	v61 =	vshll.u32 v3, $0x3  }
0x90: {  	v3 =	vand.u32 $0x7, v3;
	v4 =	vand.u32 $0xFFFFFFC0, v61  }
0x91: {  	v3 =	vor.u32 v3, v4  }
0x92: {  	v4 =	vperm.xlane v3, v0;
	_ =	sdelay $0x1  }
0x93: {  	v4 =	vadd.s32 v1, v4;
	_ =	sdelay $0x4  }
0x94: {  	[tilespmem:s28], [sflag:$0x1] =	stream.indirect_vreg.gather [hbm4b:s3+s2], $0x80, v4, vm0, $0xb8;
	[tilespmem:$0x10080] =	vst v63  }
0x95: {  	v3 =	vperm.xlane v3, v2  }
0x96: {  	[tilespmem:s29], [sflag:$0x1] =	stream.indirect_vreg.gather [hbm4b:s4+s2], $0x80, v4, vm0, $0xb8;
	[tilespmem:$0x10080] =	vst v63  }
0x97: {  	v3 =	vadd.s32 v1, v3  }
0x98: {  	[tilespmem:s30], [sflag:$0x1] =	stream.indirect_vreg.gather [hbm4b:s5+s2], $0x80, v4, vm0, $0xb8;
	[tilespmem:$0x10080] =	vst v63  }
0x99: {  	_ = 	snop  }
0x9a: {  	[tilespmem:s31], [sflag:$0x1] =	stream.indirect_vreg.gather [hbm4b:s6+s2], $0x80, v4, vm0, $0xb8;
	[tilespmem:$0x10080] =	vst v63  }
0x9b: {  	s19 =	simm.s32 $0x6080  }
0x9c: {  	[tilespmem:s19], [sflag:$0x1] =	stream.indirect_vreg.gather [hbm4b:s3+s2], $0x80, v3, vm0, $0xb8;
	[tilespmem:$0x10080] =	vst v63  }
0x9d: {  	_ = 	snop  }
0x9e: {  	[tilespmem:s1], [sflag:$0x1] =	stream.indirect_vreg.gather [hbm4b:s4+s2], $0x80, v3, vm0, $0xb8;
	[tilespmem:$0x10080] =	vst v63  }
0x9f: {  	_ = 	snop  }
0xa0: {  	[tilespmem:s10], [sflag:$0x1] =	stream.indirect_vreg.gather [hbm4b:s5+s2], $0x80, v3, vm0, $0xb8;
	[tilespmem:$0x10080] =	vst v63  }
0xa1: {  	_ = 	snop  }
0xa2: {  	[tilespmem:s11], [sflag:$0x1] =	stream.indirect_vreg.gather [hbm4b:s6+s2], $0x80, v3, vm0, $0xb8;
	[tilespmem:$0x10080] =	vst v63  }
0xa3: {  	v3 =	vld [tilespmem:$0x20];
	_ =	sdelay $0x4  }
0xa4: {  	v62 =	vshll.u32 v3, $0x3  }
0xa5: {  	v3 =	vand.u32 $0x7, v3;
	v4 =	vand.u32 $0xFFFFFFC0, v62  }
0xa6: {  	v3 =	vor.u32 v3, v4  }
0xa7: {  	v4 =	vperm.xlane v3, v0;
	_ =	sdelay $0x1  }
0xa8: {  	v4 =	vadd.s32 v1, v4;
	_ =	sdelay $0x4  }
0xa9: {  	[tilespmem:s12], [sflag:$0x1] =	stream.indirect_vreg.gather [hbm4b:s3+s2], $0x80, v4, vm0, $0xb8;
	[tilespmem:$0x10080] =	vst v63  }
0xaa: {  	v3 =	vperm.xlane v3, v2  }
0xab: {  	[tilespmem:s13], [sflag:$0x1] =	stream.indirect_vreg.gather [hbm4b:s4+s2], $0x80, v4, vm0, $0xb8;
	[tilespmem:$0x10080] =	vst v63  }
0xac: {  	v3 =	vadd.s32 v1, v3  }
0xad: {  	[tilespmem:s14], [sflag:$0x1] =	stream.indirect_vreg.gather [hbm4b:s5+s2], $0x80, v4, vm0, $0xb8;
	[tilespmem:$0x10080] =	vst v63  }
0xae: {  	_ = 	snop  }
0xaf: {  	[tilespmem:s15], [sflag:$0x1] =	stream.indirect_vreg.gather [hbm4b:s6+s2], $0x80, v4, vm0, $0xb8;
	[tilespmem:$0x10080] =	vst v63  }
0xb0: {  	_ = 	snop  }
0xb1: {  	[tilespmem:s16], [sflag:$0x1] =	stream.indirect_vreg.gather [hbm4b:s3+s2], $0x80, v3, vm0, $0xb8;
	[tilespmem:$0x10080] =	vst v63  }
0xb2: {  	_ = 	snop  }
0xb3: {  	[tilespmem:s17], [sflag:$0x1] =	stream.indirect_vreg.gather [hbm4b:s4+s2], $0x80, v3, vm0, $0xb8;
	[tilespmem:$0x10080] =	vst v63  }
0xb4: {  	_ = 	snop  }
0xb5: {  	[tilespmem:s9], [sflag:$0x1] =	stream.indirect_vreg.gather [hbm4b:s5+s2], $0x80, v3, vm0, $0xb8;
	[tilespmem:$0x10080] =	vst v63  }
0xb6: {  	s19 =	simm.s32 $0xB880  }
0xb7: {  	[tilespmem:s19], [sflag:$0x1] =	stream.indirect_vreg.gather [hbm4b:s6+s2], $0x80, v3, vm0, $0xb8;
	[tilespmem:$0x10080] =	vst v63  }
0xb8: {  	v3 =	vld [tilespmem:$0x30];
	_ =	sdelay $0x4  }
0xb9: {  	v63 =	vshll.u32 v3, $0x3  }
0xba: {  	v3 =	vand.u32 $0x7, v3;
	v4 =	vand.u32 $0xFFFFFFC0, v63  }
0xbb: {  	v3 =	vor.u32 v3, v4  }
0xbc: {  	v4 =	vperm.xlane v3, v0;
	_ =	sdelay $0x1  }
0xbd: {  	v4 =	vadd.s32 v1, v4;
	_ =	sdelay $0x3  }
0xbe: {  	s19 =	simm.s32 $0xC080  }
0xbf: {  	[tilespmem:s19], [sflag:$0x1] =	stream.indirect_vreg.gather [hbm4b:s3+s2], $0x80, v4, vm0, $0xb8;
	[tilespmem:$0x10080] =	vst v63  }
0xc0: {  	v3 =	vperm.xlane v3, v2;
	s19 =	simm.s32 $0xC880  }
0xc1: {  	[tilespmem:s19], [sflag:$0x1] =	stream.indirect_vreg.gather [hbm4b:s4+s2], $0x80, v4, vm0, $0xb8;
	[tilespmem:$0x10080] =	vst v63  }
0xc2: {  	v3 =	vadd.s32 v1, v3;
	s19 =	simm.s32 $0xD080  }
0xc3: {  	[tilespmem:s19], [sflag:$0x1] =	stream.indirect_vreg.gather [hbm4b:s5+s2], $0x80, v4, vm0, $0xb8;
	[tilespmem:$0x10080] =	vst v63  }
0xc4: {  	s19 =	simm.s32 $0xD880  }
0xc5: {  	[tilespmem:s19], [sflag:$0x1] =	stream.indirect_vreg.gather [hbm4b:s6+s2], $0x80, v4, vm0, $0xb8;
	[tilespmem:$0x10080] =	vst v63  }
0xc6: {  	s19 =	simm.s32 $0xE080  }
0xc7: {  	[tilespmem:s19], [sflag:$0x1] =	stream.indirect_vreg.gather [hbm4b:s3+s2], $0x80, v3, vm0, $0xb8;
	[tilespmem:$0x10080] =	vst v63  }
0xc8: {  	s19 =	simm.s32 $0xE880  }
0xc9: {  	[tilespmem:s19], [sflag:$0x1] =	stream.indirect_vreg.gather [hbm4b:s4+s2], $0x80, v3, vm0, $0xb8;
	[tilespmem:$0x10080] =	vst v63  }
0xca: {  	s19 =	simm.s32 $0xF080  }
0xcb: {  	[tilespmem:s19], [sflag:$0x1] =	stream.indirect_vreg.gather [hbm4b:s5+s2], $0x80, v3, vm0, $0xb8;
	[tilespmem:$0x10080] =	vst v63  }
0xcc: {  	s19 =	simm.s32 $0xF880  }
0xcd: {  	[tilespmem:s19], [sflag:$0x1] =	stream.indirect_vreg.gather [hbm4b:s6+s2], $0x80, v3, vm0, $0xb8;
	[tilespmem:$0x10080] =	vst v63  }
0xce: {  	_ =	swait.ge [sflag:s18], $0x10000  }
0xcf: {  	p0 =	sne.s32 s7, $0x1;
	[sflag:s18] =	ssyncset.done $0x0  }
.Ltmp0:
0xd0: {  	s1 =	rddreg [dreg:$0x6];
	[sflag:s18] =	ssyncadd.s32 $0xFFFF0000;
	(pc) =	sbr.rel @p0 .LBB2_1-.Ltmp0, $4  }
0xd1: {  	[hbm4b:s1+s2] =	stream.linear.scatter [tilespmem:s0], [sflag:$0x2], $0x10000, $0x38;
	[tilespmem:$0x10080] =	vst v63  }
0xd2: {  	_ =	swait.ge [sflag:s8], $0x10000  }
0xd3: {  	[sflag:s8] =	ssyncset.done $0x0  }
0xd4: {  	s7 =	sadd.s32 $0xFFFFFFFF, s7;
	[sflag:s8] =	ssyncadd.s32 $0xFFFF0000  }
0xd5: {  	_ =	sfence.sel $0x180000  }
0xd6: {  	[bflag:$0x0] =	sbarrier.arrive $0xFFFF  }
0xd7: {  	_ =	strace $0x9000004A  }
0xd8: {  	s0 =	stileid.u32;
	[bflag:$0x2] =	sbarrier.arrive $0xFFFF  }
0xd9: {  	p0 =	sne.s32 s0, $0x0;
	s0 =	rddreg [dreg:$0x2]  }
0xda: {  	s0 =	sadd.s32 @!p0 $0x100000, s0  }
0xdb: {  	[sflag:s0] =	ssyncadd.tile.s32 @!p0 $0x1;
	_ =	shalt  }
.Lfunc_end2:
_tile_overlayer_lowered:
.L_overlay_start_2:
0xdc: {  	(tag) =	ssettag $0x2  }
0xdd: {  	s0 =	rddreg [dreg:$0x0];
	s2 =	stileid.u32  }
0xde: {  	s1 =	rddreg [dreg:$0x1];
	p0 =	sne.s32 s2, $0x0  }
0xdf: {  	s3 =	rddreg [dreg:$0x2];
	[bflag:$0x3] =	sbarrier.arrive $0xFFFF;
	s2 =	simm.s32 @!p0 $0x1C02  }
0xe0: {  	[timem:s3], [sflag:s2] =	dma.local @!p0 [hbm:s0], s1  }
0xe1: {  	s0 =	simm.s32 @!p0 $0x2  }
0xe2: {  	_ =	swait.ge @!p0 [sflag:s0], s1  }
0xe3: {  	s1 =	ssub.s32 @!p0 $0x0, s1;
	[sflag:s0] =	ssyncset.done @!p0 $0x0  }
0xe4: {  	[sflag:s0] =	ssyncadd.s32 @!p0 s1  }
0xe5: {  	[bflag:$0x3] =	sbarrier.arrive $0xFFFF  }
0xe6: {  	_ =	shalt  }

// kernel: kernel.25.cloned.1.call-start
scs
__scs_entry_jumppad:
0x0: {  	(pc) =	sbr.rel $0x88, $3  }
0x1: {  	(tag) =	ssettag $0x0;
	lr =	simm.s32 $0x1  }
0x2: {  	[smem:$0x3F94] =	sst lr;
	_ =	strace $0xD0000000  }
0x3: {  	_ = 	snop  }
0x4: {  	_ = 	snop  }
0x5: {  	_ = 	snop  }
0x6: {  	_ = 	snop  }
0x7: {  	_ = 	snop  }
__scs_overlays_trampoline_lowered:
0x8: {  	[smem:$0x3FA3] =	sst s0  }
0x9: {  	[smem:$0x3FA4] =	sst s1  }
0xa: {  	[smem:$0x3FA5] =	sst s2  }
0xb: {  	[smem:$0x3FA6] =	sst s3  }
0xc: {  	[smem:$0x3FA7] =	sst s4  }
0xd: {  	[smem:$0x3FA8] =	sst s5  }
0xe: {  	[smem:$0x3FA9] =	sst s6  }
0xf: {  	[smem:$0x3FAA] =	sst s7  }
0x10: {  	[smem:$0x3FAB] =	sst s8  }
0x11: {  	[smem:$0x3FAC] =	sst s9;
	s0 =	simm.s32 @!p0 $0x0  }
0x12: {  	s1 =	sld [smem:$0x3F92];
	s0 =	simm.s32 @p0 $0x1  }
0x13: {  	[smem:$0x3FAD] =	sst s0;
	s0 =	simm.s32 @!p1 $0x0  }
0x14: {  	s2 =	sld [smem:$0x3F91];
	s0 =	simm.s32 @p1 $0x1  }
0x15: {  	[smem:$0x3FAE] =	sst s0;
	s0 =	simm.s32 @!p2 $0x0  }
0x16: {  	s3 =	sld [smem:$0x3FDB];
	s0 =	simm.s32 @p2 $0x1  }
0x17: {  	s4 =	simm.s32 $0x1BF5;
	[smem:$0x3FB0] =	sst s0  }
0x18: {  	s0 =	sld [smem:$0x3F93];
	_ =	swait.ge [sflag:s4], $0x0  }
0x19: {  	s7 =	sld [smem:$0x3F94]  }
0x1a: {  	s8 =	sadd.s32 $0xFFFFE003, lr  }
0x1b: {  	s9 =	sadd.s32 $0xFFFFFEF7, lr;
	s5 =	simm.s32 $0xFFFFFFFF;
	p2 =	slt.u32 s8, $0xFFFFF086  }
0x1c: {  	p1 =	slt.u32 s9, $0xF7A;
	s5 =	simm.s32 @!p2 $0x0  }
0x1d: {  	s5 =	simm.s32 @p1 $0x1;
	p0 =	seq.s32 s7, s2  }
0x1e: {  	s7 =	smul.u32 @!p0 $0xF7A, s2;
	p2 =	seq.s32 @!p0 s5, $0x0  }
0x1f: {  	s9 =	smul.u32 $0xF7A, s1;
	s8 =	simm.s32 @!p0 $0x1BF5;
	p2 =	por !p2, p0  }
0x20: {  	[sflag:s8] =	ssyncset.s32 @!p0 $0xFFFFF086;
	s6 =	sadd.s32 @!p0 s3, s7;
	s7 =	simm.s32 @!p0 $0x108  }
0x21: {  	s3 =	sadd.s32 s3, s9;
	s6 =	sadd.s32 @!p0 $0x88, s6;
	s7 =	simm.s32 @p2 $0x1082  }
0x22: {  	[simem:s7], [sflag:s8] =	dma.local @!p0 [hbm:s6], $0xF7A  }
0x23: {  	s9 =	sor.u32 $0xD0000000, s2;
	s6 =	simm.s32 $0x108;
	_ =	swait.ge @!p0 [sflag:s8], $0x0  }
0x24: {  	s3 =	sadd.s32 $0x88, s3;
	s6 =	simm.s32 @!p1 $0x1082;
	[sflag:s4] =	ssyncset.s32 $0xFFFFF086  }
0x25: {  	[simem:s6], [sflag:s4] =	dma.local [hbm:s3], $0xF7A  }
0x26: {  	[smem:$0x3F94] =	sst s1;
	(tag) =	ssettag s2;
	_ =	strace s9  }
0x27: {  	s1 =	sld [smem:$0x3FA4]  }
0x28: {  	s2 =	sld [smem:$0x3FA5]  }
0x29: {  	s4 =	sld [smem:$0x3FA7]  }
0x2a: {  	p0 =	seq.s32 s5, $0x0;
	s5 =	sld [smem:$0x3FA8]  }
0x2b: {  	s6 =	sld [smem:$0x3FA9]  }
0x2c: {  	s7 =	sld [smem:$0x3FAA]  }
0x2d: {  	s3 =	simm.s32 $0x108;
	s8 =	sld [smem:$0x3FAB]  }
0x2e: {  	s3 =	simm.s32 @!p0 $0x1082;
	s9 =	sld [smem:$0x3FAC]  }
0x2f: {  	lr =	sadd.s32 s0, s3;
	s0 =	sld [smem:$0x3FA3]  }
0x30: {  	s3 =	sld [smem:$0x3FA6]  }
0x31: {  	[smem:$0x3FAF] =	sst s10  }
0x32: {  	s10 =	sld [smem:$0x3FAD];
	_ =	sdelay $0x3  }
0x33: {  	p0 =	seq.s32 s10, $0x1;
	s10 =	sld [smem:$0x3FAF];
	_ =	sdelay $0x3  }
0x34: {  	[smem:$0x3FAF] =	sst s10  }
0x35: {  	s10 =	sld [smem:$0x3FAE];
	_ =	sdelay $0x3  }
0x36: {  	p1 =	seq.s32 s10, $0x1;
	s10 =	sld [smem:$0x3FAF];
	_ =	sdelay $0x3  }
0x37: {  	[smem:$0x3FAF] =	sst s10  }
0x38: {  	s10 =	sld [smem:$0x3FB0]  }
0x39: {  	_ = 	snop;
	(pc) =	sbr.ind lr, $3  }
0x3a: {  	_ = 	snop  }
0x3b: {  	_ = 	snop  }
0x3c: {  	p2 =	seq.s32 s10, $0x1;
	s10 =	sld [smem:$0x3FAF]  }
0x3d: {  	_ =	shalt  }
0x3e: {  	_ =	shalt  }
0x3f: {  	_ =	shalt  }
0x40: {  	_ =	shalt  }
0x41: {  	_ =	shalt  }
0x42: {  	_ =	shalt  }
0x43: {  	_ =	shalt  }
0x44: {  	_ =	shalt  }
0x45: {  	_ =	shalt  }
0x46: {  	_ =	shalt  }
0x47: {  	_ =	shalt  }
0x48: {  	_ =	shalt  }
0x49: {  	_ =	shalt  }
0x4a: {  	_ =	shalt  }
0x4b: {  	_ =	shalt  }
0x4c: {  	_ =	shalt  }
0x4d: {  	_ =	shalt  }
0x4e: {  	_ =	shalt  }
0x4f: {  	_ =	shalt  }
0x50: {  	_ =	shalt  }
0x51: {  	_ =	shalt  }
0x52: {  	_ =	shalt  }
0x53: {  	_ =	shalt  }
0x54: {  	_ =	shalt  }
0x55: {  	_ =	shalt  }
0x56: {  	_ =	shalt  }
0x57: {  	_ =	shalt  }
0x58: {  	_ =	shalt  }
0x59: {  	_ =	shalt  }
0x5a: {  	_ =	shalt  }
0x5b: {  	_ =	shalt  }
0x5c: {  	_ =	shalt  }
0x5d: {  	_ =	shalt  }
0x5e: {  	_ =	shalt  }
0x5f: {  	_ =	shalt  }
0x60: {  	_ =	shalt  }
0x61: {  	_ =	shalt  }
0x62: {  	_ =	shalt  }
0x63: {  	_ =	shalt  }
0x64: {  	_ =	shalt  }
0x65: {  	_ =	shalt  }
0x66: {  	_ =	shalt  }
0x67: {  	_ =	shalt  }
0x68: {  	_ =	shalt  }
0x69: {  	_ =	shalt  }
0x6a: {  	_ =	shalt  }
0x6b: {  	_ =	shalt  }
0x6c: {  	_ =	shalt  }
0x6d: {  	_ =	shalt  }
0x6e: {  	_ =	shalt  }
0x6f: {  	_ =	shalt  }
0x70: {  	_ =	shalt  }
0x71: {  	_ =	shalt  }
0x72: {  	_ =	shalt  }
0x73: {  	_ =	shalt  }
0x74: {  	_ =	shalt  }
0x75: {  	_ =	shalt  }
0x76: {  	_ =	shalt  }
0x77: {  	_ =	shalt  }
0x78: {  	_ =	shalt  }
0x79: {  	_ =	shalt  }
0x7a: {  	_ =	shalt  }
0x7b: {  	_ =	shalt  }
0x7c: {  	_ =	shalt  }
0x7d: {  	_ =	shalt  }
0x7e: {  	_ =	shalt  }
0x7f: {  	_ =	shalt  }
0x80: {  	_ =	shalt  }
0x81: {  	_ =	shalt  }
0x82: {  	_ =	shalt  }
0x83: {  	_ =	shalt  }
0x84: {  	_ =	shalt  }
0x85: {  	_ =	shalt  }
0x86: {  	_ =	shalt  }
0x87: {  	_ =	shalt  }
.Lfunc_end0:
.L_simem_size_0:
called_computation.2_lowered:
.L_overlay_start_0:
0x88: {  	s2 =	sld [smem:$0x3FD9]  }
0x89: {  	s3 =	sld [smem:$0x3FFE];
	_ =	sdelay $0x1  }
0x8a: {  	s1 =	srdreg.scid  }
0x8b: {  	s0 =	sand.u32 $0x1, s1  }
0x8c: {  	s17 =	sshll.u32 s0, $0xA;
	s2 =	sadd.s32 s3, s2  }
0x8d: {  	s2 =	sadd.s32 s2, s17  }
0x8e: {  	[smem:$0x3FBB] =	sst s2  }
0x8f: {  	_ = 	snop  }
0x90: {  	s2 =	sld [smem:$0x3FD0];
	(tm) =	ssettm $0x1  }
0x91: {  	s18 =	sld [smem:$0x3FFB];
	_ =	sdelay $0x3  }
0x92: {  	_ =	strace s18  }
0x93: {  	s3 =	sld [smem:$0x3FFC];
	_ =	sdelay $0x3  }
0x94: {  	_ =	strace s3  }
0x95: {  	s3 =	sld [smem:$0x3FFD];
	_ =	sdelay $0x3  }
0x96: {  	_ =	strace s3  }
0x97: {  	_ =	strace $0x8FFFFFFF  }
0x98: {  	s19 =	sld [smem:$0x3FDB];
	_ =	sdelay $0x1  }
0x99: {  	s4 =	simm.s32 $_scs_section_size  }
0x9a: {  	s5 =	simm.s32 $_size__tile_overlayer_lowered;
	s6 =	simm.s32 $_tile_overlayer_lowered  }
0x9b: {  	s22 =	simm.s32 $0x1BFF;
	s21 =	sshll.u32 s6, $0x1;
	s3 =	sadd.s32 s4, s19  }
0x9c: {  	s7 =	simm.s32 $0x0;
	s20 =	sshll.u32 s5, $0x1;
	s5 =	sadd.s32 s21, s3  }
0x9d: {  	[timem:s7], [sflag:s22] =	dma.local [hbm:s5], s20  }
0x9e: {  	_ =	swait.ge [sflag:s22], s20  }
0x9f: {  	s4 =	ssub.s32 $0x0, s20;
	[sflag:s22] =	ssyncset.done $0x0  }
0xa0: {  	[sflag:s22] =	ssyncadd.s32 s4;
	_ =	sdelay $0x1  }
0xa1: {  	s23 =	simm.s32 $0x1B8B  }
0xa2: {  	_ =	swait.ge [sflag:s23], $0x1  }
0xa3: {  	[sflag:s23] =	ssyncset.done $0x0  }
0xa4: {  	s25 =	simm.s32 $0x1B8E;
	s24 =	sld [smem:$0x3FFE];
	[sflag:s23] =	ssyncadd.s32 $0xFFFFFFFF  }
0xa5: {  	s26 =	simm.s32 $execute0_lowered;
	[smem:$0x3FD2] =	sst s25  }
0xa6: {  	s5 =	sshll.u32 s26, $0x1;
	_ =	strace $0x8000004C;
	[dreg:$0x1] =	wrdreg $0xFFFFFFFF  }
0xa7: {  	s28 =	simm.s32 $_size_execute0_lowered;
	s3 =	sadd.s32 s3, s5;
	[dreg:$0x0] =	wrdreg $0x0  }
0xa8: {  	s5 =	sshll.u32 s28, $0x1;
	[dreg:$0x2] =	wrdreg s3  }
0xa9: {  	[dreg:$0x3] =	wrdreg s5  }
0xaa: {  	[dreg:$0x4] =	wrdreg $0xC0  }
0xab: {  	_ =	task [dreg:s7], $0x5FFFF  }
0xac: {  	[dreg:$0x1] =	wrdreg $0xFFFFFFFF  }
0xad: {  	[dreg:$0x0] =	wrdreg $0x60  }
0xae: {  	[dreg:$0x2] =	wrdreg s24  }
0xaf: {  	[dreg:$0x3] =	wrdreg s2  }
0xb0: {  	[dreg:$0x4] =	wrdreg $0x129000  }
0xb1: {  	[dreg:$0x5] =	wrdreg $0x9  }
0xb2: {  	_ =	task.clear_ibuf [dreg:s7], $0x6FFFF;
	_ =	strace $0x9000004C  }
0xb3: {  	s29 =	simm.s32 $0x9;
	_ =	strace $0x8000004E  }
0xb4: {  	_ =	swait.ge [sflag:s29], $0x1  }
0xb5: {  	[sflag:s29] =	ssyncadd.s32 $0xFFFFFFFF  }
0xb6: {  	_ =	strace $0x9000004E  }
0xb7: {  	_ =	sfence  }
0xb8: {  	s30 =	sld [smem:$0x0];
	_ =	sdelay $0x2  }
0xb9: {  	s31 =	sshll.u32 s1, $0xD;
	s1 =	sshrl.u32 s1, $0x2  }
0xba: {  	s3 =	sand.u32 $0x4000, s31;
	s1 =	sadd.s32 s1, s30  }
0xbb: {  	s0 =	sor.u32 s3, s0;
	s1 =	sshll.u32 s1, $0x11  }
0xbc: {  	s0 =	sor.u32 s1, s0  }
0xbd: {  	s0 =	sadd.s32 $0x8F2B, s0  }
0xbe: {  	[sflag:s0] =	ssyncadd.remote.s32 $0x1  }
0xbf: {  	_ =	sfence.sel $0xFFFF  }
0xc0: {  	[dreg:$0x0] =	wrdreg $0xFFFFFFFF;
	(pc) =	sbr.abs _section_cstart, $3  }
0xc1: {  	[dreg:$0x1] =	wrdreg $0xFFFFFFFF  }
0xc2: {  	_ =	task.clear_ibuf [dreg:s7], $0x2FFFF;
	_ =	strace $0x9FFFFFFF  }
0xc3: {  	(tm) =	ssettm $0x7FFFFFFF  }
tec
execute0_lowered:
.L_overlay_start_1:
0x0: {  	(tag) =	ssettag $0x1  }
0x1: {  	s7 =	rddreg [dreg:$0x0]  }
0x2: {  	s2 =	rddreg [dreg:$0x1]  }
0x3: {  	s11 =	rddreg [dreg:$0x2];
	s0 =	srdreg.scid  }
0x4: {  	s1 =	stileid.u32;
	s4 =	simm.s32 $0x0;
	s16 =	simm.s32 $0x2  }
0x5: {  	s18 =	simm.s32 $0x1000;
	s12 =	simm.s32 $0x3100;
	s13 =	simm.s32 $0x3900  }
0x6: {  	s30 =	simm.s32 $0x1;
	s31 =	simm.s32 $0x0;
	s15 =	simm.s32 $0x4900  }
0x7: {  	s19 =	simm.s32 $0x5100;
	s28 =	simm.s32 $0x8900;
	s29 =	simm.s32 $0x9100  }
0x8: {  	s0 =	sand.u32 $0x1, s0;
	s3 =	sshll.u32 s1, $0x1;
	[smem:$0x7FF] =	sst s4  }
0x9: {  	s8 =	sadd.s32 $0x200, s7;
	s10 =	sadd.s32 $0x400, s7;
	s7 =	sadd.s32 $0x100, s2  }
0xa: {  	s9 =	sadd.s32 $0x300, s2;
	s5 =	ssub.s32 $0x2, s0;
	s0 =	sor.u32 s0, s3  }
0xb: {  	p0 =	sne.s32 s1, $0x0;
	_ =	strace $0x8000004D;
	s6 =	smul.u32 $0xC0, s0  }
0xc: {  	[dreg:$0x4] =	wrdreg s8;
	s20 =	sshrl.u32 s5, $0x1;
	s0 =	smul.u32 $0x6000, s0  }
0xd: {  	s8 =	sadd.s32 $0x200, s2;
	s3 =	ssub.s32 s5, s20;
	s20 =	simm.s32 $0xD100  }
0xe: {  	s21 =	sadd.s32 s6, s11;
	s22 =	sadd.s32 $0x40, s6;
	s0 =	sadd.s32 s10, s0  }
0xf: {  	s6 =	sadd.s32 $0x80, s6;
	s26 =	smax.u32 s3, $0x1;
	[dreg:$0x5] =	wrdreg s21  }
0x10: {  	s3 =	simm.s32 $0xC100;
	[dreg:$0x7] =	wrdreg s0;
	s23 =	sshll.u32 s22, $0x7  }
0x11: {  	s5 =	sadd.s32 s22, s11;
	s24 =	sshll.u32 s6, $0x7;
	s25 =	sadd.s32 s6, s11  }
0x12: {  	[dreg:$0xb] =	wrdreg s26;
	s11 =	simm.s32 $0x2880;
	s21 =	simm.s32 $0x5900  }
.Ltmp0:
0x13: {  	s22 =	simm.s32 $0x6100;
	s26 =	simm.s32 $0x8100;
	(pc) =	sbr.rel .LBB2_1-.Ltmp0, $4  }
0x14: {  	s6 =	simm.s32 $0xA900;
	[dreg:$0x6] =	wrdreg s5;
	s0 =	sadd.s32 s10, s23  }
0x15: {  	v0 =	vlaneseq.u32;
	[dreg:$0x8] =	wrdreg s25;
	s23 =	simm.s32 $0x6900;
	s25 =	simm.s32 $0x7900  }
0x16: {  	v1 =	vimm.s32 $0x0;
	vm0 =	vmmov $0xffff;
	v3 =	vshrl.u32 v0, $0x3;
	s5 =	simm.s32 $0xA100;
	[dreg:$0xa] =	wrdreg s0;
	s0 =	sadd.s32 s10, s24  }
0x17: {  	v2 =	vand.u32 $0x7, v0;
	v4 =	vor.u32 $0x8, v0;
	v3 =	vmul.u32 $0x8, v3;
	s24 =	simm.s32 $0x7100;
	s10 =	simm.s32 $0xB900;
	[dreg:$0x9] =	wrdreg s0  }
.LBB2_6:
0x18: {  	s0 =	rddreg [dreg:$0x2]  }
0x19: {  	[spmem:s0] =	stream.linear.scatter [tilespmem:s18], [sflag:$0x2], $0x1880, $0x38;
	[tilespmem:$0x12A88] =	vst v63  }
0x1a: {  	_ =	swait.ge [sflag:s16], $0x1880  }
0x1b: {  	s11 =	simm.s32 $0x2880;
	[sflag:s16] =	ssyncset.done $0x0  }
0x1c: {  	s12 =	simm.s32 $0x3100;
	s13 =	simm.s32 $0x3900;
	[sflag:s16] =	ssyncadd.s32 $0xFFFFE780  }
.LBB2_7:
0x1d: {  	[bflag:$0x0] =	sbarrier.arrive $0xFFFF  }
0x1e: {  	s14 =	rddreg [dreg:$0x5]  }
0x1f: {  	[tilespmem:s11], [sflag:$0x2] =	stream.linear.gather [spmem:s14], $0x40, $0x38;
	[tilespmem:$0x12A88] =	vst v63  }
0x20: {  	_ =	swait.ge [sflag:s16], $0x40  }
0x21: {  	[sflag:s16] =	ssyncset.done $0x0  }
0x22: {  	[sflag:s16] =	ssyncadd.s32 $0xFFFFFFC0  }
0x23: {  	v5 =	vld [tilespmem:$0x2880];
	_ =	sdelay $0x4  }
0x24: {  	v6 =	vshll.u32 v5, $0x3  }
0x25: {  	v5 =	vand.u32 $0x7, v5;
	v6 =	vand.u32 $0xFFFFFFC0, v6  }
0x26: {  	v5 =	vor.u32 v5, v6  }
0x27: {  	v6 =	vperm.xlane v5, v2;
	_ =	sdelay $0x1  }
0x28: {  	v6 =	vadd.s32 v3, v6;
	_ =	sdelay $0x3  }
0x29: {  	s0 =	simm.s32 $0x2900  }
0x2a: {  	[tilespmem:s0], [sflag:$0x1] =	stream.indirect_vreg.gather [hbm4b:s2+s4], $0x80, v6, vm0, $0xb8;
	[tilespmem:$0x12A88] =	vst v63  }
0x2b: {  	v5 =	vperm.xlane v5, v4  }
0x2c: {  	[tilespmem:s12], [sflag:$0x1] =	stream.indirect_vreg.gather [hbm4b:s7+s4], $0x80, v6, vm0, $0xb8;
	[tilespmem:$0x12A88] =	vst v63  }
0x2d: {  	v5 =	vadd.s32 v3, v5  }
0x2e: {  	[tilespmem:s13], [sflag:$0x1] =	stream.indirect_vreg.gather [hbm4b:s8+s4], $0x80, v6, vm0, $0xb8;
	[tilespmem:$0x12A88] =	vst v63  }
0x2f: {  	s14 =	simm.s32 $0x4100  }
0x30: {  	[tilespmem:s14], [sflag:$0x1] =	stream.indirect_vreg.gather [hbm4b:s9+s4], $0x80, v6, vm0, $0xb8;
	[tilespmem:$0x12A88] =	vst v63  }
0x31: {  	_ = 	snop  }
0x32: {  	[tilespmem:s15], [sflag:$0x1] =	stream.indirect_vreg.gather [hbm4b:s2+s4], $0x80, v5, vm0, $0xb8;
	[tilespmem:$0x12A88] =	vst v63  }
0x33: {  	_ = 	snop  }
0x34: {  	[tilespmem:s19], [sflag:$0x1] =	stream.indirect_vreg.gather [hbm4b:s7+s4], $0x80, v5, vm0, $0xb8;
	[tilespmem:$0x12A88] =	vst v63  }
0x35: {  	_ = 	snop  }
0x36: {  	[tilespmem:s21], [sflag:$0x1] =	stream.indirect_vreg.gather [hbm4b:s8+s4], $0x80, v5, vm0, $0xb8;
	[tilespmem:$0x12A88] =	vst v63  }
0x37: {  	_ = 	snop  }
0x38: {  	[tilespmem:s22], [sflag:$0x1] =	stream.indirect_vreg.gather [hbm4b:s9+s4], $0x80, v5, vm0, $0xb8;
	[tilespmem:$0x12A88] =	vst v63  }
0x39: {  	v5 =	vld [tilespmem:$0x2890];
	_ =	sdelay $0x4  }
0x3a: {  	v6 =	vshll.u32 v5, $0x3  }
0x3b: {  	v5 =	vand.u32 $0x7, v5;
	v6 =	vand.u32 $0xFFFFFFC0, v6  }
0x3c: {  	v5 =	vor.u32 v5, v6  }
0x3d: {  	v6 =	vperm.xlane v5, v2;
	_ =	sdelay $0x1  }
0x3e: {  	v6 =	vadd.s32 v3, v6;
	_ =	sdelay $0x4  }
0x3f: {  	[tilespmem:s23], [sflag:$0x1] =	stream.indirect_vreg.gather [hbm4b:s2+s4], $0x80, v6, vm0, $0xb8;
	[tilespmem:$0x12A88] =	vst v63  }
0x40: {  	v5 =	vperm.xlane v5, v4  }
0x41: {  	[tilespmem:s24], [sflag:$0x1] =	stream.indirect_vreg.gather [hbm4b:s7+s4], $0x80, v6, vm0, $0xb8;
	[tilespmem:$0x12A88] =	vst v63  }
0x42: {  	v5 =	vadd.s32 v3, v5  }
0x43: {  	[tilespmem:s25], [sflag:$0x1] =	stream.indirect_vreg.gather [hbm4b:s8+s4], $0x80, v6, vm0, $0xb8;
	[tilespmem:$0x12A88] =	vst v63  }
0x44: {  	_ = 	snop  }
0x45: {  	[tilespmem:s26], [sflag:$0x1] =	stream.indirect_vreg.gather [hbm4b:s9+s4], $0x80, v6, vm0, $0xb8;
	[tilespmem:$0x12A88] =	vst v63  }
0x46: {  	_ = 	snop  }
0x47: {  	[tilespmem:s28], [sflag:$0x1] =	stream.indirect_vreg.gather [hbm4b:s2+s4], $0x80, v5, vm0, $0xb8;
	[tilespmem:$0x12A88] =	vst v63  }
0x48: {  	_ = 	snop  }
0x49: {  	[tilespmem:s29], [sflag:$0x1] =	stream.indirect_vreg.gather [hbm4b:s7+s4], $0x80, v5, vm0, $0xb8;
	[tilespmem:$0x12A88] =	vst v63  }
0x4a: {  	s17 =	simm.s32 $0x9900  }
0x4b: {  	[tilespmem:s17], [sflag:$0x1] =	stream.indirect_vreg.gather [hbm4b:s8+s4], $0x80, v5, vm0, $0xb8;
	[tilespmem:$0x12A88] =	vst v63  }
0x4c: {  	_ = 	snop  }
0x4d: {  	[tilespmem:s5], [sflag:$0x1] =	stream.indirect_vreg.gather [hbm4b:s9+s4], $0x80, v5, vm0, $0xb8;
	[tilespmem:$0x12A88] =	vst v63  }
0x4e: {  	v5 =	vld [tilespmem:$0x28A0];
	_ =	sdelay $0x4  }
0x4f: {  	v6 =	vshll.u32 v5, $0x3  }
0x50: {  	v5 =	vand.u32 $0x7, v5;
	v6 =	vand.u32 $0xFFFFFFC0, v6  }
0x51: {  	v5 =	vor.u32 v5, v6  }
0x52: {  	v6 =	vperm.xlane v5, v2;
	_ =	sdelay $0x1  }
0x53: {  	v6 =	vadd.s32 v3, v6;
	_ =	sdelay $0x4  }
0x54: {  	[tilespmem:s6], [sflag:$0x1] =	stream.indirect_vreg.gather [hbm4b:s2+s4], $0x80, v6, vm0, $0xb8;
	[tilespmem:$0x12A88] =	vst v63  }
0x55: {  	s1 =	simm.s32 $0xB100;
	v5 =	vperm.xlane v5, v4  }
0x56: {  	[tilespmem:s1], [sflag:$0x1] =	stream.indirect_vreg.gather [hbm4b:s7+s4], $0x80, v6, vm0, $0xb8;
	[tilespmem:$0x12A88] =	vst v63  }
0x57: {  	v5 =	vadd.s32 v3, v5  }
0x58: {  	[tilespmem:s10], [sflag:$0x1] =	stream.indirect_vreg.gather [hbm4b:s8+s4], $0x80, v6, vm0, $0xb8;
	[tilespmem:$0x12A88] =	vst v63  }
0x59: {  	_ = 	snop  }
0x5a: {  	[tilespmem:s3], [sflag:$0x1] =	stream.indirect_vreg.gather [hbm4b:s9+s4], $0x80, v6, vm0, $0xb8;
	[tilespmem:$0x12A88] =	vst v63  }
0x5b: {  	s1 =	simm.s32 $0xC900  }
0x5c: {  	[tilespmem:s1], [sflag:$0x1] =	stream.indirect_vreg.gather [hbm4b:s2+s4], $0x80, v5, vm0, $0xb8;
	[tilespmem:$0x12A88] =	vst v63  }
0x5d: {  	_ = 	snop  }
0x5e: {  	[tilespmem:s20], [sflag:$0x1] =	stream.indirect_vreg.gather [hbm4b:s7+s4], $0x80, v5, vm0, $0xb8;
	[tilespmem:$0x12A88] =	vst v63  }
0x5f: {  	s1 =	simm.s32 $0xD900  }
0x60: {  	[tilespmem:s1], [sflag:$0x1] =	stream.indirect_vreg.gather [hbm4b:s8+s4], $0x80, v5, vm0, $0xb8;
	[tilespmem:$0x12A88] =	vst v63  }
0x61: {  	s1 =	simm.s32 $0xE100  }
0x62: {  	[tilespmem:s1], [sflag:$0x1] =	stream.indirect_vreg.gather [hbm4b:s9+s4], $0x80, v5, vm0, $0xb8;
	[tilespmem:$0x12A88] =	vst v63  }
0x63: {  	v5 =	vld [tilespmem:$0x28B0];
	_ =	sdelay $0x4  }
0x64: {  	v6 =	vshll.u32 v5, $0x3  }
0x65: {  	v5 =	vand.u32 $0x7, v5;
	v6 =	vand.u32 $0xFFFFFFC0, v6  }
0x66: {  	v5 =	vor.u32 v5, v6  }
0x67: {  	v6 =	vperm.xlane v5, v2;
	_ =	sdelay $0x1  }
0x68: {  	v6 =	vadd.s32 v3, v6;
	_ =	sdelay $0x3  }
0x69: {  	s1 =	simm.s32 $0xE900  }
0x6a: {  	[tilespmem:s1], [sflag:$0x1] =	stream.indirect_vreg.gather [hbm4b:s2+s4], $0x80, v6, vm0, $0xb8;
	[tilespmem:$0x12A88] =	vst v63  }
0x6b: {  	v5 =	vperm.xlane v5, v4;
	s1 =	simm.s32 $0xF100  }
0x6c: {  	[tilespmem:s1], [sflag:$0x1] =	stream.indirect_vreg.gather [hbm4b:s7+s4], $0x80, v6, vm0, $0xb8;
	[tilespmem:$0x12A88] =	vst v63  }
0x6d: {  	v5 =	vadd.s32 v3, v5;
	s1 =	simm.s32 $0xF900  }
0x6e: {  	[tilespmem:s1], [sflag:$0x1] =	stream.indirect_vreg.gather [hbm4b:s8+s4], $0x80, v6, vm0, $0xb8;
	[tilespmem:$0x12A88] =	vst v63  }
0x6f: {  	s1 =	simm.s32 $0x10100  }
0x70: {  	[tilespmem:s1], [sflag:$0x1] =	stream.indirect_vreg.gather [hbm4b:s9+s4], $0x80, v6, vm0, $0xb8;
	[tilespmem:$0x12A88] =	vst v63  }
0x71: {  	s1 =	simm.s32 $0x10900  }
0x72: {  	[tilespmem:s1], [sflag:$0x1] =	stream.indirect_vreg.gather [hbm4b:s2+s4], $0x80, v5, vm0, $0xb8;
	[tilespmem:$0x12A88] =	vst v63  }
0x73: {  	s1 =	simm.s32 $0x11100  }
0x74: {  	[tilespmem:s1], [sflag:$0x1] =	stream.indirect_vreg.gather [hbm4b:s7+s4], $0x80, v5, vm0, $0xb8;
	[tilespmem:$0x12A88] =	vst v63  }
0x75: {  	s1 =	simm.s32 $0x11900  }
0x76: {  	[tilespmem:s1], [sflag:$0x1] =	stream.indirect_vreg.gather [hbm4b:s8+s4], $0x80, v5, vm0, $0xb8;
	[tilespmem:$0x12A88] =	vst v63  }
0x77: {  	s1 =	simm.s32 $0x12100  }
0x78: {  	[tilespmem:s1], [sflag:$0x1] =	stream.indirect_vreg.gather [hbm4b:s9+s4], $0x80, v5, vm0, $0xb8;
	[tilespmem:$0x12A88] =	vst v63  }
0x79: {  	_ =	swait.ge [sflag:s30], $0x10000  }
0x7a: {  	[sflag:s30] =	ssyncset.done $0x0  }
0x7b: {  	s1 =	rddreg [dreg:$0x7];
	[sflag:s30] =	ssyncadd.s32 $0xFFFF0000  }
0x7c: {  	[hbm4b:s1+s4] =	stream.linear.scatter [tilespmem:s0], [sflag:$0x2], $0x10000, $0x38;
	[tilespmem:$0x12A88] =	vst v63  }
0x7d: {  	_ =	swait.ge [sflag:s16], $0x10000  }
0x7e: {  	[sflag:s16] =	ssyncset.done $0x0  }
0x7f: {  	s1 =	rddreg [dreg:$0x6];
	[sflag:s16] =	ssyncadd.s32 $0xFFFF0000  }
0x80: {  	[tilespmem:s11], [sflag:$0x2] =	stream.linear.gather [spmem:s1], $0x40, $0x38;
	[tilespmem:$0x12A88] =	vst v63  }
0x81: {  	_ =	swait.ge [sflag:s16], $0x40  }
0x82: {  	[sflag:s16] =	ssyncset.done $0x0  }
0x83: {  	[sflag:s16] =	ssyncadd.s32 $0xFFFFFFC0  }
0x84: {  	v5 =	vld [tilespmem:$0x2880];
	_ =	sdelay $0x4  }
0x85: {  	v6 =	vshll.u32 v5, $0x3  }
0x86: {  	v5 =	vand.u32 $0x7, v5;
	v6 =	vand.u32 $0xFFFFFFC0, v6  }
0x87: {  	v5 =	vor.u32 v5, v6  }
0x88: {  	v6 =	vperm.xlane v5, v2;
	_ =	sdelay $0x1  }
0x89: {  	v6 =	vadd.s32 v3, v6;
	_ =	sdelay $0x4  }
0x8a: {  	[tilespmem:s0], [sflag:$0x1] =	stream.indirect_vreg.gather [hbm4b:s2+s4], $0x80, v6, vm0, $0xb8;
	[tilespmem:$0x12A88] =	vst v63  }
0x8b: {  	v5 =	vperm.xlane v5, v4  }
0x8c: {  	[tilespmem:s12], [sflag:$0x1] =	stream.indirect_vreg.gather [hbm4b:s7+s4], $0x80, v6, vm0, $0xb8;
	[tilespmem:$0x12A88] =	vst v63  }
0x8d: {  	v5 =	vadd.s32 v3, v5  }
0x8e: {  	[tilespmem:s13], [sflag:$0x1] =	stream.indirect_vreg.gather [hbm4b:s8+s4], $0x80, v6, vm0, $0xb8;
	[tilespmem:$0x12A88] =	vst v63  }
0x8f: {  	_ = 	snop  }
0x90: {  	[tilespmem:s14], [sflag:$0x1] =	stream.indirect_vreg.gather [hbm4b:s9+s4], $0x80, v6, vm0, $0xb8;
	[tilespmem:$0x12A88] =	vst v63  }
0x91: {  	_ = 	snop  }
0x92: {  	[tilespmem:s15], [sflag:$0x1] =	stream.indirect_vreg.gather [hbm4b:s2+s4], $0x80, v5, vm0, $0xb8;
	[tilespmem:$0x12A88] =	vst v63  }
0x93: {  	_ = 	snop  }
0x94: {  	[tilespmem:s19], [sflag:$0x1] =	stream.indirect_vreg.gather [hbm4b:s7+s4], $0x80, v5, vm0, $0xb8;
	[tilespmem:$0x12A88] =	vst v63  }
0x95: {  	_ = 	snop  }
0x96: {  	[tilespmem:s21], [sflag:$0x1] =	stream.indirect_vreg.gather [hbm4b:s8+s4], $0x80, v5, vm0, $0xb8;
	[tilespmem:$0x12A88] =	vst v63  }
0x97: {  	_ = 	snop  }
0x98: {  	[tilespmem:s22], [sflag:$0x1] =	stream.indirect_vreg.gather [hbm4b:s9+s4], $0x80, v5, vm0, $0xb8;
	[tilespmem:$0x12A88] =	vst v63  }
0x99: {  	v5 =	vld [tilespmem:$0x2890];
	_ =	sdelay $0x4  }
0x9a: {  	v6 =	vshll.u32 v5, $0x3  }
0x9b: {  	v5 =	vand.u32 $0x7, v5;
	v6 =	vand.u32 $0xFFFFFFC0, v6  }
0x9c: {  	v5 =	vor.u32 v5, v6  }
0x9d: {  	v6 =	vperm.xlane v5, v2;
	_ =	sdelay $0x1  }
0x9e: {  	v6 =	vadd.s32 v3, v6;
	_ =	sdelay $0x4  }
0x9f: {  	[tilespmem:s23], [sflag:$0x1] =	stream.indirect_vreg.gather [hbm4b:s2+s4], $0x80, v6, vm0, $0xb8;
	[tilespmem:$0x12A88] =	vst v63  }
0xa0: {  	v5 =	vperm.xlane v5, v4  }
0xa1: {  	[tilespmem:s24], [sflag:$0x1] =	stream.indirect_vreg.gather [hbm4b:s7+s4], $0x80, v6, vm0, $0xb8;
	[tilespmem:$0x12A88] =	vst v63  }
0xa2: {  	v5 =	vadd.s32 v3, v5  }
0xa3: {  	[tilespmem:s25], [sflag:$0x1] =	stream.indirect_vreg.gather [hbm4b:s8+s4], $0x80, v6, vm0, $0xb8;
	[tilespmem:$0x12A88] =	vst v63  }
0xa4: {  	_ = 	snop  }
0xa5: {  	[tilespmem:s26], [sflag:$0x1] =	stream.indirect_vreg.gather [hbm4b:s9+s4], $0x80, v6, vm0, $0xb8;
	[tilespmem:$0x12A88] =	vst v63  }
0xa6: {  	_ = 	snop  }
0xa7: {  	[tilespmem:s28], [sflag:$0x1] =	stream.indirect_vreg.gather [hbm4b:s2+s4], $0x80, v5, vm0, $0xb8;
	[tilespmem:$0x12A88] =	vst v63  }
0xa8: {  	_ = 	snop  }
0xa9: {  	[tilespmem:s29], [sflag:$0x1] =	stream.indirect_vreg.gather [hbm4b:s7+s4], $0x80, v5, vm0, $0xb8;
	[tilespmem:$0x12A88] =	vst v63  }
0xaa: {  	_ = 	snop  }
0xab: {  	[tilespmem:s17], [sflag:$0x1] =	stream.indirect_vreg.gather [hbm4b:s8+s4], $0x80, v5, vm0, $0xb8;
	[tilespmem:$0x12A88] =	vst v63  }
0xac: {  	_ = 	snop  }
0xad: {  	[tilespmem:s5], [sflag:$0x1] =	stream.indirect_vreg.gather [hbm4b:s9+s4], $0x80, v5, vm0, $0xb8;
	[tilespmem:$0x12A88] =	vst v63  }
0xae: {  	v5 =	vld [tilespmem:$0x28A0];
	_ =	sdelay $0x4  }
0xaf: {  	v6 =	vshll.u32 v5, $0x3  }
0xb0: {  	v5 =	vand.u32 $0x7, v5;
	v6 =	vand.u32 $0xFFFFFFC0, v6  }
0xb1: {  	v5 =	vor.u32 v5, v6  }
0xb2: {  	v6 =	vperm.xlane v5, v2;
	_ =	sdelay $0x1  }
0xb3: {  	v6 =	vadd.s32 v3, v6;
	_ =	sdelay $0x4  }
0xb4: {  	[tilespmem:s6], [sflag:$0x1] =	stream.indirect_vreg.gather [hbm4b:s2+s4], $0x80, v6, vm0, $0xb8;
	[tilespmem:$0x12A88] =	vst v63  }
0xb5: {  	s1 =	simm.s32 $0xB100;
	v5 =	vperm.xlane v5, v4  }
0xb6: {  	[tilespmem:s1], [sflag:$0x1] =	stream.indirect_vreg.gather [hbm4b:s7+s4], $0x80, v6, vm0, $0xb8;
	[tilespmem:$0x12A88] =	vst v63  }
0xb7: {  	v5 =	vadd.s32 v3, v5  }
0xb8: {  	[tilespmem:s10], [sflag:$0x1] =	stream.indirect_vreg.gather [hbm4b:s8+s4], $0x80, v6, vm0, $0xb8;
	[tilespmem:$0x12A88] =	vst v63  }
0xb9: {  	_ = 	snop  }
0xba: {  	[tilespmem:s3], [sflag:$0x1] =	stream.indirect_vreg.gather [hbm4b:s9+s4], $0x80, v6, vm0, $0xb8;
	[tilespmem:$0x12A88] =	vst v63  }
0xbb: {  	s1 =	simm.s32 $0xC900  }
0xbc: {  	[tilespmem:s1], [sflag:$0x1] =	stream.indirect_vreg.gather [hbm4b:s2+s4], $0x80, v5, vm0, $0xb8;
	[tilespmem:$0x12A88] =	vst v63  }
0xbd: {  	_ = 	snop  }
0xbe: {  	[tilespmem:s20], [sflag:$0x1] =	stream.indirect_vreg.gather [hbm4b:s7+s4], $0x80, v5, vm0, $0xb8;
	[tilespmem:$0x12A88] =	vst v63  }
0xbf: {  	s1 =	simm.s32 $0xD900  }
0xc0: {  	[tilespmem:s1], [sflag:$0x1] =	stream.indirect_vreg.gather [hbm4b:s8+s4], $0x80, v5, vm0, $0xb8;
	[tilespmem:$0x12A88] =	vst v63  }
0xc1: {  	s1 =	simm.s32 $0xE100  }
0xc2: {  	[tilespmem:s1], [sflag:$0x1] =	stream.indirect_vreg.gather [hbm4b:s9+s4], $0x80, v5, vm0, $0xb8;
	[tilespmem:$0x12A88] =	vst v63  }
0xc3: {  	v5 =	vld [tilespmem:$0x28B0];
	_ =	sdelay $0x4  }
0xc4: {  	v6 =	vshll.u32 v5, $0x3  }
0xc5: {  	v5 =	vand.u32 $0x7, v5;
	v6 =	vand.u32 $0xFFFFFFC0, v6  }
0xc6: {  	v5 =	vor.u32 v5, v6  }
0xc7: {  	v6 =	vperm.xlane v5, v2;
	_ =	sdelay $0x1  }
0xc8: {  	v6 =	vadd.s32 v3, v6;
	_ =	sdelay $0x3  }
0xc9: {  	s1 =	simm.s32 $0xE900  }
0xca: {  	[tilespmem:s1], [sflag:$0x1] =	stream.indirect_vreg.gather [hbm4b:s2+s4], $0x80, v6, vm0, $0xb8;
	[tilespmem:$0x12A88] =	vst v63  }
0xcb: {  	v5 =	vperm.xlane v5, v4;
	s1 =	simm.s32 $0xF100  }
0xcc: {  	[tilespmem:s1], [sflag:$0x1] =	stream.indirect_vreg.gather [hbm4b:s7+s4], $0x80, v6, vm0, $0xb8;
	[tilespmem:$0x12A88] =	vst v63  }
0xcd: {  	v5 =	vadd.s32 v3, v5;
	s1 =	simm.s32 $0xF900  }
0xce: {  	[tilespmem:s1], [sflag:$0x1] =	stream.indirect_vreg.gather [hbm4b:s8+s4], $0x80, v6, vm0, $0xb8;
	[tilespmem:$0x12A88] =	vst v63  }
0xcf: {  	s1 =	simm.s32 $0x10100  }
0xd0: {  	[tilespmem:s1], [sflag:$0x1] =	stream.indirect_vreg.gather [hbm4b:s9+s4], $0x80, v6, vm0, $0xb8;
	[tilespmem:$0x12A88] =	vst v63  }
0xd1: {  	s1 =	simm.s32 $0x10900  }
0xd2: {  	[tilespmem:s1], [sflag:$0x1] =	stream.indirect_vreg.gather [hbm4b:s2+s4], $0x80, v5, vm0, $0xb8;
	[tilespmem:$0x12A88] =	vst v63  }
0xd3: {  	s1 =	simm.s32 $0x11100  }
0xd4: {  	[tilespmem:s1], [sflag:$0x1] =	stream.indirect_vreg.gather [hbm4b:s7+s4], $0x80, v5, vm0, $0xb8;
	[tilespmem:$0x12A88] =	vst v63  }
0xd5: {  	s1 =	simm.s32 $0x11900  }
0xd6: {  	[tilespmem:s1], [sflag:$0x1] =	stream.indirect_vreg.gather [hbm4b:s8+s4], $0x80, v5, vm0, $0xb8;
	[tilespmem:$0x12A88] =	vst v63  }
0xd7: {  	s1 =	simm.s32 $0x12100  }
0xd8: {  	[tilespmem:s1], [sflag:$0x1] =	stream.indirect_vreg.gather [hbm4b:s9+s4], $0x80, v5, vm0, $0xb8;
	[tilespmem:$0x12A88] =	vst v63  }
0xd9: {  	_ =	swait.ge [sflag:s30], $0x10000  }
0xda: {  	[sflag:s30] =	ssyncset.done $0x0  }
0xdb: {  	s1 =	rddreg [dreg:$0xa];
	[sflag:s30] =	ssyncadd.s32 $0xFFFF0000  }
0xdc: {  	[hbm4b:s1+s4] =	stream.linear.scatter [tilespmem:s0], [sflag:$0x2], $0x10000, $0x38;
	[tilespmem:$0x12A88] =	vst v63  }
0xdd: {  	_ =	swait.ge [sflag:s16], $0x10000  }
0xde: {  	[sflag:s16] =	ssyncset.done $0x0  }
0xdf: {  	s1 =	rddreg [dreg:$0x8];
	[sflag:s16] =	ssyncadd.s32 $0xFFFF0000  }
0xe0: {  	[tilespmem:s11], [sflag:$0x2] =	stream.linear.gather [spmem:s1], $0x40, $0x38;
	[tilespmem:$0x12A88] =	vst v63  }
0xe1: {  	_ =	swait.ge [sflag:s16], $0x40  }
0xe2: {  	[sflag:s16] =	ssyncset.done $0x0  }
0xe3: {  	[sflag:s16] =	ssyncadd.s32 $0xFFFFFFC0  }
0xe4: {  	v5 =	vld [tilespmem:$0x2880];
	_ =	sdelay $0x4  }
0xe5: {  	v6 =	vshll.u32 v5, $0x3  }
0xe6: {  	v5 =	vand.u32 $0x7, v5;
	v6 =	vand.u32 $0xFFFFFFC0, v6  }
0xe7: {  	v5 =	vor.u32 v5, v6  }
0xe8: {  	v6 =	vperm.xlane v5, v2;
	_ =	sdelay $0x1  }
0xe9: {  	v6 =	vadd.s32 v3, v6;
	_ =	sdelay $0x4  }
0xea: {  	[tilespmem:s0], [sflag:$0x1] =	stream.indirect_vreg.gather [hbm4b:s2+s4], $0x80, v6, vm0, $0xb8;
	[tilespmem:$0x12A88] =	vst v63  }
0xeb: {  	v5 =	vperm.xlane v5, v4  }
0xec: {  	[tilespmem:s12], [sflag:$0x1] =	stream.indirect_vreg.gather [hbm4b:s7+s4], $0x80, v6, vm0, $0xb8;
	[tilespmem:$0x12A88] =	vst v63  }
0xed: {  	v5 =	vadd.s32 v3, v5  }
0xee: {  	[tilespmem:s13], [sflag:$0x1] =	stream.indirect_vreg.gather [hbm4b:s8+s4], $0x80, v6, vm0, $0xb8;
	[tilespmem:$0x12A88] =	vst v63  }
0xef: {  	_ = 	snop  }
0xf0: {  	[tilespmem:s14], [sflag:$0x1] =	stream.indirect_vreg.gather [hbm4b:s9+s4], $0x80, v6, vm0, $0xb8;
	[tilespmem:$0x12A88] =	vst v63  }
0xf1: {  	_ = 	snop  }
0xf2: {  	[tilespmem:s15], [sflag:$0x1] =	stream.indirect_vreg.gather [hbm4b:s2+s4], $0x80, v5, vm0, $0xb8;
	[tilespmem:$0x12A88] =	vst v63  }
0xf3: {  	_ = 	snop  }
0xf4: {  	[tilespmem:s19], [sflag:$0x1] =	stream.indirect_vreg.gather [hbm4b:s7+s4], $0x80, v5, vm0, $0xb8;
	[tilespmem:$0x12A88] =	vst v63  }
0xf5: {  	_ = 	snop  }
0xf6: {  	[tilespmem:s21], [sflag:$0x1] =	stream.indirect_vreg.gather [hbm4b:s8+s4], $0x80, v5, vm0, $0xb8;
	[tilespmem:$0x12A88] =	vst v63  }
0xf7: {  	_ = 	snop  }
0xf8: {  	[tilespmem:s22], [sflag:$0x1] =	stream.indirect_vreg.gather [hbm4b:s9+s4], $0x80, v5, vm0, $0xb8;
	[tilespmem:$0x12A88] =	vst v63  }
0xf9: {  	v5 =	vld [tilespmem:$0x2890];
	_ =	sdelay $0x4  }
0xfa: {  	v6 =	vshll.u32 v5, $0x3  }
0xfb: {  	v5 =	vand.u32 $0x7, v5;
	v6 =	vand.u32 $0xFFFFFFC0, v6  }
0xfc: {  	v5 =	vor.u32 v5, v6  }
0xfd: {  	v6 =	vperm.xlane v5, v2;
	_ =	sdelay $0x1  }
0xfe: {  	v6 =	vadd.s32 v3, v6;
	_ =	sdelay $0x4  }
0xff: {  	[tilespmem:s23], [sflag:$0x1] =	stream.indirect_vreg.gather [hbm4b:s2+s4], $0x80, v6, vm0, $0xb8;
	[tilespmem:$0x12A88] =	vst v63  }
0x100: {  	v5 =	vperm.xlane v5, v4  }
0x101: {  	[tilespmem:s24], [sflag:$0x1] =	stream.indirect_vreg.gather [hbm4b:s7+s4], $0x80, v6, vm0, $0xb8;
	[tilespmem:$0x12A88] =	vst v63  }
0x102: {  	v5 =	vadd.s32 v3, v5  }
0x103: {  	[tilespmem:s25], [sflag:$0x1] =	stream.indirect_vreg.gather [hbm4b:s8+s4], $0x80, v6, vm0, $0xb8;
	[tilespmem:$0x12A88] =	vst v63  }
0x104: {  	_ = 	snop  }
0x105: {  	[tilespmem:s26], [sflag:$0x1] =	stream.indirect_vreg.gather [hbm4b:s9+s4], $0x80, v6, vm0, $0xb8;
	[tilespmem:$0x12A88] =	vst v63  }
0x106: {  	_ = 	snop  }
0x107: {  	[tilespmem:s28], [sflag:$0x1] =	stream.indirect_vreg.gather [hbm4b:s2+s4], $0x80, v5, vm0, $0xb8;
	[tilespmem:$0x12A88] =	vst v63  }
0x108: {  	_ = 	snop  }
0x109: {  	[tilespmem:s29], [sflag:$0x1] =	stream.indirect_vreg.gather [hbm4b:s7+s4], $0x80, v5, vm0, $0xb8;
	[tilespmem:$0x12A88] =	vst v63  }
0x10a: {  	_ = 	snop  }
0x10b: {  	[tilespmem:s17], [sflag:$0x1] =	stream.indirect_vreg.gather [hbm4b:s8+s4], $0x80, v5, vm0, $0xb8;
	[tilespmem:$0x12A88] =	vst v63  }
0x10c: {  	_ = 	snop  }
0x10d: {  	[tilespmem:s5], [sflag:$0x1] =	stream.indirect_vreg.gather [hbm4b:s9+s4], $0x80, v5, vm0, $0xb8;
	[tilespmem:$0x12A88] =	vst v63  }
0x10e: {  	v5 =	vld [tilespmem:$0x28A0];
	_ =	sdelay $0x4  }
0x10f: {  	v6 =	vshll.u32 v5, $0x3  }
0x110: {  	v5 =	vand.u32 $0x7, v5;
	v6 =	vand.u32 $0xFFFFFFC0, v6  }
0x111: {  	v5 =	vor.u32 v5, v6  }
0x112: {  	v6 =	vperm.xlane v5, v2;
	_ =	sdelay $0x1  }
0x113: {  	v6 =	vadd.s32 v3, v6;
	_ =	sdelay $0x4  }
0x114: {  	[tilespmem:s6], [sflag:$0x1] =	stream.indirect_vreg.gather [hbm4b:s2+s4], $0x80, v6, vm0, $0xb8;
	[tilespmem:$0x12A88] =	vst v63  }
0x115: {  	s14 =	simm.s32 $0xB100;
	v5 =	vperm.xlane v5, v4  }
0x116: {  	[tilespmem:s14], [sflag:$0x1] =	stream.indirect_vreg.gather [hbm4b:s7+s4], $0x80, v6, vm0, $0xb8;
	[tilespmem:$0x12A88] =	vst v63  }
0x117: {  	v5 =	vadd.s32 v3, v5  }
0x118: {  	[tilespmem:s10], [sflag:$0x1] =	stream.indirect_vreg.gather [hbm4b:s8+s4], $0x80, v6, vm0, $0xb8;
	[tilespmem:$0x12A88] =	vst v63  }
0x119: {  	_ = 	snop  }
0x11a: {  	[tilespmem:s3], [sflag:$0x1] =	stream.indirect_vreg.gather [hbm4b:s9+s4], $0x80, v6, vm0, $0xb8;
	[tilespmem:$0x12A88] =	vst v63  }
0x11b: {  	s17 =	simm.s32 $0xC900  }
0x11c: {  	[tilespmem:s17], [sflag:$0x1] =	stream.indirect_vreg.gather [hbm4b:s2+s4], $0x80, v5, vm0, $0xb8;
	[tilespmem:$0x12A88] =	vst v63  }
0x11d: {  	_ = 	snop  }
0x11e: {  	[tilespmem:s20], [sflag:$0x1] =	stream.indirect_vreg.gather [hbm4b:s7+s4], $0x80, v5, vm0, $0xb8;
	[tilespmem:$0x12A88] =	vst v63  }
0x11f: {  	s14 =	simm.s32 $0xD900  }
0x120: {  	[tilespmem:s14], [sflag:$0x1] =	stream.indirect_vreg.gather [hbm4b:s8+s4], $0x80, v5, vm0, $0xb8;
	[tilespmem:$0x12A88] =	vst v63  }
0x121: {  	s17 =	simm.s32 $0xE100  }
0x122: {  	[tilespmem:s17], [sflag:$0x1] =	stream.indirect_vreg.gather [hbm4b:s9+s4], $0x80, v5, vm0, $0xb8;
	[tilespmem:$0x12A88] =	vst v63  }
0x123: {  	v5 =	vld [tilespmem:$0x28B0];
	_ =	sdelay $0x4  }
0x124: {  	v6 =	vshll.u32 v5, $0x3  }
0x125: {  	v5 =	vand.u32 $0x7, v5;
	v6 =	vand.u32 $0xFFFFFFC0, v6  }
0x126: {  	v5 =	vor.u32 v5, v6  }
0x127: {  	v6 =	vperm.xlane v5, v2;
	_ =	sdelay $0x1  }
0x128: {  	v6 =	vadd.s32 v3, v6;
	_ =	sdelay $0x3  }
0x129: {  	s14 =	simm.s32 $0xE900  }
0x12a: {  	[tilespmem:s14], [sflag:$0x1] =	stream.indirect_vreg.gather [hbm4b:s2+s4], $0x80, v6, vm0, $0xb8;
	[tilespmem:$0x12A88] =	vst v63  }
0x12b: {  	s17 =	simm.s32 $0xF100;
	v5 =	vperm.xlane v5, v4  }
0x12c: {  	[tilespmem:s17], [sflag:$0x1] =	stream.indirect_vreg.gather [hbm4b:s7+s4], $0x80, v6, vm0, $0xb8;
	[tilespmem:$0x12A88] =	vst v63  }
0x12d: {  	v5 =	vadd.s32 v3, v5;
	s14 =	simm.s32 $0xF900  }
0x12e: {  	[tilespmem:s14], [sflag:$0x1] =	stream.indirect_vreg.gather [hbm4b:s8+s4], $0x80, v6, vm0, $0xb8;
	[tilespmem:$0x12A88] =	vst v63  }
0x12f: {  	s17 =	simm.s32 $0x10100  }
0x130: {  	[tilespmem:s17], [sflag:$0x1] =	stream.indirect_vreg.gather [hbm4b:s9+s4], $0x80, v6, vm0, $0xb8;
	[tilespmem:$0x12A88] =	vst v63  }
0x131: {  	s14 =	simm.s32 $0x10900  }
0x132: {  	[tilespmem:s14], [sflag:$0x1] =	stream.indirect_vreg.gather [hbm4b:s2+s4], $0x80, v5, vm0, $0xb8;
	[tilespmem:$0x12A88] =	vst v63  }
0x133: {  	s17 =	simm.s32 $0x11100  }
0x134: {  	[tilespmem:s17], [sflag:$0x1] =	stream.indirect_vreg.gather [hbm4b:s7+s4], $0x80, v5, vm0, $0xb8;
	[tilespmem:$0x12A88] =	vst v63  }
0x135: {  	s14 =	simm.s32 $0x11900  }
0x136: {  	[tilespmem:s14], [sflag:$0x1] =	stream.indirect_vreg.gather [hbm4b:s8+s4], $0x80, v5, vm0, $0xb8;
	[tilespmem:$0x12A88] =	vst v63  }
0x137: {  	s17 =	simm.s32 $0x12100  }
0x138: {  	[tilespmem:s17], [sflag:$0x1] =	stream.indirect_vreg.gather [hbm4b:s9+s4], $0x80, v5, vm0, $0xb8;
	[tilespmem:$0x12A88] =	vst v63  }
0x139: {  	_ =	swait.ge [sflag:s30], $0x10000  }
0x13a: {  	[sflag:s30] =	ssyncset.done $0x0  }
0x13b: {  	s14 =	rddreg [dreg:$0x9];
	[sflag:s30] =	ssyncadd.s32 $0xFFFF0000  }
0x13c: {  	[hbm4b:s14+s4] =	stream.linear.scatter [tilespmem:s0], [sflag:$0x2], $0x10000, $0x38;
	[tilespmem:$0x12A88] =	vst v63  }
0x13d: {  	_ =	swait.ge [sflag:s16], $0x10000  }
0x13e: {  	s31 =	sadd.s32 $0x1, s31;
	s17 =	rddreg [dreg:$0xb]  }
0x13f: {  	p1 =	sne.s32 s31, s17  }
.Ltmp1:
0x140: {  	_ = 	snop;
	(pc) =	sbr.rel @!p1 .LBB2_8-.Ltmp1, $3  }
0x141: {  	_ =	sdelay $0x1  }
0x142: {  	[sflag:s16] =	ssyncset.done $0x0  }
0x143: {  	[sflag:s16] =	ssyncadd.s32 $0xFFFF0000  }
.LBB2_1:
.Ltmp2:
0x144: {  	(pc) =	sbr.rel @p0 .LBB2_7-.Ltmp2, $1  }
0x145: {  	_ =	sdelay $0x3  }
0x146: {  	s0 =	simm.s32 $0x0;
	s1 =	rddreg [dreg:$0x0]  }
0x147: {  	[tilespmem:s0], [sflag:$0x2] =	stream.linear.gather [hbm4b:s1+s0], $0x800, $0x38;
	[tilespmem:$0x12A88] =	vst v63  }
0x148: {  	_ =	swait.ge [sflag:s16], $0x800  }
0x149: {  	[sflag:s16] =	ssyncset.done $0x0  }
0x14a: {  	s17 =	simm.s32 $0x800;
	s14 =	rddreg [dreg:$0x4];
	[sflag:s16] =	ssyncadd.s32 $0xFFFFF800  }
0x14b: {  	[tilespmem:s17], [sflag:$0x2] =	stream.linear.gather [hbm4b:s14+s0], $0x800, $0x38;
	[tilespmem:$0x12A88] =	vst v63  }
0x14c: {  	_ =	swait.ge [sflag:s16], $0x800  }
0x14d: {  	[sflag:s16] =	ssyncset.done $0x0  }
0x14e: {  	s1 =	simm.s32 $0x0;
	[sflag:s16] =	ssyncadd.s32 $0xFFFFF800  }
.LBB2_3:
0x14f: {  	p1 =	sne.s32 s1, $0x60C0  }
.Ltmp3:
0x150: {  	_ = 	snop;
	(pc) =	sbr.rel @p1 .LBB2_3-.Ltmp3, $3  }
0x151: {  	_ =	sdelay $0x1  }
0x152: {  	s17 =	sshra.s32 s1, $0x2  }
0x153: {  	s1 =	sadd.s32 $0x40, s1;
	[tilespmem:s17+$0x1000] =	vst v1  }
0x154: {  	s17 =	simm.s32 $0x800;
	s1 =	simm.s32 $0x0  }
.LBB2_5:
0x155: {  	v5 =	vld [tilespmem:s0+$0x0];
	_ =	sdelay $0x6  }
0x156: {  	v6 =	vor.u32 s1, v0  }
0x157: {  	[tilespmem:v5+s18+$0x0] =	vst.idx.msk $0xffff, v6  }
0x158: {  	v5 =	vld [tilespmem:s17+$0x0];
	_ =	sdelay $0x2  }
0x159: {  	p1 =	sne.s32 s1, $0x7F0  }
.Ltmp4:
0x15a: {  	_ = 	snop;
	(pc) =	sbr.rel @p1 .LBB2_5-.Ltmp4, $2  }
0x15b: {  	_ =	sdelay $0x2  }
0x15c: {  	s0 =	sadd.s32 $0x10, s0;
	s1 =	sadd.s32 $0x10, s1;
	s17 =	sadd.s32 $0x10, s17;
	[tilespmem:v5+s18+$0x0] =	vst.idx.msk $0xffff, v6  }
.Ltmp5:
0x15d: {  	_ = 	snop;
	(pc) =	sbr.rel .LBB2_6-.Ltmp5, $1  }
0x15e: {  	_ =	sdelay $0x3  }
.LBB2_8:
0x15f: {  	_ =	sfence.sel $0x180000  }
0x160: {  	[bflag:$0x0] =	sbarrier.arrive $0xFFFF  }
0x161: {  	_ =	strace $0x9000004D  }
0x162: {  	[bflag:$0x2] =	sbarrier.arrive $0xFFFF  }
0x163: {  	s0 =	rddreg [dreg:$0x3]  }
0x164: {  	s0 =	sadd.s32 @!p0 $0x100000, s0  }
0x165: {  	[sflag:s0] =	ssyncadd.tile.s32 @!p0 $0x1;
	_ =	shalt  }
.Lfunc_end2:
_tile_overlayer_lowered:
.L_overlay_start_2:
0x166: {  	(tag) =	ssettag $0x2  }
0x167: {  	s0 =	rddreg [dreg:$0x0];
	s2 =	stileid.u32  }
0x168: {  	s1 =	rddreg [dreg:$0x1];
	p0 =	sne.s32 s2, $0x0  }
0x169: {  	s3 =	rddreg [dreg:$0x2];
	[bflag:$0x3] =	sbarrier.arrive $0xFFFF;
	s2 =	simm.s32 @!p0 $0x1C02  }
0x16a: {  	[timem:s3], [sflag:s2] =	dma.local @!p0 [hbm:s0], s1  }
0x16b: {  	s0 =	simm.s32 @!p0 $0x2  }
0x16c: {  	_ =	swait.ge @!p0 [sflag:s0], s1  }
0x16d: {  	s1 =	ssub.s32 @!p0 $0x0, s1;
	[sflag:s0] =	ssyncset.done @!p0 $0x0  }
0x16e: {  	[sflag:s0] =	ssyncadd.s32 @!p0 s1  }
0x16f: {  	[bflag:$0x3] =	sbarrier.arrive $0xFFFF  }
0x170: {  	_ =	shalt  }

// kernel: kernel.28.cloned.1.call-start
scs
__scs_entry_jumppad:
0x0: {  	(pc) =	sbr.rel $0x88, $3  }
0x1: {  	(tag) =	ssettag $0x0;
	lr =	simm.s32 $0x1  }
0x2: {  	[smem:$0x3F94] =	sst lr;
	_ =	strace $0xD0000000  }
0x3: {  	_ = 	snop  }
0x4: {  	_ = 	snop  }
0x5: {  	_ = 	snop  }
0x6: {  	_ = 	snop  }
0x7: {  	_ = 	snop  }
__scs_overlays_trampoline_lowered:
0x8: {  	[smem:$0x3FA3] =	sst s0  }
0x9: {  	[smem:$0x3FA4] =	sst s1  }
0xa: {  	[smem:$0x3FA5] =	sst s2  }
0xb: {  	[smem:$0x3FA6] =	sst s3  }
0xc: {  	[smem:$0x3FA7] =	sst s4  }
0xd: {  	[smem:$0x3FA8] =	sst s5  }
0xe: {  	[smem:$0x3FA9] =	sst s6  }
0xf: {  	[smem:$0x3FAA] =	sst s7  }
0x10: {  	[smem:$0x3FAB] =	sst s8  }
0x11: {  	[smem:$0x3FAC] =	sst s9;
	s0 =	simm.s32 @!p0 $0x0  }
0x12: {  	s1 =	sld [smem:$0x3F92];
	s0 =	simm.s32 @p0 $0x1  }
0x13: {  	[smem:$0x3FAD] =	sst s0;
	s0 =	simm.s32 @!p1 $0x0  }
0x14: {  	s2 =	sld [smem:$0x3F91];
	s0 =	simm.s32 @p1 $0x1  }
0x15: {  	[smem:$0x3FAE] =	sst s0;
	s0 =	simm.s32 @!p2 $0x0  }
0x16: {  	s3 =	sld [smem:$0x3FDB];
	s0 =	simm.s32 @p2 $0x1  }
0x17: {  	s4 =	simm.s32 $0x1BF5;
	[smem:$0x3FB0] =	sst s0  }
0x18: {  	s0 =	sld [smem:$0x3F93];
	_ =	swait.ge [sflag:s4], $0x0  }
0x19: {  	s7 =	sld [smem:$0x3F94]  }
0x1a: {  	s8 =	sadd.s32 $0xFFFFE003, lr  }
0x1b: {  	s9 =	sadd.s32 $0xFFFFFEF7, lr;
	s5 =	simm.s32 $0xFFFFFFFF;
	p2 =	slt.u32 s8, $0xFFFFF086  }
0x1c: {  	p1 =	slt.u32 s9, $0xF7A;
	s5 =	simm.s32 @!p2 $0x0  }
0x1d: {  	s5 =	simm.s32 @p1 $0x1;
	p0 =	seq.s32 s7, s2  }
0x1e: {  	s7 =	smul.u32 @!p0 $0xF7A, s2;
	p2 =	seq.s32 @!p0 s5, $0x0  }
0x1f: {  	s9 =	smul.u32 $0xF7A, s1;
	s8 =	simm.s32 @!p0 $0x1BF5;
	p2 =	por !p2, p0  }
0x20: {  	[sflag:s8] =	ssyncset.s32 @!p0 $0xFFFFF086;
	s6 =	sadd.s32 @!p0 s3, s7;
	s7 =	simm.s32 @!p0 $0x108  }
0x21: {  	s3 =	sadd.s32 s3, s9;
	s6 =	sadd.s32 @!p0 $0x88, s6;
	s7 =	simm.s32 @p2 $0x1082  }
0x22: {  	[simem:s7], [sflag:s8] =	dma.local @!p0 [hbm:s6], $0xF7A  }
0x23: {  	s9 =	sor.u32 $0xD0000000, s2;
	s6 =	simm.s32 $0x108;
	_ =	swait.ge @!p0 [sflag:s8], $0x0  }
0x24: {  	s3 =	sadd.s32 $0x88, s3;
	s6 =	simm.s32 @!p1 $0x1082;
	[sflag:s4] =	ssyncset.s32 $0xFFFFF086  }
0x25: {  	[simem:s6], [sflag:s4] =	dma.local [hbm:s3], $0xF7A  }
0x26: {  	[smem:$0x3F94] =	sst s1;
	(tag) =	ssettag s2;
	_ =	strace s9  }
0x27: {  	s1 =	sld [smem:$0x3FA4]  }
0x28: {  	s2 =	sld [smem:$0x3FA5]  }
0x29: {  	s4 =	sld [smem:$0x3FA7]  }
0x2a: {  	p0 =	seq.s32 s5, $0x0;
	s5 =	sld [smem:$0x3FA8]  }
0x2b: {  	s6 =	sld [smem:$0x3FA9]  }
0x2c: {  	s7 =	sld [smem:$0x3FAA]  }
0x2d: {  	s3 =	simm.s32 $0x108;
	s8 =	sld [smem:$0x3FAB]  }
0x2e: {  	s3 =	simm.s32 @!p0 $0x1082;
	s9 =	sld [smem:$0x3FAC]  }
0x2f: {  	lr =	sadd.s32 s0, s3;
	s0 =	sld [smem:$0x3FA3]  }
0x30: {  	s3 =	sld [smem:$0x3FA6]  }
0x31: {  	[smem:$0x3FAF] =	sst s10  }
0x32: {  	s10 =	sld [smem:$0x3FAD];
	_ =	sdelay $0x3  }
0x33: {  	p0 =	seq.s32 s10, $0x1;
	s10 =	sld [smem:$0x3FAF];
	_ =	sdelay $0x3  }
0x34: {  	[smem:$0x3FAF] =	sst s10  }
0x35: {  	s10 =	sld [smem:$0x3FAE];
	_ =	sdelay $0x3  }
0x36: {  	p1 =	seq.s32 s10, $0x1;
	s10 =	sld [smem:$0x3FAF];
	_ =	sdelay $0x3  }
0x37: {  	[smem:$0x3FAF] =	sst s10  }
0x38: {  	s10 =	sld [smem:$0x3FB0]  }
0x39: {  	_ = 	snop;
	(pc) =	sbr.ind lr, $3  }
0x3a: {  	_ = 	snop  }
0x3b: {  	_ = 	snop  }
0x3c: {  	p2 =	seq.s32 s10, $0x1;
	s10 =	sld [smem:$0x3FAF]  }
0x3d: {  	_ =	shalt  }
0x3e: {  	_ =	shalt  }
0x3f: {  	_ =	shalt  }
0x40: {  	_ =	shalt  }
0x41: {  	_ =	shalt  }
0x42: {  	_ =	shalt  }
0x43: {  	_ =	shalt  }
0x44: {  	_ =	shalt  }
0x45: {  	_ =	shalt  }
0x46: {  	_ =	shalt  }
0x47: {  	_ =	shalt  }
0x48: {  	_ =	shalt  }
0x49: {  	_ =	shalt  }
0x4a: {  	_ =	shalt  }
0x4b: {  	_ =	shalt  }
0x4c: {  	_ =	shalt  }
0x4d: {  	_ =	shalt  }
0x4e: {  	_ =	shalt  }
0x4f: {  	_ =	shalt  }
0x50: {  	_ =	shalt  }
0x51: {  	_ =	shalt  }
0x52: {  	_ =	shalt  }
0x53: {  	_ =	shalt  }
0x54: {  	_ =	shalt  }
0x55: {  	_ =	shalt  }
0x56: {  	_ =	shalt  }
0x57: {  	_ =	shalt  }
0x58: {  	_ =	shalt  }
0x59: {  	_ =	shalt  }
0x5a: {  	_ =	shalt  }
0x5b: {  	_ =	shalt  }
0x5c: {  	_ =	shalt  }
0x5d: {  	_ =	shalt  }
0x5e: {  	_ =	shalt  }
0x5f: {  	_ =	shalt  }
0x60: {  	_ =	shalt  }
0x61: {  	_ =	shalt  }
0x62: {  	_ =	shalt  }
0x63: {  	_ =	shalt  }
0x64: {  	_ =	shalt  }
0x65: {  	_ =	shalt  }
0x66: {  	_ =	shalt  }
0x67: {  	_ =	shalt  }
0x68: {  	_ =	shalt  }
0x69: {  	_ =	shalt  }
0x6a: {  	_ =	shalt  }
0x6b: {  	_ =	shalt  }
0x6c: {  	_ =	shalt  }
0x6d: {  	_ =	shalt  }
0x6e: {  	_ =	shalt  }
0x6f: {  	_ =	shalt  }
0x70: {  	_ =	shalt  }
0x71: {  	_ =	shalt  }
0x72: {  	_ =	shalt  }
0x73: {  	_ =	shalt  }
0x74: {  	_ =	shalt  }
0x75: {  	_ =	shalt  }
0x76: {  	_ =	shalt  }
0x77: {  	_ =	shalt  }
0x78: {  	_ =	shalt  }
0x79: {  	_ =	shalt  }
0x7a: {  	_ =	shalt  }
0x7b: {  	_ =	shalt  }
0x7c: {  	_ =	shalt  }
0x7d: {  	_ =	shalt  }
0x7e: {  	_ =	shalt  }
0x7f: {  	_ =	shalt  }
0x80: {  	_ =	shalt  }
0x81: {  	_ =	shalt  }
0x82: {  	_ =	shalt  }
0x83: {  	_ =	shalt  }
0x84: {  	_ =	shalt  }
0x85: {  	_ =	shalt  }
0x86: {  	_ =	shalt  }
0x87: {  	_ =	shalt  }
.Lfunc_end0:
.L_simem_size_0:
called_computation.3_lowered:
.L_overlay_start_0:
0x88: {  	s2 =	sld [smem:$0x3FD9]  }
0x89: {  	s3 =	sld [smem:$0x3FFE];
	_ =	sdelay $0x1  }
0x8a: {  	s1 =	srdreg.scid  }
0x8b: {  	s0 =	sand.u32 $0x1, s1  }
0x8c: {  	s17 =	sshll.u32 s0, $0xA;
	s2 =	sadd.s32 s3, s2  }
0x8d: {  	s2 =	sadd.s32 s2, s17  }
0x8e: {  	[smem:$0x3FBB] =	sst s2  }
0x8f: {  	_ = 	snop  }
0x90: {  	s2 =	sld [smem:$0x3FD0];
	(tm) =	ssettm $0x1  }
0x91: {  	s18 =	sld [smem:$0x3FFB];
	_ =	sdelay $0x3  }
0x92: {  	_ =	strace s18  }
0x93: {  	s3 =	sld [smem:$0x3FFC];
	_ =	sdelay $0x3  }
0x94: {  	_ =	strace s3  }
0x95: {  	s3 =	sld [smem:$0x3FFD];
	_ =	sdelay $0x3  }
0x96: {  	_ =	strace s3  }
0x97: {  	_ =	strace $0x8FFFFFFF  }
0x98: {  	s19 =	sld [smem:$0x3FDB];
	_ =	sdelay $0x1  }
0x99: {  	s4 =	simm.s32 $_scs_section_size  }
0x9a: {  	s5 =	simm.s32 $_size__tile_overlayer_lowered;
	s6 =	simm.s32 $_tile_overlayer_lowered  }
0x9b: {  	s22 =	simm.s32 $0x1BFF;
	s21 =	sshll.u32 s6, $0x1;
	s3 =	sadd.s32 s4, s19  }
0x9c: {  	s7 =	simm.s32 $0x0;
	s20 =	sshll.u32 s5, $0x1;
	s5 =	sadd.s32 s21, s3  }
0x9d: {  	[timem:s7], [sflag:s22] =	dma.local [hbm:s5], s20  }
0x9e: {  	_ =	swait.ge [sflag:s22], s20  }
0x9f: {  	s4 =	ssub.s32 $0x0, s20;
	[sflag:s22] =	ssyncset.done $0x0  }
0xa0: {  	[sflag:s22] =	ssyncadd.s32 s4;
	_ =	sdelay $0x1  }
0xa1: {  	s23 =	simm.s32 $0x1B8B  }
0xa2: {  	_ =	swait.ge [sflag:s23], $0x1  }
0xa3: {  	[sflag:s23] =	ssyncset.done $0x0  }
0xa4: {  	s25 =	simm.s32 $0x1B8E;
	s24 =	sld [smem:$0x3FFE];
	[sflag:s23] =	ssyncadd.s32 $0xFFFFFFFF  }
0xa5: {  	s26 =	simm.s32 $execute0_lowered;
	[smem:$0x3FD2] =	sst s25  }
0xa6: {  	s5 =	sshll.u32 s26, $0x1;
	_ =	strace $0x8000004F;
	[dreg:$0x1] =	wrdreg $0xFFFFFFFF  }
0xa7: {  	s28 =	simm.s32 $_size_execute0_lowered;
	s3 =	sadd.s32 s3, s5;
	[dreg:$0x0] =	wrdreg $0x0  }
0xa8: {  	s5 =	sshll.u32 s28, $0x1;
	[dreg:$0x2] =	wrdreg s3  }
0xa9: {  	[dreg:$0x3] =	wrdreg s5  }
0xaa: {  	[dreg:$0x4] =	wrdreg $0xC0  }
0xab: {  	_ =	task [dreg:s7], $0x5FFFF  }
0xac: {  	[dreg:$0x1] =	wrdreg $0xFFFFFFFF  }
0xad: {  	[dreg:$0x0] =	wrdreg $0x60  }
0xae: {  	[dreg:$0x2] =	wrdreg s24  }
0xaf: {  	[dreg:$0x3] =	wrdreg s2  }
0xb0: {  	[dreg:$0x4] =	wrdreg $0x9  }
0xb1: {  	_ =	task.clear_ibuf [dreg:s7], $0x5FFFF;
	_ =	strace $0x9000004F  }
0xb2: {  	s29 =	simm.s32 $0x9;
	_ =	strace $0x80000051  }
0xb3: {  	_ =	swait.ge [sflag:s29], $0x1  }
0xb4: {  	[sflag:s29] =	ssyncadd.s32 $0xFFFFFFFF  }
0xb5: {  	_ =	strace $0x90000051  }
0xb6: {  	_ =	sfence  }
0xb7: {  	s30 =	sld [smem:$0x0];
	_ =	sdelay $0x2  }
0xb8: {  	s31 =	sshll.u32 s1, $0xD;
	s1 =	sshrl.u32 s1, $0x2  }
0xb9: {  	s3 =	sand.u32 $0x4000, s31;
	s1 =	sadd.s32 s1, s30  }
0xba: {  	s0 =	sor.u32 s3, s0;
	s1 =	sshll.u32 s1, $0x11  }
0xbb: {  	s0 =	sor.u32 s1, s0  }
0xbc: {  	s0 =	sadd.s32 $0x8F2B, s0  }
0xbd: {  	[sflag:s0] =	ssyncadd.remote.s32 $0x1  }
0xbe: {  	_ =	sfence.sel $0xFFFF  }
0xbf: {  	[dreg:$0x0] =	wrdreg $0xFFFFFFFF;
	(pc) =	sbr.abs _section_cstart, $3  }
0xc0: {  	[dreg:$0x1] =	wrdreg $0xFFFFFFFF  }
0xc1: {  	_ =	task.clear_ibuf [dreg:s7], $0x2FFFF;
	_ =	strace $0x9FFFFFFF  }
0xc2: {  	(tm) =	ssettm $0x7FFFFFFF  }
0xc3: {  	_ =	shalt  }
tec
execute0_lowered:
.L_overlay_start_1:
0x0: {  	(tag) =	ssettag $0x1  }
0x1: {  	s0 =	rddreg [dreg:$0x0]  }
0x2: {  	s1 =	rddreg [dreg:$0x1]  }
0x3: {  	s2 =	srdreg.scid;
	s4 =	stileid.u32;
	s18 =	simm.s32 $0x1  }
0x4: {  	s20 =	simm.s32 $0x880;
	s21 =	simm.s32 $0x1080;
	s22 =	simm.s32 $0x1880  }
0x5: {  	s23 =	simm.s32 $0x2080;
	s28 =	simm.s32 $0x4080;
	s29 =	simm.s32 $0x4880  }
0x6: {  	s30 =	simm.s32 $0x5080;
	s31 =	simm.s32 $0x5880;
	s10 =	simm.s32 $0x7080  }
0x7: {  	s11 =	simm.s32 $0x7880;
	s12 =	simm.s32 $0x8080;
	s13 =	simm.s32 $0x8880  }
0x8: {  	s14 =	simm.s32 $0x9080;
	s15 =	simm.s32 $0x9880;
	s16 =	simm.s32 $0xA080  }
0x9: {  	s17 =	simm.s32 $0xA880;
	s3 =	sand.u32 $0x1, s2;
	s2 =	simm.s32 $0x0  }
0xa: {  	s4 =	sshll.u32 s4, $0x7;
	s5 =	sshll.u32 s3, $0x6;
	[smem:$0x7FF] =	sst s2  }
0xb: {  	s6 =	ssub.s32 $0x2, s3;
	s3 =	sadd.s32 $0xC0800, s0;
	s4 =	sor.u32 s5, s4  }
0xc: {  	_ =	strace $0x80000050;
	s24 =	sshrl.u32 s6, $0x1;
	s5 =	sshrl.u32 s4, $0x3  }
0xd: {  	s8 =	ssub.s32 s6, s24;
	s9 =	sshll.u32 s4, $0x7;
	s4 =	sadd.s32 $0xC0900, s0  }
0xe: {  	s6 =	sadd.s32 $0xC0B00, s0;
	s24 =	simm.s32 $0x2880;
	s7 =	sadd.s32 s5, s0  }
0xf: {  	s1 =	sadd.s32 s1, s9;
	s5 =	sadd.s32 $0xC0A00, s0;
	s0 =	sadd.s32 s0, s9  }
0x10: {  	s9 =	simm.s32 $0xB080;
	s25 =	sadd.s32 $0xC0400, s7;
	[dreg:$0x4] =	wrdreg s1  }
0x11: {  	v2 =	vlaneseq.u32;
	s26 =	sadd.s32 $0xC0600, s7;
	[dreg:$0x6] =	wrdreg s0;
	s7 =	smax.u32 s8, $0x1  }
0x12: {  	vm0 =	vmmov $0xffff;
	v1 =	vshrl.u32 v2, $0x3;
	s8 =	simm.s32 $0x2;
	s0 =	simm.s32 $0x80;
	[dreg:$0x3] =	wrdreg s25  }
0x13: {  	v0 =	vand.u32 $0x7, v2;
	v2 =	vor.u32 $0x8, v2;
	v1 =	vmul.u32 $0x8, v1;
	[dreg:$0x5] =	wrdreg s26;
	s25 =	simm.s32 $0x3080;
	s26 =	simm.s32 $0x3880  }
.LBB2_1:
0x14: {  	s19 =	rddreg [dreg:$0x3]  }
0x15: {  	[tilespmem:s2], [sflag:$0x2] =	stream.linear.gather [hbm4b:s19+s2], $0x40, $0x38;
	[tilespmem:$0x10080] =	vst v63  }
0x16: {  	_ =	swait.ge [sflag:s8], $0x40  }
0x17: {  	[sflag:s8] =	ssyncset.done $0x0  }
0x18: {  	[sflag:s8] =	ssyncadd.s32 $0xFFFFFFC0  }
0x19: {  	v3 =	vld [tilespmem:$0x0];
	_ =	sdelay $0x4  }
0x1a: {  	v4 =	vshll.u32 v3, $0x3  }
0x1b: {  	v3 =	vand.u32 $0x7, v3;
	v4 =	vand.u32 $0xFFFFFFC0, v4  }
0x1c: {  	v3 =	vor.u32 v3, v4  }
0x1d: {  	v4 =	vperm.xlane v3, v0;
	_ =	sdelay $0x1  }
0x1e: {  	v4 =	vadd.s32 v1, v4;
	_ =	sdelay $0x4  }
0x1f: {  	[tilespmem:s0], [sflag:$0x1] =	stream.indirect_vreg.gather [hbm4b:s3+s2], $0x80, v4, vm0, $0xb8;
	[tilespmem:$0x10080] =	vst v63  }
0x20: {  	v3 =	vperm.xlane v3, v2  }
0x21: {  	[tilespmem:s20], [sflag:$0x1] =	stream.indirect_vreg.gather [hbm4b:s4+s2], $0x80, v4, vm0, $0xb8;
	[tilespmem:$0x10080] =	vst v63  }
0x22: {  	v3 =	vadd.s32 v1, v3  }
0x23: {  	[tilespmem:s21], [sflag:$0x1] =	stream.indirect_vreg.gather [hbm4b:s5+s2], $0x80, v4, vm0, $0xb8;
	[tilespmem:$0x10080] =	vst v63  }
0x24: {  	_ = 	snop  }
0x25: {  	[tilespmem:s22], [sflag:$0x1] =	stream.indirect_vreg.gather [hbm4b:s6+s2], $0x80, v4, vm0, $0xb8;
	[tilespmem:$0x10080] =	vst v63  }
0x26: {  	_ = 	snop  }
0x27: {  	[tilespmem:s23], [sflag:$0x1] =	stream.indirect_vreg.gather [hbm4b:s3+s2], $0x80, v3, vm0, $0xb8;
	[tilespmem:$0x10080] =	vst v63  }
0x28: {  	_ = 	snop  }
0x29: {  	[tilespmem:s24], [sflag:$0x1] =	stream.indirect_vreg.gather [hbm4b:s4+s2], $0x80, v3, vm0, $0xb8;
	[tilespmem:$0x10080] =	vst v63  }
0x2a: {  	_ = 	snop  }
0x2b: {  	[tilespmem:s25], [sflag:$0x1] =	stream.indirect_vreg.gather [hbm4b:s5+s2], $0x80, v3, vm0, $0xb8;
	[tilespmem:$0x10080] =	vst v63  }
0x2c: {  	_ = 	snop  }
0x2d: {  	[tilespmem:s26], [sflag:$0x1] =	stream.indirect_vreg.gather [hbm4b:s6+s2], $0x80, v3, vm0, $0xb8;
	[tilespmem:$0x10080] =	vst v63  }
0x2e: {  	v3 =	vld [tilespmem:$0x10];
	_ =	sdelay $0x4  }
0x2f: {  	v57 =	vshll.u32 v3, $0x3  }
0x30: {  	v3 =	vand.u32 $0x7, v3;
	v4 =	vand.u32 $0xFFFFFFC0, v57  }
0x31: {  	v3 =	vor.u32 v3, v4  }
0x32: {  	v4 =	vperm.xlane v3, v0;
	_ =	sdelay $0x1  }
0x33: {  	v4 =	vadd.s32 v1, v4;
	_ =	sdelay $0x4  }
0x34: {  	[tilespmem:s28], [sflag:$0x1] =	stream.indirect_vreg.gather [hbm4b:s3+s2], $0x80, v4, vm0, $0xb8;
	[tilespmem:$0x10080] =	vst v63  }
0x35: {  	v3 =	vperm.xlane v3, v2  }
0x36: {  	[tilespmem:s29], [sflag:$0x1] =	stream.indirect_vreg.gather [hbm4b:s4+s2], $0x80, v4, vm0, $0xb8;
	[tilespmem:$0x10080] =	vst v63  }
0x37: {  	v3 =	vadd.s32 v1, v3  }
0x38: {  	[tilespmem:s30], [sflag:$0x1] =	stream.indirect_vreg.gather [hbm4b:s5+s2], $0x80, v4, vm0, $0xb8;
	[tilespmem:$0x10080] =	vst v63  }
0x39: {  	_ = 	snop  }
0x3a: {  	[tilespmem:s31], [sflag:$0x1] =	stream.indirect_vreg.gather [hbm4b:s6+s2], $0x80, v4, vm0, $0xb8;
	[tilespmem:$0x10080] =	vst v63  }
0x3b: {  	s1 =	simm.s32 $0x6080  }
0x3c: {  	[tilespmem:s1], [sflag:$0x1] =	stream.indirect_vreg.gather [hbm4b:s3+s2], $0x80, v3, vm0, $0xb8;
	[tilespmem:$0x10080] =	vst v63  }
0x3d: {  	s1 =	simm.s32 $0x6880  }
0x3e: {  	[tilespmem:s1], [sflag:$0x1] =	stream.indirect_vreg.gather [hbm4b:s4+s2], $0x80, v3, vm0, $0xb8;
	[tilespmem:$0x10080] =	vst v63  }
0x3f: {  	_ = 	snop  }
0x40: {  	[tilespmem:s10], [sflag:$0x1] =	stream.indirect_vreg.gather [hbm4b:s5+s2], $0x80, v3, vm0, $0xb8;
	[tilespmem:$0x10080] =	vst v63  }
0x41: {  	_ = 	snop  }
0x42: {  	[tilespmem:s11], [sflag:$0x1] =	stream.indirect_vreg.gather [hbm4b:s6+s2], $0x80, v3, vm0, $0xb8;
	[tilespmem:$0x10080] =	vst v63  }
0x43: {  	v3 =	vld [tilespmem:$0x20];
	_ =	sdelay $0x4  }
0x44: {  	v58 =	vshll.u32 v3, $0x3  }
0x45: {  	v3 =	vand.u32 $0x7, v3;
	v4 =	vand.u32 $0xFFFFFFC0, v58  }
0x46: {  	v3 =	vor.u32 v3, v4  }
0x47: {  	v4 =	vperm.xlane v3, v0;
	_ =	sdelay $0x1  }
0x48: {  	v4 =	vadd.s32 v1, v4;
	_ =	sdelay $0x4  }
0x49: {  	[tilespmem:s12], [sflag:$0x1] =	stream.indirect_vreg.gather [hbm4b:s3+s2], $0x80, v4, vm0, $0xb8;
	[tilespmem:$0x10080] =	vst v63  }
0x4a: {  	v3 =	vperm.xlane v3, v2  }
0x4b: {  	[tilespmem:s13], [sflag:$0x1] =	stream.indirect_vreg.gather [hbm4b:s4+s2], $0x80, v4, vm0, $0xb8;
	[tilespmem:$0x10080] =	vst v63  }
0x4c: {  	v3 =	vadd.s32 v1, v3  }
0x4d: {  	[tilespmem:s14], [sflag:$0x1] =	stream.indirect_vreg.gather [hbm4b:s5+s2], $0x80, v4, vm0, $0xb8;
	[tilespmem:$0x10080] =	vst v63  }
0x4e: {  	_ = 	snop  }
0x4f: {  	[tilespmem:s15], [sflag:$0x1] =	stream.indirect_vreg.gather [hbm4b:s6+s2], $0x80, v4, vm0, $0xb8;
	[tilespmem:$0x10080] =	vst v63  }
0x50: {  	_ = 	snop  }
0x51: {  	[tilespmem:s16], [sflag:$0x1] =	stream.indirect_vreg.gather [hbm4b:s3+s2], $0x80, v3, vm0, $0xb8;
	[tilespmem:$0x10080] =	vst v63  }
0x52: {  	_ = 	snop  }
0x53: {  	[tilespmem:s17], [sflag:$0x1] =	stream.indirect_vreg.gather [hbm4b:s4+s2], $0x80, v3, vm0, $0xb8;
	[tilespmem:$0x10080] =	vst v63  }
0x54: {  	_ = 	snop  }
0x55: {  	[tilespmem:s9], [sflag:$0x1] =	stream.indirect_vreg.gather [hbm4b:s5+s2], $0x80, v3, vm0, $0xb8;
	[tilespmem:$0x10080] =	vst v63  }
0x56: {  	s19 =	simm.s32 $0xB880  }
0x57: {  	[tilespmem:s19], [sflag:$0x1] =	stream.indirect_vreg.gather [hbm4b:s6+s2], $0x80, v3, vm0, $0xb8;
	[tilespmem:$0x10080] =	vst v63  }
0x58: {  	v3 =	vld [tilespmem:$0x30];
	_ =	sdelay $0x4  }
0x59: {  	v59 =	vshll.u32 v3, $0x3  }
0x5a: {  	v3 =	vand.u32 $0x7, v3;
	v4 =	vand.u32 $0xFFFFFFC0, v59  }
0x5b: {  	v3 =	vor.u32 v3, v4  }
0x5c: {  	v4 =	vperm.xlane v3, v0;
	_ =	sdelay $0x1  }
0x5d: {  	v4 =	vadd.s32 v1, v4;
	_ =	sdelay $0x3  }
0x5e: {  	s19 =	simm.s32 $0xC080  }
0x5f: {  	[tilespmem:s19], [sflag:$0x1] =	stream.indirect_vreg.gather [hbm4b:s3+s2], $0x80, v4, vm0, $0xb8;
	[tilespmem:$0x10080] =	vst v63  }
0x60: {  	v3 =	vperm.xlane v3, v2;
	s19 =	simm.s32 $0xC880  }
0x61: {  	[tilespmem:s19], [sflag:$0x1] =	stream.indirect_vreg.gather [hbm4b:s4+s2], $0x80, v4, vm0, $0xb8;
	[tilespmem:$0x10080] =	vst v63  }
0x62: {  	v3 =	vadd.s32 v1, v3;
	s19 =	simm.s32 $0xD080  }
0x63: {  	[tilespmem:s19], [sflag:$0x1] =	stream.indirect_vreg.gather [hbm4b:s5+s2], $0x80, v4, vm0, $0xb8;
	[tilespmem:$0x10080] =	vst v63  }
0x64: {  	s19 =	simm.s32 $0xD880  }
0x65: {  	[tilespmem:s19], [sflag:$0x1] =	stream.indirect_vreg.gather [hbm4b:s6+s2], $0x80, v4, vm0, $0xb8;
	[tilespmem:$0x10080] =	vst v63  }
0x66: {  	s19 =	simm.s32 $0xE080  }
0x67: {  	[tilespmem:s19], [sflag:$0x1] =	stream.indirect_vreg.gather [hbm4b:s3+s2], $0x80, v3, vm0, $0xb8;
	[tilespmem:$0x10080] =	vst v63  }
0x68: {  	s19 =	simm.s32 $0xE880  }
0x69: {  	[tilespmem:s19], [sflag:$0x1] =	stream.indirect_vreg.gather [hbm4b:s4+s2], $0x80, v3, vm0, $0xb8;
	[tilespmem:$0x10080] =	vst v63  }
0x6a: {  	s19 =	simm.s32 $0xF080  }
0x6b: {  	[tilespmem:s19], [sflag:$0x1] =	stream.indirect_vreg.gather [hbm4b:s5+s2], $0x80, v3, vm0, $0xb8;
	[tilespmem:$0x10080] =	vst v63  }
0x6c: {  	s19 =	simm.s32 $0xF880  }
0x6d: {  	[tilespmem:s19], [sflag:$0x1] =	stream.indirect_vreg.gather [hbm4b:s6+s2], $0x80, v3, vm0, $0xb8;
	[tilespmem:$0x10080] =	vst v63  }
0x6e: {  	_ =	swait.ge [sflag:s18], $0x10000  }
0x6f: {  	[sflag:s18] =	ssyncset.done $0x0  }
0x70: {  	s19 =	rddreg [dreg:$0x4];
	[sflag:s18] =	ssyncadd.s32 $0xFFFF0000  }
0x71: {  	[hbm4b:s19+s2] =	stream.linear.scatter [tilespmem:s0], [sflag:$0x2], $0x10000, $0x38;
	[tilespmem:$0x10080] =	vst v63  }
0x72: {  	_ =	swait.ge [sflag:s8], $0x10000  }
0x73: {  	[sflag:s8] =	ssyncset.done $0x0  }
0x74: {  	s19 =	rddreg [dreg:$0x5];
	[sflag:s8] =	ssyncadd.s32 $0xFFFF0000  }
0x75: {  	[tilespmem:s2], [sflag:$0x2] =	stream.linear.gather [hbm4b:s19+s2], $0x40, $0x38;
	[tilespmem:$0x10080] =	vst v63  }
0x76: {  	_ =	swait.ge [sflag:s8], $0x40  }
0x77: {  	[sflag:s8] =	ssyncset.done $0x0  }
0x78: {  	[sflag:s8] =	ssyncadd.s32 $0xFFFFFFC0  }
0x79: {  	v3 =	vld [tilespmem:$0x0];
	_ =	sdelay $0x4  }
0x7a: {  	v60 =	vshll.u32 v3, $0x3  }
0x7b: {  	v3 =	vand.u32 $0x7, v3;
	v4 =	vand.u32 $0xFFFFFFC0, v60  }
0x7c: {  	v3 =	vor.u32 v3, v4  }
0x7d: {  	v4 =	vperm.xlane v3, v0;
	_ =	sdelay $0x1  }
0x7e: {  	v4 =	vadd.s32 v1, v4;
	_ =	sdelay $0x4  }
0x7f: {  	[tilespmem:s0], [sflag:$0x1] =	stream.indirect_vreg.gather [hbm4b:s3+s2], $0x80, v4, vm0, $0xb8;
	[tilespmem:$0x10080] =	vst v63  }
0x80: {  	v3 =	vperm.xlane v3, v2  }
0x81: {  	[tilespmem:s20], [sflag:$0x1] =	stream.indirect_vreg.gather [hbm4b:s4+s2], $0x80, v4, vm0, $0xb8;
	[tilespmem:$0x10080] =	vst v63  }
0x82: {  	v3 =	vadd.s32 v1, v3  }
0x83: {  	[tilespmem:s21], [sflag:$0x1] =	stream.indirect_vreg.gather [hbm4b:s5+s2], $0x80, v4, vm0, $0xb8;
	[tilespmem:$0x10080] =	vst v63  }
0x84: {  	_ = 	snop  }
0x85: {  	[tilespmem:s22], [sflag:$0x1] =	stream.indirect_vreg.gather [hbm4b:s6+s2], $0x80, v4, vm0, $0xb8;
	[tilespmem:$0x10080] =	vst v63  }
0x86: {  	_ = 	snop  }
0x87: {  	[tilespmem:s23], [sflag:$0x1] =	stream.indirect_vreg.gather [hbm4b:s3+s2], $0x80, v3, vm0, $0xb8;
	[tilespmem:$0x10080] =	vst v63  }
0x88: {  	_ = 	snop  }
0x89: {  	[tilespmem:s24], [sflag:$0x1] =	stream.indirect_vreg.gather [hbm4b:s4+s2], $0x80, v3, vm0, $0xb8;
	[tilespmem:$0x10080] =	vst v63  }
0x8a: {  	_ = 	snop  }
0x8b: {  	[tilespmem:s25], [sflag:$0x1] =	stream.indirect_vreg.gather [hbm4b:s5+s2], $0x80, v3, vm0, $0xb8;
	[tilespmem:$0x10080] =	vst v63  }
0x8c: {  	_ = 	snop  }
0x8d: {  	[tilespmem:s26], [sflag:$0x1] =	stream.indirect_vreg.gather [hbm4b:s6+s2], $0x80, v3, vm0, $0xb8;
	[tilespmem:$0x10080] =	vst v63  }
0x8e: {  	v3 =	vld [tilespmem:$0x10];
	_ =	sdelay $0x4  }
0x8f: {  	v61 =	vshll.u32 v3, $0x3  }
0x90: {  	v3 =	vand.u32 $0x7, v3;
	v4 =	vand.u32 $0xFFFFFFC0, v61  }
0x91: {  	v3 =	vor.u32 v3, v4  }
0x92: {  	v4 =	vperm.xlane v3, v0;
	_ =	sdelay $0x1  }
0x93: {  	v4 =	vadd.s32 v1, v4;
	_ =	sdelay $0x4  }
0x94: {  	[tilespmem:s28], [sflag:$0x1] =	stream.indirect_vreg.gather [hbm4b:s3+s2], $0x80, v4, vm0, $0xb8;
	[tilespmem:$0x10080] =	vst v63  }
0x95: {  	v3 =	vperm.xlane v3, v2  }
0x96: {  	[tilespmem:s29], [sflag:$0x1] =	stream.indirect_vreg.gather [hbm4b:s4+s2], $0x80, v4, vm0, $0xb8;
	[tilespmem:$0x10080] =	vst v63  }
0x97: {  	v3 =	vadd.s32 v1, v3  }
0x98: {  	[tilespmem:s30], [sflag:$0x1] =	stream.indirect_vreg.gather [hbm4b:s5+s2], $0x80, v4, vm0, $0xb8;
	[tilespmem:$0x10080] =	vst v63  }
0x99: {  	_ = 	snop  }
0x9a: {  	[tilespmem:s31], [sflag:$0x1] =	stream.indirect_vreg.gather [hbm4b:s6+s2], $0x80, v4, vm0, $0xb8;
	[tilespmem:$0x10080] =	vst v63  }
0x9b: {  	s19 =	simm.s32 $0x6080  }
0x9c: {  	[tilespmem:s19], [sflag:$0x1] =	stream.indirect_vreg.gather [hbm4b:s3+s2], $0x80, v3, vm0, $0xb8;
	[tilespmem:$0x10080] =	vst v63  }
0x9d: {  	_ = 	snop  }
0x9e: {  	[tilespmem:s1], [sflag:$0x1] =	stream.indirect_vreg.gather [hbm4b:s4+s2], $0x80, v3, vm0, $0xb8;
	[tilespmem:$0x10080] =	vst v63  }
0x9f: {  	_ = 	snop  }
0xa0: {  	[tilespmem:s10], [sflag:$0x1] =	stream.indirect_vreg.gather [hbm4b:s5+s2], $0x80, v3, vm0, $0xb8;
	[tilespmem:$0x10080] =	vst v63  }
0xa1: {  	_ = 	snop  }
0xa2: {  	[tilespmem:s11], [sflag:$0x1] =	stream.indirect_vreg.gather [hbm4b:s6+s2], $0x80, v3, vm0, $0xb8;
	[tilespmem:$0x10080] =	vst v63  }
0xa3: {  	v3 =	vld [tilespmem:$0x20];
	_ =	sdelay $0x4  }
0xa4: {  	v62 =	vshll.u32 v3, $0x3  }
0xa5: {  	v3 =	vand.u32 $0x7, v3;
	v4 =	vand.u32 $0xFFFFFFC0, v62  }
0xa6: {  	v3 =	vor.u32 v3, v4  }
0xa7: {  	v4 =	vperm.xlane v3, v0;
	_ =	sdelay $0x1  }
0xa8: {  	v4 =	vadd.s32 v1, v4;
	_ =	sdelay $0x4  }
0xa9: {  	[tilespmem:s12], [sflag:$0x1] =	stream.indirect_vreg.gather [hbm4b:s3+s2], $0x80, v4, vm0, $0xb8;
	[tilespmem:$0x10080] =	vst v63  }
0xaa: {  	v3 =	vperm.xlane v3, v2  }
0xab: {  	[tilespmem:s13], [sflag:$0x1] =	stream.indirect_vreg.gather [hbm4b:s4+s2], $0x80, v4, vm0, $0xb8;
	[tilespmem:$0x10080] =	vst v63  }
0xac: {  	v3 =	vadd.s32 v1, v3  }
0xad: {  	[tilespmem:s14], [sflag:$0x1] =	stream.indirect_vreg.gather [hbm4b:s5+s2], $0x80, v4, vm0, $0xb8;
	[tilespmem:$0x10080] =	vst v63  }
0xae: {  	_ = 	snop  }
0xaf: {  	[tilespmem:s15], [sflag:$0x1] =	stream.indirect_vreg.gather [hbm4b:s6+s2], $0x80, v4, vm0, $0xb8;
	[tilespmem:$0x10080] =	vst v63  }
0xb0: {  	_ = 	snop  }
0xb1: {  	[tilespmem:s16], [sflag:$0x1] =	stream.indirect_vreg.gather [hbm4b:s3+s2], $0x80, v3, vm0, $0xb8;
	[tilespmem:$0x10080] =	vst v63  }
0xb2: {  	_ = 	snop  }
0xb3: {  	[tilespmem:s17], [sflag:$0x1] =	stream.indirect_vreg.gather [hbm4b:s4+s2], $0x80, v3, vm0, $0xb8;
	[tilespmem:$0x10080] =	vst v63  }
0xb4: {  	_ = 	snop  }
0xb5: {  	[tilespmem:s9], [sflag:$0x1] =	stream.indirect_vreg.gather [hbm4b:s5+s2], $0x80, v3, vm0, $0xb8;
	[tilespmem:$0x10080] =	vst v63  }
0xb6: {  	s19 =	simm.s32 $0xB880  }
0xb7: {  	[tilespmem:s19], [sflag:$0x1] =	stream.indirect_vreg.gather [hbm4b:s6+s2], $0x80, v3, vm0, $0xb8;
	[tilespmem:$0x10080] =	vst v63  }
0xb8: {  	v3 =	vld [tilespmem:$0x30];
	_ =	sdelay $0x4  }
0xb9: {  	v63 =	vshll.u32 v3, $0x3  }
0xba: {  	v3 =	vand.u32 $0x7, v3;
	v4 =	vand.u32 $0xFFFFFFC0, v63  }
0xbb: {  	v3 =	vor.u32 v3, v4  }
0xbc: {  	v4 =	vperm.xlane v3, v0;
	_ =	sdelay $0x1  }
0xbd: {  	v4 =	vadd.s32 v1, v4;
	_ =	sdelay $0x3  }
0xbe: {  	s19 =	simm.s32 $0xC080  }
0xbf: {  	[tilespmem:s19], [sflag:$0x1] =	stream.indirect_vreg.gather [hbm4b:s3+s2], $0x80, v4, vm0, $0xb8;
	[tilespmem:$0x10080] =	vst v63  }
0xc0: {  	v3 =	vperm.xlane v3, v2;
	s19 =	simm.s32 $0xC880  }
0xc1: {  	[tilespmem:s19], [sflag:$0x1] =	stream.indirect_vreg.gather [hbm4b:s4+s2], $0x80, v4, vm0, $0xb8;
	[tilespmem:$0x10080] =	vst v63  }
0xc2: {  	v3 =	vadd.s32 v1, v3;
	s19 =	simm.s32 $0xD080  }
0xc3: {  	[tilespmem:s19], [sflag:$0x1] =	stream.indirect_vreg.gather [hbm4b:s5+s2], $0x80, v4, vm0, $0xb8;
	[tilespmem:$0x10080] =	vst v63  }
0xc4: {  	s19 =	simm.s32 $0xD880  }
0xc5: {  	[tilespmem:s19], [sflag:$0x1] =	stream.indirect_vreg.gather [hbm4b:s6+s2], $0x80, v4, vm0, $0xb8;
	[tilespmem:$0x10080] =	vst v63  }
0xc6: {  	s19 =	simm.s32 $0xE080  }
0xc7: {  	[tilespmem:s19], [sflag:$0x1] =	stream.indirect_vreg.gather [hbm4b:s3+s2], $0x80, v3, vm0, $0xb8;
	[tilespmem:$0x10080] =	vst v63  }
0xc8: {  	s19 =	simm.s32 $0xE880  }
0xc9: {  	[tilespmem:s19], [sflag:$0x1] =	stream.indirect_vreg.gather [hbm4b:s4+s2], $0x80, v3, vm0, $0xb8;
	[tilespmem:$0x10080] =	vst v63  }
0xca: {  	s19 =	simm.s32 $0xF080  }
0xcb: {  	[tilespmem:s19], [sflag:$0x1] =	stream.indirect_vreg.gather [hbm4b:s5+s2], $0x80, v3, vm0, $0xb8;
	[tilespmem:$0x10080] =	vst v63  }
0xcc: {  	s19 =	simm.s32 $0xF880  }
0xcd: {  	[tilespmem:s19], [sflag:$0x1] =	stream.indirect_vreg.gather [hbm4b:s6+s2], $0x80, v3, vm0, $0xb8;
	[tilespmem:$0x10080] =	vst v63  }
0xce: {  	_ =	swait.ge [sflag:s18], $0x10000  }
0xcf: {  	p0 =	sne.s32 s7, $0x1;
	[sflag:s18] =	ssyncset.done $0x0  }
.Ltmp0:
0xd0: {  	s1 =	rddreg [dreg:$0x6];
	[sflag:s18] =	ssyncadd.s32 $0xFFFF0000;
	(pc) =	sbr.rel @p0 .LBB2_1-.Ltmp0, $4  }
0xd1: {  	[hbm4b:s1+s2] =	stream.linear.scatter [tilespmem:s0], [sflag:$0x2], $0x10000, $0x38;
	[tilespmem:$0x10080] =	vst v63  }
0xd2: {  	_ =	swait.ge [sflag:s8], $0x10000  }
0xd3: {  	[sflag:s8] =	ssyncset.done $0x0  }
0xd4: {  	s7 =	sadd.s32 $0xFFFFFFFF, s7;
	[sflag:s8] =	ssyncadd.s32 $0xFFFF0000  }
0xd5: {  	_ =	sfence.sel $0x180000  }
0xd6: {  	[bflag:$0x0] =	sbarrier.arrive $0xFFFF  }
0xd7: {  	_ =	strace $0x90000050  }
0xd8: {  	s0 =	stileid.u32;
	[bflag:$0x2] =	sbarrier.arrive $0xFFFF  }
0xd9: {  	p0 =	sne.s32 s0, $0x0;
	s0 =	rddreg [dreg:$0x2]  }
0xda: {  	s0 =	sadd.s32 @!p0 $0x100000, s0  }
0xdb: {  	[sflag:s0] =	ssyncadd.tile.s32 @!p0 $0x1;
	_ =	shalt  }
.Lfunc_end2:
_tile_overlayer_lowered:
.L_overlay_start_2:
0xdc: {  	(tag) =	ssettag $0x2  }
0xdd: {  	s0 =	rddreg [dreg:$0x0];
	s2 =	stileid.u32  }
0xde: {  	s1 =	rddreg [dreg:$0x1];
	p0 =	sne.s32 s2, $0x0  }
0xdf: {  	s3 =	rddreg [dreg:$0x2];
	[bflag:$0x3] =	sbarrier.arrive $0xFFFF;
	s2 =	simm.s32 @!p0 $0x1C02  }
0xe0: {  	[timem:s3], [sflag:s2] =	dma.local @!p0 [hbm:s0], s1  }
0xe1: {  	s0 =	simm.s32 @!p0 $0x2  }
0xe2: {  	_ =	swait.ge @!p0 [sflag:s0], s1  }
0xe3: {  	s1 =	ssub.s32 @!p0 $0x0, s1;
	[sflag:s0] =	ssyncset.done @!p0 $0x0  }
0xe4: {  	[sflag:s0] =	ssyncadd.s32 @!p0 s1  }
0xe5: {  	[bflag:$0x3] =	sbarrier.arrive $0xFFFF  }
0xe6: {  	_ =	shalt  }

// kernel: kernel.31.cloned.1.call-start
scs
__scs_entry_jumppad:
0x0: {  	(pc) =	sbr.rel $0x88, $3  }
0x1: {  	(tag) =	ssettag $0x0;
	lr =	simm.s32 $0x1  }
0x2: {  	[smem:$0x3F94] =	sst lr;
	_ =	strace $0xD0000000  }
0x3: {  	_ = 	snop  }
0x4: {  	_ = 	snop  }
0x5: {  	_ = 	snop  }
0x6: {  	_ = 	snop  }
0x7: {  	_ = 	snop  }
__scs_overlays_trampoline_lowered:
0x8: {  	[smem:$0x3FA3] =	sst s0  }
0x9: {  	[smem:$0x3FA4] =	sst s1  }
0xa: {  	[smem:$0x3FA5] =	sst s2  }
0xb: {  	[smem:$0x3FA6] =	sst s3  }
0xc: {  	[smem:$0x3FA7] =	sst s4  }
0xd: {  	[smem:$0x3FA8] =	sst s5  }
0xe: {  	[smem:$0x3FA9] =	sst s6  }
0xf: {  	[smem:$0x3FAA] =	sst s7  }
0x10: {  	[smem:$0x3FAB] =	sst s8  }
0x11: {  	[smem:$0x3FAC] =	sst s9;
	s0 =	simm.s32 @!p0 $0x0  }
0x12: {  	s1 =	sld [smem:$0x3F92];
	s0 =	simm.s32 @p0 $0x1  }
0x13: {  	[smem:$0x3FAD] =	sst s0;
	s0 =	simm.s32 @!p1 $0x0  }
0x14: {  	s2 =	sld [smem:$0x3F91];
	s0 =	simm.s32 @p1 $0x1  }
0x15: {  	[smem:$0x3FAE] =	sst s0;
	s0 =	simm.s32 @!p2 $0x0  }
0x16: {  	s3 =	sld [smem:$0x3FDB];
	s0 =	simm.s32 @p2 $0x1  }
0x17: {  	s4 =	simm.s32 $0x1BF5;
	[smem:$0x3FB0] =	sst s0  }
0x18: {  	s0 =	sld [smem:$0x3F93];
	_ =	swait.ge [sflag:s4], $0x0  }
0x19: {  	s7 =	sld [smem:$0x3F94]  }
0x1a: {  	s8 =	sadd.s32 $0xFFFFE003, lr  }
0x1b: {  	s9 =	sadd.s32 $0xFFFFFEF7, lr;
	s5 =	simm.s32 $0xFFFFFFFF;
	p2 =	slt.u32 s8, $0xFFFFF086  }
0x1c: {  	p1 =	slt.u32 s9, $0xF7A;
	s5 =	simm.s32 @!p2 $0x0  }
0x1d: {  	s5 =	simm.s32 @p1 $0x1;
	p0 =	seq.s32 s7, s2  }
0x1e: {  	s7 =	smul.u32 @!p0 $0xF7A, s2;
	p2 =	seq.s32 @!p0 s5, $0x0  }
0x1f: {  	s9 =	smul.u32 $0xF7A, s1;
	s8 =	simm.s32 @!p0 $0x1BF5;
	p2 =	por !p2, p0  }
0x20: {  	[sflag:s8] =	ssyncset.s32 @!p0 $0xFFFFF086;
	s6 =	sadd.s32 @!p0 s3, s7;
	s7 =	simm.s32 @!p0 $0x108  }
0x21: {  	s3 =	sadd.s32 s3, s9;
	s6 =	sadd.s32 @!p0 $0x88, s6;
	s7 =	simm.s32 @p2 $0x1082  }
0x22: {  	[simem:s7], [sflag:s8] =	dma.local @!p0 [hbm:s6], $0xF7A  }
0x23: {  	s9 =	sor.u32 $0xD0000000, s2;
	s6 =	simm.s32 $0x108;
	_ =	swait.ge @!p0 [sflag:s8], $0x0  }
0x24: {  	s3 =	sadd.s32 $0x88, s3;
	s6 =	simm.s32 @!p1 $0x1082;
	[sflag:s4] =	ssyncset.s32 $0xFFFFF086  }
0x25: {  	[simem:s6], [sflag:s4] =	dma.local [hbm:s3], $0xF7A  }
0x26: {  	[smem:$0x3F94] =	sst s1;
	(tag) =	ssettag s2;
	_ =	strace s9  }
0x27: {  	s1 =	sld [smem:$0x3FA4]  }
0x28: {  	s2 =	sld [smem:$0x3FA5]  }
0x29: {  	s4 =	sld [smem:$0x3FA7]  }
0x2a: {  	p0 =	seq.s32 s5, $0x0;
	s5 =	sld [smem:$0x3FA8]  }
0x2b: {  	s6 =	sld [smem:$0x3FA9]  }
0x2c: {  	s7 =	sld [smem:$0x3FAA]  }
0x2d: {  	s3 =	simm.s32 $0x108;
	s8 =	sld [smem:$0x3FAB]  }
0x2e: {  	s3 =	simm.s32 @!p0 $0x1082;
	s9 =	sld [smem:$0x3FAC]  }
0x2f: {  	lr =	sadd.s32 s0, s3;
	s0 =	sld [smem:$0x3FA3]  }
0x30: {  	s3 =	sld [smem:$0x3FA6]  }
0x31: {  	[smem:$0x3FAF] =	sst s10  }
0x32: {  	s10 =	sld [smem:$0x3FAD];
	_ =	sdelay $0x3  }
0x33: {  	p0 =	seq.s32 s10, $0x1;
	s10 =	sld [smem:$0x3FAF];
	_ =	sdelay $0x3  }
0x34: {  	[smem:$0x3FAF] =	sst s10  }
0x35: {  	s10 =	sld [smem:$0x3FAE];
	_ =	sdelay $0x3  }
0x36: {  	p1 =	seq.s32 s10, $0x1;
	s10 =	sld [smem:$0x3FAF];
	_ =	sdelay $0x3  }
0x37: {  	[smem:$0x3FAF] =	sst s10  }
0x38: {  	s10 =	sld [smem:$0x3FB0]  }
0x39: {  	_ = 	snop;
	(pc) =	sbr.ind lr, $3  }
0x3a: {  	_ = 	snop  }
0x3b: {  	_ = 	snop  }
0x3c: {  	p2 =	seq.s32 s10, $0x1;
	s10 =	sld [smem:$0x3FAF]  }
0x3d: {  	_ =	shalt  }
0x3e: {  	_ =	shalt  }
0x3f: {  	_ =	shalt  }
0x40: {  	_ =	shalt  }
0x41: {  	_ =	shalt  }
0x42: {  	_ =	shalt  }
0x43: {  	_ =	shalt  }
0x44: {  	_ =	shalt  }
0x45: {  	_ =	shalt  }
0x46: {  	_ =	shalt  }
0x47: {  	_ =	shalt  }
0x48: {  	_ =	shalt  }
0x49: {  	_ =	shalt  }
0x4a: {  	_ =	shalt  }
0x4b: {  	_ =	shalt  }
0x4c: {  	_ =	shalt  }
0x4d: {  	_ =	shalt  }
0x4e: {  	_ =	shalt  }
0x4f: {  	_ =	shalt  }
0x50: {  	_ =	shalt  }
0x51: {  	_ =	shalt  }
0x52: {  	_ =	shalt  }
0x53: {  	_ =	shalt  }
0x54: {  	_ =	shalt  }
0x55: {  	_ =	shalt  }
0x56: {  	_ =	shalt  }
0x57: {  	_ =	shalt  }
0x58: {  	_ =	shalt  }
0x59: {  	_ =	shalt  }
0x5a: {  	_ =	shalt  }
0x5b: {  	_ =	shalt  }
0x5c: {  	_ =	shalt  }
0x5d: {  	_ =	shalt  }
0x5e: {  	_ =	shalt  }
0x5f: {  	_ =	shalt  }
0x60: {  	_ =	shalt  }
0x61: {  	_ =	shalt  }
0x62: {  	_ =	shalt  }
0x63: {  	_ =	shalt  }
0x64: {  	_ =	shalt  }
0x65: {  	_ =	shalt  }
0x66: {  	_ =	shalt  }
0x67: {  	_ =	shalt  }
0x68: {  	_ =	shalt  }
0x69: {  	_ =	shalt  }
0x6a: {  	_ =	shalt  }
0x6b: {  	_ =	shalt  }
0x6c: {  	_ =	shalt  }
0x6d: {  	_ =	shalt  }
0x6e: {  	_ =	shalt  }
0x6f: {  	_ =	shalt  }
0x70: {  	_ =	shalt  }
0x71: {  	_ =	shalt  }
0x72: {  	_ =	shalt  }
0x73: {  	_ =	shalt  }
0x74: {  	_ =	shalt  }
0x75: {  	_ =	shalt  }
0x76: {  	_ =	shalt  }
0x77: {  	_ =	shalt  }
0x78: {  	_ =	shalt  }
0x79: {  	_ =	shalt  }
0x7a: {  	_ =	shalt  }
0x7b: {  	_ =	shalt  }
0x7c: {  	_ =	shalt  }
0x7d: {  	_ =	shalt  }
0x7e: {  	_ =	shalt  }
0x7f: {  	_ =	shalt  }
0x80: {  	_ =	shalt  }
0x81: {  	_ =	shalt  }
0x82: {  	_ =	shalt  }
0x83: {  	_ =	shalt  }
0x84: {  	_ =	shalt  }
0x85: {  	_ =	shalt  }
0x86: {  	_ =	shalt  }
0x87: {  	_ =	shalt  }
.Lfunc_end0:
.L_simem_size_0:
called_computation.4_lowered:
.L_overlay_start_0:
0x88: {  	s2 =	sld [smem:$0x3FD9]  }
0x89: {  	s3 =	sld [smem:$0x3FFE];
	_ =	sdelay $0x1  }
0x8a: {  	s1 =	srdreg.scid  }
0x8b: {  	s0 =	sand.u32 $0x1, s1  }
0x8c: {  	s17 =	sshll.u32 s0, $0xA;
	s2 =	sadd.s32 s3, s2  }
0x8d: {  	s2 =	sadd.s32 s2, s17  }
0x8e: {  	[smem:$0x3FBB] =	sst s2  }
0x8f: {  	_ = 	snop  }
0x90: {  	s2 =	sld [smem:$0x3FD0];
	(tm) =	ssettm $0x1  }
0x91: {  	s18 =	sld [smem:$0x3FFB];
	_ =	sdelay $0x3  }
0x92: {  	_ =	strace s18  }
0x93: {  	s3 =	sld [smem:$0x3FFC];
	_ =	sdelay $0x3  }
0x94: {  	_ =	strace s3  }
0x95: {  	s3 =	sld [smem:$0x3FFD];
	_ =	sdelay $0x3  }
0x96: {  	_ =	strace s3  }
0x97: {  	_ =	strace $0x8FFFFFFF  }
0x98: {  	s19 =	sld [smem:$0x3FDB];
	_ =	sdelay $0x1  }
0x99: {  	s4 =	simm.s32 $_scs_section_size  }
0x9a: {  	s5 =	simm.s32 $_size__tile_overlayer_lowered;
	s6 =	simm.s32 $_tile_overlayer_lowered  }
0x9b: {  	s22 =	simm.s32 $0x1BFF;
	s21 =	sshll.u32 s6, $0x1;
	s3 =	sadd.s32 s4, s19  }
0x9c: {  	s7 =	simm.s32 $0x0;
	s20 =	sshll.u32 s5, $0x1;
	s5 =	sadd.s32 s21, s3  }
0x9d: {  	[timem:s7], [sflag:s22] =	dma.local [hbm:s5], s20  }
0x9e: {  	_ =	swait.ge [sflag:s22], s20  }
0x9f: {  	s4 =	ssub.s32 $0x0, s20;
	[sflag:s22] =	ssyncset.done $0x0  }
0xa0: {  	[sflag:s22] =	ssyncadd.s32 s4;
	_ =	sdelay $0x1  }
0xa1: {  	s23 =	simm.s32 $0x1B8B  }
0xa2: {  	_ =	swait.ge [sflag:s23], $0x1  }
0xa3: {  	[sflag:s23] =	ssyncset.done $0x0  }
0xa4: {  	s25 =	simm.s32 $0x1B8E;
	s24 =	sld [smem:$0x3FFE];
	[sflag:s23] =	ssyncadd.s32 $0xFFFFFFFF  }
0xa5: {  	s26 =	simm.s32 $execute0_lowered;
	[smem:$0x3FD2] =	sst s25  }
0xa6: {  	s5 =	sshll.u32 s26, $0x1;
	_ =	strace $0x80000052;
	[dreg:$0x1] =	wrdreg $0xFFFFFFFF  }
0xa7: {  	s28 =	simm.s32 $_size_execute0_lowered;
	s3 =	sadd.s32 s3, s5;
	[dreg:$0x0] =	wrdreg $0x0  }
0xa8: {  	s5 =	sshll.u32 s28, $0x1;
	[dreg:$0x2] =	wrdreg s3  }
0xa9: {  	[dreg:$0x3] =	wrdreg s5  }
0xaa: {  	[dreg:$0x4] =	wrdreg $0xC0  }
0xab: {  	_ =	task [dreg:s7], $0x5FFFF  }
0xac: {  	[dreg:$0x1] =	wrdreg $0xFFFFFFFF  }
0xad: {  	[dreg:$0x0] =	wrdreg $0x60  }
0xae: {  	[dreg:$0x2] =	wrdreg s24  }
0xaf: {  	[dreg:$0x3] =	wrdreg s2  }
0xb0: {  	[dreg:$0x4] =	wrdreg $0x129000  }
0xb1: {  	[dreg:$0x5] =	wrdreg $0x9  }
0xb2: {  	_ =	task.clear_ibuf [dreg:s7], $0x6FFFF;
	_ =	strace $0x90000052  }
0xb3: {  	s29 =	simm.s32 $0x9;
	_ =	strace $0x80000054  }
0xb4: {  	_ =	swait.ge [sflag:s29], $0x1  }
0xb5: {  	[sflag:s29] =	ssyncadd.s32 $0xFFFFFFFF  }
0xb6: {  	_ =	strace $0x90000054  }
0xb7: {  	_ =	sfence  }
0xb8: {  	s30 =	sld [smem:$0x0];
	_ =	sdelay $0x2  }
0xb9: {  	s31 =	sshll.u32 s1, $0xD;
	s1 =	sshrl.u32 s1, $0x2  }
0xba: {  	s3 =	sand.u32 $0x4000, s31;
	s1 =	sadd.s32 s1, s30  }
0xbb: {  	s0 =	sor.u32 s3, s0;
	s1 =	sshll.u32 s1, $0x11  }
0xbc: {  	s0 =	sor.u32 s1, s0  }
0xbd: {  	s0 =	sadd.s32 $0x8F2B, s0  }
0xbe: {  	[sflag:s0] =	ssyncadd.remote.s32 $0x1  }
0xbf: {  	_ =	sfence.sel $0xFFFF  }
0xc0: {  	[dreg:$0x0] =	wrdreg $0xFFFFFFFF;
	(pc) =	sbr.abs _section_cstart, $3  }
0xc1: {  	[dreg:$0x1] =	wrdreg $0xFFFFFFFF  }
0xc2: {  	_ =	task.clear_ibuf [dreg:s7], $0x2FFFF;
	_ =	strace $0x9FFFFFFF  }
0xc3: {  	(tm) =	ssettm $0x7FFFFFFF  }
tec
execute0_lowered:
.L_overlay_start_1:
0x0: {  	(tag) =	ssettag $0x1  }
0x1: {  	s7 =	rddreg [dreg:$0x0]  }
0x2: {  	s2 =	rddreg [dreg:$0x1]  }
0x3: {  	s11 =	rddreg [dreg:$0x2];
	s0 =	srdreg.scid  }
0x4: {  	s1 =	stileid.u32;
	s4 =	simm.s32 $0x0;
	s16 =	simm.s32 $0x2  }
0x5: {  	s18 =	simm.s32 $0x1000;
	s12 =	simm.s32 $0x3100;
	s13 =	simm.s32 $0x3900  }
0x6: {  	s30 =	simm.s32 $0x1;
	s31 =	simm.s32 $0x0;
	s15 =	simm.s32 $0x4900  }
0x7: {  	s19 =	simm.s32 $0x5100;
	s28 =	simm.s32 $0x8900;
	s29 =	simm.s32 $0x9100  }
0x8: {  	s0 =	sand.u32 $0x1, s0;
	s3 =	sshll.u32 s1, $0x1;
	[smem:$0x7FF] =	sst s4  }
0x9: {  	s8 =	sadd.s32 $0x200, s7;
	s10 =	sadd.s32 $0x400, s7;
	s7 =	sadd.s32 $0x100, s2  }
0xa: {  	s9 =	sadd.s32 $0x300, s2;
	s5 =	ssub.s32 $0x2, s0;
	s0 =	sor.u32 s0, s3  }
0xb: {  	p0 =	sne.s32 s1, $0x0;
	_ =	strace $0x80000053;
	s6 =	smul.u32 $0xC0, s0  }
0xc: {  	[dreg:$0x4] =	wrdreg s8;
	s20 =	sshrl.u32 s5, $0x1;
	s0 =	smul.u32 $0x6000, s0  }
0xd: {  	s8 =	sadd.s32 $0x200, s2;
	s3 =	ssub.s32 s5, s20;
	s20 =	simm.s32 $0xD100  }
0xe: {  	s21 =	sadd.s32 s6, s11;
	s22 =	sadd.s32 $0x40, s6;
	s0 =	sadd.s32 s10, s0  }
0xf: {  	s6 =	sadd.s32 $0x80, s6;
	s26 =	smax.u32 s3, $0x1;
	[dreg:$0x5] =	wrdreg s21  }
0x10: {  	s3 =	simm.s32 $0xC100;
	[dreg:$0x7] =	wrdreg s0;
	s23 =	sshll.u32 s22, $0x7  }
0x11: {  	s5 =	sadd.s32 s22, s11;
	s24 =	sshll.u32 s6, $0x7;
	s25 =	sadd.s32 s6, s11  }
0x12: {  	[dreg:$0xb] =	wrdreg s26;
	s11 =	simm.s32 $0x2880;
	s21 =	simm.s32 $0x5900  }
.Ltmp0:
0x13: {  	s22 =	simm.s32 $0x6100;
	s26 =	simm.s32 $0x8100;
	(pc) =	sbr.rel .LBB2_1-.Ltmp0, $4  }
0x14: {  	s6 =	simm.s32 $0xA900;
	[dreg:$0x6] =	wrdreg s5;
	s0 =	sadd.s32 s10, s23  }
0x15: {  	v0 =	vlaneseq.u32;
	[dreg:$0x8] =	wrdreg s25;
	s23 =	simm.s32 $0x6900;
	s25 =	simm.s32 $0x7900  }
0x16: {  	v1 =	vimm.s32 $0x0;
	vm0 =	vmmov $0xffff;
	v3 =	vshrl.u32 v0, $0x3;
	s5 =	simm.s32 $0xA100;
	[dreg:$0xa] =	wrdreg s0;
	s0 =	sadd.s32 s10, s24  }
0x17: {  	v2 =	vand.u32 $0x7, v0;
	v4 =	vor.u32 $0x8, v0;
	v3 =	vmul.u32 $0x8, v3;
	s24 =	simm.s32 $0x7100;
	s10 =	simm.s32 $0xB900;
	[dreg:$0x9] =	wrdreg s0  }
.LBB2_6:
0x18: {  	s0 =	rddreg [dreg:$0x2]  }
0x19: {  	[spmem:s0] =	stream.linear.scatter [tilespmem:s18], [sflag:$0x2], $0x1880, $0x38;
	[tilespmem:$0x12A88] =	vst v63  }
0x1a: {  	_ =	swait.ge [sflag:s16], $0x1880  }
0x1b: {  	s11 =	simm.s32 $0x2880;
	[sflag:s16] =	ssyncset.done $0x0  }
0x1c: {  	s12 =	simm.s32 $0x3100;
	s13 =	simm.s32 $0x3900;
	[sflag:s16] =	ssyncadd.s32 $0xFFFFE780  }
.LBB2_7:
0x1d: {  	[bflag:$0x0] =	sbarrier.arrive $0xFFFF  }
0x1e: {  	s14 =	rddreg [dreg:$0x5]  }
0x1f: {  	[tilespmem:s11], [sflag:$0x2] =	stream.linear.gather [spmem:s14], $0x40, $0x38;
	[tilespmem:$0x12A88] =	vst v63  }
0x20: {  	_ =	swait.ge [sflag:s16], $0x40  }
0x21: {  	[sflag:s16] =	ssyncset.done $0x0  }
0x22: {  	[sflag:s16] =	ssyncadd.s32 $0xFFFFFFC0  }
0x23: {  	v5 =	vld [tilespmem:$0x2880];
	_ =	sdelay $0x4  }
0x24: {  	v6 =	vshll.u32 v5, $0x3  }
0x25: {  	v5 =	vand.u32 $0x7, v5;
	v6 =	vand.u32 $0xFFFFFFC0, v6  }
0x26: {  	v5 =	vor.u32 v5, v6  }
0x27: {  	v6 =	vperm.xlane v5, v2;
	_ =	sdelay $0x1  }
0x28: {  	v6 =	vadd.s32 v3, v6;
	_ =	sdelay $0x3  }
0x29: {  	s0 =	simm.s32 $0x2900  }
0x2a: {  	[tilespmem:s0], [sflag:$0x1] =	stream.indirect_vreg.gather [hbm4b:s2+s4], $0x80, v6, vm0, $0xb8;
	[tilespmem:$0x12A88] =	vst v63  }
0x2b: {  	v5 =	vperm.xlane v5, v4  }
0x2c: {  	[tilespmem:s12], [sflag:$0x1] =	stream.indirect_vreg.gather [hbm4b:s7+s4], $0x80, v6, vm0, $0xb8;
	[tilespmem:$0x12A88] =	vst v63  }
0x2d: {  	v5 =	vadd.s32 v3, v5  }
0x2e: {  	[tilespmem:s13], [sflag:$0x1] =	stream.indirect_vreg.gather [hbm4b:s8+s4], $0x80, v6, vm0, $0xb8;
	[tilespmem:$0x12A88] =	vst v63  }
0x2f: {  	s14 =	simm.s32 $0x4100  }
0x30: {  	[tilespmem:s14], [sflag:$0x1] =	stream.indirect_vreg.gather [hbm4b:s9+s4], $0x80, v6, vm0, $0xb8;
	[tilespmem:$0x12A88] =	vst v63  }
0x31: {  	_ = 	snop  }
0x32: {  	[tilespmem:s15], [sflag:$0x1] =	stream.indirect_vreg.gather [hbm4b:s2+s4], $0x80, v5, vm0, $0xb8;
	[tilespmem:$0x12A88] =	vst v63  }
0x33: {  	_ = 	snop  }
0x34: {  	[tilespmem:s19], [sflag:$0x1] =	stream.indirect_vreg.gather [hbm4b:s7+s4], $0x80, v5, vm0, $0xb8;
	[tilespmem:$0x12A88] =	vst v63  }
0x35: {  	_ = 	snop  }
0x36: {  	[tilespmem:s21], [sflag:$0x1] =	stream.indirect_vreg.gather [hbm4b:s8+s4], $0x80, v5, vm0, $0xb8;
	[tilespmem:$0x12A88] =	vst v63  }
0x37: {  	_ = 	snop  }
0x38: {  	[tilespmem:s22], [sflag:$0x1] =	stream.indirect_vreg.gather [hbm4b:s9+s4], $0x80, v5, vm0, $0xb8;
	[tilespmem:$0x12A88] =	vst v63  }
0x39: {  	v5 =	vld [tilespmem:$0x2890];
	_ =	sdelay $0x4  }
0x3a: {  	v6 =	vshll.u32 v5, $0x3  }
0x3b: {  	v5 =	vand.u32 $0x7, v5;
	v6 =	vand.u32 $0xFFFFFFC0, v6  }
0x3c: {  	v5 =	vor.u32 v5, v6  }
0x3d: {  	v6 =	vperm.xlane v5, v2;
	_ =	sdelay $0x1  }
0x3e: {  	v6 =	vadd.s32 v3, v6;
	_ =	sdelay $0x4  }
0x3f: {  	[tilespmem:s23], [sflag:$0x1] =	stream.indirect_vreg.gather [hbm4b:s2+s4], $0x80, v6, vm0, $0xb8;
	[tilespmem:$0x12A88] =	vst v63  }
0x40: {  	v5 =	vperm.xlane v5, v4  }
0x41: {  	[tilespmem:s24], [sflag:$0x1] =	stream.indirect_vreg.gather [hbm4b:s7+s4], $0x80, v6, vm0, $0xb8;
	[tilespmem:$0x12A88] =	vst v63  }
0x42: {  	v5 =	vadd.s32 v3, v5  }
0x43: {  	[tilespmem:s25], [sflag:$0x1] =	stream.indirect_vreg.gather [hbm4b:s8+s4], $0x80, v6, vm0, $0xb8;
	[tilespmem:$0x12A88] =	vst v63  }
0x44: {  	_ = 	snop  }
0x45: {  	[tilespmem:s26], [sflag:$0x1] =	stream.indirect_vreg.gather [hbm4b:s9+s4], $0x80, v6, vm0, $0xb8;
	[tilespmem:$0x12A88] =	vst v63  }
0x46: {  	_ = 	snop  }
0x47: {  	[tilespmem:s28], [sflag:$0x1] =	stream.indirect_vreg.gather [hbm4b:s2+s4], $0x80, v5, vm0, $0xb8;
	[tilespmem:$0x12A88] =	vst v63  }
0x48: {  	_ = 	snop  }
0x49: {  	[tilespmem:s29], [sflag:$0x1] =	stream.indirect_vreg.gather [hbm4b:s7+s4], $0x80, v5, vm0, $0xb8;
	[tilespmem:$0x12A88] =	vst v63  }
0x4a: {  	s17 =	simm.s32 $0x9900  }
0x4b: {  	[tilespmem:s17], [sflag:$0x1] =	stream.indirect_vreg.gather [hbm4b:s8+s4], $0x80, v5, vm0, $0xb8;
	[tilespmem:$0x12A88] =	vst v63  }
0x4c: {  	_ = 	snop  }
0x4d: {  	[tilespmem:s5], [sflag:$0x1] =	stream.indirect_vreg.gather [hbm4b:s9+s4], $0x80, v5, vm0, $0xb8;
	[tilespmem:$0x12A88] =	vst v63  }
0x4e: {  	v5 =	vld [tilespmem:$0x28A0];
	_ =	sdelay $0x4  }
0x4f: {  	v6 =	vshll.u32 v5, $0x3  }
0x50: {  	v5 =	vand.u32 $0x7, v5;
	v6 =	vand.u32 $0xFFFFFFC0, v6  }
0x51: {  	v5 =	vor.u32 v5, v6  }
0x52: {  	v6 =	vperm.xlane v5, v2;
	_ =	sdelay $0x1  }
0x53: {  	v6 =	vadd.s32 v3, v6;
	_ =	sdelay $0x4  }
0x54: {  	[tilespmem:s6], [sflag:$0x1] =	stream.indirect_vreg.gather [hbm4b:s2+s4], $0x80, v6, vm0, $0xb8;
	[tilespmem:$0x12A88] =	vst v63  }
0x55: {  	s1 =	simm.s32 $0xB100;
	v5 =	vperm.xlane v5, v4  }
0x56: {  	[tilespmem:s1], [sflag:$0x1] =	stream.indirect_vreg.gather [hbm4b:s7+s4], $0x80, v6, vm0, $0xb8;
	[tilespmem:$0x12A88] =	vst v63  }
0x57: {  	v5 =	vadd.s32 v3, v5  }
0x58: {  	[tilespmem:s10], [sflag:$0x1] =	stream.indirect_vreg.gather [hbm4b:s8+s4], $0x80, v6, vm0, $0xb8;
	[tilespmem:$0x12A88] =	vst v63  }
0x59: {  	_ = 	snop  }
0x5a: {  	[tilespmem:s3], [sflag:$0x1] =	stream.indirect_vreg.gather [hbm4b:s9+s4], $0x80, v6, vm0, $0xb8;
	[tilespmem:$0x12A88] =	vst v63  }
0x5b: {  	s1 =	simm.s32 $0xC900  }
0x5c: {  	[tilespmem:s1], [sflag:$0x1] =	stream.indirect_vreg.gather [hbm4b:s2+s4], $0x80, v5, vm0, $0xb8;
	[tilespmem:$0x12A88] =	vst v63  }
0x5d: {  	_ = 	snop  }
0x5e: {  	[tilespmem:s20], [sflag:$0x1] =	stream.indirect_vreg.gather [hbm4b:s7+s4], $0x80, v5, vm0, $0xb8;
	[tilespmem:$0x12A88] =	vst v63  }
0x5f: {  	s1 =	simm.s32 $0xD900  }
0x60: {  	[tilespmem:s1], [sflag:$0x1] =	stream.indirect_vreg.gather [hbm4b:s8+s4], $0x80, v5, vm0, $0xb8;
	[tilespmem:$0x12A88] =	vst v63  }
0x61: {  	s1 =	simm.s32 $0xE100  }
0x62: {  	[tilespmem:s1], [sflag:$0x1] =	stream.indirect_vreg.gather [hbm4b:s9+s4], $0x80, v5, vm0, $0xb8;
	[tilespmem:$0x12A88] =	vst v63  }
0x63: {  	v5 =	vld [tilespmem:$0x28B0];
	_ =	sdelay $0x4  }
0x64: {  	v6 =	vshll.u32 v5, $0x3  }
0x65: {  	v5 =	vand.u32 $0x7, v5;
	v6 =	vand.u32 $0xFFFFFFC0, v6  }
0x66: {  	v5 =	vor.u32 v5, v6  }
0x67: {  	v6 =	vperm.xlane v5, v2;
	_ =	sdelay $0x1  }
0x68: {  	v6 =	vadd.s32 v3, v6;
	_ =	sdelay $0x3  }
0x69: {  	s1 =	simm.s32 $0xE900  }
0x6a: {  	[tilespmem:s1], [sflag:$0x1] =	stream.indirect_vreg.gather [hbm4b:s2+s4], $0x80, v6, vm0, $0xb8;
	[tilespmem:$0x12A88] =	vst v63  }
0x6b: {  	v5 =	vperm.xlane v5, v4;
	s1 =	simm.s32 $0xF100  }
0x6c: {  	[tilespmem:s1], [sflag:$0x1] =	stream.indirect_vreg.gather [hbm4b:s7+s4], $0x80, v6, vm0, $0xb8;
	[tilespmem:$0x12A88] =	vst v63  }
0x6d: {  	v5 =	vadd.s32 v3, v5;
	s1 =	simm.s32 $0xF900  }
0x6e: {  	[tilespmem:s1], [sflag:$0x1] =	stream.indirect_vreg.gather [hbm4b:s8+s4], $0x80, v6, vm0, $0xb8;
	[tilespmem:$0x12A88] =	vst v63  }
0x6f: {  	s1 =	simm.s32 $0x10100  }
0x70: {  	[tilespmem:s1], [sflag:$0x1] =	stream.indirect_vreg.gather [hbm4b:s9+s4], $0x80, v6, vm0, $0xb8;
	[tilespmem:$0x12A88] =	vst v63  }
0x71: {  	s1 =	simm.s32 $0x10900  }
0x72: {  	[tilespmem:s1], [sflag:$0x1] =	stream.indirect_vreg.gather [hbm4b:s2+s4], $0x80, v5, vm0, $0xb8;
	[tilespmem:$0x12A88] =	vst v63  }
0x73: {  	s1 =	simm.s32 $0x11100  }
0x74: {  	[tilespmem:s1], [sflag:$0x1] =	stream.indirect_vreg.gather [hbm4b:s7+s4], $0x80, v5, vm0, $0xb8;
	[tilespmem:$0x12A88] =	vst v63  }
0x75: {  	s1 =	simm.s32 $0x11900  }
0x76: {  	[tilespmem:s1], [sflag:$0x1] =	stream.indirect_vreg.gather [hbm4b:s8+s4], $0x80, v5, vm0, $0xb8;
	[tilespmem:$0x12A88] =	vst v63  }
0x77: {  	s1 =	simm.s32 $0x12100  }
0x78: {  	[tilespmem:s1], [sflag:$0x1] =	stream.indirect_vreg.gather [hbm4b:s9+s4], $0x80, v5, vm0, $0xb8;
	[tilespmem:$0x12A88] =	vst v63  }
0x79: {  	_ =	swait.ge [sflag:s30], $0x10000  }
0x7a: {  	[sflag:s30] =	ssyncset.done $0x0  }
0x7b: {  	s1 =	rddreg [dreg:$0x7];
	[sflag:s30] =	ssyncadd.s32 $0xFFFF0000  }
0x7c: {  	[hbm4b:s1+s4] =	stream.linear.scatter [tilespmem:s0], [sflag:$0x2], $0x10000, $0x38;
	[tilespmem:$0x12A88] =	vst v63  }
0x7d: {  	_ =	swait.ge [sflag:s16], $0x10000  }
0x7e: {  	[sflag:s16] =	ssyncset.done $0x0  }
0x7f: {  	s1 =	rddreg [dreg:$0x6];
	[sflag:s16] =	ssyncadd.s32 $0xFFFF0000  }
0x80: {  	[tilespmem:s11], [sflag:$0x2] =	stream.linear.gather [spmem:s1], $0x40, $0x38;
	[tilespmem:$0x12A88] =	vst v63  }
0x81: {  	_ =	swait.ge [sflag:s16], $0x40  }
0x82: {  	[sflag:s16] =	ssyncset.done $0x0  }
0x83: {  	[sflag:s16] =	ssyncadd.s32 $0xFFFFFFC0  }
0x84: {  	v5 =	vld [tilespmem:$0x2880];
	_ =	sdelay $0x4  }
0x85: {  	v6 =	vshll.u32 v5, $0x3  }
0x86: {  	v5 =	vand.u32 $0x7, v5;
	v6 =	vand.u32 $0xFFFFFFC0, v6  }
0x87: {  	v5 =	vor.u32 v5, v6  }
0x88: {  	v6 =	vperm.xlane v5, v2;
	_ =	sdelay $0x1  }
0x89: {  	v6 =	vadd.s32 v3, v6;
	_ =	sdelay $0x4  }
0x8a: {  	[tilespmem:s0], [sflag:$0x1] =	stream.indirect_vreg.gather [hbm4b:s2+s4], $0x80, v6, vm0, $0xb8;
	[tilespmem:$0x12A88] =	vst v63  }
0x8b: {  	v5 =	vperm.xlane v5, v4  }
0x8c: {  	[tilespmem:s12], [sflag:$0x1] =	stream.indirect_vreg.gather [hbm4b:s7+s4], $0x80, v6, vm0, $0xb8;
	[tilespmem:$0x12A88] =	vst v63  }
0x8d: {  	v5 =	vadd.s32 v3, v5  }
0x8e: {  	[tilespmem:s13], [sflag:$0x1] =	stream.indirect_vreg.gather [hbm4b:s8+s4], $0x80, v6, vm0, $0xb8;
	[tilespmem:$0x12A88] =	vst v63  }
0x8f: {  	_ = 	snop  }
0x90: {  	[tilespmem:s14], [sflag:$0x1] =	stream.indirect_vreg.gather [hbm4b:s9+s4], $0x80, v6, vm0, $0xb8;
	[tilespmem:$0x12A88] =	vst v63  }
0x91: {  	_ = 	snop  }
0x92: {  	[tilespmem:s15], [sflag:$0x1] =	stream.indirect_vreg.gather [hbm4b:s2+s4], $0x80, v5, vm0, $0xb8;
	[tilespmem:$0x12A88] =	vst v63  }
0x93: {  	_ = 	snop  }
0x94: {  	[tilespmem:s19], [sflag:$0x1] =	stream.indirect_vreg.gather [hbm4b:s7+s4], $0x80, v5, vm0, $0xb8;
	[tilespmem:$0x12A88] =	vst v63  }
0x95: {  	_ = 	snop  }
0x96: {  	[tilespmem:s21], [sflag:$0x1] =	stream.indirect_vreg.gather [hbm4b:s8+s4], $0x80, v5, vm0, $0xb8;
	[tilespmem:$0x12A88] =	vst v63  }
0x97: {  	_ = 	snop  }
0x98: {  	[tilespmem:s22], [sflag:$0x1] =	stream.indirect_vreg.gather [hbm4b:s9+s4], $0x80, v5, vm0, $0xb8;
	[tilespmem:$0x12A88] =	vst v63  }
0x99: {  	v5 =	vld [tilespmem:$0x2890];
	_ =	sdelay $0x4  }
0x9a: {  	v6 =	vshll.u32 v5, $0x3  }
0x9b: {  	v5 =	vand.u32 $0x7, v5;
	v6 =	vand.u32 $0xFFFFFFC0, v6  }
0x9c: {  	v5 =	vor.u32 v5, v6  }
0x9d: {  	v6 =	vperm.xlane v5, v2;
	_ =	sdelay $0x1  }
0x9e: {  	v6 =	vadd.s32 v3, v6;
	_ =	sdelay $0x4  }
0x9f: {  	[tilespmem:s23], [sflag:$0x1] =	stream.indirect_vreg.gather [hbm4b:s2+s4], $0x80, v6, vm0, $0xb8;
	[tilespmem:$0x12A88] =	vst v63  }
0xa0: {  	v5 =	vperm.xlane v5, v4  }
0xa1: {  	[tilespmem:s24], [sflag:$0x1] =	stream.indirect_vreg.gather [hbm4b:s7+s4], $0x80, v6, vm0, $0xb8;
	[tilespmem:$0x12A88] =	vst v63  }
0xa2: {  	v5 =	vadd.s32 v3, v5  }
0xa3: {  	[tilespmem:s25], [sflag:$0x1] =	stream.indirect_vreg.gather [hbm4b:s8+s4], $0x80, v6, vm0, $0xb8;
	[tilespmem:$0x12A88] =	vst v63  }
0xa4: {  	_ = 	snop  }
0xa5: {  	[tilespmem:s26], [sflag:$0x1] =	stream.indirect_vreg.gather [hbm4b:s9+s4], $0x80, v6, vm0, $0xb8;
	[tilespmem:$0x12A88] =	vst v63  }
0xa6: {  	_ = 	snop  }
0xa7: {  	[tilespmem:s28], [sflag:$0x1] =	stream.indirect_vreg.gather [hbm4b:s2+s4], $0x80, v5, vm0, $0xb8;
	[tilespmem:$0x12A88] =	vst v63  }
0xa8: {  	_ = 	snop  }
0xa9: {  	[tilespmem:s29], [sflag:$0x1] =	stream.indirect_vreg.gather [hbm4b:s7+s4], $0x80, v5, vm0, $0xb8;
	[tilespmem:$0x12A88] =	vst v63  }
0xaa: {  	_ = 	snop  }
0xab: {  	[tilespmem:s17], [sflag:$0x1] =	stream.indirect_vreg.gather [hbm4b:s8+s4], $0x80, v5, vm0, $0xb8;
	[tilespmem:$0x12A88] =	vst v63  }
0xac: {  	_ = 	snop  }
0xad: {  	[tilespmem:s5], [sflag:$0x1] =	stream.indirect_vreg.gather [hbm4b:s9+s4], $0x80, v5, vm0, $0xb8;
	[tilespmem:$0x12A88] =	vst v63  }
0xae: {  	v5 =	vld [tilespmem:$0x28A0];
	_ =	sdelay $0x4  }
0xaf: {  	v6 =	vshll.u32 v5, $0x3  }
0xb0: {  	v5 =	vand.u32 $0x7, v5;
	v6 =	vand.u32 $0xFFFFFFC0, v6  }
0xb1: {  	v5 =	vor.u32 v5, v6  }
0xb2: {  	v6 =	vperm.xlane v5, v2;
	_ =	sdelay $0x1  }
0xb3: {  	v6 =	vadd.s32 v3, v6;
	_ =	sdelay $0x4  }
0xb4: {  	[tilespmem:s6], [sflag:$0x1] =	stream.indirect_vreg.gather [hbm4b:s2+s4], $0x80, v6, vm0, $0xb8;
	[tilespmem:$0x12A88] =	vst v63  }
0xb5: {  	s1 =	simm.s32 $0xB100;
	v5 =	vperm.xlane v5, v4  }
0xb6: {  	[tilespmem:s1], [sflag:$0x1] =	stream.indirect_vreg.gather [hbm4b:s7+s4], $0x80, v6, vm0, $0xb8;
	[tilespmem:$0x12A88] =	vst v63  }
0xb7: {  	v5 =	vadd.s32 v3, v5  }
0xb8: {  	[tilespmem:s10], [sflag:$0x1] =	stream.indirect_vreg.gather [hbm4b:s8+s4], $0x80, v6, vm0, $0xb8;
	[tilespmem:$0x12A88] =	vst v63  }
0xb9: {  	_ = 	snop  }
0xba: {  	[tilespmem:s3], [sflag:$0x1] =	stream.indirect_vreg.gather [hbm4b:s9+s4], $0x80, v6, vm0, $0xb8;
	[tilespmem:$0x12A88] =	vst v63  }
0xbb: {  	s1 =	simm.s32 $0xC900  }
0xbc: {  	[tilespmem:s1], [sflag:$0x1] =	stream.indirect_vreg.gather [hbm4b:s2+s4], $0x80, v5, vm0, $0xb8;
	[tilespmem:$0x12A88] =	vst v63  }
0xbd: {  	_ = 	snop  }
0xbe: {  	[tilespmem:s20], [sflag:$0x1] =	stream.indirect_vreg.gather [hbm4b:s7+s4], $0x80, v5, vm0, $0xb8;
	[tilespmem:$0x12A88] =	vst v63  }
0xbf: {  	s1 =	simm.s32 $0xD900  }
0xc0: {  	[tilespmem:s1], [sflag:$0x1] =	stream.indirect_vreg.gather [hbm4b:s8+s4], $0x80, v5, vm0, $0xb8;
	[tilespmem:$0x12A88] =	vst v63  }
0xc1: {  	s1 =	simm.s32 $0xE100  }
0xc2: {  	[tilespmem:s1], [sflag:$0x1] =	stream.indirect_vreg.gather [hbm4b:s9+s4], $0x80, v5, vm0, $0xb8;
	[tilespmem:$0x12A88] =	vst v63  }
0xc3: {  	v5 =	vld [tilespmem:$0x28B0];
	_ =	sdelay $0x4  }
0xc4: {  	v6 =	vshll.u32 v5, $0x3  }
0xc5: {  	v5 =	vand.u32 $0x7, v5;
	v6 =	vand.u32 $0xFFFFFFC0, v6  }
0xc6: {  	v5 =	vor.u32 v5, v6  }
0xc7: {  	v6 =	vperm.xlane v5, v2;
	_ =	sdelay $0x1  }
0xc8: {  	v6 =	vadd.s32 v3, v6;
	_ =	sdelay $0x3  }
0xc9: {  	s1 =	simm.s32 $0xE900  }
0xca: {  	[tilespmem:s1], [sflag:$0x1] =	stream.indirect_vreg.gather [hbm4b:s2+s4], $0x80, v6, vm0, $0xb8;
	[tilespmem:$0x12A88] =	vst v63  }
0xcb: {  	v5 =	vperm.xlane v5, v4;
	s1 =	simm.s32 $0xF100  }
0xcc: {  	[tilespmem:s1], [sflag:$0x1] =	stream.indirect_vreg.gather [hbm4b:s7+s4], $0x80, v6, vm0, $0xb8;
	[tilespmem:$0x12A88] =	vst v63  }
0xcd: {  	v5 =	vadd.s32 v3, v5;
	s1 =	simm.s32 $0xF900  }
0xce: {  	[tilespmem:s1], [sflag:$0x1] =	stream.indirect_vreg.gather [hbm4b:s8+s4], $0x80, v6, vm0, $0xb8;
	[tilespmem:$0x12A88] =	vst v63  }
0xcf: {  	s1 =	simm.s32 $0x10100  }
0xd0: {  	[tilespmem:s1], [sflag:$0x1] =	stream.indirect_vreg.gather [hbm4b:s9+s4], $0x80, v6, vm0, $0xb8;
	[tilespmem:$0x12A88] =	vst v63  }
0xd1: {  	s1 =	simm.s32 $0x10900  }
0xd2: {  	[tilespmem:s1], [sflag:$0x1] =	stream.indirect_vreg.gather [hbm4b:s2+s4], $0x80, v5, vm0, $0xb8;
	[tilespmem:$0x12A88] =	vst v63  }
0xd3: {  	s1 =	simm.s32 $0x11100  }
0xd4: {  	[tilespmem:s1], [sflag:$0x1] =	stream.indirect_vreg.gather [hbm4b:s7+s4], $0x80, v5, vm0, $0xb8;
	[tilespmem:$0x12A88] =	vst v63  }
0xd5: {  	s1 =	simm.s32 $0x11900  }
0xd6: {  	[tilespmem:s1], [sflag:$0x1] =	stream.indirect_vreg.gather [hbm4b:s8+s4], $0x80, v5, vm0, $0xb8;
	[tilespmem:$0x12A88] =	vst v63  }
0xd7: {  	s1 =	simm.s32 $0x12100  }
0xd8: {  	[tilespmem:s1], [sflag:$0x1] =	stream.indirect_vreg.gather [hbm4b:s9+s4], $0x80, v5, vm0, $0xb8;
	[tilespmem:$0x12A88] =	vst v63  }
0xd9: {  	_ =	swait.ge [sflag:s30], $0x10000  }
0xda: {  	[sflag:s30] =	ssyncset.done $0x0  }
0xdb: {  	s1 =	rddreg [dreg:$0xa];
	[sflag:s30] =	ssyncadd.s32 $0xFFFF0000  }
0xdc: {  	[hbm4b:s1+s4] =	stream.linear.scatter [tilespmem:s0], [sflag:$0x2], $0x10000, $0x38;
	[tilespmem:$0x12A88] =	vst v63  }
0xdd: {  	_ =	swait.ge [sflag:s16], $0x10000  }
0xde: {  	[sflag:s16] =	ssyncset.done $0x0  }
0xdf: {  	s1 =	rddreg [dreg:$0x8];
	[sflag:s16] =	ssyncadd.s32 $0xFFFF0000  }
0xe0: {  	[tilespmem:s11], [sflag:$0x2] =	stream.linear.gather [spmem:s1], $0x40, $0x38;
	[tilespmem:$0x12A88] =	vst v63  }
0xe1: {  	_ =	swait.ge [sflag:s16], $0x40  }
0xe2: {  	[sflag:s16] =	ssyncset.done $0x0  }
0xe3: {  	[sflag:s16] =	ssyncadd.s32 $0xFFFFFFC0  }
0xe4: {  	v5 =	vld [tilespmem:$0x2880];
	_ =	sdelay $0x4  }
0xe5: {  	v6 =	vshll.u32 v5, $0x3  }
0xe6: {  	v5 =	vand.u32 $0x7, v5;
	v6 =	vand.u32 $0xFFFFFFC0, v6  }
0xe7: {  	v5 =	vor.u32 v5, v6  }
0xe8: {  	v6 =	vperm.xlane v5, v2;
	_ =	sdelay $0x1  }
0xe9: {  	v6 =	vadd.s32 v3, v6;
	_ =	sdelay $0x4  }
0xea: {  	[tilespmem:s0], [sflag:$0x1] =	stream.indirect_vreg.gather [hbm4b:s2+s4], $0x80, v6, vm0, $0xb8;
	[tilespmem:$0x12A88] =	vst v63  }
0xeb: {  	v5 =	vperm.xlane v5, v4  }
0xec: {  	[tilespmem:s12], [sflag:$0x1] =	stream.indirect_vreg.gather [hbm4b:s7+s4], $0x80, v6, vm0, $0xb8;
	[tilespmem:$0x12A88] =	vst v63  }
0xed: {  	v5 =	vadd.s32 v3, v5  }
0xee: {  	[tilespmem:s13], [sflag:$0x1] =	stream.indirect_vreg.gather [hbm4b:s8+s4], $0x80, v6, vm0, $0xb8;
	[tilespmem:$0x12A88] =	vst v63  }
0xef: {  	_ = 	snop  }
0xf0: {  	[tilespmem:s14], [sflag:$0x1] =	stream.indirect_vreg.gather [hbm4b:s9+s4], $0x80, v6, vm0, $0xb8;
	[tilespmem:$0x12A88] =	vst v63  }
0xf1: {  	_ = 	snop  }
0xf2: {  	[tilespmem:s15], [sflag:$0x1] =	stream.indirect_vreg.gather [hbm4b:s2+s4], $0x80, v5, vm0, $0xb8;
	[tilespmem:$0x12A88] =	vst v63  }
0xf3: {  	_ = 	snop  }
0xf4: {  	[tilespmem:s19], [sflag:$0x1] =	stream.indirect_vreg.gather [hbm4b:s7+s4], $0x80, v5, vm0, $0xb8;
	[tilespmem:$0x12A88] =	vst v63  }
0xf5: {  	_ = 	snop  }
0xf6: {  	[tilespmem:s21], [sflag:$0x1] =	stream.indirect_vreg.gather [hbm4b:s8+s4], $0x80, v5, vm0, $0xb8;
	[tilespmem:$0x12A88] =	vst v63  }
0xf7: {  	_ = 	snop  }
0xf8: {  	[tilespmem:s22], [sflag:$0x1] =	stream.indirect_vreg.gather [hbm4b:s9+s4], $0x80, v5, vm0, $0xb8;
	[tilespmem:$0x12A88] =	vst v63  }
0xf9: {  	v5 =	vld [tilespmem:$0x2890];
	_ =	sdelay $0x4  }
0xfa: {  	v6 =	vshll.u32 v5, $0x3  }
0xfb: {  	v5 =	vand.u32 $0x7, v5;
	v6 =	vand.u32 $0xFFFFFFC0, v6  }
0xfc: {  	v5 =	vor.u32 v5, v6  }
0xfd: {  	v6 =	vperm.xlane v5, v2;
	_ =	sdelay $0x1  }
0xfe: {  	v6 =	vadd.s32 v3, v6;
	_ =	sdelay $0x4  }
0xff: {  	[tilespmem:s23], [sflag:$0x1] =	stream.indirect_vreg.gather [hbm4b:s2+s4], $0x80, v6, vm0, $0xb8;
	[tilespmem:$0x12A88] =	vst v63  }
0x100: {  	v5 =	vperm.xlane v5, v4  }
0x101: {  	[tilespmem:s24], [sflag:$0x1] =	stream.indirect_vreg.gather [hbm4b:s7+s4], $0x80, v6, vm0, $0xb8;
	[tilespmem:$0x12A88] =	vst v63  }
0x102: {  	v5 =	vadd.s32 v3, v5  }
0x103: {  	[tilespmem:s25], [sflag:$0x1] =	stream.indirect_vreg.gather [hbm4b:s8+s4], $0x80, v6, vm0, $0xb8;
	[tilespmem:$0x12A88] =	vst v63  }
0x104: {  	_ = 	snop  }
0x105: {  	[tilespmem:s26], [sflag:$0x1] =	stream.indirect_vreg.gather [hbm4b:s9+s4], $0x80, v6, vm0, $0xb8;
	[tilespmem:$0x12A88] =	vst v63  }
0x106: {  	_ = 	snop  }
0x107: {  	[tilespmem:s28], [sflag:$0x1] =	stream.indirect_vreg.gather [hbm4b:s2+s4], $0x80, v5, vm0, $0xb8;
	[tilespmem:$0x12A88] =	vst v63  }
0x108: {  	_ = 	snop  }
0x109: {  	[tilespmem:s29], [sflag:$0x1] =	stream.indirect_vreg.gather [hbm4b:s7+s4], $0x80, v5, vm0, $0xb8;
	[tilespmem:$0x12A88] =	vst v63  }
0x10a: {  	_ = 	snop  }
0x10b: {  	[tilespmem:s17], [sflag:$0x1] =	stream.indirect_vreg.gather [hbm4b:s8+s4], $0x80, v5, vm0, $0xb8;
	[tilespmem:$0x12A88] =	vst v63  }
0x10c: {  	_ = 	snop  }
0x10d: {  	[tilespmem:s5], [sflag:$0x1] =	stream.indirect_vreg.gather [hbm4b:s9+s4], $0x80, v5, vm0, $0xb8;
	[tilespmem:$0x12A88] =	vst v63  }
0x10e: {  	v5 =	vld [tilespmem:$0x28A0];
	_ =	sdelay $0x4  }
0x10f: {  	v6 =	vshll.u32 v5, $0x3  }
0x110: {  	v5 =	vand.u32 $0x7, v5;
	v6 =	vand.u32 $0xFFFFFFC0, v6  }
0x111: {  	v5 =	vor.u32 v5, v6  }
0x112: {  	v6 =	vperm.xlane v5, v2;
	_ =	sdelay $0x1  }
0x113: {  	v6 =	vadd.s32 v3, v6;
	_ =	sdelay $0x4  }
0x114: {  	[tilespmem:s6], [sflag:$0x1] =	stream.indirect_vreg.gather [hbm4b:s2+s4], $0x80, v6, vm0, $0xb8;
	[tilespmem:$0x12A88] =	vst v63  }
0x115: {  	s14 =	simm.s32 $0xB100;
	v5 =	vperm.xlane v5, v4  }
0x116: {  	[tilespmem:s14], [sflag:$0x1] =	stream.indirect_vreg.gather [hbm4b:s7+s4], $0x80, v6, vm0, $0xb8;
	[tilespmem:$0x12A88] =	vst v63  }
0x117: {  	v5 =	vadd.s32 v3, v5  }
0x118: {  	[tilespmem:s10], [sflag:$0x1] =	stream.indirect_vreg.gather [hbm4b:s8+s4], $0x80, v6, vm0, $0xb8;
	[tilespmem:$0x12A88] =	vst v63  }
0x119: {  	_ = 	snop  }
0x11a: {  	[tilespmem:s3], [sflag:$0x1] =	stream.indirect_vreg.gather [hbm4b:s9+s4], $0x80, v6, vm0, $0xb8;
	[tilespmem:$0x12A88] =	vst v63  }
0x11b: {  	s17 =	simm.s32 $0xC900  }
0x11c: {  	[tilespmem:s17], [sflag:$0x1] =	stream.indirect_vreg.gather [hbm4b:s2+s4], $0x80, v5, vm0, $0xb8;
	[tilespmem:$0x12A88] =	vst v63  }
0x11d: {  	_ = 	snop  }
0x11e: {  	[tilespmem:s20], [sflag:$0x1] =	stream.indirect_vreg.gather [hbm4b:s7+s4], $0x80, v5, vm0, $0xb8;
	[tilespmem:$0x12A88] =	vst v63  }
0x11f: {  	s14 =	simm.s32 $0xD900  }
0x120: {  	[tilespmem:s14], [sflag:$0x1] =	stream.indirect_vreg.gather [hbm4b:s8+s4], $0x80, v5, vm0, $0xb8;
	[tilespmem:$0x12A88] =	vst v63  }
0x121: {  	s17 =	simm.s32 $0xE100  }
0x122: {  	[tilespmem:s17], [sflag:$0x1] =	stream.indirect_vreg.gather [hbm4b:s9+s4], $0x80, v5, vm0, $0xb8;
	[tilespmem:$0x12A88] =	vst v63  }
0x123: {  	v5 =	vld [tilespmem:$0x28B0];
	_ =	sdelay $0x4  }
0x124: {  	v6 =	vshll.u32 v5, $0x3  }
0x125: {  	v5 =	vand.u32 $0x7, v5;
	v6 =	vand.u32 $0xFFFFFFC0, v6  }
0x126: {  	v5 =	vor.u32 v5, v6  }
0x127: {  	v6 =	vperm.xlane v5, v2;
	_ =	sdelay $0x1  }
0x128: {  	v6 =	vadd.s32 v3, v6;
	_ =	sdelay $0x3  }
0x129: {  	s14 =	simm.s32 $0xE900  }
0x12a: {  	[tilespmem:s14], [sflag:$0x1] =	stream.indirect_vreg.gather [hbm4b:s2+s4], $0x80, v6, vm0, $0xb8;
	[tilespmem:$0x12A88] =	vst v63  }
0x12b: {  	s17 =	simm.s32 $0xF100;
	v5 =	vperm.xlane v5, v4  }
0x12c: {  	[tilespmem:s17], [sflag:$0x1] =	stream.indirect_vreg.gather [hbm4b:s7+s4], $0x80, v6, vm0, $0xb8;
	[tilespmem:$0x12A88] =	vst v63  }
0x12d: {  	v5 =	vadd.s32 v3, v5;
	s14 =	simm.s32 $0xF900  }
0x12e: {  	[tilespmem:s14], [sflag:$0x1] =	stream.indirect_vreg.gather [hbm4b:s8+s4], $0x80, v6, vm0, $0xb8;
	[tilespmem:$0x12A88] =	vst v63  }
0x12f: {  	s17 =	simm.s32 $0x10100  }
0x130: {  	[tilespmem:s17], [sflag:$0x1] =	stream.indirect_vreg.gather [hbm4b:s9+s4], $0x80, v6, vm0, $0xb8;
	[tilespmem:$0x12A88] =	vst v63  }
0x131: {  	s14 =	simm.s32 $0x10900  }
0x132: {  	[tilespmem:s14], [sflag:$0x1] =	stream.indirect_vreg.gather [hbm4b:s2+s4], $0x80, v5, vm0, $0xb8;
	[tilespmem:$0x12A88] =	vst v63  }
0x133: {  	s17 =	simm.s32 $0x11100  }
0x134: {  	[tilespmem:s17], [sflag:$0x1] =	stream.indirect_vreg.gather [hbm4b:s7+s4], $0x80, v5, vm0, $0xb8;
	[tilespmem:$0x12A88] =	vst v63  }
0x135: {  	s14 =	simm.s32 $0x11900  }
0x136: {  	[tilespmem:s14], [sflag:$0x1] =	stream.indirect_vreg.gather [hbm4b:s8+s4], $0x80, v5, vm0, $0xb8;
	[tilespmem:$0x12A88] =	vst v63  }
0x137: {  	s17 =	simm.s32 $0x12100  }
0x138: {  	[tilespmem:s17], [sflag:$0x1] =	stream.indirect_vreg.gather [hbm4b:s9+s4], $0x80, v5, vm0, $0xb8;
	[tilespmem:$0x12A88] =	vst v63  }
0x139: {  	_ =	swait.ge [sflag:s30], $0x10000  }
0x13a: {  	[sflag:s30] =	ssyncset.done $0x0  }
0x13b: {  	s14 =	rddreg [dreg:$0x9];
	[sflag:s30] =	ssyncadd.s32 $0xFFFF0000  }
0x13c: {  	[hbm4b:s14+s4] =	stream.linear.scatter [tilespmem:s0], [sflag:$0x2], $0x10000, $0x38;
	[tilespmem:$0x12A88] =	vst v63  }
0x13d: {  	_ =	swait.ge [sflag:s16], $0x10000  }
0x13e: {  	s31 =	sadd.s32 $0x1, s31;
	s17 =	rddreg [dreg:$0xb]  }
0x13f: {  	p1 =	sne.s32 s31, s17  }
.Ltmp1:
0x140: {  	_ = 	snop;
	(pc) =	sbr.rel @!p1 .LBB2_8-.Ltmp1, $3  }
0x141: {  	_ =	sdelay $0x1  }
0x142: {  	[sflag:s16] =	ssyncset.done $0x0  }
0x143: {  	[sflag:s16] =	ssyncadd.s32 $0xFFFF0000  }
.LBB2_1:
.Ltmp2:
0x144: {  	(pc) =	sbr.rel @p0 .LBB2_7-.Ltmp2, $1  }
0x145: {  	_ =	sdelay $0x3  }
0x146: {  	s0 =	simm.s32 $0x0;
	s1 =	rddreg [dreg:$0x0]  }
0x147: {  	[tilespmem:s0], [sflag:$0x2] =	stream.linear.gather [hbm4b:s1+s0], $0x800, $0x38;
	[tilespmem:$0x12A88] =	vst v63  }
0x148: {  	_ =	swait.ge [sflag:s16], $0x800  }
0x149: {  	[sflag:s16] =	ssyncset.done $0x0  }
0x14a: {  	s17 =	simm.s32 $0x800;
	s14 =	rddreg [dreg:$0x4];
	[sflag:s16] =	ssyncadd.s32 $0xFFFFF800  }
0x14b: {  	[tilespmem:s17], [sflag:$0x2] =	stream.linear.gather [hbm4b:s14+s0], $0x800, $0x38;
	[tilespmem:$0x12A88] =	vst v63  }
0x14c: {  	_ =	swait.ge [sflag:s16], $0x800  }
0x14d: {  	[sflag:s16] =	ssyncset.done $0x0  }
0x14e: {  	s1 =	simm.s32 $0x0;
	[sflag:s16] =	ssyncadd.s32 $0xFFFFF800  }
.LBB2_3:
0x14f: {  	p1 =	sne.s32 s1, $0x60C0  }
.Ltmp3:
0x150: {  	_ = 	snop;
	(pc) =	sbr.rel @p1 .LBB2_3-.Ltmp3, $3  }
0x151: {  	_ =	sdelay $0x1  }
0x152: {  	s17 =	sshra.s32 s1, $0x2  }
0x153: {  	s1 =	sadd.s32 $0x40, s1;
	[tilespmem:s17+$0x1000] =	vst v1  }
0x154: {  	s17 =	simm.s32 $0x800;
	s1 =	simm.s32 $0x0  }
.LBB2_5:
0x155: {  	v5 =	vld [tilespmem:s0+$0x0];
	_ =	sdelay $0x6  }
0x156: {  	v6 =	vor.u32 s1, v0  }
0x157: {  	[tilespmem:v5+s18+$0x0] =	vst.idx.msk $0xffff, v6  }
0x158: {  	v5 =	vld [tilespmem:s17+$0x0];
	_ =	sdelay $0x2  }
0x159: {  	p1 =	sne.s32 s1, $0x7F0  }
.Ltmp4:
0x15a: {  	_ = 	snop;
	(pc) =	sbr.rel @p1 .LBB2_5-.Ltmp4, $2  }
0x15b: {  	_ =	sdelay $0x2  }
0x15c: {  	s0 =	sadd.s32 $0x10, s0;
	s1 =	sadd.s32 $0x10, s1;
	s17 =	sadd.s32 $0x10, s17;
	[tilespmem:v5+s18+$0x0] =	vst.idx.msk $0xffff, v6  }
.Ltmp5:
0x15d: {  	_ = 	snop;
	(pc) =	sbr.rel .LBB2_6-.Ltmp5, $1  }
0x15e: {  	_ =	sdelay $0x3  }
.LBB2_8:
0x15f: {  	_ =	sfence.sel $0x180000  }
0x160: {  	[bflag:$0x0] =	sbarrier.arrive $0xFFFF  }
0x161: {  	_ =	strace $0x90000053  }
0x162: {  	[bflag:$0x2] =	sbarrier.arrive $0xFFFF  }
0x163: {  	s0 =	rddreg [dreg:$0x3]  }
0x164: {  	s0 =	sadd.s32 @!p0 $0x100000, s0  }
0x165: {  	[sflag:s0] =	ssyncadd.tile.s32 @!p0 $0x1;
	_ =	shalt  }
.Lfunc_end2:
_tile_overlayer_lowered:
.L_overlay_start_2:
0x166: {  	(tag) =	ssettag $0x2  }
0x167: {  	s0 =	rddreg [dreg:$0x0];
	s2 =	stileid.u32  }
0x168: {  	s1 =	rddreg [dreg:$0x1];
	p0 =	sne.s32 s2, $0x0  }
0x169: {  	s3 =	rddreg [dreg:$0x2];
	[bflag:$0x3] =	sbarrier.arrive $0xFFFF;
	s2 =	simm.s32 @!p0 $0x1C02  }
0x16a: {  	[timem:s3], [sflag:s2] =	dma.local @!p0 [hbm:s0], s1  }
0x16b: {  	s0 =	simm.s32 @!p0 $0x2  }
0x16c: {  	_ =	swait.ge @!p0 [sflag:s0], s1  }
0x16d: {  	s1 =	ssub.s32 @!p0 $0x0, s1;
	[sflag:s0] =	ssyncset.done @!p0 $0x0  }
0x16e: {  	[sflag:s0] =	ssyncadd.s32 @!p0 s1  }
0x16f: {  	[bflag:$0x3] =	sbarrier.arrive $0xFFFF  }
0x170: {  	_ =	shalt  }

// kernel: kernel.34.cloned.1.call-start
scs
__scs_entry_jumppad:
0x0: {  	(pc) =	sbr.rel $0x88, $3  }
0x1: {  	(tag) =	ssettag $0x0;
	lr =	simm.s32 $0x1  }
0x2: {  	[smem:$0x3F94] =	sst lr;
	_ =	strace $0xD0000000  }
0x3: {  	_ = 	snop  }
0x4: {  	_ = 	snop  }
0x5: {  	_ = 	snop  }
0x6: {  	_ = 	snop  }
0x7: {  	_ = 	snop  }
__scs_overlays_trampoline_lowered:
0x8: {  	[smem:$0x3FA3] =	sst s0  }
0x9: {  	[smem:$0x3FA4] =	sst s1  }
0xa: {  	[smem:$0x3FA5] =	sst s2  }
0xb: {  	[smem:$0x3FA6] =	sst s3  }
0xc: {  	[smem:$0x3FA7] =	sst s4  }
0xd: {  	[smem:$0x3FA8] =	sst s5  }
0xe: {  	[smem:$0x3FA9] =	sst s6  }
0xf: {  	[smem:$0x3FAA] =	sst s7  }
0x10: {  	[smem:$0x3FAB] =	sst s8  }
0x11: {  	[smem:$0x3FAC] =	sst s9;
	s0 =	simm.s32 @!p0 $0x0  }
0x12: {  	s1 =	sld [smem:$0x3F92];
	s0 =	simm.s32 @p0 $0x1  }
0x13: {  	[smem:$0x3FAD] =	sst s0;
	s0 =	simm.s32 @!p1 $0x0  }
0x14: {  	s2 =	sld [smem:$0x3F91];
	s0 =	simm.s32 @p1 $0x1  }
0x15: {  	[smem:$0x3FAE] =	sst s0;
	s0 =	simm.s32 @!p2 $0x0  }
0x16: {  	s3 =	sld [smem:$0x3FDB];
	s0 =	simm.s32 @p2 $0x1  }
0x17: {  	s4 =	simm.s32 $0x1BF5;
	[smem:$0x3FB0] =	sst s0  }
0x18: {  	s0 =	sld [smem:$0x3F93];
	_ =	swait.ge [sflag:s4], $0x0  }
0x19: {  	s7 =	sld [smem:$0x3F94]  }
0x1a: {  	s8 =	sadd.s32 $0xFFFFE003, lr  }
0x1b: {  	s9 =	sadd.s32 $0xFFFFFEF7, lr;
	s5 =	simm.s32 $0xFFFFFFFF;
	p2 =	slt.u32 s8, $0xFFFFF086  }
0x1c: {  	p1 =	slt.u32 s9, $0xF7A;
	s5 =	simm.s32 @!p2 $0x0  }
0x1d: {  	s5 =	simm.s32 @p1 $0x1;
	p0 =	seq.s32 s7, s2  }
0x1e: {  	s7 =	smul.u32 @!p0 $0xF7A, s2;
	p2 =	seq.s32 @!p0 s5, $0x0  }
0x1f: {  	s9 =	smul.u32 $0xF7A, s1;
	s8 =	simm.s32 @!p0 $0x1BF5;
	p2 =	por !p2, p0  }
0x20: {  	[sflag:s8] =	ssyncset.s32 @!p0 $0xFFFFF086;
	s6 =	sadd.s32 @!p0 s3, s7;
	s7 =	simm.s32 @!p0 $0x108  }
0x21: {  	s3 =	sadd.s32 s3, s9;
	s6 =	sadd.s32 @!p0 $0x88, s6;
	s7 =	simm.s32 @p2 $0x1082  }
0x22: {  	[simem:s7], [sflag:s8] =	dma.local @!p0 [hbm:s6], $0xF7A  }
0x23: {  	s9 =	sor.u32 $0xD0000000, s2;
	s6 =	simm.s32 $0x108;
	_ =	swait.ge @!p0 [sflag:s8], $0x0  }
0x24: {  	s3 =	sadd.s32 $0x88, s3;
	s6 =	simm.s32 @!p1 $0x1082;
	[sflag:s4] =	ssyncset.s32 $0xFFFFF086  }
0x25: {  	[simem:s6], [sflag:s4] =	dma.local [hbm:s3], $0xF7A  }
0x26: {  	[smem:$0x3F94] =	sst s1;
	(tag) =	ssettag s2;
	_ =	strace s9  }
0x27: {  	s1 =	sld [smem:$0x3FA4]  }
0x28: {  	s2 =	sld [smem:$0x3FA5]  }
0x29: {  	s4 =	sld [smem:$0x3FA7]  }
0x2a: {  	p0 =	seq.s32 s5, $0x0;
	s5 =	sld [smem:$0x3FA8]  }
0x2b: {  	s6 =	sld [smem:$0x3FA9]  }
0x2c: {  	s7 =	sld [smem:$0x3FAA]  }
0x2d: {  	s3 =	simm.s32 $0x108;
	s8 =	sld [smem:$0x3FAB]  }
0x2e: {  	s3 =	simm.s32 @!p0 $0x1082;
	s9 =	sld [smem:$0x3FAC]  }
0x2f: {  	lr =	sadd.s32 s0, s3;
	s0 =	sld [smem:$0x3FA3]  }
0x30: {  	s3 =	sld [smem:$0x3FA6]  }
0x31: {  	[smem:$0x3FAF] =	sst s10  }
0x32: {  	s10 =	sld [smem:$0x3FAD];
	_ =	sdelay $0x3  }
0x33: {  	p0 =	seq.s32 s10, $0x1;
	s10 =	sld [smem:$0x3FAF];
	_ =	sdelay $0x3  }
0x34: {  	[smem:$0x3FAF] =	sst s10  }
0x35: {  	s10 =	sld [smem:$0x3FAE];
	_ =	sdelay $0x3  }
0x36: {  	p1 =	seq.s32 s10, $0x1;
	s10 =	sld [smem:$0x3FAF];
	_ =	sdelay $0x3  }
0x37: {  	[smem:$0x3FAF] =	sst s10  }
0x38: {  	s10 =	sld [smem:$0x3FB0]  }
0x39: {  	_ = 	snop;
	(pc) =	sbr.ind lr, $3  }
0x3a: {  	_ = 	snop  }
0x3b: {  	_ = 	snop  }
0x3c: {  	p2 =	seq.s32 s10, $0x1;
	s10 =	sld [smem:$0x3FAF]  }
0x3d: {  	_ =	shalt  }
0x3e: {  	_ =	shalt  }
0x3f: {  	_ =	shalt  }
0x40: {  	_ =	shalt  }
0x41: {  	_ =	shalt  }
0x42: {  	_ =	shalt  }
0x43: {  	_ =	shalt  }
0x44: {  	_ =	shalt  }
0x45: {  	_ =	shalt  }
0x46: {  	_ =	shalt  }
0x47: {  	_ =	shalt  }
0x48: {  	_ =	shalt  }
0x49: {  	_ =	shalt  }
0x4a: {  	_ =	shalt  }
0x4b: {  	_ =	shalt  }
0x4c: {  	_ =	shalt  }
0x4d: {  	_ =	shalt  }
0x4e: {  	_ =	shalt  }
0x4f: {  	_ =	shalt  }
0x50: {  	_ =	shalt  }
0x51: {  	_ =	shalt  }
0x52: {  	_ =	shalt  }
0x53: {  	_ =	shalt  }
0x54: {  	_ =	shalt  }
0x55: {  	_ =	shalt  }
0x56: {  	_ =	shalt  }
0x57: {  	_ =	shalt  }
0x58: {  	_ =	shalt  }
0x59: {  	_ =	shalt  }
0x5a: {  	_ =	shalt  }
0x5b: {  	_ =	shalt  }
0x5c: {  	_ =	shalt  }
0x5d: {  	_ =	shalt  }
0x5e: {  	_ =	shalt  }
0x5f: {  	_ =	shalt  }
0x60: {  	_ =	shalt  }
0x61: {  	_ =	shalt  }
0x62: {  	_ =	shalt  }
0x63: {  	_ =	shalt  }
0x64: {  	_ =	shalt  }
0x65: {  	_ =	shalt  }
0x66: {  	_ =	shalt  }
0x67: {  	_ =	shalt  }
0x68: {  	_ =	shalt  }
0x69: {  	_ =	shalt  }
0x6a: {  	_ =	shalt  }
0x6b: {  	_ =	shalt  }
0x6c: {  	_ =	shalt  }
0x6d: {  	_ =	shalt  }
0x6e: {  	_ =	shalt  }
0x6f: {  	_ =	shalt  }
0x70: {  	_ =	shalt  }
0x71: {  	_ =	shalt  }
0x72: {  	_ =	shalt  }
0x73: {  	_ =	shalt  }
0x74: {  	_ =	shalt  }
0x75: {  	_ =	shalt  }
0x76: {  	_ =	shalt  }
0x77: {  	_ =	shalt  }
0x78: {  	_ =	shalt  }
0x79: {  	_ =	shalt  }
0x7a: {  	_ =	shalt  }
0x7b: {  	_ =	shalt  }
0x7c: {  	_ =	shalt  }
0x7d: {  	_ =	shalt  }
0x7e: {  	_ =	shalt  }
0x7f: {  	_ =	shalt  }
0x80: {  	_ =	shalt  }
0x81: {  	_ =	shalt  }
0x82: {  	_ =	shalt  }
0x83: {  	_ =	shalt  }
0x84: {  	_ =	shalt  }
0x85: {  	_ =	shalt  }
0x86: {  	_ =	shalt  }
0x87: {  	_ =	shalt  }
.Lfunc_end0:
.L_simem_size_0:
called_computation.5_lowered:
.L_overlay_start_0:
0x88: {  	s2 =	sld [smem:$0x3FD9]  }
0x89: {  	s3 =	sld [smem:$0x3FFE];
	_ =	sdelay $0x1  }
0x8a: {  	s1 =	srdreg.scid  }
0x8b: {  	s0 =	sand.u32 $0x1, s1  }
0x8c: {  	s17 =	sshll.u32 s0, $0xA;
	s2 =	sadd.s32 s3, s2  }
0x8d: {  	s2 =	sadd.s32 s2, s17  }
0x8e: {  	[smem:$0x3FBB] =	sst s2  }
0x8f: {  	_ = 	snop  }
0x90: {  	s2 =	sld [smem:$0x3FD0];
	(tm) =	ssettm $0x1  }
0x91: {  	s18 =	sld [smem:$0x3FFB];
	_ =	sdelay $0x3  }
0x92: {  	_ =	strace s18  }
0x93: {  	s3 =	sld [smem:$0x3FFC];
	_ =	sdelay $0x3  }
0x94: {  	_ =	strace s3  }
0x95: {  	s3 =	sld [smem:$0x3FFD];
	_ =	sdelay $0x3  }
0x96: {  	_ =	strace s3  }
0x97: {  	_ =	strace $0x8FFFFFFF  }
0x98: {  	s19 =	sld [smem:$0x3FDB];
	_ =	sdelay $0x1  }
0x99: {  	s4 =	simm.s32 $_scs_section_size  }
0x9a: {  	s5 =	simm.s32 $_size__tile_overlayer_lowered;
	s6 =	simm.s32 $_tile_overlayer_lowered  }
0x9b: {  	s22 =	simm.s32 $0x1BFF;
	s21 =	sshll.u32 s6, $0x1;
	s3 =	sadd.s32 s4, s19  }
0x9c: {  	s7 =	simm.s32 $0x0;
	s20 =	sshll.u32 s5, $0x1;
	s5 =	sadd.s32 s21, s3  }
0x9d: {  	[timem:s7], [sflag:s22] =	dma.local [hbm:s5], s20  }
0x9e: {  	_ =	swait.ge [sflag:s22], s20  }
0x9f: {  	s4 =	ssub.s32 $0x0, s20;
	[sflag:s22] =	ssyncset.done $0x0  }
0xa0: {  	[sflag:s22] =	ssyncadd.s32 s4;
	_ =	sdelay $0x1  }
0xa1: {  	s23 =	simm.s32 $0x1B8B  }
0xa2: {  	_ =	swait.ge [sflag:s23], $0x1  }
0xa3: {  	[sflag:s23] =	ssyncset.done $0x0  }
0xa4: {  	s25 =	simm.s32 $0x1B8E;
	s24 =	sld [smem:$0x3FFE];
	[sflag:s23] =	ssyncadd.s32 $0xFFFFFFFF  }
0xa5: {  	s26 =	simm.s32 $execute0_lowered;
	[smem:$0x3FD2] =	sst s25  }
0xa6: {  	s5 =	sshll.u32 s26, $0x1;
	_ =	strace $0x80000055;
	[dreg:$0x1] =	wrdreg $0xFFFFFFFF  }
0xa7: {  	s28 =	simm.s32 $_size_execute0_lowered;
	s3 =	sadd.s32 s3, s5;
	[dreg:$0x0] =	wrdreg $0x0  }
0xa8: {  	s5 =	sshll.u32 s28, $0x1;
	[dreg:$0x2] =	wrdreg s3  }
0xa9: {  	[dreg:$0x3] =	wrdreg s5  }
0xaa: {  	[dreg:$0x4] =	wrdreg $0xC0  }
0xab: {  	_ =	task [dreg:s7], $0x5FFFF  }
0xac: {  	[dreg:$0x1] =	wrdreg $0xFFFFFFFF  }
0xad: {  	[dreg:$0x0] =	wrdreg $0x60  }
0xae: {  	[dreg:$0x2] =	wrdreg s24  }
0xaf: {  	[dreg:$0x3] =	wrdreg s2  }
0xb0: {  	[dreg:$0x4] =	wrdreg $0x9  }
0xb1: {  	_ =	task.clear_ibuf [dreg:s7], $0x5FFFF;
	_ =	strace $0x90000055  }
0xb2: {  	s29 =	simm.s32 $0x9;
	_ =	strace $0x80000057  }
0xb3: {  	_ =	swait.ge [sflag:s29], $0x1  }
0xb4: {  	[sflag:s29] =	ssyncadd.s32 $0xFFFFFFFF  }
0xb5: {  	_ =	strace $0x90000057  }
0xb6: {  	_ =	sfence  }
0xb7: {  	s30 =	sld [smem:$0x0];
	_ =	sdelay $0x2  }
0xb8: {  	s31 =	sshll.u32 s1, $0xD;
	s1 =	sshrl.u32 s1, $0x2  }
0xb9: {  	s3 =	sand.u32 $0x4000, s31;
	s1 =	sadd.s32 s1, s30  }
0xba: {  	s0 =	sor.u32 s3, s0;
	s1 =	sshll.u32 s1, $0x11  }
0xbb: {  	s0 =	sor.u32 s1, s0  }
0xbc: {  	s0 =	sadd.s32 $0x8F2B, s0  }
0xbd: {  	[sflag:s0] =	ssyncadd.remote.s32 $0x1  }
0xbe: {  	_ =	sfence.sel $0xFFFF  }
0xbf: {  	[dreg:$0x0] =	wrdreg $0xFFFFFFFF;
	(pc) =	sbr.abs _section_cstart, $3  }
0xc0: {  	[dreg:$0x1] =	wrdreg $0xFFFFFFFF  }
0xc1: {  	_ =	task.clear_ibuf [dreg:s7], $0x2FFFF;
	_ =	strace $0x9FFFFFFF  }
0xc2: {  	(tm) =	ssettm $0x7FFFFFFF  }
0xc3: {  	_ =	shalt  }
tec
execute0_lowered:
.L_overlay_start_1:
0x0: {  	(tag) =	ssettag $0x1  }
0x1: {  	s0 =	rddreg [dreg:$0x0]  }
0x2: {  	s1 =	rddreg [dreg:$0x1]  }
0x3: {  	s2 =	srdreg.scid;
	s4 =	stileid.u32;
	s18 =	simm.s32 $0x1  }
0x4: {  	s20 =	simm.s32 $0x880;
	s21 =	simm.s32 $0x1080;
	s22 =	simm.s32 $0x1880  }
0x5: {  	s23 =	simm.s32 $0x2080;
	s28 =	simm.s32 $0x4080;
	s29 =	simm.s32 $0x4880  }
0x6: {  	s30 =	simm.s32 $0x5080;
	s31 =	simm.s32 $0x5880;
	s10 =	simm.s32 $0x7080  }
0x7: {  	s11 =	simm.s32 $0x7880;
	s12 =	simm.s32 $0x8080;
	s13 =	simm.s32 $0x8880  }
0x8: {  	s14 =	simm.s32 $0x9080;
	s15 =	simm.s32 $0x9880;
	s16 =	simm.s32 $0xA080  }
0x9: {  	s17 =	simm.s32 $0xA880;
	s3 =	sand.u32 $0x1, s2;
	s2 =	simm.s32 $0x0  }
0xa: {  	s4 =	sshll.u32 s4, $0x7;
	s5 =	sshll.u32 s3, $0x6;
	[smem:$0x7FF] =	sst s2  }
0xb: {  	s6 =	ssub.s32 $0x2, s3;
	s3 =	sadd.s32 $0xC0800, s0;
	s4 =	sor.u32 s5, s4  }
0xc: {  	_ =	strace $0x80000056;
	s24 =	sshrl.u32 s6, $0x1;
	s5 =	sshrl.u32 s4, $0x3  }
0xd: {  	s8 =	ssub.s32 s6, s24;
	s9 =	sshll.u32 s4, $0x7;
	s4 =	sadd.s32 $0xC0900, s0  }
0xe: {  	s6 =	sadd.s32 $0xC0B00, s0;
	s24 =	simm.s32 $0x2880;
	s7 =	sadd.s32 s5, s0  }
0xf: {  	s1 =	sadd.s32 s1, s9;
	s5 =	sadd.s32 $0xC0A00, s0;
	s0 =	sadd.s32 s0, s9  }
0x10: {  	s9 =	simm.s32 $0xB080;
	s25 =	sadd.s32 $0xC0400, s7;
	[dreg:$0x4] =	wrdreg s1  }
0x11: {  	v2 =	vlaneseq.u32;
	s26 =	sadd.s32 $0xC0600, s7;
	[dreg:$0x6] =	wrdreg s0;
	s7 =	smax.u32 s8, $0x1  }
0x12: {  	vm0 =	vmmov $0xffff;
	v1 =	vshrl.u32 v2, $0x3;
	s8 =	simm.s32 $0x2;
	s0 =	simm.s32 $0x80;
	[dreg:$0x3] =	wrdreg s25  }
0x13: {  	v0 =	vand.u32 $0x7, v2;
	v2 =	vor.u32 $0x8, v2;
	v1 =	vmul.u32 $0x8, v1;
	[dreg:$0x5] =	wrdreg s26;
	s25 =	simm.s32 $0x3080;
	s26 =	simm.s32 $0x3880  }
.LBB2_1:
0x14: {  	s19 =	rddreg [dreg:$0x3]  }
0x15: {  	[tilespmem:s2], [sflag:$0x2] =	stream.linear.gather [hbm4b:s19+s2], $0x40, $0x38;
	[tilespmem:$0x10080] =	vst v63  }
0x16: {  	_ =	swait.ge [sflag:s8], $0x40  }
0x17: {  	[sflag:s8] =	ssyncset.done $0x0  }
0x18: {  	[sflag:s8] =	ssyncadd.s32 $0xFFFFFFC0  }
0x19: {  	v3 =	vld [tilespmem:$0x0];
	_ =	sdelay $0x4  }
0x1a: {  	v4 =	vshll.u32 v3, $0x3  }
0x1b: {  	v3 =	vand.u32 $0x7, v3;
	v4 =	vand.u32 $0xFFFFFFC0, v4  }
0x1c: {  	v3 =	vor.u32 v3, v4  }
0x1d: {  	v4 =	vperm.xlane v3, v0;
	_ =	sdelay $0x1  }
0x1e: {  	v4 =	vadd.s32 v1, v4;
	_ =	sdelay $0x4  }
0x1f: {  	[tilespmem:s0], [sflag:$0x1] =	stream.indirect_vreg.gather [hbm4b:s3+s2], $0x80, v4, vm0, $0xb8;
	[tilespmem:$0x10080] =	vst v63  }
0x20: {  	v3 =	vperm.xlane v3, v2  }
0x21: {  	[tilespmem:s20], [sflag:$0x1] =	stream.indirect_vreg.gather [hbm4b:s4+s2], $0x80, v4, vm0, $0xb8;
	[tilespmem:$0x10080] =	vst v63  }
0x22: {  	v3 =	vadd.s32 v1, v3  }
0x23: {  	[tilespmem:s21], [sflag:$0x1] =	stream.indirect_vreg.gather [hbm4b:s5+s2], $0x80, v4, vm0, $0xb8;
	[tilespmem:$0x10080] =	vst v63  }
0x24: {  	_ = 	snop  }
0x25: {  	[tilespmem:s22], [sflag:$0x1] =	stream.indirect_vreg.gather [hbm4b:s6+s2], $0x80, v4, vm0, $0xb8;
	[tilespmem:$0x10080] =	vst v63  }
0x26: {  	_ = 	snop  }
0x27: {  	[tilespmem:s23], [sflag:$0x1] =	stream.indirect_vreg.gather [hbm4b:s3+s2], $0x80, v3, vm0, $0xb8;
	[tilespmem:$0x10080] =	vst v63  }
0x28: {  	_ = 	snop  }
0x29: {  	[tilespmem:s24], [sflag:$0x1] =	stream.indirect_vreg.gather [hbm4b:s4+s2], $0x80, v3, vm0, $0xb8;
	[tilespmem:$0x10080] =	vst v63  }
0x2a: {  	_ = 	snop  }
0x2b: {  	[tilespmem:s25], [sflag:$0x1] =	stream.indirect_vreg.gather [hbm4b:s5+s2], $0x80, v3, vm0, $0xb8;
	[tilespmem:$0x10080] =	vst v63  }
0x2c: {  	_ = 	snop  }
0x2d: {  	[tilespmem:s26], [sflag:$0x1] =	stream.indirect_vreg.gather [hbm4b:s6+s2], $0x80, v3, vm0, $0xb8;
	[tilespmem:$0x10080] =	vst v63  }
0x2e: {  	v3 =	vld [tilespmem:$0x10];
	_ =	sdelay $0x4  }
0x2f: {  	v57 =	vshll.u32 v3, $0x3  }
0x30: {  	v3 =	vand.u32 $0x7, v3;
	v4 =	vand.u32 $0xFFFFFFC0, v57  }
0x31: {  	v3 =	vor.u32 v3, v4  }
0x32: {  	v4 =	vperm.xlane v3, v0;
	_ =	sdelay $0x1  }
0x33: {  	v4 =	vadd.s32 v1, v4;
	_ =	sdelay $0x4  }
0x34: {  	[tilespmem:s28], [sflag:$0x1] =	stream.indirect_vreg.gather [hbm4b:s3+s2], $0x80, v4, vm0, $0xb8;
	[tilespmem:$0x10080] =	vst v63  }
0x35: {  	v3 =	vperm.xlane v3, v2  }
0x36: {  	[tilespmem:s29], [sflag:$0x1] =	stream.indirect_vreg.gather [hbm4b:s4+s2], $0x80, v4, vm0, $0xb8;
	[tilespmem:$0x10080] =	vst v63  }
0x37: {  	v3 =	vadd.s32 v1, v3  }
0x38: {  	[tilespmem:s30], [sflag:$0x1] =	stream.indirect_vreg.gather [hbm4b:s5+s2], $0x80, v4, vm0, $0xb8;
	[tilespmem:$0x10080] =	vst v63  }
0x39: {  	_ = 	snop  }
0x3a: {  	[tilespmem:s31], [sflag:$0x1] =	stream.indirect_vreg.gather [hbm4b:s6+s2], $0x80, v4, vm0, $0xb8;
	[tilespmem:$0x10080] =	vst v63  }
0x3b: {  	s1 =	simm.s32 $0x6080  }
0x3c: {  	[tilespmem:s1], [sflag:$0x1] =	stream.indirect_vreg.gather [hbm4b:s3+s2], $0x80, v3, vm0, $0xb8;
	[tilespmem:$0x10080] =	vst v63  }
0x3d: {  	s1 =	simm.s32 $0x6880  }
0x3e: {  	[tilespmem:s1], [sflag:$0x1] =	stream.indirect_vreg.gather [hbm4b:s4+s2], $0x80, v3, vm0, $0xb8;
	[tilespmem:$0x10080] =	vst v63  }
0x3f: {  	_ = 	snop  }
0x40: {  	[tilespmem:s10], [sflag:$0x1] =	stream.indirect_vreg.gather [hbm4b:s5+s2], $0x80, v3, vm0, $0xb8;
	[tilespmem:$0x10080] =	vst v63  }
0x41: {  	_ = 	snop  }
0x42: {  	[tilespmem:s11], [sflag:$0x1] =	stream.indirect_vreg.gather [hbm4b:s6+s2], $0x80, v3, vm0, $0xb8;
	[tilespmem:$0x10080] =	vst v63  }
0x43: {  	v3 =	vld [tilespmem:$0x20];
	_ =	sdelay $0x4  }
0x44: {  	v58 =	vshll.u32 v3, $0x3  }
0x45: {  	v3 =	vand.u32 $0x7, v3;
	v4 =	vand.u32 $0xFFFFFFC0, v58  }
0x46: {  	v3 =	vor.u32 v3, v4  }
0x47: {  	v4 =	vperm.xlane v3, v0;
	_ =	sdelay $0x1  }
0x48: {  	v4 =	vadd.s32 v1, v4;
	_ =	sdelay $0x4  }
0x49: {  	[tilespmem:s12], [sflag:$0x1] =	stream.indirect_vreg.gather [hbm4b:s3+s2], $0x80, v4, vm0, $0xb8;
	[tilespmem:$0x10080] =	vst v63  }
0x4a: {  	v3 =	vperm.xlane v3, v2  }
0x4b: {  	[tilespmem:s13], [sflag:$0x1] =	stream.indirect_vreg.gather [hbm4b:s4+s2], $0x80, v4, vm0, $0xb8;
	[tilespmem:$0x10080] =	vst v63  }
0x4c: {  	v3 =	vadd.s32 v1, v3  }
0x4d: {  	[tilespmem:s14], [sflag:$0x1] =	stream.indirect_vreg.gather [hbm4b:s5+s2], $0x80, v4, vm0, $0xb8;
	[tilespmem:$0x10080] =	vst v63  }
0x4e: {  	_ = 	snop  }
0x4f: {  	[tilespmem:s15], [sflag:$0x1] =	stream.indirect_vreg.gather [hbm4b:s6+s2], $0x80, v4, vm0, $0xb8;
	[tilespmem:$0x10080] =	vst v63  }
0x50: {  	_ = 	snop  }
0x51: {  	[tilespmem:s16], [sflag:$0x1] =	stream.indirect_vreg.gather [hbm4b:s3+s2], $0x80, v3, vm0, $0xb8;
	[tilespmem:$0x10080] =	vst v63  }
0x52: {  	_ = 	snop  }
0x53: {  	[tilespmem:s17], [sflag:$0x1] =	stream.indirect_vreg.gather [hbm4b:s4+s2], $0x80, v3, vm0, $0xb8;
	[tilespmem:$0x10080] =	vst v63  }
0x54: {  	_ = 	snop  }
0x55: {  	[tilespmem:s9], [sflag:$0x1] =	stream.indirect_vreg.gather [hbm4b:s5+s2], $0x80, v3, vm0, $0xb8;
	[tilespmem:$0x10080] =	vst v63  }
0x56: {  	s19 =	simm.s32 $0xB880  }
0x57: {  	[tilespmem:s19], [sflag:$0x1] =	stream.indirect_vreg.gather [hbm4b:s6+s2], $0x80, v3, vm0, $0xb8;
	[tilespmem:$0x10080] =	vst v63  }
0x58: {  	v3 =	vld [tilespmem:$0x30];
	_ =	sdelay $0x4  }
0x59: {  	v59 =	vshll.u32 v3, $0x3  }
0x5a: {  	v3 =	vand.u32 $0x7, v3;
	v4 =	vand.u32 $0xFFFFFFC0, v59  }
0x5b: {  	v3 =	vor.u32 v3, v4  }
0x5c: {  	v4 =	vperm.xlane v3, v0;
	_ =	sdelay $0x1  }
0x5d: {  	v4 =	vadd.s32 v1, v4;
	_ =	sdelay $0x3  }
0x5e: {  	s19 =	simm.s32 $0xC080  }
0x5f: {  	[tilespmem:s19], [sflag:$0x1] =	stream.indirect_vreg.gather [hbm4b:s3+s2], $0x80, v4, vm0, $0xb8;
	[tilespmem:$0x10080] =	vst v63  }
0x60: {  	v3 =	vperm.xlane v3, v2;
	s19 =	simm.s32 $0xC880  }
0x61: {  	[tilespmem:s19], [sflag:$0x1] =	stream.indirect_vreg.gather [hbm4b:s4+s2], $0x80, v4, vm0, $0xb8;
	[tilespmem:$0x10080] =	vst v63  }
0x62: {  	v3 =	vadd.s32 v1, v3;
	s19 =	simm.s32 $0xD080  }
0x63: {  	[tilespmem:s19], [sflag:$0x1] =	stream.indirect_vreg.gather [hbm4b:s5+s2], $0x80, v4, vm0, $0xb8;
	[tilespmem:$0x10080] =	vst v63  }
0x64: {  	s19 =	simm.s32 $0xD880  }
0x65: {  	[tilespmem:s19], [sflag:$0x1] =	stream.indirect_vreg.gather [hbm4b:s6+s2], $0x80, v4, vm0, $0xb8;
	[tilespmem:$0x10080] =	vst v63  }
0x66: {  	s19 =	simm.s32 $0xE080  }
0x67: {  	[tilespmem:s19], [sflag:$0x1] =	stream.indirect_vreg.gather [hbm4b:s3+s2], $0x80, v3, vm0, $0xb8;
	[tilespmem:$0x10080] =	vst v63  }
0x68: {  	s19 =	simm.s32 $0xE880  }
0x69: {  	[tilespmem:s19], [sflag:$0x1] =	stream.indirect_vreg.gather [hbm4b:s4+s2], $0x80, v3, vm0, $0xb8;
	[tilespmem:$0x10080] =	vst v63  }
0x6a: {  	s19 =	simm.s32 $0xF080  }
0x6b: {  	[tilespmem:s19], [sflag:$0x1] =	stream.indirect_vreg.gather [hbm4b:s5+s2], $0x80, v3, vm0, $0xb8;
	[tilespmem:$0x10080] =	vst v63  }
0x6c: {  	s19 =	simm.s32 $0xF880  }
0x6d: {  	[tilespmem:s19], [sflag:$0x1] =	stream.indirect_vreg.gather [hbm4b:s6+s2], $0x80, v3, vm0, $0xb8;
	[tilespmem:$0x10080] =	vst v63  }
0x6e: {  	_ =	swait.ge [sflag:s18], $0x10000  }
0x6f: {  	[sflag:s18] =	ssyncset.done $0x0  }
0x70: {  	s19 =	rddreg [dreg:$0x4];
	[sflag:s18] =	ssyncadd.s32 $0xFFFF0000  }
0x71: {  	[hbm4b:s19+s2] =	stream.linear.scatter [tilespmem:s0], [sflag:$0x2], $0x10000, $0x38;
	[tilespmem:$0x10080] =	vst v63  }
0x72: {  	_ =	swait.ge [sflag:s8], $0x10000  }
0x73: {  	[sflag:s8] =	ssyncset.done $0x0  }
0x74: {  	s19 =	rddreg [dreg:$0x5];
	[sflag:s8] =	ssyncadd.s32 $0xFFFF0000  }
0x75: {  	[tilespmem:s2], [sflag:$0x2] =	stream.linear.gather [hbm4b:s19+s2], $0x40, $0x38;
	[tilespmem:$0x10080] =	vst v63  }
0x76: {  	_ =	swait.ge [sflag:s8], $0x40  }
0x77: {  	[sflag:s8] =	ssyncset.done $0x0  }
0x78: {  	[sflag:s8] =	ssyncadd.s32 $0xFFFFFFC0  }
0x79: {  	v3 =	vld [tilespmem:$0x0];
	_ =	sdelay $0x4  }
0x7a: {  	v60 =	vshll.u32 v3, $0x3  }
0x7b: {  	v3 =	vand.u32 $0x7, v3;
	v4 =	vand.u32 $0xFFFFFFC0, v60  }
0x7c: {  	v3 =	vor.u32 v3, v4  }
0x7d: {  	v4 =	vperm.xlane v3, v0;
	_ =	sdelay $0x1  }
0x7e: {  	v4 =	vadd.s32 v1, v4;
	_ =	sdelay $0x4  }
0x7f: {  	[tilespmem:s0], [sflag:$0x1] =	stream.indirect_vreg.gather [hbm4b:s3+s2], $0x80, v4, vm0, $0xb8;
	[tilespmem:$0x10080] =	vst v63  }
0x80: {  	v3 =	vperm.xlane v3, v2  }
0x81: {  	[tilespmem:s20], [sflag:$0x1] =	stream.indirect_vreg.gather [hbm4b:s4+s2], $0x80, v4, vm0, $0xb8;
	[tilespmem:$0x10080] =	vst v63  }
0x82: {  	v3 =	vadd.s32 v1, v3  }
0x83: {  	[tilespmem:s21], [sflag:$0x1] =	stream.indirect_vreg.gather [hbm4b:s5+s2], $0x80, v4, vm0, $0xb8;
	[tilespmem:$0x10080] =	vst v63  }
0x84: {  	_ = 	snop  }
0x85: {  	[tilespmem:s22], [sflag:$0x1] =	stream.indirect_vreg.gather [hbm4b:s6+s2], $0x80, v4, vm0, $0xb8;
	[tilespmem:$0x10080] =	vst v63  }
0x86: {  	_ = 	snop  }
0x87: {  	[tilespmem:s23], [sflag:$0x1] =	stream.indirect_vreg.gather [hbm4b:s3+s2], $0x80, v3, vm0, $0xb8;
	[tilespmem:$0x10080] =	vst v63  }
0x88: {  	_ = 	snop  }
0x89: {  	[tilespmem:s24], [sflag:$0x1] =	stream.indirect_vreg.gather [hbm4b:s4+s2], $0x80, v3, vm0, $0xb8;
	[tilespmem:$0x10080] =	vst v63  }
0x8a: {  	_ = 	snop  }
0x8b: {  	[tilespmem:s25], [sflag:$0x1] =	stream.indirect_vreg.gather [hbm4b:s5+s2], $0x80, v3, vm0, $0xb8;
	[tilespmem:$0x10080] =	vst v63  }
0x8c: {  	_ = 	snop  }
0x8d: {  	[tilespmem:s26], [sflag:$0x1] =	stream.indirect_vreg.gather [hbm4b:s6+s2], $0x80, v3, vm0, $0xb8;
	[tilespmem:$0x10080] =	vst v63  }
0x8e: {  	v3 =	vld [tilespmem:$0x10];
	_ =	sdelay $0x4  }
0x8f: {  	v61 =	vshll.u32 v3, $0x3  }
0x90: {  	v3 =	vand.u32 $0x7, v3;
	v4 =	vand.u32 $0xFFFFFFC0, v61  }
0x91: {  	v3 =	vor.u32 v3, v4  }
0x92: {  	v4 =	vperm.xlane v3, v0;
	_ =	sdelay $0x1  }
0x93: {  	v4 =	vadd.s32 v1, v4;
	_ =	sdelay $0x4  }
0x94: {  	[tilespmem:s28], [sflag:$0x1] =	stream.indirect_vreg.gather [hbm4b:s3+s2], $0x80, v4, vm0, $0xb8;
	[tilespmem:$0x10080] =	vst v63  }
0x95: {  	v3 =	vperm.xlane v3, v2  }
0x96: {  	[tilespmem:s29], [sflag:$0x1] =	stream.indirect_vreg.gather [hbm4b:s4+s2], $0x80, v4, vm0, $0xb8;
	[tilespmem:$0x10080] =	vst v63  }
0x97: {  	v3 =	vadd.s32 v1, v3  }
0x98: {  	[tilespmem:s30], [sflag:$0x1] =	stream.indirect_vreg.gather [hbm4b:s5+s2], $0x80, v4, vm0, $0xb8;
	[tilespmem:$0x10080] =	vst v63  }
0x99: {  	_ = 	snop  }
0x9a: {  	[tilespmem:s31], [sflag:$0x1] =	stream.indirect_vreg.gather [hbm4b:s6+s2], $0x80, v4, vm0, $0xb8;
	[tilespmem:$0x10080] =	vst v63  }
0x9b: {  	s19 =	simm.s32 $0x6080  }
0x9c: {  	[tilespmem:s19], [sflag:$0x1] =	stream.indirect_vreg.gather [hbm4b:s3+s2], $0x80, v3, vm0, $0xb8;
	[tilespmem:$0x10080] =	vst v63  }
0x9d: {  	_ = 	snop  }
0x9e: {  	[tilespmem:s1], [sflag:$0x1] =	stream.indirect_vreg.gather [hbm4b:s4+s2], $0x80, v3, vm0, $0xb8;
	[tilespmem:$0x10080] =	vst v63  }
0x9f: {  	_ = 	snop  }
0xa0: {  	[tilespmem:s10], [sflag:$0x1] =	stream.indirect_vreg.gather [hbm4b:s5+s2], $0x80, v3, vm0, $0xb8;
	[tilespmem:$0x10080] =	vst v63  }
0xa1: {  	_ = 	snop  }
0xa2: {  	[tilespmem:s11], [sflag:$0x1] =	stream.indirect_vreg.gather [hbm4b:s6+s2], $0x80, v3, vm0, $0xb8;
	[tilespmem:$0x10080] =	vst v63  }
0xa3: {  	v3 =	vld [tilespmem:$0x20];
	_ =	sdelay $0x4  }
0xa4: {  	v62 =	vshll.u32 v3, $0x3  }
0xa5: {  	v3 =	vand.u32 $0x7, v3;
	v4 =	vand.u32 $0xFFFFFFC0, v62  }
0xa6: {  	v3 =	vor.u32 v3, v4  }
0xa7: {  	v4 =	vperm.xlane v3, v0;
	_ =	sdelay $0x1  }
0xa8: {  	v4 =	vadd.s32 v1, v4;
	_ =	sdelay $0x4  }
0xa9: {  	[tilespmem:s12], [sflag:$0x1] =	stream.indirect_vreg.gather [hbm4b:s3+s2], $0x80, v4, vm0, $0xb8;
	[tilespmem:$0x10080] =	vst v63  }
0xaa: {  	v3 =	vperm.xlane v3, v2  }
0xab: {  	[tilespmem:s13], [sflag:$0x1] =	stream.indirect_vreg.gather [hbm4b:s4+s2], $0x80, v4, vm0, $0xb8;
	[tilespmem:$0x10080] =	vst v63  }
0xac: {  	v3 =	vadd.s32 v1, v3  }
0xad: {  	[tilespmem:s14], [sflag:$0x1] =	stream.indirect_vreg.gather [hbm4b:s5+s2], $0x80, v4, vm0, $0xb8;
	[tilespmem:$0x10080] =	vst v63  }
0xae: {  	_ = 	snop  }
0xaf: {  	[tilespmem:s15], [sflag:$0x1] =	stream.indirect_vreg.gather [hbm4b:s6+s2], $0x80, v4, vm0, $0xb8;
	[tilespmem:$0x10080] =	vst v63  }
0xb0: {  	_ = 	snop  }
0xb1: {  	[tilespmem:s16], [sflag:$0x1] =	stream.indirect_vreg.gather [hbm4b:s3+s2], $0x80, v3, vm0, $0xb8;
	[tilespmem:$0x10080] =	vst v63  }
0xb2: {  	_ = 	snop  }
0xb3: {  	[tilespmem:s17], [sflag:$0x1] =	stream.indirect_vreg.gather [hbm4b:s4+s2], $0x80, v3, vm0, $0xb8;
	[tilespmem:$0x10080] =	vst v63  }
0xb4: {  	_ = 	snop  }
0xb5: {  	[tilespmem:s9], [sflag:$0x1] =	stream.indirect_vreg.gather [hbm4b:s5+s2], $0x80, v3, vm0, $0xb8;
	[tilespmem:$0x10080] =	vst v63  }
0xb6: {  	s19 =	simm.s32 $0xB880  }
0xb7: {  	[tilespmem:s19], [sflag:$0x1] =	stream.indirect_vreg.gather [hbm4b:s6+s2], $0x80, v3, vm0, $0xb8;
	[tilespmem:$0x10080] =	vst v63  }
0xb8: {  	v3 =	vld [tilespmem:$0x30];
	_ =	sdelay $0x4  }
0xb9: {  	v63 =	vshll.u32 v3, $0x3  }
0xba: {  	v3 =	vand.u32 $0x7, v3;
	v4 =	vand.u32 $0xFFFFFFC0, v63  }
0xbb: {  	v3 =	vor.u32 v3, v4  }
0xbc: {  	v4 =	vperm.xlane v3, v0;
	_ =	sdelay $0x1  }
0xbd: {  	v4 =	vadd.s32 v1, v4;
	_ =	sdelay $0x3  }
0xbe: {  	s19 =	simm.s32 $0xC080  }
0xbf: {  	[tilespmem:s19], [sflag:$0x1] =	stream.indirect_vreg.gather [hbm4b:s3+s2], $0x80, v4, vm0, $0xb8;
	[tilespmem:$0x10080] =	vst v63  }
0xc0: {  	v3 =	vperm.xlane v3, v2;
	s19 =	simm.s32 $0xC880  }
0xc1: {  	[tilespmem:s19], [sflag:$0x1] =	stream.indirect_vreg.gather [hbm4b:s4+s2], $0x80, v4, vm0, $0xb8;
	[tilespmem:$0x10080] =	vst v63  }
0xc2: {  	v3 =	vadd.s32 v1, v3;
	s19 =	simm.s32 $0xD080  }
0xc3: {  	[tilespmem:s19], [sflag:$0x1] =	stream.indirect_vreg.gather [hbm4b:s5+s2], $0x80, v4, vm0, $0xb8;
	[tilespmem:$0x10080] =	vst v63  }
0xc4: {  	s19 =	simm.s32 $0xD880  }
0xc5: {  	[tilespmem:s19], [sflag:$0x1] =	stream.indirect_vreg.gather [hbm4b:s6+s2], $0x80, v4, vm0, $0xb8;
	[tilespmem:$0x10080] =	vst v63  }
0xc6: {  	s19 =	simm.s32 $0xE080  }
0xc7: {  	[tilespmem:s19], [sflag:$0x1] =	stream.indirect_vreg.gather [hbm4b:s3+s2], $0x80, v3, vm0, $0xb8;
	[tilespmem:$0x10080] =	vst v63  }
0xc8: {  	s19 =	simm.s32 $0xE880  }
0xc9: {  	[tilespmem:s19], [sflag:$0x1] =	stream.indirect_vreg.gather [hbm4b:s4+s2], $0x80, v3, vm0, $0xb8;
	[tilespmem:$0x10080] =	vst v63  }
0xca: {  	s19 =	simm.s32 $0xF080  }
0xcb: {  	[tilespmem:s19], [sflag:$0x1] =	stream.indirect_vreg.gather [hbm4b:s5+s2], $0x80, v3, vm0, $0xb8;
	[tilespmem:$0x10080] =	vst v63  }
0xcc: {  	s19 =	simm.s32 $0xF880  }
0xcd: {  	[tilespmem:s19], [sflag:$0x1] =	stream.indirect_vreg.gather [hbm4b:s6+s2], $0x80, v3, vm0, $0xb8;
	[tilespmem:$0x10080] =	vst v63  }
0xce: {  	_ =	swait.ge [sflag:s18], $0x10000  }
0xcf: {  	p0 =	sne.s32 s7, $0x1;
	[sflag:s18] =	ssyncset.done $0x0  }
.Ltmp0:
0xd0: {  	s1 =	rddreg [dreg:$0x6];
	[sflag:s18] =	ssyncadd.s32 $0xFFFF0000;
	(pc) =	sbr.rel @p0 .LBB2_1-.Ltmp0, $4  }
0xd1: {  	[hbm4b:s1+s2] =	stream.linear.scatter [tilespmem:s0], [sflag:$0x2], $0x10000, $0x38;
	[tilespmem:$0x10080] =	vst v63  }
0xd2: {  	_ =	swait.ge [sflag:s8], $0x10000  }
0xd3: {  	[sflag:s8] =	ssyncset.done $0x0  }
0xd4: {  	s7 =	sadd.s32 $0xFFFFFFFF, s7;
	[sflag:s8] =	ssyncadd.s32 $0xFFFF0000  }
0xd5: {  	_ =	sfence.sel $0x180000  }
0xd6: {  	[bflag:$0x0] =	sbarrier.arrive $0xFFFF  }
0xd7: {  	_ =	strace $0x90000056  }
0xd8: {  	s0 =	stileid.u32;
	[bflag:$0x2] =	sbarrier.arrive $0xFFFF  }
0xd9: {  	p0 =	sne.s32 s0, $0x0;
	s0 =	rddreg [dreg:$0x2]  }
0xda: {  	s0 =	sadd.s32 @!p0 $0x100000, s0  }
0xdb: {  	[sflag:s0] =	ssyncadd.tile.s32 @!p0 $0x1;
	_ =	shalt  }
.Lfunc_end2:
_tile_overlayer_lowered:
.L_overlay_start_2:
0xdc: {  	(tag) =	ssettag $0x2  }
0xdd: {  	s0 =	rddreg [dreg:$0x0];
	s2 =	stileid.u32  }
0xde: {  	s1 =	rddreg [dreg:$0x1];
	p0 =	sne.s32 s2, $0x0  }
0xdf: {  	s3 =	rddreg [dreg:$0x2];
	[bflag:$0x3] =	sbarrier.arrive $0xFFFF;
	s2 =	simm.s32 @!p0 $0x1C02  }
0xe0: {  	[timem:s3], [sflag:s2] =	dma.local @!p0 [hbm:s0], s1  }
0xe1: {  	s0 =	simm.s32 @!p0 $0x2  }
0xe2: {  	_ =	swait.ge @!p0 [sflag:s0], s1  }
0xe3: {  	s1 =	ssub.s32 @!p0 $0x0, s1;
	[sflag:s0] =	ssyncset.done @!p0 $0x0  }
0xe4: {  	[sflag:s0] =	ssyncadd.s32 @!p0 s1  }
0xe5: {  	[bflag:$0x3] =	sbarrier.arrive $0xFFFF  }
0xe6: {  	_ =	shalt  }

// kernel: kernel.37.cloned.1.call-start
scs
__scs_entry_jumppad:
0x0: {  	(pc) =	sbr.rel $0x88, $3  }
0x1: {  	(tag) =	ssettag $0x0;
	lr =	simm.s32 $0x1  }
0x2: {  	[smem:$0x3F94] =	sst lr;
	_ =	strace $0xD0000000  }
0x3: {  	_ = 	snop  }
0x4: {  	_ = 	snop  }
0x5: {  	_ = 	snop  }
0x6: {  	_ = 	snop  }
0x7: {  	_ = 	snop  }
__scs_overlays_trampoline_lowered:
0x8: {  	[smem:$0x3FA3] =	sst s0  }
0x9: {  	[smem:$0x3FA4] =	sst s1  }
0xa: {  	[smem:$0x3FA5] =	sst s2  }
0xb: {  	[smem:$0x3FA6] =	sst s3  }
0xc: {  	[smem:$0x3FA7] =	sst s4  }
0xd: {  	[smem:$0x3FA8] =	sst s5  }
0xe: {  	[smem:$0x3FA9] =	sst s6  }
0xf: {  	[smem:$0x3FAA] =	sst s7  }
0x10: {  	[smem:$0x3FAB] =	sst s8  }
0x11: {  	[smem:$0x3FAC] =	sst s9;
	s0 =	simm.s32 @!p0 $0x0  }
0x12: {  	s1 =	sld [smem:$0x3F92];
	s0 =	simm.s32 @p0 $0x1  }
0x13: {  	[smem:$0x3FAD] =	sst s0;
	s0 =	simm.s32 @!p1 $0x0  }
0x14: {  	s2 =	sld [smem:$0x3F91];
	s0 =	simm.s32 @p1 $0x1  }
0x15: {  	[smem:$0x3FAE] =	sst s0;
	s0 =	simm.s32 @!p2 $0x0  }
0x16: {  	s3 =	sld [smem:$0x3FDB];
	s0 =	simm.s32 @p2 $0x1  }
0x17: {  	s4 =	simm.s32 $0x1BF5;
	[smem:$0x3FB0] =	sst s0  }
0x18: {  	s0 =	sld [smem:$0x3F93];
	_ =	swait.ge [sflag:s4], $0x0  }
0x19: {  	s7 =	sld [smem:$0x3F94]  }
0x1a: {  	s8 =	sadd.s32 $0xFFFFE003, lr  }
0x1b: {  	s9 =	sadd.s32 $0xFFFFFEF7, lr;
	s5 =	simm.s32 $0xFFFFFFFF;
	p2 =	slt.u32 s8, $0xFFFFF086  }
0x1c: {  	p1 =	slt.u32 s9, $0xF7A;
	s5 =	simm.s32 @!p2 $0x0  }
0x1d: {  	s5 =	simm.s32 @p1 $0x1;
	p0 =	seq.s32 s7, s2  }
0x1e: {  	s7 =	smul.u32 @!p0 $0xF7A, s2;
	p2 =	seq.s32 @!p0 s5, $0x0  }
0x1f: {  	s9 =	smul.u32 $0xF7A, s1;
	s8 =	simm.s32 @!p0 $0x1BF5;
	p2 =	por !p2, p0  }
0x20: {  	[sflag:s8] =	ssyncset.s32 @!p0 $0xFFFFF086;
	s6 =	sadd.s32 @!p0 s3, s7;
	s7 =	simm.s32 @!p0 $0x108  }
0x21: {  	s3 =	sadd.s32 s3, s9;
	s6 =	sadd.s32 @!p0 $0x88, s6;
	s7 =	simm.s32 @p2 $0x1082  }
0x22: {  	[simem:s7], [sflag:s8] =	dma.local @!p0 [hbm:s6], $0xF7A  }
0x23: {  	s9 =	sor.u32 $0xD0000000, s2;
	s6 =	simm.s32 $0x108;
	_ =	swait.ge @!p0 [sflag:s8], $0x0  }
0x24: {  	s3 =	sadd.s32 $0x88, s3;
	s6 =	simm.s32 @!p1 $0x1082;
	[sflag:s4] =	ssyncset.s32 $0xFFFFF086  }
0x25: {  	[simem:s6], [sflag:s4] =	dma.local [hbm:s3], $0xF7A  }
0x26: {  	[smem:$0x3F94] =	sst s1;
	(tag) =	ssettag s2;
	_ =	strace s9  }
0x27: {  	s1 =	sld [smem:$0x3FA4]  }
0x28: {  	s2 =	sld [smem:$0x3FA5]  }
0x29: {  	s4 =	sld [smem:$0x3FA7]  }
0x2a: {  	p0 =	seq.s32 s5, $0x0;
	s5 =	sld [smem:$0x3FA8]  }
0x2b: {  	s6 =	sld [smem:$0x3FA9]  }
0x2c: {  	s7 =	sld [smem:$0x3FAA]  }
0x2d: {  	s3 =	simm.s32 $0x108;
	s8 =	sld [smem:$0x3FAB]  }
0x2e: {  	s3 =	simm.s32 @!p0 $0x1082;
	s9 =	sld [smem:$0x3FAC]  }
0x2f: {  	lr =	sadd.s32 s0, s3;
	s0 =	sld [smem:$0x3FA3]  }
0x30: {  	s3 =	sld [smem:$0x3FA6]  }
0x31: {  	[smem:$0x3FAF] =	sst s10  }
0x32: {  	s10 =	sld [smem:$0x3FAD];
	_ =	sdelay $0x3  }
0x33: {  	p0 =	seq.s32 s10, $0x1;
	s10 =	sld [smem:$0x3FAF];
	_ =	sdelay $0x3  }
0x34: {  	[smem:$0x3FAF] =	sst s10  }
0x35: {  	s10 =	sld [smem:$0x3FAE];
	_ =	sdelay $0x3  }
0x36: {  	p1 =	seq.s32 s10, $0x1;
	s10 =	sld [smem:$0x3FAF];
	_ =	sdelay $0x3  }
0x37: {  	[smem:$0x3FAF] =	sst s10  }
0x38: {  	s10 =	sld [smem:$0x3FB0]  }
0x39: {  	_ = 	snop;
	(pc) =	sbr.ind lr, $3  }
0x3a: {  	_ = 	snop  }
0x3b: {  	_ = 	snop  }
0x3c: {  	p2 =	seq.s32 s10, $0x1;
	s10 =	sld [smem:$0x3FAF]  }
0x3d: {  	_ =	shalt  }
0x3e: {  	_ =	shalt  }
0x3f: {  	_ =	shalt  }
0x40: {  	_ =	shalt  }
0x41: {  	_ =	shalt  }
0x42: {  	_ =	shalt  }
0x43: {  	_ =	shalt  }
0x44: {  	_ =	shalt  }
0x45: {  	_ =	shalt  }
0x46: {  	_ =	shalt  }
0x47: {  	_ =	shalt  }
0x48: {  	_ =	shalt  }
0x49: {  	_ =	shalt  }
0x4a: {  	_ =	shalt  }
0x4b: {  	_ =	shalt  }
0x4c: {  	_ =	shalt  }
0x4d: {  	_ =	shalt  }
0x4e: {  	_ =	shalt  }
0x4f: {  	_ =	shalt  }
0x50: {  	_ =	shalt  }
0x51: {  	_ =	shalt  }
0x52: {  	_ =	shalt  }
0x53: {  	_ =	shalt  }
0x54: {  	_ =	shalt  }
0x55: {  	_ =	shalt  }
0x56: {  	_ =	shalt  }
0x57: {  	_ =	shalt  }
0x58: {  	_ =	shalt  }
0x59: {  	_ =	shalt  }
0x5a: {  	_ =	shalt  }
0x5b: {  	_ =	shalt  }
0x5c: {  	_ =	shalt  }
0x5d: {  	_ =	shalt  }
0x5e: {  	_ =	shalt  }
0x5f: {  	_ =	shalt  }
0x60: {  	_ =	shalt  }
0x61: {  	_ =	shalt  }
0x62: {  	_ =	shalt  }
0x63: {  	_ =	shalt  }
0x64: {  	_ =	shalt  }
0x65: {  	_ =	shalt  }
0x66: {  	_ =	shalt  }
0x67: {  	_ =	shalt  }
0x68: {  	_ =	shalt  }
0x69: {  	_ =	shalt  }
0x6a: {  	_ =	shalt  }
0x6b: {  	_ =	shalt  }
0x6c: {  	_ =	shalt  }
0x6d: {  	_ =	shalt  }
0x6e: {  	_ =	shalt  }
0x6f: {  	_ =	shalt  }
0x70: {  	_ =	shalt  }
0x71: {  	_ =	shalt  }
0x72: {  	_ =	shalt  }
0x73: {  	_ =	shalt  }
0x74: {  	_ =	shalt  }
0x75: {  	_ =	shalt  }
0x76: {  	_ =	shalt  }
0x77: {  	_ =	shalt  }
0x78: {  	_ =	shalt  }
0x79: {  	_ =	shalt  }
0x7a: {  	_ =	shalt  }
0x7b: {  	_ =	shalt  }
0x7c: {  	_ =	shalt  }
0x7d: {  	_ =	shalt  }
0x7e: {  	_ =	shalt  }
0x7f: {  	_ =	shalt  }
0x80: {  	_ =	shalt  }
0x81: {  	_ =	shalt  }
0x82: {  	_ =	shalt  }
0x83: {  	_ =	shalt  }
0x84: {  	_ =	shalt  }
0x85: {  	_ =	shalt  }
0x86: {  	_ =	shalt  }
0x87: {  	_ =	shalt  }
.Lfunc_end0:
.L_simem_size_0:
called_computation.6_lowered:
.L_overlay_start_0:
0x88: {  	s2 =	sld [smem:$0x3FD9]  }
0x89: {  	s3 =	sld [smem:$0x3FFE];
	_ =	sdelay $0x1  }
0x8a: {  	s1 =	srdreg.scid  }
0x8b: {  	s0 =	sand.u32 $0x1, s1  }
0x8c: {  	s17 =	sshll.u32 s0, $0xA;
	s2 =	sadd.s32 s3, s2  }
0x8d: {  	s2 =	sadd.s32 s2, s17  }
0x8e: {  	[smem:$0x3FBB] =	sst s2  }
0x8f: {  	_ = 	snop  }
0x90: {  	s2 =	sld [smem:$0x3FD0];
	(tm) =	ssettm $0x1  }
0x91: {  	s18 =	sld [smem:$0x3FFB];
	_ =	sdelay $0x3  }
0x92: {  	_ =	strace s18  }
0x93: {  	s3 =	sld [smem:$0x3FFC];
	_ =	sdelay $0x3  }
0x94: {  	_ =	strace s3  }
0x95: {  	s3 =	sld [smem:$0x3FFD];
	_ =	sdelay $0x3  }
0x96: {  	_ =	strace s3  }
0x97: {  	_ =	strace $0x8FFFFFFF  }
0x98: {  	s19 =	sld [smem:$0x3FDB];
	_ =	sdelay $0x1  }
0x99: {  	s4 =	simm.s32 $_scs_section_size  }
0x9a: {  	s5 =	simm.s32 $_size__tile_overlayer_lowered;
	s6 =	simm.s32 $_tile_overlayer_lowered  }
0x9b: {  	s22 =	simm.s32 $0x1BFF;
	s21 =	sshll.u32 s6, $0x1;
	s3 =	sadd.s32 s4, s19  }
0x9c: {  	s7 =	simm.s32 $0x0;
	s20 =	sshll.u32 s5, $0x1;
	s5 =	sadd.s32 s21, s3  }
0x9d: {  	[timem:s7], [sflag:s22] =	dma.local [hbm:s5], s20  }
0x9e: {  	_ =	swait.ge [sflag:s22], s20  }
0x9f: {  	s4 =	ssub.s32 $0x0, s20;
	[sflag:s22] =	ssyncset.done $0x0  }
0xa0: {  	[sflag:s22] =	ssyncadd.s32 s4;
	_ =	sdelay $0x1  }
0xa1: {  	s23 =	simm.s32 $0x1B8B  }
0xa2: {  	_ =	swait.ge [sflag:s23], $0x1  }
0xa3: {  	[sflag:s23] =	ssyncset.done $0x0  }
0xa4: {  	s25 =	simm.s32 $0x1B8E;
	s24 =	sld [smem:$0x3FFE];
	[sflag:s23] =	ssyncadd.s32 $0xFFFFFFFF  }
0xa5: {  	s26 =	simm.s32 $execute0_lowered;
	[smem:$0x3FD2] =	sst s25  }
0xa6: {  	s5 =	sshll.u32 s26, $0x1;
	_ =	strace $0x80000058;
	[dreg:$0x1] =	wrdreg $0xFFFFFFFF  }
0xa7: {  	s28 =	simm.s32 $_size_execute0_lowered;
	s3 =	sadd.s32 s3, s5;
	[dreg:$0x0] =	wrdreg $0x0  }
0xa8: {  	s5 =	sshll.u32 s28, $0x1;
	[dreg:$0x2] =	wrdreg s3  }
0xa9: {  	[dreg:$0x3] =	wrdreg s5  }
0xaa: {  	[dreg:$0x4] =	wrdreg $0xC0  }
0xab: {  	_ =	task [dreg:s7], $0x5FFFF  }
0xac: {  	[dreg:$0x1] =	wrdreg $0xFFFFFFFF  }
0xad: {  	[dreg:$0x0] =	wrdreg $0x60  }
0xae: {  	[dreg:$0x2] =	wrdreg s24  }
0xaf: {  	[dreg:$0x3] =	wrdreg s2  }
0xb0: {  	[dreg:$0x4] =	wrdreg $0x129000  }
0xb1: {  	[dreg:$0x5] =	wrdreg $0x9  }
0xb2: {  	_ =	task.clear_ibuf [dreg:s7], $0x6FFFF;
	_ =	strace $0x90000058  }
0xb3: {  	s29 =	simm.s32 $0x9;
	_ =	strace $0x8000005A  }
0xb4: {  	_ =	swait.ge [sflag:s29], $0x1  }
0xb5: {  	[sflag:s29] =	ssyncadd.s32 $0xFFFFFFFF  }
0xb6: {  	_ =	strace $0x9000005A  }
0xb7: {  	_ =	sfence  }
0xb8: {  	s30 =	sld [smem:$0x0];
	_ =	sdelay $0x2  }
0xb9: {  	s31 =	sshll.u32 s1, $0xD;
	s1 =	sshrl.u32 s1, $0x2  }
0xba: {  	s3 =	sand.u32 $0x4000, s31;
	s1 =	sadd.s32 s1, s30  }
0xbb: {  	s0 =	sor.u32 s3, s0;
	s1 =	sshll.u32 s1, $0x11  }
0xbc: {  	s0 =	sor.u32 s1, s0  }
0xbd: {  	s0 =	sadd.s32 $0x8F2B, s0  }
0xbe: {  	[sflag:s0] =	ssyncadd.remote.s32 $0x1  }
0xbf: {  	_ =	sfence.sel $0xFFFF  }
0xc0: {  	[dreg:$0x0] =	wrdreg $0xFFFFFFFF;
	(pc) =	sbr.abs _section_cstart, $3  }
0xc1: {  	[dreg:$0x1] =	wrdreg $0xFFFFFFFF  }
0xc2: {  	_ =	task.clear_ibuf [dreg:s7], $0x2FFFF;
	_ =	strace $0x9FFFFFFF  }
0xc3: {  	(tm) =	ssettm $0x7FFFFFFF  }
tec
execute0_lowered:
.L_overlay_start_1:
0x0: {  	(tag) =	ssettag $0x1  }
0x1: {  	s7 =	rddreg [dreg:$0x0]  }
0x2: {  	s2 =	rddreg [dreg:$0x1]  }
0x3: {  	s11 =	rddreg [dreg:$0x2];
	s0 =	srdreg.scid  }
0x4: {  	s1 =	stileid.u32;
	s4 =	simm.s32 $0x0;
	s16 =	simm.s32 $0x2  }
0x5: {  	s18 =	simm.s32 $0x1000;
	s12 =	simm.s32 $0x3100;
	s13 =	simm.s32 $0x3900  }
0x6: {  	s30 =	simm.s32 $0x1;
	s31 =	simm.s32 $0x0;
	s15 =	simm.s32 $0x4900  }
0x7: {  	s19 =	simm.s32 $0x5100;
	s28 =	simm.s32 $0x8900;
	s29 =	simm.s32 $0x9100  }
0x8: {  	s0 =	sand.u32 $0x1, s0;
	s3 =	sshll.u32 s1, $0x1;
	[smem:$0x7FF] =	sst s4  }
0x9: {  	s8 =	sadd.s32 $0x200, s7;
	s10 =	sadd.s32 $0x400, s7;
	s7 =	sadd.s32 $0x100, s2  }
0xa: {  	s9 =	sadd.s32 $0x300, s2;
	s5 =	ssub.s32 $0x2, s0;
	s0 =	sor.u32 s0, s3  }
0xb: {  	p0 =	sne.s32 s1, $0x0;
	_ =	strace $0x80000059;
	s6 =	smul.u32 $0xC0, s0  }
0xc: {  	[dreg:$0x4] =	wrdreg s8;
	s20 =	sshrl.u32 s5, $0x1;
	s0 =	smul.u32 $0x6000, s0  }
0xd: {  	s8 =	sadd.s32 $0x200, s2;
	s3 =	ssub.s32 s5, s20;
	s20 =	simm.s32 $0xD100  }
0xe: {  	s21 =	sadd.s32 s6, s11;
	s22 =	sadd.s32 $0x40, s6;
	s0 =	sadd.s32 s10, s0  }
0xf: {  	s6 =	sadd.s32 $0x80, s6;
	s26 =	smax.u32 s3, $0x1;
	[dreg:$0x5] =	wrdreg s21  }
0x10: {  	s3 =	simm.s32 $0xC100;
	[dreg:$0x7] =	wrdreg s0;
	s23 =	sshll.u32 s22, $0x7  }
0x11: {  	s5 =	sadd.s32 s22, s11;
	s24 =	sshll.u32 s6, $0x7;
	s25 =	sadd.s32 s6, s11  }
0x12: {  	[dreg:$0xb] =	wrdreg s26;
	s11 =	simm.s32 $0x2880;
	s21 =	simm.s32 $0x5900  }
.Ltmp0:
0x13: {  	s22 =	simm.s32 $0x6100;
	s26 =	simm.s32 $0x8100;
	(pc) =	sbr.rel .LBB2_1-.Ltmp0, $4  }
0x14: {  	s6 =	simm.s32 $0xA900;
	[dreg:$0x6] =	wrdreg s5;
	s0 =	sadd.s32 s10, s23  }
0x15: {  	v0 =	vlaneseq.u32;
	[dreg:$0x8] =	wrdreg s25;
	s23 =	simm.s32 $0x6900;
	s25 =	simm.s32 $0x7900  }
0x16: {  	v1 =	vimm.s32 $0x0;
	vm0 =	vmmov $0xffff;
	v3 =	vshrl.u32 v0, $0x3;
	s5 =	simm.s32 $0xA100;
	[dreg:$0xa] =	wrdreg s0;
	s0 =	sadd.s32 s10, s24  }
0x17: {  	v2 =	vand.u32 $0x7, v0;
	v4 =	vor.u32 $0x8, v0;
	v3 =	vmul.u32 $0x8, v3;
	s24 =	simm.s32 $0x7100;
	s10 =	simm.s32 $0xB900;
	[dreg:$0x9] =	wrdreg s0  }
.LBB2_6:
0x18: {  	s0 =	rddreg [dreg:$0x2]  }
0x19: {  	[spmem:s0] =	stream.linear.scatter [tilespmem:s18], [sflag:$0x2], $0x1880, $0x38;
	[tilespmem:$0x12A88] =	vst v63  }
0x1a: {  	_ =	swait.ge [sflag:s16], $0x1880  }
0x1b: {  	s11 =	simm.s32 $0x2880;
	[sflag:s16] =	ssyncset.done $0x0  }
0x1c: {  	s12 =	simm.s32 $0x3100;
	s13 =	simm.s32 $0x3900;
	[sflag:s16] =	ssyncadd.s32 $0xFFFFE780  }
.LBB2_7:
0x1d: {  	[bflag:$0x0] =	sbarrier.arrive $0xFFFF  }
0x1e: {  	s14 =	rddreg [dreg:$0x5]  }
0x1f: {  	[tilespmem:s11], [sflag:$0x2] =	stream.linear.gather [spmem:s14], $0x40, $0x38;
	[tilespmem:$0x12A88] =	vst v63  }
0x20: {  	_ =	swait.ge [sflag:s16], $0x40  }
0x21: {  	[sflag:s16] =	ssyncset.done $0x0  }
0x22: {  	[sflag:s16] =	ssyncadd.s32 $0xFFFFFFC0  }
0x23: {  	v5 =	vld [tilespmem:$0x2880];
	_ =	sdelay $0x4  }
0x24: {  	v6 =	vshll.u32 v5, $0x3  }
0x25: {  	v5 =	vand.u32 $0x7, v5;
	v6 =	vand.u32 $0xFFFFFFC0, v6  }
0x26: {  	v5 =	vor.u32 v5, v6  }
0x27: {  	v6 =	vperm.xlane v5, v2;
	_ =	sdelay $0x1  }
0x28: {  	v6 =	vadd.s32 v3, v6;
	_ =	sdelay $0x3  }
0x29: {  	s0 =	simm.s32 $0x2900  }
0x2a: {  	[tilespmem:s0], [sflag:$0x1] =	stream.indirect_vreg.gather [hbm4b:s2+s4], $0x80, v6, vm0, $0xb8;
	[tilespmem:$0x12A88] =	vst v63  }
0x2b: {  	v5 =	vperm.xlane v5, v4  }
0x2c: {  	[tilespmem:s12], [sflag:$0x1] =	stream.indirect_vreg.gather [hbm4b:s7+s4], $0x80, v6, vm0, $0xb8;
	[tilespmem:$0x12A88] =	vst v63  }
0x2d: {  	v5 =	vadd.s32 v3, v5  }
0x2e: {  	[tilespmem:s13], [sflag:$0x1] =	stream.indirect_vreg.gather [hbm4b:s8+s4], $0x80, v6, vm0, $0xb8;
	[tilespmem:$0x12A88] =	vst v63  }
0x2f: {  	s14 =	simm.s32 $0x4100  }
0x30: {  	[tilespmem:s14], [sflag:$0x1] =	stream.indirect_vreg.gather [hbm4b:s9+s4], $0x80, v6, vm0, $0xb8;
	[tilespmem:$0x12A88] =	vst v63  }
0x31: {  	_ = 	snop  }
0x32: {  	[tilespmem:s15], [sflag:$0x1] =	stream.indirect_vreg.gather [hbm4b:s2+s4], $0x80, v5, vm0, $0xb8;
	[tilespmem:$0x12A88] =	vst v63  }
0x33: {  	_ = 	snop  }
0x34: {  	[tilespmem:s19], [sflag:$0x1] =	stream.indirect_vreg.gather [hbm4b:s7+s4], $0x80, v5, vm0, $0xb8;
	[tilespmem:$0x12A88] =	vst v63  }
0x35: {  	_ = 	snop  }
0x36: {  	[tilespmem:s21], [sflag:$0x1] =	stream.indirect_vreg.gather [hbm4b:s8+s4], $0x80, v5, vm0, $0xb8;
	[tilespmem:$0x12A88] =	vst v63  }
0x37: {  	_ = 	snop  }
0x38: {  	[tilespmem:s22], [sflag:$0x1] =	stream.indirect_vreg.gather [hbm4b:s9+s4], $0x80, v5, vm0, $0xb8;
	[tilespmem:$0x12A88] =	vst v63  }
0x39: {  	v5 =	vld [tilespmem:$0x2890];
	_ =	sdelay $0x4  }
0x3a: {  	v6 =	vshll.u32 v5, $0x3  }
0x3b: {  	v5 =	vand.u32 $0x7, v5;
	v6 =	vand.u32 $0xFFFFFFC0, v6  }
0x3c: {  	v5 =	vor.u32 v5, v6  }
0x3d: {  	v6 =	vperm.xlane v5, v2;
	_ =	sdelay $0x1  }
0x3e: {  	v6 =	vadd.s32 v3, v6;
	_ =	sdelay $0x4  }
0x3f: {  	[tilespmem:s23], [sflag:$0x1] =	stream.indirect_vreg.gather [hbm4b:s2+s4], $0x80, v6, vm0, $0xb8;
	[tilespmem:$0x12A88] =	vst v63  }
0x40: {  	v5 =	vperm.xlane v5, v4  }
0x41: {  	[tilespmem:s24], [sflag:$0x1] =	stream.indirect_vreg.gather [hbm4b:s7+s4], $0x80, v6, vm0, $0xb8;
	[tilespmem:$0x12A88] =	vst v63  }
0x42: {  	v5 =	vadd.s32 v3, v5  }
0x43: {  	[tilespmem:s25], [sflag:$0x1] =	stream.indirect_vreg.gather [hbm4b:s8+s4], $0x80, v6, vm0, $0xb8;
	[tilespmem:$0x12A88] =	vst v63  }
0x44: {  	_ = 	snop  }
0x45: {  	[tilespmem:s26], [sflag:$0x1] =	stream.indirect_vreg.gather [hbm4b:s9+s4], $0x80, v6, vm0, $0xb8;
	[tilespmem:$0x12A88] =	vst v63  }
0x46: {  	_ = 	snop  }
0x47: {  	[tilespmem:s28], [sflag:$0x1] =	stream.indirect_vreg.gather [hbm4b:s2+s4], $0x80, v5, vm0, $0xb8;
	[tilespmem:$0x12A88] =	vst v63  }
0x48: {  	_ = 	snop  }
0x49: {  	[tilespmem:s29], [sflag:$0x1] =	stream.indirect_vreg.gather [hbm4b:s7+s4], $0x80, v5, vm0, $0xb8;
	[tilespmem:$0x12A88] =	vst v63  }
0x4a: {  	s17 =	simm.s32 $0x9900  }
0x4b: {  	[tilespmem:s17], [sflag:$0x1] =	stream.indirect_vreg.gather [hbm4b:s8+s4], $0x80, v5, vm0, $0xb8;
	[tilespmem:$0x12A88] =	vst v63  }
0x4c: {  	_ = 	snop  }
0x4d: {  	[tilespmem:s5], [sflag:$0x1] =	stream.indirect_vreg.gather [hbm4b:s9+s4], $0x80, v5, vm0, $0xb8;
	[tilespmem:$0x12A88] =	vst v63  }
0x4e: {  	v5 =	vld [tilespmem:$0x28A0];
	_ =	sdelay $0x4  }
0x4f: {  	v6 =	vshll.u32 v5, $0x3  }
0x50: {  	v5 =	vand.u32 $0x7, v5;
	v6 =	vand.u32 $0xFFFFFFC0, v6  }
0x51: {  	v5 =	vor.u32 v5, v6  }
0x52: {  	v6 =	vperm.xlane v5, v2;
	_ =	sdelay $0x1  }
0x53: {  	v6 =	vadd.s32 v3, v6;
	_ =	sdelay $0x4  }
0x54: {  	[tilespmem:s6], [sflag:$0x1] =	stream.indirect_vreg.gather [hbm4b:s2+s4], $0x80, v6, vm0, $0xb8;
	[tilespmem:$0x12A88] =	vst v63  }
0x55: {  	s1 =	simm.s32 $0xB100;
	v5 =	vperm.xlane v5, v4  }
0x56: {  	[tilespmem:s1], [sflag:$0x1] =	stream.indirect_vreg.gather [hbm4b:s7+s4], $0x80, v6, vm0, $0xb8;
	[tilespmem:$0x12A88] =	vst v63  }
0x57: {  	v5 =	vadd.s32 v3, v5  }
0x58: {  	[tilespmem:s10], [sflag:$0x1] =	stream.indirect_vreg.gather [hbm4b:s8+s4], $0x80, v6, vm0, $0xb8;
	[tilespmem:$0x12A88] =	vst v63  }
0x59: {  	_ = 	snop  }
0x5a: {  	[tilespmem:s3], [sflag:$0x1] =	stream.indirect_vreg.gather [hbm4b:s9+s4], $0x80, v6, vm0, $0xb8;
	[tilespmem:$0x12A88] =	vst v63  }
0x5b: {  	s1 =	simm.s32 $0xC900  }
0x5c: {  	[tilespmem:s1], [sflag:$0x1] =	stream.indirect_vreg.gather [hbm4b:s2+s4], $0x80, v5, vm0, $0xb8;
	[tilespmem:$0x12A88] =	vst v63  }
0x5d: {  	_ = 	snop  }
0x5e: {  	[tilespmem:s20], [sflag:$0x1] =	stream.indirect_vreg.gather [hbm4b:s7+s4], $0x80, v5, vm0, $0xb8;
	[tilespmem:$0x12A88] =	vst v63  }
0x5f: {  	s1 =	simm.s32 $0xD900  }
0x60: {  	[tilespmem:s1], [sflag:$0x1] =	stream.indirect_vreg.gather [hbm4b:s8+s4], $0x80, v5, vm0, $0xb8;
	[tilespmem:$0x12A88] =	vst v63  }
0x61: {  	s1 =	simm.s32 $0xE100  }
0x62: {  	[tilespmem:s1], [sflag:$0x1] =	stream.indirect_vreg.gather [hbm4b:s9+s4], $0x80, v5, vm0, $0xb8;
	[tilespmem:$0x12A88] =	vst v63  }
0x63: {  	v5 =	vld [tilespmem:$0x28B0];
	_ =	sdelay $0x4  }
0x64: {  	v6 =	vshll.u32 v5, $0x3  }
0x65: {  	v5 =	vand.u32 $0x7, v5;
	v6 =	vand.u32 $0xFFFFFFC0, v6  }
0x66: {  	v5 =	vor.u32 v5, v6  }
0x67: {  	v6 =	vperm.xlane v5, v2;
	_ =	sdelay $0x1  }
0x68: {  	v6 =	vadd.s32 v3, v6;
	_ =	sdelay $0x3  }
0x69: {  	s1 =	simm.s32 $0xE900  }
0x6a: {  	[tilespmem:s1], [sflag:$0x1] =	stream.indirect_vreg.gather [hbm4b:s2+s4], $0x80, v6, vm0, $0xb8;
	[tilespmem:$0x12A88] =	vst v63  }
0x6b: {  	v5 =	vperm.xlane v5, v4;
	s1 =	simm.s32 $0xF100  }
0x6c: {  	[tilespmem:s1], [sflag:$0x1] =	stream.indirect_vreg.gather [hbm4b:s7+s4], $0x80, v6, vm0, $0xb8;
	[tilespmem:$0x12A88] =	vst v63  }
0x6d: {  	v5 =	vadd.s32 v3, v5;
	s1 =	simm.s32 $0xF900  }
0x6e: {  	[tilespmem:s1], [sflag:$0x1] =	stream.indirect_vreg.gather [hbm4b:s8+s4], $0x80, v6, vm0, $0xb8;
	[tilespmem:$0x12A88] =	vst v63  }
0x6f: {  	s1 =	simm.s32 $0x10100  }
0x70: {  	[tilespmem:s1], [sflag:$0x1] =	stream.indirect_vreg.gather [hbm4b:s9+s4], $0x80, v6, vm0, $0xb8;
	[tilespmem:$0x12A88] =	vst v63  }
0x71: {  	s1 =	simm.s32 $0x10900  }
0x72: {  	[tilespmem:s1], [sflag:$0x1] =	stream.indirect_vreg.gather [hbm4b:s2+s4], $0x80, v5, vm0, $0xb8;
	[tilespmem:$0x12A88] =	vst v63  }
0x73: {  	s1 =	simm.s32 $0x11100  }
0x74: {  	[tilespmem:s1], [sflag:$0x1] =	stream.indirect_vreg.gather [hbm4b:s7+s4], $0x80, v5, vm0, $0xb8;
	[tilespmem:$0x12A88] =	vst v63  }
0x75: {  	s1 =	simm.s32 $0x11900  }
0x76: {  	[tilespmem:s1], [sflag:$0x1] =	stream.indirect_vreg.gather [hbm4b:s8+s4], $0x80, v5, vm0, $0xb8;
	[tilespmem:$0x12A88] =	vst v63  }
0x77: {  	s1 =	simm.s32 $0x12100  }
0x78: {  	[tilespmem:s1], [sflag:$0x1] =	stream.indirect_vreg.gather [hbm4b:s9+s4], $0x80, v5, vm0, $0xb8;
	[tilespmem:$0x12A88] =	vst v63  }
0x79: {  	_ =	swait.ge [sflag:s30], $0x10000  }
0x7a: {  	[sflag:s30] =	ssyncset.done $0x0  }
0x7b: {  	s1 =	rddreg [dreg:$0x7];
	[sflag:s30] =	ssyncadd.s32 $0xFFFF0000  }
0x7c: {  	[hbm4b:s1+s4] =	stream.linear.scatter [tilespmem:s0], [sflag:$0x2], $0x10000, $0x38;
	[tilespmem:$0x12A88] =	vst v63  }
0x7d: {  	_ =	swait.ge [sflag:s16], $0x10000  }
0x7e: {  	[sflag:s16] =	ssyncset.done $0x0  }
0x7f: {  	s1 =	rddreg [dreg:$0x6];
	[sflag:s16] =	ssyncadd.s32 $0xFFFF0000  }
0x80: {  	[tilespmem:s11], [sflag:$0x2] =	stream.linear.gather [spmem:s1], $0x40, $0x38;
	[tilespmem:$0x12A88] =	vst v63  }
0x81: {  	_ =	swait.ge [sflag:s16], $0x40  }
0x82: {  	[sflag:s16] =	ssyncset.done $0x0  }
0x83: {  	[sflag:s16] =	ssyncadd.s32 $0xFFFFFFC0  }
0x84: {  	v5 =	vld [tilespmem:$0x2880];
	_ =	sdelay $0x4  }
0x85: {  	v6 =	vshll.u32 v5, $0x3  }
0x86: {  	v5 =	vand.u32 $0x7, v5;
	v6 =	vand.u32 $0xFFFFFFC0, v6  }
0x87: {  	v5 =	vor.u32 v5, v6  }
0x88: {  	v6 =	vperm.xlane v5, v2;
	_ =	sdelay $0x1  }
0x89: {  	v6 =	vadd.s32 v3, v6;
	_ =	sdelay $0x4  }
0x8a: {  	[tilespmem:s0], [sflag:$0x1] =	stream.indirect_vreg.gather [hbm4b:s2+s4], $0x80, v6, vm0, $0xb8;
	[tilespmem:$0x12A88] =	vst v63  }
0x8b: {  	v5 =	vperm.xlane v5, v4  }
0x8c: {  	[tilespmem:s12], [sflag:$0x1] =	stream.indirect_vreg.gather [hbm4b:s7+s4], $0x80, v6, vm0, $0xb8;
	[tilespmem:$0x12A88] =	vst v63  }
0x8d: {  	v5 =	vadd.s32 v3, v5  }
0x8e: {  	[tilespmem:s13], [sflag:$0x1] =	stream.indirect_vreg.gather [hbm4b:s8+s4], $0x80, v6, vm0, $0xb8;
	[tilespmem:$0x12A88] =	vst v63  }
0x8f: {  	_ = 	snop  }
0x90: {  	[tilespmem:s14], [sflag:$0x1] =	stream.indirect_vreg.gather [hbm4b:s9+s4], $0x80, v6, vm0, $0xb8;
	[tilespmem:$0x12A88] =	vst v63  }
0x91: {  	_ = 	snop  }
0x92: {  	[tilespmem:s15], [sflag:$0x1] =	stream.indirect_vreg.gather [hbm4b:s2+s4], $0x80, v5, vm0, $0xb8;
	[tilespmem:$0x12A88] =	vst v63  }
0x93: {  	_ = 	snop  }
0x94: {  	[tilespmem:s19], [sflag:$0x1] =	stream.indirect_vreg.gather [hbm4b:s7+s4], $0x80, v5, vm0, $0xb8;
	[tilespmem:$0x12A88] =	vst v63  }
0x95: {  	_ = 	snop  }
0x96: {  	[tilespmem:s21], [sflag:$0x1] =	stream.indirect_vreg.gather [hbm4b:s8+s4], $0x80, v5, vm0, $0xb8;
	[tilespmem:$0x12A88] =	vst v63  }
0x97: {  	_ = 	snop  }
0x98: {  	[tilespmem:s22], [sflag:$0x1] =	stream.indirect_vreg.gather [hbm4b:s9+s4], $0x80, v5, vm0, $0xb8;
	[tilespmem:$0x12A88] =	vst v63  }
0x99: {  	v5 =	vld [tilespmem:$0x2890];
	_ =	sdelay $0x4  }
0x9a: {  	v6 =	vshll.u32 v5, $0x3  }
0x9b: {  	v5 =	vand.u32 $0x7, v5;
	v6 =	vand.u32 $0xFFFFFFC0, v6  }
0x9c: {  	v5 =	vor.u32 v5, v6  }
0x9d: {  	v6 =	vperm.xlane v5, v2;
	_ =	sdelay $0x1  }
0x9e: {  	v6 =	vadd.s32 v3, v6;
	_ =	sdelay $0x4  }
0x9f: {  	[tilespmem:s23], [sflag:$0x1] =	stream.indirect_vreg.gather [hbm4b:s2+s4], $0x80, v6, vm0, $0xb8;
	[tilespmem:$0x12A88] =	vst v63  }
0xa0: {  	v5 =	vperm.xlane v5, v4  }
0xa1: {  	[tilespmem:s24], [sflag:$0x1] =	stream.indirect_vreg.gather [hbm4b:s7+s4], $0x80, v6, vm0, $0xb8;
	[tilespmem:$0x12A88] =	vst v63  }
0xa2: {  	v5 =	vadd.s32 v3, v5  }
0xa3: {  	[tilespmem:s25], [sflag:$0x1] =	stream.indirect_vreg.gather [hbm4b:s8+s4], $0x80, v6, vm0, $0xb8;
	[tilespmem:$0x12A88] =	vst v63  }
0xa4: {  	_ = 	snop  }
0xa5: {  	[tilespmem:s26], [sflag:$0x1] =	stream.indirect_vreg.gather [hbm4b:s9+s4], $0x80, v6, vm0, $0xb8;
	[tilespmem:$0x12A88] =	vst v63  }
0xa6: {  	_ = 	snop  }
0xa7: {  	[tilespmem:s28], [sflag:$0x1] =	stream.indirect_vreg.gather [hbm4b:s2+s4], $0x80, v5, vm0, $0xb8;
	[tilespmem:$0x12A88] =	vst v63  }
0xa8: {  	_ = 	snop  }
0xa9: {  	[tilespmem:s29], [sflag:$0x1] =	stream.indirect_vreg.gather [hbm4b:s7+s4], $0x80, v5, vm0, $0xb8;
	[tilespmem:$0x12A88] =	vst v63  }
0xaa: {  	_ = 	snop  }
0xab: {  	[tilespmem:s17], [sflag:$0x1] =	stream.indirect_vreg.gather [hbm4b:s8+s4], $0x80, v5, vm0, $0xb8;
	[tilespmem:$0x12A88] =	vst v63  }
0xac: {  	_ = 	snop  }
0xad: {  	[tilespmem:s5], [sflag:$0x1] =	stream.indirect_vreg.gather [hbm4b:s9+s4], $0x80, v5, vm0, $0xb8;
	[tilespmem:$0x12A88] =	vst v63  }
0xae: {  	v5 =	vld [tilespmem:$0x28A0];
	_ =	sdelay $0x4  }
0xaf: {  	v6 =	vshll.u32 v5, $0x3  }
0xb0: {  	v5 =	vand.u32 $0x7, v5;
	v6 =	vand.u32 $0xFFFFFFC0, v6  }
0xb1: {  	v5 =	vor.u32 v5, v6  }
0xb2: {  	v6 =	vperm.xlane v5, v2;
	_ =	sdelay $0x1  }
0xb3: {  	v6 =	vadd.s32 v3, v6;
	_ =	sdelay $0x4  }
0xb4: {  	[tilespmem:s6], [sflag:$0x1] =	stream.indirect_vreg.gather [hbm4b:s2+s4], $0x80, v6, vm0, $0xb8;
	[tilespmem:$0x12A88] =	vst v63  }
0xb5: {  	s1 =	simm.s32 $0xB100;
	v5 =	vperm.xlane v5, v4  }
0xb6: {  	[tilespmem:s1], [sflag:$0x1] =	stream.indirect_vreg.gather [hbm4b:s7+s4], $0x80, v6, vm0, $0xb8;
	[tilespmem:$0x12A88] =	vst v63  }
0xb7: {  	v5 =	vadd.s32 v3, v5  }
0xb8: {  	[tilespmem:s10], [sflag:$0x1] =	stream.indirect_vreg.gather [hbm4b:s8+s4], $0x80, v6, vm0, $0xb8;
	[tilespmem:$0x12A88] =	vst v63  }
0xb9: {  	_ = 	snop  }
0xba: {  	[tilespmem:s3], [sflag:$0x1] =	stream.indirect_vreg.gather [hbm4b:s9+s4], $0x80, v6, vm0, $0xb8;
	[tilespmem:$0x12A88] =	vst v63  }
0xbb: {  	s1 =	simm.s32 $0xC900  }
0xbc: {  	[tilespmem:s1], [sflag:$0x1] =	stream.indirect_vreg.gather [hbm4b:s2+s4], $0x80, v5, vm0, $0xb8;
	[tilespmem:$0x12A88] =	vst v63  }
0xbd: {  	_ = 	snop  }
0xbe: {  	[tilespmem:s20], [sflag:$0x1] =	stream.indirect_vreg.gather [hbm4b:s7+s4], $0x80, v5, vm0, $0xb8;
	[tilespmem:$0x12A88] =	vst v63  }
0xbf: {  	s1 =	simm.s32 $0xD900  }
0xc0: {  	[tilespmem:s1], [sflag:$0x1] =	stream.indirect_vreg.gather [hbm4b:s8+s4], $0x80, v5, vm0, $0xb8;
	[tilespmem:$0x12A88] =	vst v63  }
0xc1: {  	s1 =	simm.s32 $0xE100  }
0xc2: {  	[tilespmem:s1], [sflag:$0x1] =	stream.indirect_vreg.gather [hbm4b:s9+s4], $0x80, v5, vm0, $0xb8;
	[tilespmem:$0x12A88] =	vst v63  }
0xc3: {  	v5 =	vld [tilespmem:$0x28B0];
	_ =	sdelay $0x4  }
0xc4: {  	v6 =	vshll.u32 v5, $0x3  }
0xc5: {  	v5 =	vand.u32 $0x7, v5;
	v6 =	vand.u32 $0xFFFFFFC0, v6  }
0xc6: {  	v5 =	vor.u32 v5, v6  }
0xc7: {  	v6 =	vperm.xlane v5, v2;
	_ =	sdelay $0x1  }
0xc8: {  	v6 =	vadd.s32 v3, v6;
	_ =	sdelay $0x3  }
0xc9: {  	s1 =	simm.s32 $0xE900  }
0xca: {  	[tilespmem:s1], [sflag:$0x1] =	stream.indirect_vreg.gather [hbm4b:s2+s4], $0x80, v6, vm0, $0xb8;
	[tilespmem:$0x12A88] =	vst v63  }
0xcb: {  	v5 =	vperm.xlane v5, v4;
	s1 =	simm.s32 $0xF100  }
0xcc: {  	[tilespmem:s1], [sflag:$0x1] =	stream.indirect_vreg.gather [hbm4b:s7+s4], $0x80, v6, vm0, $0xb8;
	[tilespmem:$0x12A88] =	vst v63  }
0xcd: {  	v5 =	vadd.s32 v3, v5;
	s1 =	simm.s32 $0xF900  }
0xce: {  	[tilespmem:s1], [sflag:$0x1] =	stream.indirect_vreg.gather [hbm4b:s8+s4], $0x80, v6, vm0, $0xb8;
	[tilespmem:$0x12A88] =	vst v63  }
0xcf: {  	s1 =	simm.s32 $0x10100  }
0xd0: {  	[tilespmem:s1], [sflag:$0x1] =	stream.indirect_vreg.gather [hbm4b:s9+s4], $0x80, v6, vm0, $0xb8;
	[tilespmem:$0x12A88] =	vst v63  }
0xd1: {  	s1 =	simm.s32 $0x10900  }
0xd2: {  	[tilespmem:s1], [sflag:$0x1] =	stream.indirect_vreg.gather [hbm4b:s2+s4], $0x80, v5, vm0, $0xb8;
	[tilespmem:$0x12A88] =	vst v63  }
0xd3: {  	s1 =	simm.s32 $0x11100  }
0xd4: {  	[tilespmem:s1], [sflag:$0x1] =	stream.indirect_vreg.gather [hbm4b:s7+s4], $0x80, v5, vm0, $0xb8;
	[tilespmem:$0x12A88] =	vst v63  }
0xd5: {  	s1 =	simm.s32 $0x11900  }
0xd6: {  	[tilespmem:s1], [sflag:$0x1] =	stream.indirect_vreg.gather [hbm4b:s8+s4], $0x80, v5, vm0, $0xb8;
	[tilespmem:$0x12A88] =	vst v63  }
0xd7: {  	s1 =	simm.s32 $0x12100  }
0xd8: {  	[tilespmem:s1], [sflag:$0x1] =	stream.indirect_vreg.gather [hbm4b:s9+s4], $0x80, v5, vm0, $0xb8;
	[tilespmem:$0x12A88] =	vst v63  }
0xd9: {  	_ =	swait.ge [sflag:s30], $0x10000  }
0xda: {  	[sflag:s30] =	ssyncset.done $0x0  }
0xdb: {  	s1 =	rddreg [dreg:$0xa];
	[sflag:s30] =	ssyncadd.s32 $0xFFFF0000  }
0xdc: {  	[hbm4b:s1+s4] =	stream.linear.scatter [tilespmem:s0], [sflag:$0x2], $0x10000, $0x38;
	[tilespmem:$0x12A88] =	vst v63  }
0xdd: {  	_ =	swait.ge [sflag:s16], $0x10000  }
0xde: {  	[sflag:s16] =	ssyncset.done $0x0  }
0xdf: {  	s1 =	rddreg [dreg:$0x8];
	[sflag:s16] =	ssyncadd.s32 $0xFFFF0000  }
0xe0: {  	[tilespmem:s11], [sflag:$0x2] =	stream.linear.gather [spmem:s1], $0x40, $0x38;
	[tilespmem:$0x12A88] =	vst v63  }
0xe1: {  	_ =	swait.ge [sflag:s16], $0x40  }
0xe2: {  	[sflag:s16] =	ssyncset.done $0x0  }
0xe3: {  	[sflag:s16] =	ssyncadd.s32 $0xFFFFFFC0  }
0xe4: {  	v5 =	vld [tilespmem:$0x2880];
	_ =	sdelay $0x4  }
0xe5: {  	v6 =	vshll.u32 v5, $0x3  }
0xe6: {  	v5 =	vand.u32 $0x7, v5;
	v6 =	vand.u32 $0xFFFFFFC0, v6  }
0xe7: {  	v5 =	vor.u32 v5, v6  }
0xe8: {  	v6 =	vperm.xlane v5, v2;
	_ =	sdelay $0x1  }
0xe9: {  	v6 =	vadd.s32 v3, v6;
	_ =	sdelay $0x4  }
0xea: {  	[tilespmem:s0], [sflag:$0x1] =	stream.indirect_vreg.gather [hbm4b:s2+s4], $0x80, v6, vm0, $0xb8;
	[tilespmem:$0x12A88] =	vst v63  }
0xeb: {  	v5 =	vperm.xlane v5, v4  }
0xec: {  	[tilespmem:s12], [sflag:$0x1] =	stream.indirect_vreg.gather [hbm4b:s7+s4], $0x80, v6, vm0, $0xb8;
	[tilespmem:$0x12A88] =	vst v63  }
0xed: {  	v5 =	vadd.s32 v3, v5  }
0xee: {  	[tilespmem:s13], [sflag:$0x1] =	stream.indirect_vreg.gather [hbm4b:s8+s4], $0x80, v6, vm0, $0xb8;
	[tilespmem:$0x12A88] =	vst v63  }
0xef: {  	_ = 	snop  }
0xf0: {  	[tilespmem:s14], [sflag:$0x1] =	stream.indirect_vreg.gather [hbm4b:s9+s4], $0x80, v6, vm0, $0xb8;
	[tilespmem:$0x12A88] =	vst v63  }
0xf1: {  	_ = 	snop  }
0xf2: {  	[tilespmem:s15], [sflag:$0x1] =	stream.indirect_vreg.gather [hbm4b:s2+s4], $0x80, v5, vm0, $0xb8;
	[tilespmem:$0x12A88] =	vst v63  }
0xf3: {  	_ = 	snop  }
0xf4: {  	[tilespmem:s19], [sflag:$0x1] =	stream.indirect_vreg.gather [hbm4b:s7+s4], $0x80, v5, vm0, $0xb8;
	[tilespmem:$0x12A88] =	vst v63  }
0xf5: {  	_ = 	snop  }
0xf6: {  	[tilespmem:s21], [sflag:$0x1] =	stream.indirect_vreg.gather [hbm4b:s8+s4], $0x80, v5, vm0, $0xb8;
	[tilespmem:$0x12A88] =	vst v63  }
0xf7: {  	_ = 	snop  }
0xf8: {  	[tilespmem:s22], [sflag:$0x1] =	stream.indirect_vreg.gather [hbm4b:s9+s4], $0x80, v5, vm0, $0xb8;
	[tilespmem:$0x12A88] =	vst v63  }
0xf9: {  	v5 =	vld [tilespmem:$0x2890];
	_ =	sdelay $0x4  }
0xfa: {  	v6 =	vshll.u32 v5, $0x3  }
0xfb: {  	v5 =	vand.u32 $0x7, v5;
	v6 =	vand.u32 $0xFFFFFFC0, v6  }
0xfc: {  	v5 =	vor.u32 v5, v6  }
0xfd: {  	v6 =	vperm.xlane v5, v2;
	_ =	sdelay $0x1  }
0xfe: {  	v6 =	vadd.s32 v3, v6;
	_ =	sdelay $0x4  }
0xff: {  	[tilespmem:s23], [sflag:$0x1] =	stream.indirect_vreg.gather [hbm4b:s2+s4], $0x80, v6, vm0, $0xb8;
	[tilespmem:$0x12A88] =	vst v63  }
0x100: {  	v5 =	vperm.xlane v5, v4  }
0x101: {  	[tilespmem:s24], [sflag:$0x1] =	stream.indirect_vreg.gather [hbm4b:s7+s4], $0x80, v6, vm0, $0xb8;
	[tilespmem:$0x12A88] =	vst v63  }
0x102: {  	v5 =	vadd.s32 v3, v5  }
0x103: {  	[tilespmem:s25], [sflag:$0x1] =	stream.indirect_vreg.gather [hbm4b:s8+s4], $0x80, v6, vm0, $0xb8;
	[tilespmem:$0x12A88] =	vst v63  }
0x104: {  	_ = 	snop  }
0x105: {  	[tilespmem:s26], [sflag:$0x1] =	stream.indirect_vreg.gather [hbm4b:s9+s4], $0x80, v6, vm0, $0xb8;
	[tilespmem:$0x12A88] =	vst v63  }
0x106: {  	_ = 	snop  }
0x107: {  	[tilespmem:s28], [sflag:$0x1] =	stream.indirect_vreg.gather [hbm4b:s2+s4], $0x80, v5, vm0, $0xb8;
	[tilespmem:$0x12A88] =	vst v63  }
0x108: {  	_ = 	snop  }
0x109: {  	[tilespmem:s29], [sflag:$0x1] =	stream.indirect_vreg.gather [hbm4b:s7+s4], $0x80, v5, vm0, $0xb8;
	[tilespmem:$0x12A88] =	vst v63  }
0x10a: {  	_ = 	snop  }
0x10b: {  	[tilespmem:s17], [sflag:$0x1] =	stream.indirect_vreg.gather [hbm4b:s8+s4], $0x80, v5, vm0, $0xb8;
	[tilespmem:$0x12A88] =	vst v63  }
0x10c: {  	_ = 	snop  }
0x10d: {  	[tilespmem:s5], [sflag:$0x1] =	stream.indirect_vreg.gather [hbm4b:s9+s4], $0x80, v5, vm0, $0xb8;
	[tilespmem:$0x12A88] =	vst v63  }
0x10e: {  	v5 =	vld [tilespmem:$0x28A0];
	_ =	sdelay $0x4  }
0x10f: {  	v6 =	vshll.u32 v5, $0x3  }
0x110: {  	v5 =	vand.u32 $0x7, v5;
	v6 =	vand.u32 $0xFFFFFFC0, v6  }
0x111: {  	v5 =	vor.u32 v5, v6  }
0x112: {  	v6 =	vperm.xlane v5, v2;
	_ =	sdelay $0x1  }
0x113: {  	v6 =	vadd.s32 v3, v6;
	_ =	sdelay $0x4  }
0x114: {  	[tilespmem:s6], [sflag:$0x1] =	stream.indirect_vreg.gather [hbm4b:s2+s4], $0x80, v6, vm0, $0xb8;
	[tilespmem:$0x12A88] =	vst v63  }
0x115: {  	s14 =	simm.s32 $0xB100;
	v5 =	vperm.xlane v5, v4  }
0x116: {  	[tilespmem:s14], [sflag:$0x1] =	stream.indirect_vreg.gather [hbm4b:s7+s4], $0x80, v6, vm0, $0xb8;
	[tilespmem:$0x12A88] =	vst v63  }
0x117: {  	v5 =	vadd.s32 v3, v5  }
0x118: {  	[tilespmem:s10], [sflag:$0x1] =	stream.indirect_vreg.gather [hbm4b:s8+s4], $0x80, v6, vm0, $0xb8;
	[tilespmem:$0x12A88] =	vst v63  }
0x119: {  	_ = 	snop  }
0x11a: {  	[tilespmem:s3], [sflag:$0x1] =	stream.indirect_vreg.gather [hbm4b:s9+s4], $0x80, v6, vm0, $0xb8;
	[tilespmem:$0x12A88] =	vst v63  }
0x11b: {  	s17 =	simm.s32 $0xC900  }
0x11c: {  	[tilespmem:s17], [sflag:$0x1] =	stream.indirect_vreg.gather [hbm4b:s2+s4], $0x80, v5, vm0, $0xb8;
	[tilespmem:$0x12A88] =	vst v63  }
0x11d: {  	_ = 	snop  }
0x11e: {  	[tilespmem:s20], [sflag:$0x1] =	stream.indirect_vreg.gather [hbm4b:s7+s4], $0x80, v5, vm0, $0xb8;
	[tilespmem:$0x12A88] =	vst v63  }
0x11f: {  	s14 =	simm.s32 $0xD900  }
0x120: {  	[tilespmem:s14], [sflag:$0x1] =	stream.indirect_vreg.gather [hbm4b:s8+s4], $0x80, v5, vm0, $0xb8;
	[tilespmem:$0x12A88] =	vst v63  }
0x121: {  	s17 =	simm.s32 $0xE100  }
0x122: {  	[tilespmem:s17], [sflag:$0x1] =	stream.indirect_vreg.gather [hbm4b:s9+s4], $0x80, v5, vm0, $0xb8;
	[tilespmem:$0x12A88] =	vst v63  }
0x123: {  	v5 =	vld [tilespmem:$0x28B0];
	_ =	sdelay $0x4  }
0x124: {  	v6 =	vshll.u32 v5, $0x3  }
0x125: {  	v5 =	vand.u32 $0x7, v5;
	v6 =	vand.u32 $0xFFFFFFC0, v6  }
0x126: {  	v5 =	vor.u32 v5, v6  }
0x127: {  	v6 =	vperm.xlane v5, v2;
	_ =	sdelay $0x1  }
0x128: {  	v6 =	vadd.s32 v3, v6;
	_ =	sdelay $0x3  }
0x129: {  	s14 =	simm.s32 $0xE900  }
0x12a: {  	[tilespmem:s14], [sflag:$0x1] =	stream.indirect_vreg.gather [hbm4b:s2+s4], $0x80, v6, vm0, $0xb8;
	[tilespmem:$0x12A88] =	vst v63  }
0x12b: {  	s17 =	simm.s32 $0xF100;
	v5 =	vperm.xlane v5, v4  }
0x12c: {  	[tilespmem:s17], [sflag:$0x1] =	stream.indirect_vreg.gather [hbm4b:s7+s4], $0x80, v6, vm0, $0xb8;
	[tilespmem:$0x12A88] =	vst v63  }
0x12d: {  	v5 =	vadd.s32 v3, v5;
	s14 =	simm.s32 $0xF900  }
0x12e: {  	[tilespmem:s14], [sflag:$0x1] =	stream.indirect_vreg.gather [hbm4b:s8+s4], $0x80, v6, vm0, $0xb8;
	[tilespmem:$0x12A88] =	vst v63  }
0x12f: {  	s17 =	simm.s32 $0x10100  }
0x130: {  	[tilespmem:s17], [sflag:$0x1] =	stream.indirect_vreg.gather [hbm4b:s9+s4], $0x80, v6, vm0, $0xb8;
	[tilespmem:$0x12A88] =	vst v63  }
0x131: {  	s14 =	simm.s32 $0x10900  }
0x132: {  	[tilespmem:s14], [sflag:$0x1] =	stream.indirect_vreg.gather [hbm4b:s2+s4], $0x80, v5, vm0, $0xb8;
	[tilespmem:$0x12A88] =	vst v63  }
0x133: {  	s17 =	simm.s32 $0x11100  }
0x134: {  	[tilespmem:s17], [sflag:$0x1] =	stream.indirect_vreg.gather [hbm4b:s7+s4], $0x80, v5, vm0, $0xb8;
	[tilespmem:$0x12A88] =	vst v63  }
0x135: {  	s14 =	simm.s32 $0x11900  }
0x136: {  	[tilespmem:s14], [sflag:$0x1] =	stream.indirect_vreg.gather [hbm4b:s8+s4], $0x80, v5, vm0, $0xb8;
	[tilespmem:$0x12A88] =	vst v63  }
0x137: {  	s17 =	simm.s32 $0x12100  }
0x138: {  	[tilespmem:s17], [sflag:$0x1] =	stream.indirect_vreg.gather [hbm4b:s9+s4], $0x80, v5, vm0, $0xb8;
	[tilespmem:$0x12A88] =	vst v63  }
0x139: {  	_ =	swait.ge [sflag:s30], $0x10000  }
0x13a: {  	[sflag:s30] =	ssyncset.done $0x0  }
0x13b: {  	s14 =	rddreg [dreg:$0x9];
	[sflag:s30] =	ssyncadd.s32 $0xFFFF0000  }
0x13c: {  	[hbm4b:s14+s4] =	stream.linear.scatter [tilespmem:s0], [sflag:$0x2], $0x10000, $0x38;
	[tilespmem:$0x12A88] =	vst v63  }
0x13d: {  	_ =	swait.ge [sflag:s16], $0x10000  }
0x13e: {  	s31 =	sadd.s32 $0x1, s31;
	s17 =	rddreg [dreg:$0xb]  }
0x13f: {  	p1 =	sne.s32 s31, s17  }
.Ltmp1:
0x140: {  	_ = 	snop;
	(pc) =	sbr.rel @!p1 .LBB2_8-.Ltmp1, $3  }
0x141: {  	_ =	sdelay $0x1  }
0x142: {  	[sflag:s16] =	ssyncset.done $0x0  }
0x143: {  	[sflag:s16] =	ssyncadd.s32 $0xFFFF0000  }
.LBB2_1:
.Ltmp2:
0x144: {  	(pc) =	sbr.rel @p0 .LBB2_7-.Ltmp2, $1  }
0x145: {  	_ =	sdelay $0x3  }
0x146: {  	s0 =	simm.s32 $0x0;
	s1 =	rddreg [dreg:$0x0]  }
0x147: {  	[tilespmem:s0], [sflag:$0x2] =	stream.linear.gather [hbm4b:s1+s0], $0x800, $0x38;
	[tilespmem:$0x12A88] =	vst v63  }
0x148: {  	_ =	swait.ge [sflag:s16], $0x800  }
0x149: {  	[sflag:s16] =	ssyncset.done $0x0  }
0x14a: {  	s17 =	simm.s32 $0x800;
	s14 =	rddreg [dreg:$0x4];
	[sflag:s16] =	ssyncadd.s32 $0xFFFFF800  }
0x14b: {  	[tilespmem:s17], [sflag:$0x2] =	stream.linear.gather [hbm4b:s14+s0], $0x800, $0x38;
	[tilespmem:$0x12A88] =	vst v63  }
0x14c: {  	_ =	swait.ge [sflag:s16], $0x800  }
0x14d: {  	[sflag:s16] =	ssyncset.done $0x0  }
0x14e: {  	s1 =	simm.s32 $0x0;
	[sflag:s16] =	ssyncadd.s32 $0xFFFFF800  }
.LBB2_3:
0x14f: {  	p1 =	sne.s32 s1, $0x60C0  }
.Ltmp3:
0x150: {  	_ = 	snop;
	(pc) =	sbr.rel @p1 .LBB2_3-.Ltmp3, $3  }
0x151: {  	_ =	sdelay $0x1  }
0x152: {  	s17 =	sshra.s32 s1, $0x2  }
0x153: {  	s1 =	sadd.s32 $0x40, s1;
	[tilespmem:s17+$0x1000] =	vst v1  }
0x154: {  	s17 =	simm.s32 $0x800;
	s1 =	simm.s32 $0x0  }
.LBB2_5:
0x155: {  	v5 =	vld [tilespmem:s0+$0x0];
	_ =	sdelay $0x6  }
0x156: {  	v6 =	vor.u32 s1, v0  }
0x157: {  	[tilespmem:v5+s18+$0x0] =	vst.idx.msk $0xffff, v6  }
0x158: {  	v5 =	vld [tilespmem:s17+$0x0];
	_ =	sdelay $0x2  }
0x159: {  	p1 =	sne.s32 s1, $0x7F0  }
.Ltmp4:
0x15a: {  	_ = 	snop;
	(pc) =	sbr.rel @p1 .LBB2_5-.Ltmp4, $2  }
0x15b: {  	_ =	sdelay $0x2  }
0x15c: {  	s0 =	sadd.s32 $0x10, s0;
	s1 =	sadd.s32 $0x10, s1;
	s17 =	sadd.s32 $0x10, s17;
	[tilespmem:v5+s18+$0x0] =	vst.idx.msk $0xffff, v6  }
.Ltmp5:
0x15d: {  	_ = 	snop;
	(pc) =	sbr.rel .LBB2_6-.Ltmp5, $1  }
0x15e: {  	_ =	sdelay $0x3  }
.LBB2_8:
0x15f: {  	_ =	sfence.sel $0x180000  }
0x160: {  	[bflag:$0x0] =	sbarrier.arrive $0xFFFF  }
0x161: {  	_ =	strace $0x90000059  }
0x162: {  	[bflag:$0x2] =	sbarrier.arrive $0xFFFF  }
0x163: {  	s0 =	rddreg [dreg:$0x3]  }
0x164: {  	s0 =	sadd.s32 @!p0 $0x100000, s0  }
0x165: {  	[sflag:s0] =	ssyncadd.tile.s32 @!p0 $0x1;
	_ =	shalt  }
.Lfunc_end2:
_tile_overlayer_lowered:
.L_overlay_start_2:
0x166: {  	(tag) =	ssettag $0x2  }
0x167: {  	s0 =	rddreg [dreg:$0x0];
	s2 =	stileid.u32  }
0x168: {  	s1 =	rddreg [dreg:$0x1];
	p0 =	sne.s32 s2, $0x0  }
0x169: {  	s3 =	rddreg [dreg:$0x2];
	[bflag:$0x3] =	sbarrier.arrive $0xFFFF;
	s2 =	simm.s32 @!p0 $0x1C02  }
0x16a: {  	[timem:s3], [sflag:s2] =	dma.local @!p0 [hbm:s0], s1  }
0x16b: {  	s0 =	simm.s32 @!p0 $0x2  }
0x16c: {  	_ =	swait.ge @!p0 [sflag:s0], s1  }
0x16d: {  	s1 =	ssub.s32 @!p0 $0x0, s1;
	[sflag:s0] =	ssyncset.done @!p0 $0x0  }
0x16e: {  	[sflag:s0] =	ssyncadd.s32 @!p0 s1  }
0x16f: {  	[bflag:$0x3] =	sbarrier.arrive $0xFFFF  }
0x170: {  	_ =	shalt  }

// kernel: kernel.40.cloned.1.call-start
scs
__scs_entry_jumppad:
0x0: {  	(pc) =	sbr.rel $0x88, $3  }
0x1: {  	(tag) =	ssettag $0x0;
	lr =	simm.s32 $0x1  }
0x2: {  	[smem:$0x3F94] =	sst lr;
	_ =	strace $0xD0000000  }
0x3: {  	_ = 	snop  }
0x4: {  	_ = 	snop  }
0x5: {  	_ = 	snop  }
0x6: {  	_ = 	snop  }
0x7: {  	_ = 	snop  }
__scs_overlays_trampoline_lowered:
0x8: {  	[smem:$0x3FA3] =	sst s0  }
0x9: {  	[smem:$0x3FA4] =	sst s1  }
0xa: {  	[smem:$0x3FA5] =	sst s2  }
0xb: {  	[smem:$0x3FA6] =	sst s3  }
0xc: {  	[smem:$0x3FA7] =	sst s4  }
0xd: {  	[smem:$0x3FA8] =	sst s5  }
0xe: {  	[smem:$0x3FA9] =	sst s6  }
0xf: {  	[smem:$0x3FAA] =	sst s7  }
0x10: {  	[smem:$0x3FAB] =	sst s8  }
0x11: {  	[smem:$0x3FAC] =	sst s9;
	s0 =	simm.s32 @!p0 $0x0  }
0x12: {  	s1 =	sld [smem:$0x3F92];
	s0 =	simm.s32 @p0 $0x1  }
0x13: {  	[smem:$0x3FAD] =	sst s0;
	s0 =	simm.s32 @!p1 $0x0  }
0x14: {  	s2 =	sld [smem:$0x3F91];
	s0 =	simm.s32 @p1 $0x1  }
0x15: {  	[smem:$0x3FAE] =	sst s0;
	s0 =	simm.s32 @!p2 $0x0  }
0x16: {  	s3 =	sld [smem:$0x3FDB];
	s0 =	simm.s32 @p2 $0x1  }
0x17: {  	s4 =	simm.s32 $0x1BF5;
	[smem:$0x3FB0] =	sst s0  }
0x18: {  	s0 =	sld [smem:$0x3F93];
	_ =	swait.ge [sflag:s4], $0x0  }
0x19: {  	s7 =	sld [smem:$0x3F94]  }
0x1a: {  	s8 =	sadd.s32 $0xFFFFE003, lr  }
0x1b: {  	s9 =	sadd.s32 $0xFFFFFEF7, lr;
	s5 =	simm.s32 $0xFFFFFFFF;
	p2 =	slt.u32 s8, $0xFFFFF086  }
0x1c: {  	p1 =	slt.u32 s9, $0xF7A;
	s5 =	simm.s32 @!p2 $0x0  }
0x1d: {  	s5 =	simm.s32 @p1 $0x1;
	p0 =	seq.s32 s7, s2  }
0x1e: {  	s7 =	smul.u32 @!p0 $0xF7A, s2;
	p2 =	seq.s32 @!p0 s5, $0x0  }
0x1f: {  	s9 =	smul.u32 $0xF7A, s1;
	s8 =	simm.s32 @!p0 $0x1BF5;
	p2 =	por !p2, p0  }
0x20: {  	[sflag:s8] =	ssyncset.s32 @!p0 $0xFFFFF086;
	s6 =	sadd.s32 @!p0 s3, s7;
	s7 =	simm.s32 @!p0 $0x108  }
0x21: {  	s3 =	sadd.s32 s3, s9;
	s6 =	sadd.s32 @!p0 $0x88, s6;
	s7 =	simm.s32 @p2 $0x1082  }
0x22: {  	[simem:s7], [sflag:s8] =	dma.local @!p0 [hbm:s6], $0xF7A  }
0x23: {  	s9 =	sor.u32 $0xD0000000, s2;
	s6 =	simm.s32 $0x108;
	_ =	swait.ge @!p0 [sflag:s8], $0x0  }
0x24: {  	s3 =	sadd.s32 $0x88, s3;
	s6 =	simm.s32 @!p1 $0x1082;
	[sflag:s4] =	ssyncset.s32 $0xFFFFF086  }
0x25: {  	[simem:s6], [sflag:s4] =	dma.local [hbm:s3], $0xF7A  }
0x26: {  	[smem:$0x3F94] =	sst s1;
	(tag) =	ssettag s2;
	_ =	strace s9  }
0x27: {  	s1 =	sld [smem:$0x3FA4]  }
0x28: {  	s2 =	sld [smem:$0x3FA5]  }
0x29: {  	s4 =	sld [smem:$0x3FA7]  }
0x2a: {  	p0 =	seq.s32 s5, $0x0;
	s5 =	sld [smem:$0x3FA8]  }
0x2b: {  	s6 =	sld [smem:$0x3FA9]  }
0x2c: {  	s7 =	sld [smem:$0x3FAA]  }
0x2d: {  	s3 =	simm.s32 $0x108;
	s8 =	sld [smem:$0x3FAB]  }
0x2e: {  	s3 =	simm.s32 @!p0 $0x1082;
	s9 =	sld [smem:$0x3FAC]  }
0x2f: {  	lr =	sadd.s32 s0, s3;
	s0 =	sld [smem:$0x3FA3]  }
0x30: {  	s3 =	sld [smem:$0x3FA6]  }
0x31: {  	[smem:$0x3FAF] =	sst s10  }
0x32: {  	s10 =	sld [smem:$0x3FAD];
	_ =	sdelay $0x3  }
0x33: {  	p0 =	seq.s32 s10, $0x1;
	s10 =	sld [smem:$0x3FAF];
	_ =	sdelay $0x3  }
0x34: {  	[smem:$0x3FAF] =	sst s10  }
0x35: {  	s10 =	sld [smem:$0x3FAE];
	_ =	sdelay $0x3  }
0x36: {  	p1 =	seq.s32 s10, $0x1;
	s10 =	sld [smem:$0x3FAF];
	_ =	sdelay $0x3  }
0x37: {  	[smem:$0x3FAF] =	sst s10  }
0x38: {  	s10 =	sld [smem:$0x3FB0]  }
0x39: {  	_ = 	snop;
	(pc) =	sbr.ind lr, $3  }
0x3a: {  	_ = 	snop  }
0x3b: {  	_ = 	snop  }
0x3c: {  	p2 =	seq.s32 s10, $0x1;
	s10 =	sld [smem:$0x3FAF]  }
0x3d: {  	_ =	shalt  }
0x3e: {  	_ =	shalt  }
0x3f: {  	_ =	shalt  }
0x40: {  	_ =	shalt  }
0x41: {  	_ =	shalt  }
0x42: {  	_ =	shalt  }
0x43: {  	_ =	shalt  }
0x44: {  	_ =	shalt  }
0x45: {  	_ =	shalt  }
0x46: {  	_ =	shalt  }
0x47: {  	_ =	shalt  }
0x48: {  	_ =	shalt  }
0x49: {  	_ =	shalt  }
0x4a: {  	_ =	shalt  }
0x4b: {  	_ =	shalt  }
0x4c: {  	_ =	shalt  }
0x4d: {  	_ =	shalt  }
0x4e: {  	_ =	shalt  }
0x4f: {  	_ =	shalt  }
0x50: {  	_ =	shalt  }
0x51: {  	_ =	shalt  }
0x52: {  	_ =	shalt  }
0x53: {  	_ =	shalt  }
0x54: {  	_ =	shalt  }
0x55: {  	_ =	shalt  }
0x56: {  	_ =	shalt  }
0x57: {  	_ =	shalt  }
0x58: {  	_ =	shalt  }
0x59: {  	_ =	shalt  }
0x5a: {  	_ =	shalt  }
0x5b: {  	_ =	shalt  }
0x5c: {  	_ =	shalt  }
0x5d: {  	_ =	shalt  }
0x5e: {  	_ =	shalt  }
0x5f: {  	_ =	shalt  }
0x60: {  	_ =	shalt  }
0x61: {  	_ =	shalt  }
0x62: {  	_ =	shalt  }
0x63: {  	_ =	shalt  }
0x64: {  	_ =	shalt  }
0x65: {  	_ =	shalt  }
0x66: {  	_ =	shalt  }
0x67: {  	_ =	shalt  }
0x68: {  	_ =	shalt  }
0x69: {  	_ =	shalt  }
0x6a: {  	_ =	shalt  }
0x6b: {  	_ =	shalt  }
0x6c: {  	_ =	shalt  }
0x6d: {  	_ =	shalt  }
0x6e: {  	_ =	shalt  }
0x6f: {  	_ =	shalt  }
0x70: {  	_ =	shalt  }
0x71: {  	_ =	shalt  }
0x72: {  	_ =	shalt  }
0x73: {  	_ =	shalt  }
0x74: {  	_ =	shalt  }
0x75: {  	_ =	shalt  }
0x76: {  	_ =	shalt  }
0x77: {  	_ =	shalt  }
0x78: {  	_ =	shalt  }
0x79: {  	_ =	shalt  }
0x7a: {  	_ =	shalt  }
0x7b: {  	_ =	shalt  }
0x7c: {  	_ =	shalt  }
0x7d: {  	_ =	shalt  }
0x7e: {  	_ =	shalt  }
0x7f: {  	_ =	shalt  }
0x80: {  	_ =	shalt  }
0x81: {  	_ =	shalt  }
0x82: {  	_ =	shalt  }
0x83: {  	_ =	shalt  }
0x84: {  	_ =	shalt  }
0x85: {  	_ =	shalt  }
0x86: {  	_ =	shalt  }
0x87: {  	_ =	shalt  }
.Lfunc_end0:
.L_simem_size_0:
called_computation.7_lowered:
.L_overlay_start_0:
0x88: {  	s2 =	sld [smem:$0x3FD9]  }
0x89: {  	s3 =	sld [smem:$0x3FFE];
	_ =	sdelay $0x1  }
0x8a: {  	s1 =	srdreg.scid  }
0x8b: {  	s0 =	sand.u32 $0x1, s1  }
0x8c: {  	s17 =	sshll.u32 s0, $0xA;
	s2 =	sadd.s32 s3, s2  }
0x8d: {  	s2 =	sadd.s32 s2, s17  }
0x8e: {  	[smem:$0x3FBB] =	sst s2  }
0x8f: {  	_ = 	snop  }
0x90: {  	s2 =	sld [smem:$0x3FD0];
	(tm) =	ssettm $0x1  }
0x91: {  	s18 =	sld [smem:$0x3FFB];
	_ =	sdelay $0x3  }
0x92: {  	_ =	strace s18  }
0x93: {  	s3 =	sld [smem:$0x3FFC];
	_ =	sdelay $0x3  }
0x94: {  	_ =	strace s3  }
0x95: {  	s3 =	sld [smem:$0x3FFD];
	_ =	sdelay $0x3  }
0x96: {  	_ =	strace s3  }
0x97: {  	_ =	strace $0x8FFFFFFF  }
0x98: {  	s19 =	sld [smem:$0x3FDB];
	_ =	sdelay $0x1  }
0x99: {  	s4 =	simm.s32 $_scs_section_size  }
0x9a: {  	s5 =	simm.s32 $_size__tile_overlayer_lowered;
	s6 =	simm.s32 $_tile_overlayer_lowered  }
0x9b: {  	s22 =	simm.s32 $0x1BFF;
	s21 =	sshll.u32 s6, $0x1;
	s3 =	sadd.s32 s4, s19  }
0x9c: {  	s7 =	simm.s32 $0x0;
	s20 =	sshll.u32 s5, $0x1;
	s5 =	sadd.s32 s21, s3  }
0x9d: {  	[timem:s7], [sflag:s22] =	dma.local [hbm:s5], s20  }
0x9e: {  	_ =	swait.ge [sflag:s22], s20  }
0x9f: {  	s4 =	ssub.s32 $0x0, s20;
	[sflag:s22] =	ssyncset.done $0x0  }
0xa0: {  	[sflag:s22] =	ssyncadd.s32 s4;
	_ =	sdelay $0x1  }
0xa1: {  	s23 =	simm.s32 $0x1B8B  }
0xa2: {  	_ =	swait.ge [sflag:s23], $0x1  }
0xa3: {  	[sflag:s23] =	ssyncset.done $0x0  }
0xa4: {  	s25 =	simm.s32 $0x1B8E;
	s24 =	sld [smem:$0x3FFE];
	[sflag:s23] =	ssyncadd.s32 $0xFFFFFFFF  }
0xa5: {  	s26 =	simm.s32 $execute0_lowered;
	[smem:$0x3FD2] =	sst s25  }
0xa6: {  	s5 =	sshll.u32 s26, $0x1;
	_ =	strace $0x8000005B;
	[dreg:$0x1] =	wrdreg $0xFFFFFFFF  }
0xa7: {  	s28 =	simm.s32 $_size_execute0_lowered;
	s3 =	sadd.s32 s3, s5;
	[dreg:$0x0] =	wrdreg $0x0  }
0xa8: {  	s5 =	sshll.u32 s28, $0x1;
	[dreg:$0x2] =	wrdreg s3  }
0xa9: {  	[dreg:$0x3] =	wrdreg s5  }
0xaa: {  	[dreg:$0x4] =	wrdreg $0xC0  }
0xab: {  	_ =	task [dreg:s7], $0x5FFFF  }
0xac: {  	[dreg:$0x1] =	wrdreg $0xFFFFFFFF  }
0xad: {  	[dreg:$0x0] =	wrdreg $0x60  }
0xae: {  	[dreg:$0x2] =	wrdreg s24  }
0xaf: {  	[dreg:$0x3] =	wrdreg s2  }
0xb0: {  	[dreg:$0x4] =	wrdreg $0x9  }
0xb1: {  	_ =	task.clear_ibuf [dreg:s7], $0x5FFFF;
	_ =	strace $0x9000005B  }
0xb2: {  	s29 =	simm.s32 $0x9;
	_ =	strace $0x8000005D  }
0xb3: {  	_ =	swait.ge [sflag:s29], $0x1  }
0xb4: {  	[sflag:s29] =	ssyncadd.s32 $0xFFFFFFFF  }
0xb5: {  	_ =	strace $0x9000005D  }
0xb6: {  	_ =	sfence  }
0xb7: {  	s30 =	sld [smem:$0x0];
	_ =	sdelay $0x2  }
0xb8: {  	s31 =	sshll.u32 s1, $0xD;
	s1 =	sshrl.u32 s1, $0x2  }
0xb9: {  	s3 =	sand.u32 $0x4000, s31;
	s1 =	sadd.s32 s1, s30  }
0xba: {  	s0 =	sor.u32 s3, s0;
	s1 =	sshll.u32 s1, $0x11  }
0xbb: {  	s0 =	sor.u32 s1, s0  }
0xbc: {  	s0 =	sadd.s32 $0x8F2B, s0  }
0xbd: {  	[sflag:s0] =	ssyncadd.remote.s32 $0x1  }
0xbe: {  	_ =	sfence.sel $0xFFFF  }
0xbf: {  	[dreg:$0x0] =	wrdreg $0xFFFFFFFF;
	(pc) =	sbr.abs _section_cstart, $3  }
0xc0: {  	[dreg:$0x1] =	wrdreg $0xFFFFFFFF  }
0xc1: {  	_ =	task.clear_ibuf [dreg:s7], $0x2FFFF;
	_ =	strace $0x9FFFFFFF  }
0xc2: {  	(tm) =	ssettm $0x7FFFFFFF  }
0xc3: {  	_ =	shalt  }
tec
execute0_lowered:
.L_overlay_start_1:
0x0: {  	(tag) =	ssettag $0x1  }
0x1: {  	s0 =	rddreg [dreg:$0x0]  }
0x2: {  	s1 =	rddreg [dreg:$0x1]  }
0x3: {  	s2 =	srdreg.scid;
	s4 =	stileid.u32;
	s18 =	simm.s32 $0x1  }
0x4: {  	s20 =	simm.s32 $0x880;
	s21 =	simm.s32 $0x1080;
	s22 =	simm.s32 $0x1880  }
0x5: {  	s23 =	simm.s32 $0x2080;
	s28 =	simm.s32 $0x4080;
	s29 =	simm.s32 $0x4880  }
0x6: {  	s30 =	simm.s32 $0x5080;
	s31 =	simm.s32 $0x5880;
	s10 =	simm.s32 $0x7080  }
0x7: {  	s11 =	simm.s32 $0x7880;
	s12 =	simm.s32 $0x8080;
	s13 =	simm.s32 $0x8880  }
0x8: {  	s14 =	simm.s32 $0x9080;
	s15 =	simm.s32 $0x9880;
	s16 =	simm.s32 $0xA080  }
0x9: {  	s17 =	simm.s32 $0xA880;
	s3 =	sand.u32 $0x1, s2;
	s2 =	simm.s32 $0x0  }
0xa: {  	s4 =	sshll.u32 s4, $0x7;
	s5 =	sshll.u32 s3, $0x6;
	[smem:$0x7FF] =	sst s2  }
0xb: {  	s6 =	ssub.s32 $0x2, s3;
	s3 =	sadd.s32 $0xC0800, s0;
	s4 =	sor.u32 s5, s4  }
0xc: {  	_ =	strace $0x8000005C;
	s24 =	sshrl.u32 s6, $0x1;
	s5 =	sshrl.u32 s4, $0x3  }
0xd: {  	s8 =	ssub.s32 s6, s24;
	s9 =	sshll.u32 s4, $0x7;
	s4 =	sadd.s32 $0xC0900, s0  }
0xe: {  	s6 =	sadd.s32 $0xC0B00, s0;
	s24 =	simm.s32 $0x2880;
	s7 =	sadd.s32 s5, s0  }
0xf: {  	s1 =	sadd.s32 s1, s9;
	s5 =	sadd.s32 $0xC0A00, s0;
	s0 =	sadd.s32 s0, s9  }
0x10: {  	s9 =	simm.s32 $0xB080;
	s25 =	sadd.s32 $0xC0400, s7;
	[dreg:$0x4] =	wrdreg s1  }
0x11: {  	v2 =	vlaneseq.u32;
	s26 =	sadd.s32 $0xC0600, s7;
	[dreg:$0x6] =	wrdreg s0;
	s7 =	smax.u32 s8, $0x1  }
0x12: {  	vm0 =	vmmov $0xffff;
	v1 =	vshrl.u32 v2, $0x3;
	s8 =	simm.s32 $0x2;
	s0 =	simm.s32 $0x80;
	[dreg:$0x3] =	wrdreg s25  }
0x13: {  	v0 =	vand.u32 $0x7, v2;
	v2 =	vor.u32 $0x8, v2;
	v1 =	vmul.u32 $0x8, v1;
	[dreg:$0x5] =	wrdreg s26;
	s25 =	simm.s32 $0x3080;
	s26 =	simm.s32 $0x3880  }
.LBB2_1:
0x14: {  	s19 =	rddreg [dreg:$0x3]  }
0x15: {  	[tilespmem:s2], [sflag:$0x2] =	stream.linear.gather [hbm4b:s19+s2], $0x40, $0x38;
	[tilespmem:$0x10080] =	vst v63  }
0x16: {  	_ =	swait.ge [sflag:s8], $0x40  }
0x17: {  	[sflag:s8] =	ssyncset.done $0x0  }
0x18: {  	[sflag:s8] =	ssyncadd.s32 $0xFFFFFFC0  }
0x19: {  	v3 =	vld [tilespmem:$0x0];
	_ =	sdelay $0x4  }
0x1a: {  	v4 =	vshll.u32 v3, $0x3  }
0x1b: {  	v3 =	vand.u32 $0x7, v3;
	v4 =	vand.u32 $0xFFFFFFC0, v4  }
0x1c: {  	v3 =	vor.u32 v3, v4  }
0x1d: {  	v4 =	vperm.xlane v3, v0;
	_ =	sdelay $0x1  }
0x1e: {  	v4 =	vadd.s32 v1, v4;
	_ =	sdelay $0x4  }
0x1f: {  	[tilespmem:s0], [sflag:$0x1] =	stream.indirect_vreg.gather [hbm4b:s3+s2], $0x80, v4, vm0, $0xb8;
	[tilespmem:$0x10080] =	vst v63  }
0x20: {  	v3 =	vperm.xlane v3, v2  }
0x21: {  	[tilespmem:s20], [sflag:$0x1] =	stream.indirect_vreg.gather [hbm4b:s4+s2], $0x80, v4, vm0, $0xb8;
	[tilespmem:$0x10080] =	vst v63  }
0x22: {  	v3 =	vadd.s32 v1, v3  }
0x23: {  	[tilespmem:s21], [sflag:$0x1] =	stream.indirect_vreg.gather [hbm4b:s5+s2], $0x80, v4, vm0, $0xb8;
	[tilespmem:$0x10080] =	vst v63  }
0x24: {  	_ = 	snop  }
0x25: {  	[tilespmem:s22], [sflag:$0x1] =	stream.indirect_vreg.gather [hbm4b:s6+s2], $0x80, v4, vm0, $0xb8;
	[tilespmem:$0x10080] =	vst v63  }
0x26: {  	_ = 	snop  }
0x27: {  	[tilespmem:s23], [sflag:$0x1] =	stream.indirect_vreg.gather [hbm4b:s3+s2], $0x80, v3, vm0, $0xb8;
	[tilespmem:$0x10080] =	vst v63  }
0x28: {  	_ = 	snop  }
0x29: {  	[tilespmem:s24], [sflag:$0x1] =	stream.indirect_vreg.gather [hbm4b:s4+s2], $0x80, v3, vm0, $0xb8;
	[tilespmem:$0x10080] =	vst v63  }
0x2a: {  	_ = 	snop  }
0x2b: {  	[tilespmem:s25], [sflag:$0x1] =	stream.indirect_vreg.gather [hbm4b:s5+s2], $0x80, v3, vm0, $0xb8;
	[tilespmem:$0x10080] =	vst v63  }
0x2c: {  	_ = 	snop  }
0x2d: {  	[tilespmem:s26], [sflag:$0x1] =	stream.indirect_vreg.gather [hbm4b:s6+s2], $0x80, v3, vm0, $0xb8;
	[tilespmem:$0x10080] =	vst v63  }
0x2e: {  	v3 =	vld [tilespmem:$0x10];
	_ =	sdelay $0x4  }
0x2f: {  	v57 =	vshll.u32 v3, $0x3  }
0x30: {  	v3 =	vand.u32 $0x7, v3;
	v4 =	vand.u32 $0xFFFFFFC0, v57  }
0x31: {  	v3 =	vor.u32 v3, v4  }
0x32: {  	v4 =	vperm.xlane v3, v0;
	_ =	sdelay $0x1  }
0x33: {  	v4 =	vadd.s32 v1, v4;
	_ =	sdelay $0x4  }
0x34: {  	[tilespmem:s28], [sflag:$0x1] =	stream.indirect_vreg.gather [hbm4b:s3+s2], $0x80, v4, vm0, $0xb8;
	[tilespmem:$0x10080] =	vst v63  }
0x35: {  	v3 =	vperm.xlane v3, v2  }
0x36: {  	[tilespmem:s29], [sflag:$0x1] =	stream.indirect_vreg.gather [hbm4b:s4+s2], $0x80, v4, vm0, $0xb8;
	[tilespmem:$0x10080] =	vst v63  }
0x37: {  	v3 =	vadd.s32 v1, v3  }
0x38: {  	[tilespmem:s30], [sflag:$0x1] =	stream.indirect_vreg.gather [hbm4b:s5+s2], $0x80, v4, vm0, $0xb8;
	[tilespmem:$0x10080] =	vst v63  }
0x39: {  	_ = 	snop  }
0x3a: {  	[tilespmem:s31], [sflag:$0x1] =	stream.indirect_vreg.gather [hbm4b:s6+s2], $0x80, v4, vm0, $0xb8;
	[tilespmem:$0x10080] =	vst v63  }
0x3b: {  	s1 =	simm.s32 $0x6080  }
0x3c: {  	[tilespmem:s1], [sflag:$0x1] =	stream.indirect_vreg.gather [hbm4b:s3+s2], $0x80, v3, vm0, $0xb8;
	[tilespmem:$0x10080] =	vst v63  }
0x3d: {  	s1 =	simm.s32 $0x6880  }
0x3e: {  	[tilespmem:s1], [sflag:$0x1] =	stream.indirect_vreg.gather [hbm4b:s4+s2], $0x80, v3, vm0, $0xb8;
	[tilespmem:$0x10080] =	vst v63  }
0x3f: {  	_ = 	snop  }
0x40: {  	[tilespmem:s10], [sflag:$0x1] =	stream.indirect_vreg.gather [hbm4b:s5+s2], $0x80, v3, vm0, $0xb8;
	[tilespmem:$0x10080] =	vst v63  }
0x41: {  	_ = 	snop  }
0x42: {  	[tilespmem:s11], [sflag:$0x1] =	stream.indirect_vreg.gather [hbm4b:s6+s2], $0x80, v3, vm0, $0xb8;
	[tilespmem:$0x10080] =	vst v63  }
0x43: {  	v3 =	vld [tilespmem:$0x20];
	_ =	sdelay $0x4  }
0x44: {  	v58 =	vshll.u32 v3, $0x3  }
0x45: {  	v3 =	vand.u32 $0x7, v3;
	v4 =	vand.u32 $0xFFFFFFC0, v58  }
0x46: {  	v3 =	vor.u32 v3, v4  }
0x47: {  	v4 =	vperm.xlane v3, v0;
	_ =	sdelay $0x1  }
0x48: {  	v4 =	vadd.s32 v1, v4;
	_ =	sdelay $0x4  }
0x49: {  	[tilespmem:s12], [sflag:$0x1] =	stream.indirect_vreg.gather [hbm4b:s3+s2], $0x80, v4, vm0, $0xb8;
	[tilespmem:$0x10080] =	vst v63  }
0x4a: {  	v3 =	vperm.xlane v3, v2  }
0x4b: {  	[tilespmem:s13], [sflag:$0x1] =	stream.indirect_vreg.gather [hbm4b:s4+s2], $0x80, v4, vm0, $0xb8;
	[tilespmem:$0x10080] =	vst v63  }
0x4c: {  	v3 =	vadd.s32 v1, v3  }
0x4d: {  	[tilespmem:s14], [sflag:$0x1] =	stream.indirect_vreg.gather [hbm4b:s5+s2], $0x80, v4, vm0, $0xb8;
	[tilespmem:$0x10080] =	vst v63  }
0x4e: {  	_ = 	snop  }
0x4f: {  	[tilespmem:s15], [sflag:$0x1] =	stream.indirect_vreg.gather [hbm4b:s6+s2], $0x80, v4, vm0, $0xb8;
	[tilespmem:$0x10080] =	vst v63  }
0x50: {  	_ = 	snop  }
0x51: {  	[tilespmem:s16], [sflag:$0x1] =	stream.indirect_vreg.gather [hbm4b:s3+s2], $0x80, v3, vm0, $0xb8;
	[tilespmem:$0x10080] =	vst v63  }
0x52: {  	_ = 	snop  }
0x53: {  	[tilespmem:s17], [sflag:$0x1] =	stream.indirect_vreg.gather [hbm4b:s4+s2], $0x80, v3, vm0, $0xb8;
	[tilespmem:$0x10080] =	vst v63  }
0x54: {  	_ = 	snop  }
0x55: {  	[tilespmem:s9], [sflag:$0x1] =	stream.indirect_vreg.gather [hbm4b:s5+s2], $0x80, v3, vm0, $0xb8;
	[tilespmem:$0x10080] =	vst v63  }
0x56: {  	s19 =	simm.s32 $0xB880  }
0x57: {  	[tilespmem:s19], [sflag:$0x1] =	stream.indirect_vreg.gather [hbm4b:s6+s2], $0x80, v3, vm0, $0xb8;
	[tilespmem:$0x10080] =	vst v63  }
0x58: {  	v3 =	vld [tilespmem:$0x30];
	_ =	sdelay $0x4  }
0x59: {  	v59 =	vshll.u32 v3, $0x3  }
0x5a: {  	v3 =	vand.u32 $0x7, v3;
	v4 =	vand.u32 $0xFFFFFFC0, v59  }
0x5b: {  	v3 =	vor.u32 v3, v4  }
0x5c: {  	v4 =	vperm.xlane v3, v0;
	_ =	sdelay $0x1  }
0x5d: {  	v4 =	vadd.s32 v1, v4;
	_ =	sdelay $0x3  }
0x5e: {  	s19 =	simm.s32 $0xC080  }
0x5f: {  	[tilespmem:s19], [sflag:$0x1] =	stream.indirect_vreg.gather [hbm4b:s3+s2], $0x80, v4, vm0, $0xb8;
	[tilespmem:$0x10080] =	vst v63  }
0x60: {  	v3 =	vperm.xlane v3, v2;
	s19 =	simm.s32 $0xC880  }
0x61: {  	[tilespmem:s19], [sflag:$0x1] =	stream.indirect_vreg.gather [hbm4b:s4+s2], $0x80, v4, vm0, $0xb8;
	[tilespmem:$0x10080] =	vst v63  }
0x62: {  	v3 =	vadd.s32 v1, v3;
	s19 =	simm.s32 $0xD080  }
0x63: {  	[tilespmem:s19], [sflag:$0x1] =	stream.indirect_vreg.gather [hbm4b:s5+s2], $0x80, v4, vm0, $0xb8;
	[tilespmem:$0x10080] =	vst v63  }
0x64: {  	s19 =	simm.s32 $0xD880  }
0x65: {  	[tilespmem:s19], [sflag:$0x1] =	stream.indirect_vreg.gather [hbm4b:s6+s2], $0x80, v4, vm0, $0xb8;
	[tilespmem:$0x10080] =	vst v63  }
0x66: {  	s19 =	simm.s32 $0xE080  }
0x67: {  	[tilespmem:s19], [sflag:$0x1] =	stream.indirect_vreg.gather [hbm4b:s3+s2], $0x80, v3, vm0, $0xb8;
	[tilespmem:$0x10080] =	vst v63  }
0x68: {  	s19 =	simm.s32 $0xE880  }
0x69: {  	[tilespmem:s19], [sflag:$0x1] =	stream.indirect_vreg.gather [hbm4b:s4+s2], $0x80, v3, vm0, $0xb8;
	[tilespmem:$0x10080] =	vst v63  }
0x6a: {  	s19 =	simm.s32 $0xF080  }
0x6b: {  	[tilespmem:s19], [sflag:$0x1] =	stream.indirect_vreg.gather [hbm4b:s5+s2], $0x80, v3, vm0, $0xb8;
	[tilespmem:$0x10080] =	vst v63  }
0x6c: {  	s19 =	simm.s32 $0xF880  }
0x6d: {  	[tilespmem:s19], [sflag:$0x1] =	stream.indirect_vreg.gather [hbm4b:s6+s2], $0x80, v3, vm0, $0xb8;
	[tilespmem:$0x10080] =	vst v63  }
0x6e: {  	_ =	swait.ge [sflag:s18], $0x10000  }
0x6f: {  	[sflag:s18] =	ssyncset.done $0x0  }
0x70: {  	s19 =	rddreg [dreg:$0x4];
	[sflag:s18] =	ssyncadd.s32 $0xFFFF0000  }
0x71: {  	[hbm4b:s19+s2] =	stream.linear.scatter [tilespmem:s0], [sflag:$0x2], $0x10000, $0x38;
	[tilespmem:$0x10080] =	vst v63  }
0x72: {  	_ =	swait.ge [sflag:s8], $0x10000  }
0x73: {  	[sflag:s8] =	ssyncset.done $0x0  }
0x74: {  	s19 =	rddreg [dreg:$0x5];
	[sflag:s8] =	ssyncadd.s32 $0xFFFF0000  }
0x75: {  	[tilespmem:s2], [sflag:$0x2] =	stream.linear.gather [hbm4b:s19+s2], $0x40, $0x38;
	[tilespmem:$0x10080] =	vst v63  }
0x76: {  	_ =	swait.ge [sflag:s8], $0x40  }
0x77: {  	[sflag:s8] =	ssyncset.done $0x0  }
0x78: {  	[sflag:s8] =	ssyncadd.s32 $0xFFFFFFC0  }
0x79: {  	v3 =	vld [tilespmem:$0x0];
	_ =	sdelay $0x4  }
0x7a: {  	v60 =	vshll.u32 v3, $0x3  }
0x7b: {  	v3 =	vand.u32 $0x7, v3;
	v4 =	vand.u32 $0xFFFFFFC0, v60  }
0x7c: {  	v3 =	vor.u32 v3, v4  }
0x7d: {  	v4 =	vperm.xlane v3, v0;
	_ =	sdelay $0x1  }
0x7e: {  	v4 =	vadd.s32 v1, v4;
	_ =	sdelay $0x4  }
0x7f: {  	[tilespmem:s0], [sflag:$0x1] =	stream.indirect_vreg.gather [hbm4b:s3+s2], $0x80, v4, vm0, $0xb8;
	[tilespmem:$0x10080] =	vst v63  }
0x80: {  	v3 =	vperm.xlane v3, v2  }
0x81: {  	[tilespmem:s20], [sflag:$0x1] =	stream.indirect_vreg.gather [hbm4b:s4+s2], $0x80, v4, vm0, $0xb8;
	[tilespmem:$0x10080] =	vst v63  }
0x82: {  	v3 =	vadd.s32 v1, v3  }
0x83: {  	[tilespmem:s21], [sflag:$0x1] =	stream.indirect_vreg.gather [hbm4b:s5+s2], $0x80, v4, vm0, $0xb8;
	[tilespmem:$0x10080] =	vst v63  }
0x84: {  	_ = 	snop  }
0x85: {  	[tilespmem:s22], [sflag:$0x1] =	stream.indirect_vreg.gather [hbm4b:s6+s2], $0x80, v4, vm0, $0xb8;
	[tilespmem:$0x10080] =	vst v63  }
0x86: {  	_ = 	snop  }
0x87: {  	[tilespmem:s23], [sflag:$0x1] =	stream.indirect_vreg.gather [hbm4b:s3+s2], $0x80, v3, vm0, $0xb8;
	[tilespmem:$0x10080] =	vst v63  }
0x88: {  	_ = 	snop  }
0x89: {  	[tilespmem:s24], [sflag:$0x1] =	stream.indirect_vreg.gather [hbm4b:s4+s2], $0x80, v3, vm0, $0xb8;
	[tilespmem:$0x10080] =	vst v63  }
0x8a: {  	_ = 	snop  }
0x8b: {  	[tilespmem:s25], [sflag:$0x1] =	stream.indirect_vreg.gather [hbm4b:s5+s2], $0x80, v3, vm0, $0xb8;
	[tilespmem:$0x10080] =	vst v63  }
0x8c: {  	_ = 	snop  }
0x8d: {  	[tilespmem:s26], [sflag:$0x1] =	stream.indirect_vreg.gather [hbm4b:s6+s2], $0x80, v3, vm0, $0xb8;
	[tilespmem:$0x10080] =	vst v63  }
0x8e: {  	v3 =	vld [tilespmem:$0x10];
	_ =	sdelay $0x4  }
0x8f: {  	v61 =	vshll.u32 v3, $0x3  }
0x90: {  	v3 =	vand.u32 $0x7, v3;
	v4 =	vand.u32 $0xFFFFFFC0, v61  }
0x91: {  	v3 =	vor.u32 v3, v4  }
0x92: {  	v4 =	vperm.xlane v3, v0;
	_ =	sdelay $0x1  }
0x93: {  	v4 =	vadd.s32 v1, v4;
	_ =	sdelay $0x4  }
0x94: {  	[tilespmem:s28], [sflag:$0x1] =	stream.indirect_vreg.gather [hbm4b:s3+s2], $0x80, v4, vm0, $0xb8;
	[tilespmem:$0x10080] =	vst v63  }
0x95: {  	v3 =	vperm.xlane v3, v2  }
0x96: {  	[tilespmem:s29], [sflag:$0x1] =	stream.indirect_vreg.gather [hbm4b:s4+s2], $0x80, v4, vm0, $0xb8;
	[tilespmem:$0x10080] =	vst v63  }
0x97: {  	v3 =	vadd.s32 v1, v3  }
0x98: {  	[tilespmem:s30], [sflag:$0x1] =	stream.indirect_vreg.gather [hbm4b:s5+s2], $0x80, v4, vm0, $0xb8;
	[tilespmem:$0x10080] =	vst v63  }
0x99: {  	_ = 	snop  }
0x9a: {  	[tilespmem:s31], [sflag:$0x1] =	stream.indirect_vreg.gather [hbm4b:s6+s2], $0x80, v4, vm0, $0xb8;
	[tilespmem:$0x10080] =	vst v63  }
0x9b: {  	s19 =	simm.s32 $0x6080  }
0x9c: {  	[tilespmem:s19], [sflag:$0x1] =	stream.indirect_vreg.gather [hbm4b:s3+s2], $0x80, v3, vm0, $0xb8;
	[tilespmem:$0x10080] =	vst v63  }
0x9d: {  	_ = 	snop  }
0x9e: {  	[tilespmem:s1], [sflag:$0x1] =	stream.indirect_vreg.gather [hbm4b:s4+s2], $0x80, v3, vm0, $0xb8;
	[tilespmem:$0x10080] =	vst v63  }
0x9f: {  	_ = 	snop  }
0xa0: {  	[tilespmem:s10], [sflag:$0x1] =	stream.indirect_vreg.gather [hbm4b:s5+s2], $0x80, v3, vm0, $0xb8;
	[tilespmem:$0x10080] =	vst v63  }
0xa1: {  	_ = 	snop  }
0xa2: {  	[tilespmem:s11], [sflag:$0x1] =	stream.indirect_vreg.gather [hbm4b:s6+s2], $0x80, v3, vm0, $0xb8;
	[tilespmem:$0x10080] =	vst v63  }
0xa3: {  	v3 =	vld [tilespmem:$0x20];
	_ =	sdelay $0x4  }
0xa4: {  	v62 =	vshll.u32 v3, $0x3  }
0xa5: {  	v3 =	vand.u32 $0x7, v3;
	v4 =	vand.u32 $0xFFFFFFC0, v62  }
0xa6: {  	v3 =	vor.u32 v3, v4  }
0xa7: {  	v4 =	vperm.xlane v3, v0;
	_ =	sdelay $0x1  }
0xa8: {  	v4 =	vadd.s32 v1, v4;
	_ =	sdelay $0x4  }
0xa9: {  	[tilespmem:s12], [sflag:$0x1] =	stream.indirect_vreg.gather [hbm4b:s3+s2], $0x80, v4, vm0, $0xb8;
	[tilespmem:$0x10080] =	vst v63  }
0xaa: {  	v3 =	vperm.xlane v3, v2  }
0xab: {  	[tilespmem:s13], [sflag:$0x1] =	stream.indirect_vreg.gather [hbm4b:s4+s2], $0x80, v4, vm0, $0xb8;
	[tilespmem:$0x10080] =	vst v63  }
0xac: {  	v3 =	vadd.s32 v1, v3  }
0xad: {  	[tilespmem:s14], [sflag:$0x1] =	stream.indirect_vreg.gather [hbm4b:s5+s2], $0x80, v4, vm0, $0xb8;
	[tilespmem:$0x10080] =	vst v63  }
0xae: {  	_ = 	snop  }
0xaf: {  	[tilespmem:s15], [sflag:$0x1] =	stream.indirect_vreg.gather [hbm4b:s6+s2], $0x80, v4, vm0, $0xb8;
	[tilespmem:$0x10080] =	vst v63  }
0xb0: {  	_ = 	snop  }
0xb1: {  	[tilespmem:s16], [sflag:$0x1] =	stream.indirect_vreg.gather [hbm4b:s3+s2], $0x80, v3, vm0, $0xb8;
	[tilespmem:$0x10080] =	vst v63  }
0xb2: {  	_ = 	snop  }
0xb3: {  	[tilespmem:s17], [sflag:$0x1] =	stream.indirect_vreg.gather [hbm4b:s4+s2], $0x80, v3, vm0, $0xb8;
	[tilespmem:$0x10080] =	vst v63  }
0xb4: {  	_ = 	snop  }
0xb5: {  	[tilespmem:s9], [sflag:$0x1] =	stream.indirect_vreg.gather [hbm4b:s5+s2], $0x80, v3, vm0, $0xb8;
	[tilespmem:$0x10080] =	vst v63  }
0xb6: {  	s19 =	simm.s32 $0xB880  }
0xb7: {  	[tilespmem:s19], [sflag:$0x1] =	stream.indirect_vreg.gather [hbm4b:s6+s2], $0x80, v3, vm0, $0xb8;
	[tilespmem:$0x10080] =	vst v63  }
0xb8: {  	v3 =	vld [tilespmem:$0x30];
	_ =	sdelay $0x4  }
0xb9: {  	v63 =	vshll.u32 v3, $0x3  }
0xba: {  	v3 =	vand.u32 $0x7, v3;
	v4 =	vand.u32 $0xFFFFFFC0, v63  }
0xbb: {  	v3 =	vor.u32 v3, v4  }
0xbc: {  	v4 =	vperm.xlane v3, v0;
	_ =	sdelay $0x1  }
0xbd: {  	v4 =	vadd.s32 v1, v4;
	_ =	sdelay $0x3  }
0xbe: {  	s19 =	simm.s32 $0xC080  }
0xbf: {  	[tilespmem:s19], [sflag:$0x1] =	stream.indirect_vreg.gather [hbm4b:s3+s2], $0x80, v4, vm0, $0xb8;
	[tilespmem:$0x10080] =	vst v63  }
0xc0: {  	v3 =	vperm.xlane v3, v2;
	s19 =	simm.s32 $0xC880  }
0xc1: {  	[tilespmem:s19], [sflag:$0x1] =	stream.indirect_vreg.gather [hbm4b:s4+s2], $0x80, v4, vm0, $0xb8;
	[tilespmem:$0x10080] =	vst v63  }
0xc2: {  	v3 =	vadd.s32 v1, v3;
	s19 =	simm.s32 $0xD080  }
0xc3: {  	[tilespmem:s19], [sflag:$0x1] =	stream.indirect_vreg.gather [hbm4b:s5+s2], $0x80, v4, vm0, $0xb8;
	[tilespmem:$0x10080] =	vst v63  }
0xc4: {  	s19 =	simm.s32 $0xD880  }
0xc5: {  	[tilespmem:s19], [sflag:$0x1] =	stream.indirect_vreg.gather [hbm4b:s6+s2], $0x80, v4, vm0, $0xb8;
	[tilespmem:$0x10080] =	vst v63  }
0xc6: {  	s19 =	simm.s32 $0xE080  }
0xc7: {  	[tilespmem:s19], [sflag:$0x1] =	stream.indirect_vreg.gather [hbm4b:s3+s2], $0x80, v3, vm0, $0xb8;
	[tilespmem:$0x10080] =	vst v63  }
0xc8: {  	s19 =	simm.s32 $0xE880  }
0xc9: {  	[tilespmem:s19], [sflag:$0x1] =	stream.indirect_vreg.gather [hbm4b:s4+s2], $0x80, v3, vm0, $0xb8;
	[tilespmem:$0x10080] =	vst v63  }
0xca: {  	s19 =	simm.s32 $0xF080  }
0xcb: {  	[tilespmem:s19], [sflag:$0x1] =	stream.indirect_vreg.gather [hbm4b:s5+s2], $0x80, v3, vm0, $0xb8;
	[tilespmem:$0x10080] =	vst v63  }
0xcc: {  	s19 =	simm.s32 $0xF880  }
0xcd: {  	[tilespmem:s19], [sflag:$0x1] =	stream.indirect_vreg.gather [hbm4b:s6+s2], $0x80, v3, vm0, $0xb8;
	[tilespmem:$0x10080] =	vst v63  }
0xce: {  	_ =	swait.ge [sflag:s18], $0x10000  }
0xcf: {  	p0 =	sne.s32 s7, $0x1;
	[sflag:s18] =	ssyncset.done $0x0  }
.Ltmp0:
0xd0: {  	s1 =	rddreg [dreg:$0x6];
	[sflag:s18] =	ssyncadd.s32 $0xFFFF0000;
	(pc) =	sbr.rel @p0 .LBB2_1-.Ltmp0, $4  }
0xd1: {  	[hbm4b:s1+s2] =	stream.linear.scatter [tilespmem:s0], [sflag:$0x2], $0x10000, $0x38;
	[tilespmem:$0x10080] =	vst v63  }
0xd2: {  	_ =	swait.ge [sflag:s8], $0x10000  }
0xd3: {  	[sflag:s8] =	ssyncset.done $0x0  }
0xd4: {  	s7 =	sadd.s32 $0xFFFFFFFF, s7;
	[sflag:s8] =	ssyncadd.s32 $0xFFFF0000  }
0xd5: {  	_ =	sfence.sel $0x180000  }
0xd6: {  	[bflag:$0x0] =	sbarrier.arrive $0xFFFF  }
0xd7: {  	_ =	strace $0x9000005C  }
0xd8: {  	s0 =	stileid.u32;
	[bflag:$0x2] =	sbarrier.arrive $0xFFFF  }
0xd9: {  	p0 =	sne.s32 s0, $0x0;
	s0 =	rddreg [dreg:$0x2]  }
0xda: {  	s0 =	sadd.s32 @!p0 $0x100000, s0  }
0xdb: {  	[sflag:s0] =	ssyncadd.tile.s32 @!p0 $0x1;
	_ =	shalt  }
.Lfunc_end2:
_tile_overlayer_lowered:
.L_overlay_start_2:
0xdc: {  	(tag) =	ssettag $0x2  }
0xdd: {  	s0 =	rddreg [dreg:$0x0];
	s2 =	stileid.u32  }
0xde: {  	s1 =	rddreg [dreg:$0x1];
	p0 =	sne.s32 s2, $0x0  }
0xdf: {  	s3 =	rddreg [dreg:$0x2];
	[bflag:$0x3] =	sbarrier.arrive $0xFFFF;
	s2 =	simm.s32 @!p0 $0x1C02  }
0xe0: {  	[timem:s3], [sflag:s2] =	dma.local @!p0 [hbm:s0], s1  }
0xe1: {  	s0 =	simm.s32 @!p0 $0x2  }
0xe2: {  	_ =	swait.ge @!p0 [sflag:s0], s1  }
0xe3: {  	s1 =	ssub.s32 @!p0 $0x0, s1;
	[sflag:s0] =	ssyncset.done @!p0 $0x0  }
0xe4: {  	[sflag:s0] =	ssyncadd.s32 @!p0 s1  }
0xe5: {  	[bflag:$0x3] =	sbarrier.arrive $0xFFFF  }
0xe6: {  	_ =	shalt  }

</sc_bundles>
